<compile_context>
chip_gen: v7x
topology: tpu7x:2x2x1
jax: 0.10.2.dev20260603
libtpu: 0.0.44.dev20260713+nightly
codegen_flags: <defaults>
</compile_context>

<pallas_src>
import functools

import jax
import jax.numpy as jnp
from jax import lax
from jax.experimental import pallas as pl
from jax.experimental.pallas import tpu as pltpu
from jax.experimental.pallas import tpu_sc as plsc

_N = 10000
_E = 160000
_CW = 128
_NW = 32
_BE = 64
_EPAD = 163840
_NBT = _EPAD // (16 * _BE)
_NB0 = 128
_NB1 = _NBT - _NB0
_NBMAX = max(_NB0, _NB1)
_NACC = 10112
_ZR = _NACC // 16
_ZB = 32
_BN = 1000


def _sc_segment_sum(C, with_deg=False):
    mesh = plsc.VectorSubcoreMesh(core_axis_name="c", subcore_axis_name="s")
    CT = C + (1 if with_deg else 0)
    out_type = [jax.ShapeDtypeStruct((2, CT, _NACC, _CW), jnp.float32)]
    scratch = [
        pltpu.VMEM((_NBMAX, _BE), jnp.int32),
        pltpu.VMEM((_NBMAX, _BE), jnp.int32),
        pltpu.VMEM((2, _BE, _CW), jnp.float32),
        pltpu.VMEM_SHARED((_NACC, _CW), jnp.float32),
        pltpu.SemaphoreType.DMA,
        pltpu.SemaphoreType.DMA,
    ]

    def body(*refs):
        h = refs[:C]
        srcm, dstm, zacc = refs[C:C + 3]
        i = C + 3
        if with_deg:
            ones_h = refs[i]
            i += 1
        out = refs[i]
        src_v, dst_v, rows_v, acc, gsem, ssem = refs[i + 1:i + 7]

        cid = lax.axis_index("c")
        sid = lax.axis_index("s")
        wid = cid * 16 + sid
        nb = _NB0 + cid * (_NB1 - _NB0)
        nbp = _NB0 // 2 + cid * (_NB1 // 2 - _NB0 // 2)

        pltpu.sync_copy(srcm.at[wid], src_v)
        pltpu.sync_copy(dstm.at[wid], dst_v)

        for ch in range(CT):
            deg_pass = ch == C
            pltpu.sync_copy(zacc, acc.at[pl.ds(sid * _ZR, _ZR)])
            if deg_pass:
                pltpu.sync_copy(ones_h, rows_v.at[0])
            plsc.subcore_barrier()

            def sstart(b, buf):
                pltpu.async_copy(rows_v.at[buf], acc.at[dst_v.at[b]], ssem,
                                 add=True)

            def swait(buf):
                pltpu.make_async_copy(
                    rows_v.at[buf], acc.at[dst_v.at[0]], ssem).wait()

            if deg_pass:
                def deg_body(b, carry):
                    pltpu.sync_copy(rows_v.at[0], acc.at[dst_v.at[b]],
                                    add=True)
                    return carry

                lax.fori_loop(0, nb, deg_body, 0)
            else:
                def gstart(b, buf, ch=ch):
                    pltpu.async_copy(h[ch].at[src_v.at[b]], rows_v.at[buf],
                                     gsem)

                def gwait(buf, ch=ch):
                    pltpu.make_async_copy(
                        h[ch].at[src_v.at[0]], rows_v.at[buf], gsem).wait()

                gstart(0, 0)
                gstart(1, 1)

                def loop_body(i2, carry):
                    b0 = i2 * 2
                    b1 = b0 + 1
                    gwait(0)
                    sstart(b0, 0)
                    gwait(1)
                    sstart(b1, 1)
                    swait(0)

                    @pl.when(b0 + 2 < nb)
                    def _():
                        gstart(b0 + 2, 0)

                    swait(1)

                    @pl.when(b1 + 2 < nb)
                    def _():
                        gstart(b1 + 2, 1)

                    return carry

                lax.fori_loop(0, nbp, loop_body, 0)

            plsc.subcore_barrier()
            pltpu.sync_copy(acc.at[pl.ds(sid * _ZR, _ZR)],
                            out.at[cid, ch, pl.ds(sid * _ZR, _ZR)])
            plsc.subcore_barrier()

    return pl.kernel(body, out_type=out_type, mesh=mesh, scratch_types=scratch)


def _tc_sage_layer(P, deg, x_chunks, Wl, b, Wr, relu, cout):
    cin = len(x_chunks)
    dout = Wl.shape[1]
    grid = (_N // _BN,)

    def body(P_ref, deg_ref, *rest):
        x_refs = rest[:cin]
        Wl_ref, b_ref, Wr_ref = rest[cin:cin + 3]
        out_refs = rest[cin + 3:]
        d = deg_ref[0, :, 0:1] + deg_ref[1, :, 0:1]
        invd = 1.0 / jnp.maximum(d, 1.0)
        acc = jnp.zeros((_BN, dout), jnp.float32)
        for c in range(cin):
            aggc = (P_ref[0, c] + P_ref[1, c]) * invd
            acc = acc + jnp.dot(aggc, Wl_ref[c * _CW:(c + 1) * _CW, :],
                                preferred_element_type=jnp.float32)
            acc = acc + jnp.dot(x_refs[c][...], Wr_ref[c * _CW:(c + 1) * _CW, :],
                                preferred_element_type=jnp.float32)
        acc = acc + b_ref[...]
        if relu:
            acc = jnp.maximum(acc, 0.0)
        for c in range(cout):
            out_refs[c][...] = acc[:, c * _CW:(c + 1) * _CW]

    in_specs = [
        pl.BlockSpec((2, cin, _BN, _CW), lambda i: (0, 0, i, 0)),
        pl.BlockSpec((2, _BN, _CW), lambda i: (0, i, 0)),
    ]
    in_specs += [pl.BlockSpec((_BN, _CW), lambda i: (i, 0)) for _ in range(cin)]
    in_specs += [
        pl.BlockSpec((cin * _CW, dout), lambda i: (0, 0)),
        pl.BlockSpec((1, dout), lambda i: (0, 0)),
        pl.BlockSpec((cin * _CW, dout), lambda i: (0, 0)),
    ]
    out_specs = [pl.BlockSpec((_BN, _CW), lambda i: (i, 0)) for _ in range(cout)]
    out_shape = [jax.ShapeDtypeStruct((_N, _CW), jnp.float32) for _ in range(cout)]
    return pl.pallas_call(body, grid=grid, in_specs=in_specs,
                          out_specs=out_specs, out_shape=out_shape)(
        P, deg, *x_chunks, Wl, b, Wr)


def _tc_transform3(x_chunks, W3l, W3r, b3):
    cin = len(x_chunks)
    dout = W3l.shape[1]
    czo = dout // _CW
    grid = (_N // _BN,)

    def body(*refs):
        x_refs = refs[:cin]
        Wl_ref, Wr_ref, b_ref = refs[cin:cin + 3]
        z_refs = refs[cin + 3:cin + 3 + czo]
        r_ref = refs[cin + 3 + czo]
        accz = jnp.zeros((_BN, dout), jnp.float32)
        accr = jnp.zeros((_BN, dout), jnp.float32)
        for c in range(cin):
            xc = x_refs[c][...]
            accz = accz + jnp.dot(xc, Wl_ref[c * _CW:(c + 1) * _CW, :],
                                  preferred_element_type=jnp.float32)
            accr = accr + jnp.dot(xc, Wr_ref[c * _CW:(c + 1) * _CW, :],
                                  preferred_element_type=jnp.float32)
        accr = accr + b_ref[...]
        for c in range(czo):
            z_refs[c][...] = accz[:, c * _CW:(c + 1) * _CW]
        r_ref[...] = accr

    in_specs = [pl.BlockSpec((_BN, _CW), lambda i: (i, 0)) for _ in range(cin)]
    in_specs += [
        pl.BlockSpec((cin * _CW, dout), lambda i: (0, 0)),
        pl.BlockSpec((cin * _CW, dout), lambda i: (0, 0)),
        pl.BlockSpec((1, dout), lambda i: (0, 0)),
    ]
    out_specs = [pl.BlockSpec((_BN, _CW), lambda i: (i, 0)) for _ in range(czo)]
    out_specs += [pl.BlockSpec((_BN, dout), lambda i: (i, 0))]
    out_shape = [jax.ShapeDtypeStruct((_N, _CW), jnp.float32) for _ in range(czo)]
    out_shape += [jax.ShapeDtypeStruct((_N, dout), jnp.float32)]
    outs = pl.pallas_call(body, grid=grid, in_specs=in_specs,
                          out_specs=out_specs, out_shape=out_shape)(
        *x_chunks, W3l, W3r, b3)
    return outs[:czo], outs[czo]


def _tc_combine3(P, deg, r):
    czo = P.shape[1]
    dout = r.shape[1]
    grid = (_N // _BN,)

    def body(P_ref, deg_ref, r_ref, out_ref):
        d = deg_ref[0, :, 0:1] + deg_ref[1, :, 0:1]
        invd = 1.0 / jnp.maximum(d, 1.0)
        for c in range(czo):
            out_ref[:, c * _CW:(c + 1) * _CW] = (
                (P_ref[0, c] + P_ref[1, c]) * invd
                + r_ref[:, c * _CW:(c + 1) * _CW])

    in_specs = [
        pl.BlockSpec((2, czo, _BN, _CW), lambda i: (0, 0, i, 0)),
        pl.BlockSpec((2, _BN, _CW), lambda i: (0, i, 0)),
        pl.BlockSpec((_BN, dout), lambda i: (i, 0)),
    ]
    out_specs = pl.BlockSpec((_BN, dout), lambda i: (i, 0))
    out_shape = jax.ShapeDtypeStruct((_N, dout), jnp.float32)
    return pl.pallas_call(body, grid=grid, in_specs=in_specs,
                          out_specs=out_specs, out_shape=out_shape)(P, deg, r)


def kernel(x, edge_index, W1l, b1, W1r, W2l, b2, W2r, W3l, b3, W3r):
    src = edge_index[0].astype(jnp.int32)
    dst = edge_index[1].astype(jnp.int32)
    pad = _EPAD - _E
    srcf = jnp.concatenate([src, jnp.zeros((pad,), jnp.int32)]).reshape(
        _EPAD // _BE, _BE)
    dstf = jnp.concatenate([dst, jnp.full((pad,), _N, jnp.int32)]).reshape(
        _EPAD // _BE, _BE)
    w = jnp.arange(_NW)
    wstart = jnp.where(w < 16, w * _NB0, 16 * _NB0 + (w - 16) * _NB1)
    nb_w = jnp.where(w < 16, _NB0, _NB1)
    bidx = wstart[:, None] + jnp.arange(_NBMAX)[None, :]
    valid = (jnp.arange(_NBMAX)[None, :] < nb_w[:, None])[:, :, None]
    bidx = jnp.minimum(bidx, _EPAD // _BE - 1)
    srcm = jnp.where(valid, srcf[bidx], 0)
    dstm = jnp.where(valid, dstf[bidx], _N)
    zacc = jnp.zeros((_ZR, _CW), jnp.float32)
    ones = jnp.ones((_BE, _CW), jnp.float32)

    x_ch = [x[:, c * _CW:(c + 1) * _CW] for c in range(2)]
    (P1,) = _sc_segment_sum(2, with_deg=True)(*x_ch, srcm, dstm, zacc, ones)
    degp = P1[:, 2]
    h1 = _tc_sage_layer(P1, degp, x_ch, W1l, b1.reshape(1, -1), W1r,
                        relu=True, cout=4)
    (P2,) = _sc_segment_sum(4)(*h1, srcm, dstm, zacc)
    h2 = _tc_sage_layer(P2, degp, h1, W2l, b2.reshape(1, -1), W2r,
                        relu=True, cout=4)
    z_ch, r3 = _tc_transform3(h2, W3l, W3r, b3.reshape(1, -1))
    (P3,) = _sc_segment_sum(2)(*z_ch, srcm, dstm, zacc)
    return _tc_combine3(P3, degp, r3)

# --- scband reference (transcript-rebuilt; emitter-appended) ---
"""Pipeline reference for scband-sage-704374637026 (READ-ONLY COPY).

The authoritative reference and input builder live on the scoring server;
editing this copy changes nothing except your own understanding.
"""

import jax, jax.numpy as jnp
import numpy as np

N = 10000
E = 160000
DIN = 256
DH = 512
DOUT = 256


def _glorot(key, shape):
    fan_in, fan_out = shape[0], shape[1]
    limit = float(np.sqrt(6.0 / (fan_in + fan_out)))
    return jax.random.uniform(key, shape, dtype=jnp.float32, minval=-limit, maxval=limit)


def setup_inputs(seed: int = 0) -> dict:
    key = jax.random.key(seed)
    ks = jax.random.split(key, 12)
    x = jax.random.normal(ks[0], (N, DIN), dtype=jnp.float32)
    edge_index = jax.random.randint(ks[1], (2, E), 0, N, dtype=jnp.int32)
    # SAGEConv params per layer: lin_l (neighbor agg, with bias), lin_r (root, no bias)
    W1l = _glorot(ks[2], (DIN, DH)); b1 = jnp.zeros((DH,), jnp.float32); W1r = _glorot(ks[3], (DIN, DH))
    W2l = _glorot(ks[4], (DH, DH)); b2 = jnp.zeros((DH,), jnp.float32); W2r = _glorot(ks[5], (DH, DH))
    W3l = _glorot(ks[6], (DH, DOUT)); b3 = jnp.zeros((DOUT,), jnp.float32); W3r = _glorot(ks[7], (DH, DOUT))
    return {"x": x, "edge_index": edge_index,
            "W1l": W1l, "b1": b1, "W1r": W1r,
            "W2l": W2l, "b2": b2, "W2r": W2r,
            "W3l": W3l, "b3": b3, "W3r": W3r}


def _sage_conv(x, edge_index, Wl, b, Wr):
    src = edge_index[0]
    dst = edge_index[1]
    msg = jnp.take(x, src, axis=0)                                  # gather x_j
    agg = jax.ops.segment_sum(msg, dst, num_segments=N)             # scatter-add
    deg = jax.ops.segment_sum(jnp.ones((edge_index.shape[1],), x.dtype), dst, num_segments=N)
    agg = agg / jnp.maximum(deg, 1.0)[:, None]                      # mean aggregation
    return agg @ Wl + b + x @ Wr                                    # lin_l(agg) + lin_r(x)


def reference(x, edge_index, W1l, b1, W1r, W2l, b2, W2r, W3l, b3, W3r):
    # layer 1 + relu (dropout p=0.0 is a no-op)
    h = _sage_conv(x, edge_index, W1l, b1, W1r)
    h = jax.nn.relu(h)
    # layer 2 + relu
    h = _sage_conv(h, edge_index, W2l, b2, W2r)
    h = jax.nn.relu(h)
    # layer 3 (no activation)
    out = _sage_conv(h, edge_index, W3l, b3, W3r)
    return out

if __name__ == "__main__":
    import jax
    _d = setup_inputs()
    print(jax.jit(kernel)(*tuple(_d.values())))

</pallas_src>

<mosaic_0001>
#map = affine_map<(d0, d1) -> (0, 0)>
#map1 = affine_map<(d0, d1) -> (0, 0, 0)>
#map2 = affine_map<(d0, d1) -> (0, 0, 0, 0)>
module attributes {stable_mosaic.version = 14 : i64} {
  func.func @body(%arg0: i32, %arg1: i32, %arg2: memref<10000x128xf32, #tpu.memory_space<hbm>>, %arg3: memref<10000x128xf32, #tpu.memory_space<hbm>>, %arg4: memref<10000x128xf32, #tpu.memory_space<hbm>>, %arg5: memref<10000x128xf32, #tpu.memory_space<hbm>>, %arg6: memref<32x128x64xi32, #tpu.memory_space<hbm>>, %arg7: memref<32x128x64xi32, #tpu.memory_space<hbm>>, %arg8: memref<632x128xf32, #tpu.memory_space<hbm>>, %arg9: memref<2x4x10112x128xf32, #tpu.memory_space<hbm>>, %arg10: memref<128x64xi32, #tpu.memory_space<vmem>>, %arg11: memref<128x64xi32, #tpu.memory_space<vmem>>, %arg12: memref<2x64x128xf32, #tpu.memory_space<vmem>>, %arg13: memref<10112x128xf32, #tpu.memory_space<vmem_shared>>, %arg14: memref<!tpu.dma_semaphore, #tpu.memory_space<semaphore_mem>>, %arg15: memref<!tpu.dma_semaphore, #tpu.memory_space<semaphore_mem>>) attributes {dimension_semantics = [#tpu.dimension_semantics<core_parallel>, #tpu.dimension_semantics<subcore_parallel>], iteration_bounds = array<i64: 2, 16>, scalar_prefetch = 0 : i64, scratch_operands = 6 : i64, tpu.core_type = #tpu.core_type<sc_vector_subcore>, window_params = [{transform_indices = #map}, {transform_indices = #map}, {transform_indices = #map}, {transform_indices = #map}, {transform_indices = #map1}, {transform_indices = #map1}, {transform_indices = #map}, {transform_indices = #map2}]} {
    %mul3A = arith.constant 16 : i32
    %mul3A_0 = arith.muli %arg0, %mul3A : i32
    %add3A = arith.addi %mul3A_0, %arg1 : i32
    %mul3A_1 = arith.constant -96 : i32
    %mul3A_2 = arith.muli %arg0, %mul3A_1 : i32
    %add3A_3 = arith.constant 128 : i32
    %add3A_4 = arith.addi %add3A_3, %mul3A_2 : i32
    %mul3A_5 = arith.constant -48 : i32
    %mul3A_6 = arith.muli %arg0, %mul3A_5 : i32
    %add3A_7 = arith.constant 64 : i32
    %add3A_8 = arith.addi %add3A_7, %mul3A_6 : i32
    "tpu.region"() ({
      %run_scoped3A_181 = tpu.sem_alloc : memref<!tpu.dma_semaphore, #tpu.memory_space<semaphore_mem>>
      %dma_start3A_182 = arith.constant 0 : i32
      %dma_start3A_183 = arith.constant 0 : i32
      %dma_start3A_184 = tpu.memref_slice %arg6[%add3A, %dma_start3A_182, %dma_start3A_183] : memref<32x128x64xi32, #tpu.memory_space<hbm>> -> memref<1x128x64xi32, #tpu.memory_space<hbm>>
      %dma_start3A_185 = tpu.memref_squeeze %dma_start3A_184 : memref<1x128x64xi32, #tpu.memory_space<hbm>> -> memref<128x64xi32, #tpu.memory_space<hbm>>
      %dma_start3A_186 = arith.constant 0 : i32
      %dma_start3A_187 = arith.constant 0 : i32
      %dma_start3A_188 = tpu.memref_slice %arg6[%add3A, %dma_start3A_186, %dma_start3A_187] : memref<32x128x64xi32, #tpu.memory_space<hbm>> -> memref<1x128x64xi32, #tpu.memory_space<hbm>>
      %dma_start3A_189 = tpu.memref_squeeze %dma_start3A_188 : memref<1x128x64xi32, #tpu.memory_space<hbm>> -> memref<128x64xi32, #tpu.memory_space<hbm>>
      tpu.enqueue_dma source(%dma_start3A_189 : memref<128x64xi32, #tpu.memory_space<hbm>>) target(%arg10 : memref<128x64xi32, #tpu.memory_space<vmem>>) target_semaphore(%run_scoped3A_181 : memref<!tpu.dma_semaphore, #tpu.memory_space<semaphore_mem>>)
      %dma_wait3A = arith.constant 0 : i32
      %dma_wait3A_190 = arith.constant 0 : i32
      %dma_wait3A_191 = tpu.memref_slice %arg6[%add3A, %dma_wait3A, %dma_wait3A_190] : memref<32x128x64xi32, #tpu.memory_space<hbm>> -> memref<1x128x64xi32, #tpu.memory_space<hbm>>
      %dma_wait3A_192 = tpu.memref_squeeze %dma_wait3A_191 : memref<1x128x64xi32, #tpu.memory_space<hbm>> -> memref<128x64xi32, #tpu.memory_space<hbm>>
      %dma_wait3A_193 = arith.constant 0 : i32
      %dma_wait3A_194 = arith.constant 0 : i32
      %dma_wait3A_195 = tpu.memref_slice %arg6[%add3A, %dma_wait3A_193, %dma_wait3A_194] : memref<32x128x64xi32, #tpu.memory_space<hbm>> -> memref<1x128x64xi32, #tpu.memory_space<hbm>>
      %dma_wait3A_196 = tpu.memref_squeeze %dma_wait3A_195 : memref<1x128x64xi32, #tpu.memory_space<hbm>> -> memref<128x64xi32, #tpu.memory_space<hbm>>
      tpu.wait_dma2 semaphore(%run_scoped3A_181 : memref<!tpu.dma_semaphore, #tpu.memory_space<semaphore_mem>>) src(%dma_wait3A_196 : memref<128x64xi32, #tpu.memory_space<hbm>>) dst(%arg10 : memref<128x64xi32, #tpu.memory_space<vmem>>)
      tpu.yield
    }) : () -> ()
    "tpu.region"() ({
      %run_scoped3A_181 = tpu.sem_alloc : memref<!tpu.dma_semaphore, #tpu.memory_space<semaphore_mem>>
      %dma_start3A_182 = arith.constant 0 : i32
      %dma_start3A_183 = arith.constant 0 : i32
      %dma_start3A_184 = tpu.memref_slice %arg7[%add3A, %dma_start3A_182, %dma_start3A_183] : memref<32x128x64xi32, #tpu.memory_space<hbm>> -> memref<1x128x64xi32, #tpu.memory_space<hbm>>
      %dma_start3A_185 = tpu.memref_squeeze %dma_start3A_184 : memref<1x128x64xi32, #tpu.memory_space<hbm>> -> memref<128x64xi32, #tpu.memory_space<hbm>>
      %dma_start3A_186 = arith.constant 0 : i32
      %dma_start3A_187 = arith.constant 0 : i32
      %dma_start3A_188 = tpu.memref_slice %arg7[%add3A, %dma_start3A_186, %dma_start3A_187] : memref<32x128x64xi32, #tpu.memory_space<hbm>> -> memref<1x128x64xi32, #tpu.memory_space<hbm>>
      %dma_start3A_189 = tpu.memref_squeeze %dma_start3A_188 : memref<1x128x64xi32, #tpu.memory_space<hbm>> -> memref<128x64xi32, #tpu.memory_space<hbm>>
      tpu.enqueue_dma source(%dma_start3A_189 : memref<128x64xi32, #tpu.memory_space<hbm>>) target(%arg11 : memref<128x64xi32, #tpu.memory_space<vmem>>) target_semaphore(%run_scoped3A_181 : memref<!tpu.dma_semaphore, #tpu.memory_space<semaphore_mem>>)
      %dma_wait3A = arith.constant 0 : i32
      %dma_wait3A_190 = arith.constant 0 : i32
      %dma_wait3A_191 = tpu.memref_slice %arg7[%add3A, %dma_wait3A, %dma_wait3A_190] : memref<32x128x64xi32, #tpu.memory_space<hbm>> -> memref<1x128x64xi32, #tpu.memory_space<hbm>>
      %dma_wait3A_192 = tpu.memref_squeeze %dma_wait3A_191 : memref<1x128x64xi32, #tpu.memory_space<hbm>> -> memref<128x64xi32, #tpu.memory_space<hbm>>
      %dma_wait3A_193 = arith.constant 0 : i32
      %dma_wait3A_194 = arith.constant 0 : i32
      %dma_wait3A_195 = tpu.memref_slice %arg7[%add3A, %dma_wait3A_193, %dma_wait3A_194] : memref<32x128x64xi32, #tpu.memory_space<hbm>> -> memref<1x128x64xi32, #tpu.memory_space<hbm>>
      %dma_wait3A_196 = tpu.memref_squeeze %dma_wait3A_195 : memref<1x128x64xi32, #tpu.memory_space<hbm>> -> memref<128x64xi32, #tpu.memory_space<hbm>>
      tpu.wait_dma2 semaphore(%run_scoped3A_181 : memref<!tpu.dma_semaphore, #tpu.memory_space<semaphore_mem>>) src(%dma_wait3A_196 : memref<128x64xi32, #tpu.memory_space<hbm>>) dst(%arg11 : memref<128x64xi32, #tpu.memory_space<vmem>>)
      tpu.yield
    }) : () -> ()
    %mul3A_9 = arith.constant 632 : i32
    %mul3A_10 = arith.muli %arg1, %mul3A_9 : i32
    "tpu.region"() ({
      %run_scoped3A_181 = tpu.sem_alloc : memref<!tpu.dma_semaphore, #tpu.memory_space<semaphore_mem>>
      %dma_start3A_182 = arith.constant 0 : i32
      %dma_start3A_183 = tpu.memref_slice %arg13[%mul3A_10, %dma_start3A_182] : memref<10112x128xf32, #tpu.memory_space<vmem_shared>> -> memref<632x128xf32, #tpu.memory_space<vmem_shared>>
      tpu.enqueue_dma source(%arg8 : memref<632x128xf32, #tpu.memory_space<hbm>>) target(%dma_start3A_183 : memref<632x128xf32, #tpu.memory_space<vmem_shared>>) target_semaphore(%run_scoped3A_181 : memref<!tpu.dma_semaphore, #tpu.memory_space<semaphore_mem>>)
      %dma_wait3A = arith.constant 0 : i32
      %dma_wait3A_184 = tpu.memref_slice %arg13[%mul3A_10, %dma_wait3A] : memref<10112x128xf32, #tpu.memory_space<vmem_shared>> -> memref<632x128xf32, #tpu.memory_space<vmem_shared>>
      tpu.wait_dma2 semaphore(%run_scoped3A_181 : memref<!tpu.dma_semaphore, #tpu.memory_space<semaphore_mem>>) src(%arg8 : memref<632x128xf32, #tpu.memory_space<hbm>>) dst(%dma_wait3A_184 : memref<632x128xf32, #tpu.memory_space<vmem_shared>>)
      tpu.yield
    }) : () -> ()
    %barrier3A = arith.constant 0 : index
    tpu.barrier barrier_id(%barrier3A)
    %dma_start3A = arith.constant 0 : i32
    %dma_start3A_11 = arith.constant 0 : i32
    %dma_start3A_12 = arith.constant 0 : i32
    %dma_start3A_13 = arith.constant 0 : i32
    %dma_start3A_14 = tpu.memref_slice %arg12[%dma_start3A_11, %dma_start3A_12, %dma_start3A_13] : memref<2x64x128xf32, #tpu.memory_space<vmem>> -> memref<1x64x128xf32, #tpu.memory_space<vmem>>
    %dma_start3A_15 = tpu.memref_squeeze %dma_start3A_14 : memref<1x64x128xf32, #tpu.memory_space<vmem>> -> memref<64x128xf32, #tpu.memory_space<vmem>>
    %dma_start3A_16 = arith.constant 0 : i32
    %dma_start3A_17 = tpu.memref_slice %arg10[%dma_start3A, %dma_start3A_16] : memref<128x64xi32, #tpu.memory_space<vmem>> -> memref<1x64xi32, #tpu.memory_space<vmem>>
    %dma_start3A_18 = tpu.memref_squeeze %dma_start3A_17 : memref<1x64xi32, #tpu.memory_space<vmem>> -> memref<64xi32, #tpu.memory_space<vmem>>
    %dma_start3A_19 = arith.constant 0 : i32
    %dma_start3A_20 = arith.constant 0 : i32
    %dma_start3A_21 = tpu.memref_slice %arg2[%dma_start3A_19, %dma_start3A_20] : memref<10000x128xf32, #tpu.memory_space<hbm>> -> memref<10000x128xf32, #tpu.memory_space<hbm>>
    tpu.enqueue_indirect_dma source(%dma_start3A_21 : memref<10000x128xf32, #tpu.memory_space<hbm>>) target(%dma_start3A_15 : memref<64x128xf32, #tpu.memory_space<vmem>>) offsets(%dma_start3A_18 : memref<64xi32, #tpu.memory_space<vmem>>) semaphore(%arg14 : memref<!tpu.dma_semaphore, #tpu.memory_space<semaphore_mem>>)
    %dma_start3A_22 = arith.constant 1 : i32
    %dma_start3A_23 = arith.constant 1 : i32
    %dma_start3A_24 = arith.constant 0 : i32
    %dma_start3A_25 = arith.constant 0 : i32
    %dma_start3A_26 = tpu.memref_slice %arg12[%dma_start3A_23, %dma_start3A_24, %dma_start3A_25] : memref<2x64x128xf32, #tpu.memory_space<vmem>> -> memref<1x64x128xf32, #tpu.memory_space<vmem>>
    %dma_start3A_27 = tpu.memref_squeeze %dma_start3A_26 : memref<1x64x128xf32, #tpu.memory_space<vmem>> -> memref<64x128xf32, #tpu.memory_space<vmem>>
    %dma_start3A_28 = arith.constant 0 : i32
    %dma_start3A_29 = tpu.memref_slice %arg10[%dma_start3A_22, %dma_start3A_28] : memref<128x64xi32, #tpu.memory_space<vmem>> -> memref<1x64xi32, #tpu.memory_space<vmem>>
    %dma_start3A_30 = tpu.memref_squeeze %dma_start3A_29 : memref<1x64xi32, #tpu.memory_space<vmem>> -> memref<64xi32, #tpu.memory_space<vmem>>
    %dma_start3A_31 = arith.constant 0 : i32
    %dma_start3A_32 = arith.constant 0 : i32
    %dma_start3A_33 = tpu.memref_slice %arg2[%dma_start3A_31, %dma_start3A_32] : memref<10000x128xf32, #tpu.memory_space<hbm>> -> memref<10000x128xf32, #tpu.memory_space<hbm>>
    tpu.enqueue_indirect_dma source(%dma_start3A_33 : memref<10000x128xf32, #tpu.memory_space<hbm>>) target(%dma_start3A_27 : memref<64x128xf32, #tpu.memory_space<vmem>>) offsets(%dma_start3A_30 : memref<64xi32, #tpu.memory_space<vmem>>) semaphore(%arg14 : memref<!tpu.dma_semaphore, #tpu.memory_space<semaphore_mem>>)
    %while3A = arith.constant 0 : i32
    %while3A_34 = arith.constant 0 : i32
    %while3A_35 = arith.subi %add3A_8, %while3A_34 : i32
    %while3A_36 = arith.addi %while3A_34, %while3A_35 : i32
    %while3A_37 = arith.constant 1 : i32
    %while3A_38 = arith.divsi %while3A_35, %while3A_37 : i32
    %while3A_39 = arith.muli %while3A_38, %while3A_37 : i32
    %while3A_40 = arith.addi %while3A_34, %while3A_39 : i32
    %while3A_41 = arith.constant 1 : i32
    scf.for %while3A_181 = %while3A_34 to %while3A_40 step %while3A_41  : i32 {
      %mul3A_182 = arith.constant 2 : i32
      %mul3A_183 = arith.muli %while3A_181, %mul3A_182 : i32
      %add3A_184 = arith.constant 1 : i32
      %add3A_185 = arith.addi %mul3A_183, %add3A_184 : i32
      %dma_wait3A = arith.constant 0 : i32
      %dma_wait3A_186 = arith.constant 0 : i32
      %dma_wait3A_187 = arith.constant 0 : i32
      %dma_wait3A_188 = arith.constant 0 : i32
      %dma_wait3A_189 = tpu.memref_slice %arg12[%dma_wait3A_186, %dma_wait3A_187, %dma_wait3A_188] : memref<2x64x128xf32, #tpu.memory_space<vmem>> -> memref<1x64x128xf32, #tpu.memory_space<vmem>>
      %dma_wait3A_190 = tpu.memref_squeeze %dma_wait3A_189 : memref<1x64x128xf32, #tpu.memory_space<vmem>> -> memref<64x128xf32, #tpu.memory_space<vmem>>
      %dma_wait3A_191 = arith.constant 0 : i32
      %dma_wait3A_192 = tpu.memref_slice %arg10[%dma_wait3A, %dma_wait3A_191] : memref<128x64xi32, #tpu.memory_space<vmem>> -> memref<1x64xi32, #tpu.memory_space<vmem>>
      %dma_wait3A_193 = tpu.memref_squeeze %dma_wait3A_192 : memref<1x64xi32, #tpu.memory_space<vmem>> -> memref<64xi32, #tpu.memory_space<vmem>>
      %dma_wait3A_194 = arith.constant 0 : i32
      %dma_wait3A_195 = arith.constant 0 : i32
      %dma_wait3A_196 = tpu.memref_slice %arg2[%dma_wait3A_194, %dma_wait3A_195] : memref<10000x128xf32, #tpu.memory_space<hbm>> -> memref<10000x128xf32, #tpu.memory_space<hbm>>
      tpu.wait_indirect_dma semaphore(%arg14 : memref<!tpu.dma_semaphore, #tpu.memory_space<semaphore_mem>>) src(%dma_wait3A_196 : memref<10000x128xf32, #tpu.memory_space<hbm>>) dst(%dma_wait3A_190 : memref<64x128xf32, #tpu.memory_space<vmem>>)
      %dma_start3A_197 = arith.constant 0 : i32
      %dma_start3A_198 = arith.constant 0 : i32
      %dma_start3A_199 = arith.constant 0 : i32
      %dma_start3A_200 = tpu.memref_slice %arg12[%dma_start3A_197, %dma_start3A_198, %dma_start3A_199] : memref<2x64x128xf32, #tpu.memory_space<vmem>> -> memref<1x64x128xf32, #tpu.memory_space<vmem>>
      %dma_start3A_201 = tpu.memref_squeeze %dma_start3A_200 : memref<1x64x128xf32, #tpu.memory_space<vmem>> -> memref<64x128xf32, #tpu.memory_space<vmem>>
      %dma_start3A_202 = arith.constant 0 : i32
      %dma_start3A_203 = tpu.memref_slice %arg11[%mul3A_183, %dma_start3A_202] : memref<128x64xi32, #tpu.memory_space<vmem>> -> memref<1x64xi32, #tpu.memory_space<vmem>>
      %dma_start3A_204 = tpu.memref_squeeze %dma_start3A_203 : memref<1x64xi32, #tpu.memory_space<vmem>> -> memref<64xi32, #tpu.memory_space<vmem>>
      %dma_start3A_205 = arith.constant 0 : i32
      %dma_start3A_206 = arith.constant 0 : i32
      %dma_start3A_207 = tpu.memref_slice %arg13[%dma_start3A_205, %dma_start3A_206] : memref<10112x128xf32, #tpu.memory_space<vmem_shared>> -> memref<10112x128xf32, #tpu.memory_space<vmem_shared>>
      tpu.enqueue_indirect_dma source(%dma_start3A_201 : memref<64x128xf32, #tpu.memory_space<vmem>>) target(%dma_start3A_207 : memref<10112x128xf32, #tpu.memory_space<vmem_shared>>) offsets(%dma_start3A_204 : memref<64xi32, #tpu.memory_space<vmem>>) semaphore(%arg15 : memref<!tpu.dma_semaphore, #tpu.memory_space<semaphore_mem>>) {add = true}
      %dma_wait3A_208 = arith.constant 0 : i32
      %dma_wait3A_209 = arith.constant 1 : i32
      %dma_wait3A_210 = arith.constant 0 : i32
      %dma_wait3A_211 = arith.constant 0 : i32
      %dma_wait3A_212 = tpu.memref_slice %arg12[%dma_wait3A_209, %dma_wait3A_210, %dma_wait3A_211] : memref<2x64x128xf32, #tpu.memory_space<vmem>> -> memref<1x64x128xf32, #tpu.memory_space<vmem>>
      %dma_wait3A_213 = tpu.memref_squeeze %dma_wait3A_212 : memref<1x64x128xf32, #tpu.memory_space<vmem>> -> memref<64x128xf32, #tpu.memory_space<vmem>>
      %dma_wait3A_214 = arith.constant 0 : i32
      %dma_wait3A_215 = tpu.memref_slice %arg10[%dma_wait3A_208, %dma_wait3A_214] : memref<128x64xi32, #tpu.memory_space<vmem>> -> memref<1x64xi32, #tpu.memory_space<vmem>>
      %dma_wait3A_216 = tpu.memref_squeeze %dma_wait3A_215 : memref<1x64xi32, #tpu.memory_space<vmem>> -> memref<64xi32, #tpu.memory_space<vmem>>
      %dma_wait3A_217 = arith.constant 0 : i32
      %dma_wait3A_218 = arith.constant 0 : i32
      %dma_wait3A_219 = tpu.memref_slice %arg2[%dma_wait3A_217, %dma_wait3A_218] : memref<10000x128xf32, #tpu.memory_space<hbm>> -> memref<10000x128xf32, #tpu.memory_space<hbm>>
      tpu.wait_indirect_dma semaphore(%arg14 : memref<!tpu.dma_semaphore, #tpu.memory_space<semaphore_mem>>) src(%dma_wait3A_219 : memref<10000x128xf32, #tpu.memory_space<hbm>>) dst(%dma_wait3A_213 : memref<64x128xf32, #tpu.memory_space<vmem>>)
      %dma_start3A_220 = arith.constant 1 : i32
      %dma_start3A_221 = arith.constant 0 : i32
      %dma_start3A_222 = arith.constant 0 : i32
      %dma_start3A_223 = tpu.memref_slice %arg12[%dma_start3A_220, %dma_start3A_221, %dma_start3A_222] : memref<2x64x128xf32, #tpu.memory_space<vmem>> -> memref<1x64x128xf32, #tpu.memory_space<vmem>>
      %dma_start3A_224 = tpu.memref_squeeze %dma_start3A_223 : memref<1x64x128xf32, #tpu.memory_space<vmem>> -> memref<64x128xf32, #tpu.memory_space<vmem>>
      %dma_start3A_225 = arith.constant 0 : i32
      %dma_start3A_226 = tpu.memref_slice %arg11[%add3A_185, %dma_start3A_225] : memref<128x64xi32, #tpu.memory_space<vmem>> -> memref<1x64xi32, #tpu.memory_space<vmem>>
      %dma_start3A_227 = tpu.memref_squeeze %dma_start3A_226 : memref<1x64xi32, #tpu.memory_space<vmem>> -> memref<64xi32, #tpu.memory_space<vmem>>
      %dma_start3A_228 = arith.constant 0 : i32
      %dma_start3A_229 = arith.constant 0 : i32
      %dma_start3A_230 = tpu.memref_slice %arg13[%dma_start3A_228, %dma_start3A_229] : memref<10112x128xf32, #tpu.memory_space<vmem_shared>> -> memref<10112x128xf32, #tpu.memory_space<vmem_shared>>
      tpu.enqueue_indirect_dma source(%dma_start3A_224 : memref<64x128xf32, #tpu.memory_space<vmem>>) target(%dma_start3A_230 : memref<10112x128xf32, #tpu.memory_space<vmem_shared>>) offsets(%dma_start3A_227 : memref<64xi32, #tpu.memory_space<vmem>>) semaphore(%arg15 : memref<!tpu.dma_semaphore, #tpu.memory_space<semaphore_mem>>) {add = true}
      %dma_wait3A_231 = arith.constant 0 : i32
      %dma_wait3A_232 = arith.constant 0 : i32
      %dma_wait3A_233 = arith.constant 0 : i32
      %dma_wait3A_234 = arith.constant 0 : i32
      %dma_wait3A_235 = tpu.memref_slice %arg12[%dma_wait3A_231, %dma_wait3A_233, %dma_wait3A_234] : memref<2x64x128xf32, #tpu.memory_space<vmem>> -> memref<1x64x128xf32, #tpu.memory_space<vmem>>
      %dma_wait3A_236 = tpu.memref_squeeze %dma_wait3A_235 : memref<1x64x128xf32, #tpu.memory_space<vmem>> -> memref<64x128xf32, #tpu.memory_space<vmem>>
      %dma_wait3A_237 = arith.constant 0 : i32
      %dma_wait3A_238 = tpu.memref_slice %arg11[%dma_wait3A_232, %dma_wait3A_237] : memref<128x64xi32, #tpu.memory_space<vmem>> -> memref<1x64xi32, #tpu.memory_space<vmem>>
      %dma_wait3A_239 = tpu.memref_squeeze %dma_wait3A_238 : memref<1x64xi32, #tpu.memory_space<vmem>> -> memref<64xi32, #tpu.memory_space<vmem>>
      %dma_wait3A_240 = arith.constant 0 : i32
      %dma_wait3A_241 = arith.constant 0 : i32
      %dma_wait3A_242 = tpu.memref_slice %arg13[%dma_wait3A_240, %dma_wait3A_241] : memref<10112x128xf32, #tpu.memory_space<vmem_shared>> -> memref<10112x128xf32, #tpu.memory_space<vmem_shared>>
      tpu.wait_indirect_dma semaphore(%arg15 : memref<!tpu.dma_semaphore, #tpu.memory_space<semaphore_mem>>) src(%dma_wait3A_236 : memref<64x128xf32, #tpu.memory_space<vmem>>) dst(%dma_wait3A_242 : memref<10112x128xf32, #tpu.memory_space<vmem_shared>>)
      %add3A_243 = arith.constant 2 : i32
      %add3A_244 = arith.addi %mul3A_183, %add3A_243 : i32
      %lt3A = arith.cmpi slt, %add3A_244, %add3A_4 : i32
      %convert_element_type3A = arith.extui %lt3A : i1 to i32
      %cond3A = arith.constant 0 : i32
      %cond3A_245 = arith.cmpi ne, %convert_element_type3A, %cond3A : i32
      scf.if %cond3A_245 {
        %add3A_264 = arith.constant 2 : i32
        %add3A_265 = arith.addi %mul3A_183, %add3A_264 : i32
        %dma_start3A_266 = arith.constant 0 : i32
        %dma_start3A_267 = arith.constant 0 : i32
        %dma_start3A_268 = arith.constant 0 : i32
        %dma_start3A_269 = tpu.memref_slice %arg12[%dma_start3A_266, %dma_start3A_267, %dma_start3A_268] : memref<2x64x128xf32, #tpu.memory_space<vmem>> -> memref<1x64x128xf32, #tpu.memory_space<vmem>>
        %dma_start3A_270 = tpu.memref_squeeze %dma_start3A_269 : memref<1x64x128xf32, #tpu.memory_space<vmem>> -> memref<64x128xf32, #tpu.memory_space<vmem>>
        %dma_start3A_271 = arith.constant 0 : i32
        %dma_start3A_272 = tpu.memref_slice %arg10[%add3A_265, %dma_start3A_271] : memref<128x64xi32, #tpu.memory_space<vmem>> -> memref<1x64xi32, #tpu.memory_space<vmem>>
        %dma_start3A_273 = tpu.memref_squeeze %dma_start3A_272 : memref<1x64xi32, #tpu.memory_space<vmem>> -> memref<64xi32, #tpu.memory_space<vmem>>
        %dma_start3A_274 = arith.constant 0 : i32
        %dma_start3A_275 = arith.constant 0 : i32
        %dma_start3A_276 = tpu.memref_slice %arg2[%dma_start3A_274, %dma_start3A_275] : memref<10000x128xf32, #tpu.memory_space<hbm>> -> memref<10000x128xf32, #tpu.memory_space<hbm>>
        tpu.enqueue_indirect_dma source(%dma_start3A_276 : memref<10000x128xf32, #tpu.memory_space<hbm>>) target(%dma_start3A_270 : memref<64x128xf32, #tpu.memory_space<vmem>>) offsets(%dma_start3A_273 : memref<64xi32, #tpu.memory_space<vmem>>) semaphore(%arg14 : memref<!tpu.dma_semaphore, #tpu.memory_space<semaphore_mem>>)
      } else {
      }
      %dma_wait3A_246 = arith.constant 1 : i32
      %dma_wait3A_247 = arith.constant 0 : i32
      %dma_wait3A_248 = arith.constant 0 : i32
      %dma_wait3A_249 = arith.constant 0 : i32
      %dma_wait3A_250 = tpu.memref_slice %arg12[%dma_wait3A_246, %dma_wait3A_248, %dma_wait3A_249] : memref<2x64x128xf32, #tpu.memory_space<vmem>> -> memref<1x64x128xf32, #tpu.memory_space<vmem>>
      %dma_wait3A_251 = tpu.memref_squeeze %dma_wait3A_250 : memref<1x64x128xf32, #tpu.memory_space<vmem>> -> memref<64x128xf32, #tpu.memory_space<vmem>>
      %dma_wait3A_252 = arith.constant 0 : i32
      %dma_wait3A_253 = tpu.memref_slice %arg11[%dma_wait3A_247, %dma_wait3A_252] : memref<128x64xi32, #tpu.memory_space<vmem>> -> memref<1x64xi32, #tpu.memory_space<vmem>>
      %dma_wait3A_254 = tpu.memref_squeeze %dma_wait3A_253 : memref<1x64xi32, #tpu.memory_space<vmem>> -> memref<64xi32, #tpu.memory_space<vmem>>
      %dma_wait3A_255 = arith.constant 0 : i32
      %dma_wait3A_256 = arith.constant 0 : i32
      %dma_wait3A_257 = tpu.memref_slice %arg13[%dma_wait3A_255, %dma_wait3A_256] : memref<10112x128xf32, #tpu.memory_space<vmem_shared>> -> memref<10112x128xf32, #tpu.memory_space<vmem_shared>>
      tpu.wait_indirect_dma semaphore(%arg15 : memref<!tpu.dma_semaphore, #tpu.memory_space<semaphore_mem>>) src(%dma_wait3A_251 : memref<64x128xf32, #tpu.memory_space<vmem>>) dst(%dma_wait3A_257 : memref<10112x128xf32, #tpu.memory_space<vmem_shared>>)
      %add3A_258 = arith.constant 2 : i32
      %add3A_259 = arith.addi %add3A_185, %add3A_258 : i32
      %lt3A_260 = arith.cmpi slt, %add3A_259, %add3A_4 : i32
      %convert_element_type3A_261 = arith.extui %lt3A_260 : i1 to i32
      %cond3A_262 = arith.constant 0 : i32
      %cond3A_263 = arith.cmpi ne, %convert_element_type3A_261, %cond3A_262 : i32
      scf.if %cond3A_263 {
        %add3A_264 = arith.constant 2 : i32
        %add3A_265 = arith.addi %add3A_185, %add3A_264 : i32
        %dma_start3A_266 = arith.constant 1 : i32
        %dma_start3A_267 = arith.constant 0 : i32
        %dma_start3A_268 = arith.constant 0 : i32
        %dma_start3A_269 = tpu.memref_slice %arg12[%dma_start3A_266, %dma_start3A_267, %dma_start3A_268] : memref<2x64x128xf32, #tpu.memory_space<vmem>> -> memref<1x64x128xf32, #tpu.memory_space<vmem>>
        %dma_start3A_270 = tpu.memref_squeeze %dma_start3A_269 : memref<1x64x128xf32, #tpu.memory_space<vmem>> -> memref<64x128xf32, #tpu.memory_space<vmem>>
        %dma_start3A_271 = arith.constant 0 : i32
        %dma_start3A_272 = tpu.memref_slice %arg10[%add3A_265, %dma_start3A_271] : memref<128x64xi32, #tpu.memory_space<vmem>> -> memref<1x64xi32, #tpu.memory_space<vmem>>
        %dma_start3A_273 = tpu.memref_squeeze %dma_start3A_272 : memref<1x64xi32, #tpu.memory_space<vmem>> -> memref<64xi32, #tpu.memory_space<vmem>>
        %dma_start3A_274 = arith.constant 0 : i32
        %dma_start3A_275 = arith.constant 0 : i32
        %dma_start3A_276 = tpu.memref_slice %arg2[%dma_start3A_274, %dma_start3A_275] : memref<10000x128xf32, #tpu.memory_space<hbm>> -> memref<10000x128xf32, #tpu.memory_space<hbm>>
        tpu.enqueue_indirect_dma source(%dma_start3A_276 : memref<10000x128xf32, #tpu.memory_space<hbm>>) target(%dma_start3A_270 : memref<64x128xf32, #tpu.memory_space<vmem>>) offsets(%dma_start3A_273 : memref<64xi32, #tpu.memory_space<vmem>>) semaphore(%arg14 : memref<!tpu.dma_semaphore, #tpu.memory_space<semaphore_mem>>)
      } else {
      }
    }
    %while3A_42 = arith.constant 1 : i32
    scf.for %while3A_181 = %while3A_40 to %while3A_36 step %while3A_42  : i32 {
      %mul3A_182 = arith.constant 2 : i32
      %mul3A_183 = arith.muli %while3A_181, %mul3A_182 : i32
      %add3A_184 = arith.constant 1 : i32
      %add3A_185 = arith.addi %mul3A_183, %add3A_184 : i32
      %dma_wait3A = arith.constant 0 : i32
      %dma_wait3A_186 = arith.constant 0 : i32
      %dma_wait3A_187 = arith.constant 0 : i32
      %dma_wait3A_188 = arith.constant 0 : i32
      %dma_wait3A_189 = tpu.memref_slice %arg12[%dma_wait3A_186, %dma_wait3A_187, %dma_wait3A_188] : memref<2x64x128xf32, #tpu.memory_space<vmem>> -> memref<1x64x128xf32, #tpu.memory_space<vmem>>
      %dma_wait3A_190 = tpu.memref_squeeze %dma_wait3A_189 : memref<1x64x128xf32, #tpu.memory_space<vmem>> -> memref<64x128xf32, #tpu.memory_space<vmem>>
      %dma_wait3A_191 = arith.constant 0 : i32
      %dma_wait3A_192 = tpu.memref_slice %arg10[%dma_wait3A, %dma_wait3A_191] : memref<128x64xi32, #tpu.memory_space<vmem>> -> memref<1x64xi32, #tpu.memory_space<vmem>>
      %dma_wait3A_193 = tpu.memref_squeeze %dma_wait3A_192 : memref<1x64xi32, #tpu.memory_space<vmem>> -> memref<64xi32, #tpu.memory_space<vmem>>
      %dma_wait3A_194 = arith.constant 0 : i32
      %dma_wait3A_195 = arith.constant 0 : i32
      %dma_wait3A_196 = tpu.memref_slice %arg2[%dma_wait3A_194, %dma_wait3A_195] : memref<10000x128xf32, #tpu.memory_space<hbm>> -> memref<10000x128xf32, #tpu.memory_space<hbm>>
      tpu.wait_indirect_dma semaphore(%arg14 : memref<!tpu.dma_semaphore, #tpu.memory_space<semaphore_mem>>) src(%dma_wait3A_196 : memref<10000x128xf32, #tpu.memory_space<hbm>>) dst(%dma_wait3A_190 : memref<64x128xf32, #tpu.memory_space<vmem>>)
      %dma_start3A_197 = arith.constant 0 : i32
      %dma_start3A_198 = arith.constant 0 : i32
      %dma_start3A_199 = arith.constant 0 : i32
      %dma_start3A_200 = tpu.memref_slice %arg12[%dma_start3A_197, %dma_start3A_198, %dma_start3A_199] : memref<2x64x128xf32, #tpu.memory_space<vmem>> -> memref<1x64x128xf32, #tpu.memory_space<vmem>>
      %dma_start3A_201 = tpu.memref_squeeze %dma_start3A_200 : memref<1x64x128xf32, #tpu.memory_space<vmem>> -> memref<64x128xf32, #tpu.memory_space<vmem>>
      %dma_start3A_202 = arith.constant 0 : i32
      %dma_start3A_203 = tpu.memref_slice %arg11[%mul3A_183, %dma_start3A_202] : memref<128x64xi32, #tpu.memory_space<vmem>> -> memref<1x64xi32, #tpu.memory_space<vmem>>
      %dma_start3A_204 = tpu.memref_squeeze %dma_start3A_203 : memref<1x64xi32, #tpu.memory_space<vmem>> -> memref<64xi32, #tpu.memory_space<vmem>>
      %dma_start3A_205 = arith.constant 0 : i32
      %dma_start3A_206 = arith.constant 0 : i32
      %dma_start3A_207 = tpu.memref_slice %arg13[%dma_start3A_205, %dma_start3A_206] : memref<10112x128xf32, #tpu.memory_space<vmem_shared>> -> memref<10112x128xf32, #tpu.memory_space<vmem_shared>>
      tpu.enqueue_indirect_dma source(%dma_start3A_201 : memref<64x128xf32, #tpu.memory_space<vmem>>) target(%dma_start3A_207 : memref<10112x128xf32, #tpu.memory_space<vmem_shared>>) offsets(%dma_start3A_204 : memref<64xi32, #tpu.memory_space<vmem>>) semaphore(%arg15 : memref<!tpu.dma_semaphore, #tpu.memory_space<semaphore_mem>>) {add = true}
      %dma_wait3A_208 = arith.constant 0 : i32
      %dma_wait3A_209 = arith.constant 1 : i32
      %dma_wait3A_210 = arith.constant 0 : i32
      %dma_wait3A_211 = arith.constant 0 : i32
      %dma_wait3A_212 = tpu.memref_slice %arg12[%dma_wait3A_209, %dma_wait3A_210, %dma_wait3A_211] : memref<2x64x128xf32, #tpu.memory_space<vmem>> -> memref<1x64x128xf32, #tpu.memory_space<vmem>>
      %dma_wait3A_213 = tpu.memref_squeeze %dma_wait3A_212 : memref<1x64x128xf32, #tpu.memory_space<vmem>> -> memref<64x128xf32, #tpu.memory_space<vmem>>
      %dma_wait3A_214 = arith.constant 0 : i32
      %dma_wait3A_215 = tpu.memref_slice %arg10[%dma_wait3A_208, %dma_wait3A_214] : memref<128x64xi32, #tpu.memory_space<vmem>> -> memref<1x64xi32, #tpu.memory_space<vmem>>
      %dma_wait3A_216 = tpu.memref_squeeze %dma_wait3A_215 : memref<1x64xi32, #tpu.memory_space<vmem>> -> memref<64xi32, #tpu.memory_space<vmem>>
      %dma_wait3A_217 = arith.constant 0 : i32
      %dma_wait3A_218 = arith.constant 0 : i32
      %dma_wait3A_219 = tpu.memref_slice %arg2[%dma_wait3A_217, %dma_wait3A_218] : memref<10000x128xf32, #tpu.memory_space<hbm>> -> memref<10000x128xf32, #tpu.memory_space<hbm>>
      tpu.wait_indirect_dma semaphore(%arg14 : memref<!tpu.dma_semaphore, #tpu.memory_space<semaphore_mem>>) src(%dma_wait3A_219 : memref<10000x128xf32, #tpu.memory_space<hbm>>) dst(%dma_wait3A_213 : memref<64x128xf32, #tpu.memory_space<vmem>>)
      %dma_start3A_220 = arith.constant 1 : i32
      %dma_start3A_221 = arith.constant 0 : i32
      %dma_start3A_222 = arith.constant 0 : i32
      %dma_start3A_223 = tpu.memref_slice %arg12[%dma_start3A_220, %dma_start3A_221, %dma_start3A_222] : memref<2x64x128xf32, #tpu.memory_space<vmem>> -> memref<1x64x128xf32, #tpu.memory_space<vmem>>
      %dma_start3A_224 = tpu.memref_squeeze %dma_start3A_223 : memref<1x64x128xf32, #tpu.memory_space<vmem>> -> memref<64x128xf32, #tpu.memory_space<vmem>>
      %dma_start3A_225 = arith.constant 0 : i32
      %dma_start3A_226 = tpu.memref_slice %arg11[%add3A_185, %dma_start3A_225] : memref<128x64xi32, #tpu.memory_space<vmem>> -> memref<1x64xi32, #tpu.memory_space<vmem>>
      %dma_start3A_227 = tpu.memref_squeeze %dma_start3A_226 : memref<1x64xi32, #tpu.memory_space<vmem>> -> memref<64xi32, #tpu.memory_space<vmem>>
      %dma_start3A_228 = arith.constant 0 : i32
      %dma_start3A_229 = arith.constant 0 : i32
      %dma_start3A_230 = tpu.memref_slice %arg13[%dma_start3A_228, %dma_start3A_229] : memref<10112x128xf32, #tpu.memory_space<vmem_shared>> -> memref<10112x128xf32, #tpu.memory_space<vmem_shared>>
      tpu.enqueue_indirect_dma source(%dma_start3A_224 : memref<64x128xf32, #tpu.memory_space<vmem>>) target(%dma_start3A_230 : memref<10112x128xf32, #tpu.memory_space<vmem_shared>>) offsets(%dma_start3A_227 : memref<64xi32, #tpu.memory_space<vmem>>) semaphore(%arg15 : memref<!tpu.dma_semaphore, #tpu.memory_space<semaphore_mem>>) {add = true}
      %dma_wait3A_231 = arith.constant 0 : i32
      %dma_wait3A_232 = arith.constant 0 : i32
      %dma_wait3A_233 = arith.constant 0 : i32
      %dma_wait3A_234 = arith.constant 0 : i32
      %dma_wait3A_235 = tpu.memref_slice %arg12[%dma_wait3A_231, %dma_wait3A_233, %dma_wait3A_234] : memref<2x64x128xf32, #tpu.memory_space<vmem>> -> memref<1x64x128xf32, #tpu.memory_space<vmem>>
      %dma_wait3A_236 = tpu.memref_squeeze %dma_wait3A_235 : memref<1x64x128xf32, #tpu.memory_space<vmem>> -> memref<64x128xf32, #tpu.memory_space<vmem>>
      %dma_wait3A_237 = arith.constant 0 : i32
      %dma_wait3A_238 = tpu.memref_slice %arg11[%dma_wait3A_232, %dma_wait3A_237] : memref<128x64xi32, #tpu.memory_space<vmem>> -> memref<1x64xi32, #tpu.memory_space<vmem>>
      %dma_wait3A_239 = tpu.memref_squeeze %dma_wait3A_238 : memref<1x64xi32, #tpu.memory_space<vmem>> -> memref<64xi32, #tpu.memory_space<vmem>>
      %dma_wait3A_240 = arith.constant 0 : i32
      %dma_wait3A_241 = arith.constant 0 : i32
      %dma_wait3A_242 = tpu.memref_slice %arg13[%dma_wait3A_240, %dma_wait3A_241] : memref<10112x128xf32, #tpu.memory_space<vmem_shared>> -> memref<10112x128xf32, #tpu.memory_space<vmem_shared>>
      tpu.wait_indirect_dma semaphore(%arg15 : memref<!tpu.dma_semaphore, #tpu.memory_space<semaphore_mem>>) src(%dma_wait3A_236 : memref<64x128xf32, #tpu.memory_space<vmem>>) dst(%dma_wait3A_242 : memref<10112x128xf32, #tpu.memory_space<vmem_shared>>)
      %add3A_243 = arith.constant 2 : i32
      %add3A_244 = arith.addi %mul3A_183, %add3A_243 : i32
      %lt3A = arith.cmpi slt, %add3A_244, %add3A_4 : i32
      %convert_element_type3A = arith.extui %lt3A : i1 to i32
      %cond3A = arith.constant 0 : i32
      %cond3A_245 = arith.cmpi ne, %convert_element_type3A, %cond3A : i32
      scf.if %cond3A_245 {
        %add3A_264 = arith.constant 2 : i32
        %add3A_265 = arith.addi %mul3A_183, %add3A_264 : i32
        %dma_start3A_266 = arith.constant 0 : i32
        %dma_start3A_267 = arith.constant 0 : i32
        %dma_start3A_268 = arith.constant 0 : i32
        %dma_start3A_269 = tpu.memref_slice %arg12[%dma_start3A_266, %dma_start3A_267, %dma_start3A_268] : memref<2x64x128xf32, #tpu.memory_space<vmem>> -> memref<1x64x128xf32, #tpu.memory_space<vmem>>
        %dma_start3A_270 = tpu.memref_squeeze %dma_start3A_269 : memref<1x64x128xf32, #tpu.memory_space<vmem>> -> memref<64x128xf32, #tpu.memory_space<vmem>>
        %dma_start3A_271 = arith.constant 0 : i32
        %dma_start3A_272 = tpu.memref_slice %arg10[%add3A_265, %dma_start3A_271] : memref<128x64xi32, #tpu.memory_space<vmem>> -> memref<1x64xi32, #tpu.memory_space<vmem>>
        %dma_start3A_273 = tpu.memref_squeeze %dma_start3A_272 : memref<1x64xi32, #tpu.memory_space<vmem>> -> memref<64xi32, #tpu.memory_space<vmem>>
        %dma_start3A_274 = arith.constant 0 : i32
        %dma_start3A_275 = arith.constant 0 : i32
        %dma_start3A_276 = tpu.memref_slice %arg2[%dma_start3A_274, %dma_start3A_275] : memref<10000x128xf32, #tpu.memory_space<hbm>> -> memref<10000x128xf32, #tpu.memory_space<hbm>>
        tpu.enqueue_indirect_dma source(%dma_start3A_276 : memref<10000x128xf32, #tpu.memory_space<hbm>>) target(%dma_start3A_270 : memref<64x128xf32, #tpu.memory_space<vmem>>) offsets(%dma_start3A_273 : memref<64xi32, #tpu.memory_space<vmem>>) semaphore(%arg14 : memref<!tpu.dma_semaphore, #tpu.memory_space<semaphore_mem>>)
      } else {
      }
      %dma_wait3A_246 = arith.constant 1 : i32
      %dma_wait3A_247 = arith.constant 0 : i32
      %dma_wait3A_248 = arith.constant 0 : i32
      %dma_wait3A_249 = arith.constant 0 : i32
      %dma_wait3A_250 = tpu.memref_slice %arg12[%dma_wait3A_246, %dma_wait3A_248, %dma_wait3A_249] : memref<2x64x128xf32, #tpu.memory_space<vmem>> -> memref<1x64x128xf32, #tpu.memory_space<vmem>>
      %dma_wait3A_251 = tpu.memref_squeeze %dma_wait3A_250 : memref<1x64x128xf32, #tpu.memory_space<vmem>> -> memref<64x128xf32, #tpu.memory_space<vmem>>
      %dma_wait3A_252 = arith.constant 0 : i32
      %dma_wait3A_253 = tpu.memref_slice %arg11[%dma_wait3A_247, %dma_wait3A_252] : memref<128x64xi32, #tpu.memory_space<vmem>> -> memref<1x64xi32, #tpu.memory_space<vmem>>
      %dma_wait3A_254 = tpu.memref_squeeze %dma_wait3A_253 : memref<1x64xi32, #tpu.memory_space<vmem>> -> memref<64xi32, #tpu.memory_space<vmem>>
      %dma_wait3A_255 = arith.constant 0 : i32
      %dma_wait3A_256 = arith.constant 0 : i32
      %dma_wait3A_257 = tpu.memref_slice %arg13[%dma_wait3A_255, %dma_wait3A_256] : memref<10112x128xf32, #tpu.memory_space<vmem_shared>> -> memref<10112x128xf32, #tpu.memory_space<vmem_shared>>
      tpu.wait_indirect_dma semaphore(%arg15 : memref<!tpu.dma_semaphore, #tpu.memory_space<semaphore_mem>>) src(%dma_wait3A_251 : memref<64x128xf32, #tpu.memory_space<vmem>>) dst(%dma_wait3A_257 : memref<10112x128xf32, #tpu.memory_space<vmem_shared>>)
      %add3A_258 = arith.constant 2 : i32
      %add3A_259 = arith.addi %add3A_185, %add3A_258 : i32
      %lt3A_260 = arith.cmpi slt, %add3A_259, %add3A_4 : i32
      %convert_element_type3A_261 = arith.extui %lt3A_260 : i1 to i32
      %cond3A_262 = arith.constant 0 : i32
      %cond3A_263 = arith.cmpi ne, %convert_element_type3A_261, %cond3A_262 : i32
      scf.if %cond3A_263 {
        %add3A_264 = arith.constant 2 : i32
        %add3A_265 = arith.addi %add3A_185, %add3A_264 : i32
        %dma_start3A_266 = arith.constant 1 : i32
        %dma_start3A_267 = arith.constant 0 : i32
        %dma_start3A_268 = arith.constant 0 : i32
        %dma_start3A_269 = tpu.memref_slice %arg12[%dma_start3A_266, %dma_start3A_267, %dma_start3A_268] : memref<2x64x128xf32, #tpu.memory_space<vmem>> -> memref<1x64x128xf32, #tpu.memory_space<vmem>>
        %dma_start3A_270 = tpu.memref_squeeze %dma_start3A_269 : memref<1x64x128xf32, #tpu.memory_space<vmem>> -> memref<64x128xf32, #tpu.memory_space<vmem>>
        %dma_start3A_271 = arith.constant 0 : i32
        %dma_start3A_272 = tpu.memref_slice %arg10[%add3A_265, %dma_start3A_271] : memref<128x64xi32, #tpu.memory_space<vmem>> -> memref<1x64xi32, #tpu.memory_space<vmem>>
        %dma_start3A_273 = tpu.memref_squeeze %dma_start3A_272 : memref<1x64xi32, #tpu.memory_space<vmem>> -> memref<64xi32, #tpu.memory_space<vmem>>
        %dma_start3A_274 = arith.constant 0 : i32
        %dma_start3A_275 = arith.constant 0 : i32
        %dma_start3A_276 = tpu.memref_slice %arg2[%dma_start3A_274, %dma_start3A_275] : memref<10000x128xf32, #tpu.memory_space<hbm>> -> memref<10000x128xf32, #tpu.memory_space<hbm>>
        tpu.enqueue_indirect_dma source(%dma_start3A_276 : memref<10000x128xf32, #tpu.memory_space<hbm>>) target(%dma_start3A_270 : memref<64x128xf32, #tpu.memory_space<vmem>>) offsets(%dma_start3A_273 : memref<64xi32, #tpu.memory_space<vmem>>) semaphore(%arg14 : memref<!tpu.dma_semaphore, #tpu.memory_space<semaphore_mem>>)
      } else {
      }
    }
    %barrier3A_43 = arith.constant 0 : index
    tpu.barrier barrier_id(%barrier3A_43)
    %mul3A_44 = arith.constant 632 : i32
    %mul3A_45 = arith.muli %arg1, %mul3A_44 : i32
    %mul3A_46 = arith.constant 632 : i32
    %mul3A_47 = arith.muli %arg1, %mul3A_46 : i32
    %run_scoped3A = arith.constant 0 : i32
    "tpu.region"() ({
      %run_scoped3A_181 = tpu.sem_alloc : memref<!tpu.dma_semaphore, #tpu.memory_space<semaphore_mem>>
      %dma_start3A_182 = arith.constant 0 : i32
      %dma_start3A_183 = tpu.memref_slice %arg9[%arg0, %run_scoped3A, %mul3A_47, %dma_start3A_182] : memref<2x4x10112x128xf32, #tpu.memory_space<hbm>> -> memref<1x1x632x128xf32, #tpu.memory_space<hbm>>
      %dma_start3A_184 = tpu.memref_squeeze %dma_start3A_183 : memref<1x1x632x128xf32, #tpu.memory_space<hbm>> -> memref<632x128xf32, #tpu.memory_space<hbm>>
      %dma_start3A_185 = arith.constant 0 : i32
      %dma_start3A_186 = tpu.memref_slice %arg13[%mul3A_45, %dma_start3A_185] : memref<10112x128xf32, #tpu.memory_space<vmem_shared>> -> memref<632x128xf32, #tpu.memory_space<vmem_shared>>
      tpu.enqueue_dma source(%dma_start3A_186 : memref<632x128xf32, #tpu.memory_space<vmem_shared>>) target(%dma_start3A_184 : memref<632x128xf32, #tpu.memory_space<hbm>>) target_semaphore(%run_scoped3A_181 : memref<!tpu.dma_semaphore, #tpu.memory_space<semaphore_mem>>)
      %dma_wait3A = arith.constant 0 : i32
      %dma_wait3A_187 = tpu.memref_slice %arg9[%arg0, %run_scoped3A, %mul3A_47, %dma_wait3A] : memref<2x4x10112x128xf32, #tpu.memory_space<hbm>> -> memref<1x1x632x128xf32, #tpu.memory_space<hbm>>
      %dma_wait3A_188 = tpu.memref_squeeze %dma_wait3A_187 : memref<1x1x632x128xf32, #tpu.memory_space<hbm>> -> memref<632x128xf32, #tpu.memory_space<hbm>>
      %dma_wait3A_189 = arith.constant 0 : i32
      %dma_wait3A_190 = tpu.memref_slice %arg13[%mul3A_45, %dma_wait3A_189] : memref<10112x128xf32, #tpu.memory_space<vmem_shared>> -> memref<632x128xf32, #tpu.memory_space<vmem_shared>>
      tpu.wait_dma2 semaphore(%run_scoped3A_181 : memref<!tpu.dma_semaphore, #tpu.memory_space<semaphore_mem>>) src(%dma_wait3A_190 : memref<632x128xf32, #tpu.memory_space<vmem_shared>>) dst(%dma_wait3A_188 : memref<632x128xf32, #tpu.memory_space<hbm>>)
      tpu.yield
    }) : () -> ()
    %barrier3A_48 = arith.constant 0 : index
    tpu.barrier barrier_id(%barrier3A_48)
    %mul3A_49 = arith.constant 632 : i32
    %mul3A_50 = arith.muli %arg1, %mul3A_49 : i32
    "tpu.region"() ({
      %run_scoped3A_181 = tpu.sem_alloc : memref<!tpu.dma_semaphore, #tpu.memory_space<semaphore_mem>>
      %dma_start3A_182 = arith.constant 0 : i32
      %dma_start3A_183 = tpu.memref_slice %arg13[%mul3A_50, %dma_start3A_182] : memref<10112x128xf32, #tpu.memory_space<vmem_shared>> -> memref<632x128xf32, #tpu.memory_space<vmem_shared>>
      tpu.enqueue_dma source(%arg8 : memref<632x128xf32, #tpu.memory_space<hbm>>) target(%dma_start3A_183 : memref<632x128xf32, #tpu.memory_space<vmem_shared>>) target_semaphore(%run_scoped3A_181 : memref<!tpu.dma_semaphore, #tpu.memory_space<semaphore_mem>>)
      %dma_wait3A = arith.constant 0 : i32
      %dma_wait3A_184 = tpu.memref_slice %arg13[%mul3A_50, %dma_wait3A] : memref<10112x128xf32, #tpu.memory_space<vmem_shared>> -> memref<632x128xf32, #tpu.memory_space<vmem_shared>>
      tpu.wait_dma2 semaphore(%run_scoped3A_181 : memref<!tpu.dma_semaphore, #tpu.memory_space<semaphore_mem>>) src(%arg8 : memref<632x128xf32, #tpu.memory_space<hbm>>) dst(%dma_wait3A_184 : memref<632x128xf32, #tpu.memory_space<vmem_shared>>)
      tpu.yield
    }) : () -> ()
    %barrier3A_51 = arith.constant 0 : index
    tpu.barrier barrier_id(%barrier3A_51)
    %dma_start3A_52 = arith.constant 0 : i32
    %dma_start3A_53 = arith.constant 0 : i32
    %dma_start3A_54 = arith.constant 0 : i32
    %dma_start3A_55 = arith.constant 0 : i32
    %dma_start3A_56 = tpu.memref_slice %arg12[%dma_start3A_53, %dma_start3A_54, %dma_start3A_55] : memref<2x64x128xf32, #tpu.memory_space<vmem>> -> memref<1x64x128xf32, #tpu.memory_space<vmem>>
    %dma_start3A_57 = tpu.memref_squeeze %dma_start3A_56 : memref<1x64x128xf32, #tpu.memory_space<vmem>> -> memref<64x128xf32, #tpu.memory_space<vmem>>
    %dma_start3A_58 = arith.constant 0 : i32
    %dma_start3A_59 = tpu.memref_slice %arg10[%dma_start3A_52, %dma_start3A_58] : memref<128x64xi32, #tpu.memory_space<vmem>> -> memref<1x64xi32, #tpu.memory_space<vmem>>
    %dma_start3A_60 = tpu.memref_squeeze %dma_start3A_59 : memref<1x64xi32, #tpu.memory_space<vmem>> -> memref<64xi32, #tpu.memory_space<vmem>>
    %dma_start3A_61 = arith.constant 0 : i32
    %dma_start3A_62 = arith.constant 0 : i32
    %dma_start3A_63 = tpu.memref_slice %arg3[%dma_start3A_61, %dma_start3A_62] : memref<10000x128xf32, #tpu.memory_space<hbm>> -> memref<10000x128xf32, #tpu.memory_space<hbm>>
    tpu.enqueue_indirect_dma source(%dma_start3A_63 : memref<10000x128xf32, #tpu.memory_space<hbm>>) target(%dma_start3A_57 : memref<64x128xf32, #tpu.memory_space<vmem>>) offsets(%dma_start3A_60 : memref<64xi32, #tpu.memory_space<vmem>>) semaphore(%arg14 : memref<!tpu.dma_semaphore, #tpu.memory_space<semaphore_mem>>)
    %dma_start3A_64 = arith.constant 1 : i32
    %dma_start3A_65 = arith.constant 1 : i32
    %dma_start3A_66 = arith.constant 0 : i32
    %dma_start3A_67 = arith.constant 0 : i32
    %dma_start3A_68 = tpu.memref_slice %arg12[%dma_start3A_65, %dma_start3A_66, %dma_start3A_67] : memref<2x64x128xf32, #tpu.memory_space<vmem>> -> memref<1x64x128xf32, #tpu.memory_space<vmem>>
    %dma_start3A_69 = tpu.memref_squeeze %dma_start3A_68 : memref<1x64x128xf32, #tpu.memory_space<vmem>> -> memref<64x128xf32, #tpu.memory_space<vmem>>
    %dma_start3A_70 = arith.constant 0 : i32
    %dma_start3A_71 = tpu.memref_slice %arg10[%dma_start3A_64, %dma_start3A_70] : memref<128x64xi32, #tpu.memory_space<vmem>> -> memref<1x64xi32, #tpu.memory_space<vmem>>
    %dma_start3A_72 = tpu.memref_squeeze %dma_start3A_71 : memref<1x64xi32, #tpu.memory_space<vmem>> -> memref<64xi32, #tpu.memory_space<vmem>>
    %dma_start3A_73 = arith.constant 0 : i32
    %dma_start3A_74 = arith.constant 0 : i32
    %dma_start3A_75 = tpu.memref_slice %arg3[%dma_start3A_73, %dma_start3A_74] : memref<10000x128xf32, #tpu.memory_space<hbm>> -> memref<10000x128xf32, #tpu.memory_space<hbm>>
    tpu.enqueue_indirect_dma source(%dma_start3A_75 : memref<10000x128xf32, #tpu.memory_space<hbm>>) target(%dma_start3A_69 : memref<64x128xf32, #tpu.memory_space<vmem>>) offsets(%dma_start3A_72 : memref<64xi32, #tpu.memory_space<vmem>>) semaphore(%arg14 : memref<!tpu.dma_semaphore, #tpu.memory_space<semaphore_mem>>)
    %while3A_76 = arith.constant 0 : i32
    %while3A_77 = arith.constant 0 : i32
    %while3A_78 = arith.subi %add3A_8, %while3A_77 : i32
    %while3A_79 = arith.addi %while3A_77, %while3A_78 : i32
    %while3A_80 = arith.constant 1 : i32
    %while3A_81 = arith.divsi %while3A_78, %while3A_80 : i32
    %while3A_82 = arith.muli %while3A_81, %while3A_80 : i32
    %while3A_83 = arith.addi %while3A_77, %while3A_82 : i32
    %while3A_84 = arith.constant 1 : i32
    scf.for %while3A_181 = %while3A_77 to %while3A_83 step %while3A_84  : i32 {
      %mul3A_182 = arith.constant 2 : i32
      %mul3A_183 = arith.muli %while3A_181, %mul3A_182 : i32
      %add3A_184 = arith.constant 1 : i32
      %add3A_185 = arith.addi %mul3A_183, %add3A_184 : i32
      %dma_wait3A = arith.constant 0 : i32
      %dma_wait3A_186 = arith.constant 0 : i32
      %dma_wait3A_187 = arith.constant 0 : i32
      %dma_wait3A_188 = arith.constant 0 : i32
      %dma_wait3A_189 = tpu.memref_slice %arg12[%dma_wait3A_186, %dma_wait3A_187, %dma_wait3A_188] : memref<2x64x128xf32, #tpu.memory_space<vmem>> -> memref<1x64x128xf32, #tpu.memory_space<vmem>>
      %dma_wait3A_190 = tpu.memref_squeeze %dma_wait3A_189 : memref<1x64x128xf32, #tpu.memory_space<vmem>> -> memref<64x128xf32, #tpu.memory_space<vmem>>
      %dma_wait3A_191 = arith.constant 0 : i32
      %dma_wait3A_192 = tpu.memref_slice %arg10[%dma_wait3A, %dma_wait3A_191] : memref<128x64xi32, #tpu.memory_space<vmem>> -> memref<1x64xi32, #tpu.memory_space<vmem>>
      %dma_wait3A_193 = tpu.memref_squeeze %dma_wait3A_192 : memref<1x64xi32, #tpu.memory_space<vmem>> -> memref<64xi32, #tpu.memory_space<vmem>>
      %dma_wait3A_194 = arith.constant 0 : i32
      %dma_wait3A_195 = arith.constant 0 : i32
      %dma_wait3A_196 = tpu.memref_slice %arg3[%dma_wait3A_194, %dma_wait3A_195] : memref<10000x128xf32, #tpu.memory_space<hbm>> -> memref<10000x128xf32, #tpu.memory_space<hbm>>
      tpu.wait_indirect_dma semaphore(%arg14 : memref<!tpu.dma_semaphore, #tpu.memory_space<semaphore_mem>>) src(%dma_wait3A_196 : memref<10000x128xf32, #tpu.memory_space<hbm>>) dst(%dma_wait3A_190 : memref<64x128xf32, #tpu.memory_space<vmem>>)
      %dma_start3A_197 = arith.constant 0 : i32
      %dma_start3A_198 = arith.constant 0 : i32
      %dma_start3A_199 = arith.constant 0 : i32
      %dma_start3A_200 = tpu.memref_slice %arg12[%dma_start3A_197, %dma_start3A_198, %dma_start3A_199] : memref<2x64x128xf32, #tpu.memory_space<vmem>> -> memref<1x64x128xf32, #tpu.memory_space<vmem>>
      %dma_start3A_201 = tpu.memref_squeeze %dma_start3A_200 : memref<1x64x128xf32, #tpu.memory_space<vmem>> -> memref<64x128xf32, #tpu.memory_space<vmem>>
      %dma_start3A_202 = arith.constant 0 : i32
      %dma_start3A_203 = tpu.memref_slice %arg11[%mul3A_183, %dma_start3A_202] : memref<128x64xi32, #tpu.memory_space<vmem>> -> memref<1x64xi32, #tpu.memory_space<vmem>>
      %dma_start3A_204 = tpu.memref_squeeze %dma_start3A_203 : memref<1x64xi32, #tpu.memory_space<vmem>> -> memref<64xi32, #tpu.memory_space<vmem>>
      %dma_start3A_205 = arith.constant 0 : i32
      %dma_start3A_206 = arith.constant 0 : i32
      %dma_start3A_207 = tpu.memref_slice %arg13[%dma_start3A_205, %dma_start3A_206] : memref<10112x128xf32, #tpu.memory_space<vmem_shared>> -> memref<10112x128xf32, #tpu.memory_space<vmem_shared>>
      tpu.enqueue_indirect_dma source(%dma_start3A_201 : memref<64x128xf32, #tpu.memory_space<vmem>>) target(%dma_start3A_207 : memref<10112x128xf32, #tpu.memory_space<vmem_shared>>) offsets(%dma_start3A_204 : memref<64xi32, #tpu.memory_space<vmem>>) semaphore(%arg15 : memref<!tpu.dma_semaphore, #tpu.memory_space<semaphore_mem>>) {add = true}
      %dma_wait3A_208 = arith.constant 0 : i32
      %dma_wait3A_209 = arith.constant 1 : i32
      %dma_wait3A_210 = arith.constant 0 : i32
      %dma_wait3A_211 = arith.constant 0 : i32
      %dma_wait3A_212 = tpu.memref_slice %arg12[%dma_wait3A_209, %dma_wait3A_210, %dma_wait3A_211] : memref<2x64x128xf32, #tpu.memory_space<vmem>> -> memref<1x64x128xf32, #tpu.memory_space<vmem>>
      %dma_wait3A_213 = tpu.memref_squeeze %dma_wait3A_212 : memref<1x64x128xf32, #tpu.memory_space<vmem>> -> memref<64x128xf32, #tpu.memory_space<vmem>>
      %dma_wait3A_214 = arith.constant 0 : i32
      %dma_wait3A_215 = tpu.memref_slice %arg10[%dma_wait3A_208, %dma_wait3A_214] : memref<128x64xi32, #tpu.memory_space<vmem>> -> memref<1x64xi32, #tpu.memory_space<vmem>>
      %dma_wait3A_216 = tpu.memref_squeeze %dma_wait3A_215 : memref<1x64xi32, #tpu.memory_space<vmem>> -> memref<64xi32, #tpu.memory_space<vmem>>
      %dma_wait3A_217 = arith.constant 0 : i32
      %dma_wait3A_218 = arith.constant 0 : i32
      %dma_wait3A_219 = tpu.memref_slice %arg3[%dma_wait3A_217, %dma_wait3A_218] : memref<10000x128xf32, #tpu.memory_space<hbm>> -> memref<10000x128xf32, #tpu.memory_space<hbm>>
      tpu.wait_indirect_dma semaphore(%arg14 : memref<!tpu.dma_semaphore, #tpu.memory_space<semaphore_mem>>) src(%dma_wait3A_219 : memref<10000x128xf32, #tpu.memory_space<hbm>>) dst(%dma_wait3A_213 : memref<64x128xf32, #tpu.memory_space<vmem>>)
      %dma_start3A_220 = arith.constant 1 : i32
      %dma_start3A_221 = arith.constant 0 : i32
      %dma_start3A_222 = arith.constant 0 : i32
      %dma_start3A_223 = tpu.memref_slice %arg12[%dma_start3A_220, %dma_start3A_221, %dma_start3A_222] : memref<2x64x128xf32, #tpu.memory_space<vmem>> -> memref<1x64x128xf32, #tpu.memory_space<vmem>>
      %dma_start3A_224 = tpu.memref_squeeze %dma_start3A_223 : memref<1x64x128xf32, #tpu.memory_space<vmem>> -> memref<64x128xf32, #tpu.memory_space<vmem>>
      %dma_start3A_225 = arith.constant 0 : i32
      %dma_start3A_226 = tpu.memref_slice %arg11[%add3A_185, %dma_start3A_225] : memref<128x64xi32, #tpu.memory_space<vmem>> -> memref<1x64xi32, #tpu.memory_space<vmem>>
      %dma_start3A_227 = tpu.memref_squeeze %dma_start3A_226 : memref<1x64xi32, #tpu.memory_space<vmem>> -> memref<64xi32, #tpu.memory_space<vmem>>
      %dma_start3A_228 = arith.constant 0 : i32
      %dma_start3A_229 = arith.constant 0 : i32
      %dma_start3A_230 = tpu.memref_slice %arg13[%dma_start3A_228, %dma_start3A_229] : memref<10112x128xf32, #tpu.memory_space<vmem_shared>> -> memref<10112x128xf32, #tpu.memory_space<vmem_shared>>
      tpu.enqueue_indirect_dma source(%dma_start3A_224 : memref<64x128xf32, #tpu.memory_space<vmem>>) target(%dma_start3A_230 : memref<10112x128xf32, #tpu.memory_space<vmem_shared>>) offsets(%dma_start3A_227 : memref<64xi32, #tpu.memory_space<vmem>>) semaphore(%arg15 : memref<!tpu.dma_semaphore, #tpu.memory_space<semaphore_mem>>) {add = true}
      %dma_wait3A_231 = arith.constant 0 : i32
      %dma_wait3A_232 = arith.constant 0 : i32
      %dma_wait3A_233 = arith.constant 0 : i32
      %dma_wait3A_234 = arith.constant 0 : i32
      %dma_wait3A_235 = tpu.memref_slice %arg12[%dma_wait3A_231, %dma_wait3A_233, %dma_wait3A_234] : memref<2x64x128xf32, #tpu.memory_space<vmem>> -> memref<1x64x128xf32, #tpu.memory_space<vmem>>
      %dma_wait3A_236 = tpu.memref_squeeze %dma_wait3A_235 : memref<1x64x128xf32, #tpu.memory_space<vmem>> -> memref<64x128xf32, #tpu.memory_space<vmem>>
      %dma_wait3A_237 = arith.constant 0 : i32
      %dma_wait3A_238 = tpu.memref_slice %arg11[%dma_wait3A_232, %dma_wait3A_237] : memref<128x64xi32, #tpu.memory_space<vmem>> -> memref<1x64xi32, #tpu.memory_space<vmem>>
      %dma_wait3A_239 = tpu.memref_squeeze %dma_wait3A_238 : memref<1x64xi32, #tpu.memory_space<vmem>> -> memref<64xi32, #tpu.memory_space<vmem>>
      %dma_wait3A_240 = arith.constant 0 : i32
      %dma_wait3A_241 = arith.constant 0 : i32
      %dma_wait3A_242 = tpu.memref_slice %arg13[%dma_wait3A_240, %dma_wait3A_241] : memref<10112x128xf32, #tpu.memory_space<vmem_shared>> -> memref<10112x128xf32, #tpu.memory_space<vmem_shared>>
      tpu.wait_indirect_dma semaphore(%arg15 : memref<!tpu.dma_semaphore, #tpu.memory_space<semaphore_mem>>) src(%dma_wait3A_236 : memref<64x128xf32, #tpu.memory_space<vmem>>) dst(%dma_wait3A_242 : memref<10112x128xf32, #tpu.memory_space<vmem_shared>>)
      %add3A_243 = arith.constant 2 : i32
      %add3A_244 = arith.addi %mul3A_183, %add3A_243 : i32
      %lt3A = arith.cmpi slt, %add3A_244, %add3A_4 : i32
      %convert_element_type3A = arith.extui %lt3A : i1 to i32
      %cond3A = arith.constant 0 : i32
      %cond3A_245 = arith.cmpi ne, %convert_element_type3A, %cond3A : i32
      scf.if %cond3A_245 {
        %add3A_264 = arith.constant 2 : i32
        %add3A_265 = arith.addi %mul3A_183, %add3A_264 : i32
        %dma_start3A_266 = arith.constant 0 : i32
        %dma_start3A_267 = arith.constant 0 : i32
        %dma_start3A_268 = arith.constant 0 : i32
        %dma_start3A_269 = tpu.memref_slice %arg12[%dma_start3A_266, %dma_start3A_267, %dma_start3A_268] : memref<2x64x128xf32, #tpu.memory_space<vmem>> -> memref<1x64x128xf32, #tpu.memory_space<vmem>>
        %dma_start3A_270 = tpu.memref_squeeze %dma_start3A_269 : memref<1x64x128xf32, #tpu.memory_space<vmem>> -> memref<64x128xf32, #tpu.memory_space<vmem>>
        %dma_start3A_271 = arith.constant 0 : i32
        %dma_start3A_272 = tpu.memref_slice %arg10[%add3A_265, %dma_start3A_271] : memref<128x64xi32, #tpu.memory_space<vmem>> -> memref<1x64xi32, #tpu.memory_space<vmem>>
        %dma_start3A_273 = tpu.memref_squeeze %dma_start3A_272 : memref<1x64xi32, #tpu.memory_space<vmem>> -> memref<64xi32, #tpu.memory_space<vmem>>
        %dma_start3A_274 = arith.constant 0 : i32
        %dma_start3A_275 = arith.constant 0 : i32
        %dma_start3A_276 = tpu.memref_slice %arg3[%dma_start3A_274, %dma_start3A_275] : memref<10000x128xf32, #tpu.memory_space<hbm>> -> memref<10000x128xf32, #tpu.memory_space<hbm>>
        tpu.enqueue_indirect_dma source(%dma_start3A_276 : memref<10000x128xf32, #tpu.memory_space<hbm>>) target(%dma_start3A_270 : memref<64x128xf32, #tpu.memory_space<vmem>>) offsets(%dma_start3A_273 : memref<64xi32, #tpu.memory_space<vmem>>) semaphore(%arg14 : memref<!tpu.dma_semaphore, #tpu.memory_space<semaphore_mem>>)
      } else {
      }
      %dma_wait3A_246 = arith.constant 1 : i32
      %dma_wait3A_247 = arith.constant 0 : i32
      %dma_wait3A_248 = arith.constant 0 : i32
      %dma_wait3A_249 = arith.constant 0 : i32
      %dma_wait3A_250 = tpu.memref_slice %arg12[%dma_wait3A_246, %dma_wait3A_248, %dma_wait3A_249] : memref<2x64x128xf32, #tpu.memory_space<vmem>> -> memref<1x64x128xf32, #tpu.memory_space<vmem>>
      %dma_wait3A_251 = tpu.memref_squeeze %dma_wait3A_250 : memref<1x64x128xf32, #tpu.memory_space<vmem>> -> memref<64x128xf32, #tpu.memory_space<vmem>>
      %dma_wait3A_252 = arith.constant 0 : i32
      %dma_wait3A_253 = tpu.memref_slice %arg11[%dma_wait3A_247, %dma_wait3A_252] : memref<128x64xi32, #tpu.memory_space<vmem>> -> memref<1x64xi32, #tpu.memory_space<vmem>>
      %dma_wait3A_254 = tpu.memref_squeeze %dma_wait3A_253 : memref<1x64xi32, #tpu.memory_space<vmem>> -> memref<64xi32, #tpu.memory_space<vmem>>
      %dma_wait3A_255 = arith.constant 0 : i32
      %dma_wait3A_256 = arith.constant 0 : i32
      %dma_wait3A_257 = tpu.memref_slice %arg13[%dma_wait3A_255, %dma_wait3A_256] : memref<10112x128xf32, #tpu.memory_space<vmem_shared>> -> memref<10112x128xf32, #tpu.memory_space<vmem_shared>>
      tpu.wait_indirect_dma semaphore(%arg15 : memref<!tpu.dma_semaphore, #tpu.memory_space<semaphore_mem>>) src(%dma_wait3A_251 : memref<64x128xf32, #tpu.memory_space<vmem>>) dst(%dma_wait3A_257 : memref<10112x128xf32, #tpu.memory_space<vmem_shared>>)
      %add3A_258 = arith.constant 2 : i32
      %add3A_259 = arith.addi %add3A_185, %add3A_258 : i32
      %lt3A_260 = arith.cmpi slt, %add3A_259, %add3A_4 : i32
      %convert_element_type3A_261 = arith.extui %lt3A_260 : i1 to i32
      %cond3A_262 = arith.constant 0 : i32
      %cond3A_263 = arith.cmpi ne, %convert_element_type3A_261, %cond3A_262 : i32
      scf.if %cond3A_263 {
        %add3A_264 = arith.constant 2 : i32
        %add3A_265 = arith.addi %add3A_185, %add3A_264 : i32
        %dma_start3A_266 = arith.constant 1 : i32
        %dma_start3A_267 = arith.constant 0 : i32
        %dma_start3A_268 = arith.constant 0 : i32
        %dma_start3A_269 = tpu.memref_slice %arg12[%dma_start3A_266, %dma_start3A_267, %dma_start3A_268] : memref<2x64x128xf32, #tpu.memory_space<vmem>> -> memref<1x64x128xf32, #tpu.memory_space<vmem>>
        %dma_start3A_270 = tpu.memref_squeeze %dma_start3A_269 : memref<1x64x128xf32, #tpu.memory_space<vmem>> -> memref<64x128xf32, #tpu.memory_space<vmem>>
        %dma_start3A_271 = arith.constant 0 : i32
        %dma_start3A_272 = tpu.memref_slice %arg10[%add3A_265, %dma_start3A_271] : memref<128x64xi32, #tpu.memory_space<vmem>> -> memref<1x64xi32, #tpu.memory_space<vmem>>
        %dma_start3A_273 = tpu.memref_squeeze %dma_start3A_272 : memref<1x64xi32, #tpu.memory_space<vmem>> -> memref<64xi32, #tpu.memory_space<vmem>>
        %dma_start3A_274 = arith.constant 0 : i32
        %dma_start3A_275 = arith.constant 0 : i32
        %dma_start3A_276 = tpu.memref_slice %arg3[%dma_start3A_274, %dma_start3A_275] : memref<10000x128xf32, #tpu.memory_space<hbm>> -> memref<10000x128xf32, #tpu.memory_space<hbm>>
        tpu.enqueue_indirect_dma source(%dma_start3A_276 : memref<10000x128xf32, #tpu.memory_space<hbm>>) target(%dma_start3A_270 : memref<64x128xf32, #tpu.memory_space<vmem>>) offsets(%dma_start3A_273 : memref<64xi32, #tpu.memory_space<vmem>>) semaphore(%arg14 : memref<!tpu.dma_semaphore, #tpu.memory_space<semaphore_mem>>)
      } else {
      }
    }
    %while3A_85 = arith.constant 1 : i32
    scf.for %while3A_181 = %while3A_83 to %while3A_79 step %while3A_85  : i32 {
      %mul3A_182 = arith.constant 2 : i32
      %mul3A_183 = arith.muli %while3A_181, %mul3A_182 : i32
      %add3A_184 = arith.constant 1 : i32
      %add3A_185 = arith.addi %mul3A_183, %add3A_184 : i32
      %dma_wait3A = arith.constant 0 : i32
      %dma_wait3A_186 = arith.constant 0 : i32
      %dma_wait3A_187 = arith.constant 0 : i32
      %dma_wait3A_188 = arith.constant 0 : i32
      %dma_wait3A_189 = tpu.memref_slice %arg12[%dma_wait3A_186, %dma_wait3A_187, %dma_wait3A_188] : memref<2x64x128xf32, #tpu.memory_space<vmem>> -> memref<1x64x128xf32, #tpu.memory_space<vmem>>
      %dma_wait3A_190 = tpu.memref_squeeze %dma_wait3A_189 : memref<1x64x128xf32, #tpu.memory_space<vmem>> -> memref<64x128xf32, #tpu.memory_space<vmem>>
      %dma_wait3A_191 = arith.constant 0 : i32
      %dma_wait3A_192 = tpu.memref_slice %arg10[%dma_wait3A, %dma_wait3A_191] : memref<128x64xi32, #tpu.memory_space<vmem>> -> memref<1x64xi32, #tpu.memory_space<vmem>>
      %dma_wait3A_193 = tpu.memref_squeeze %dma_wait3A_192 : memref<1x64xi32, #tpu.memory_space<vmem>> -> memref<64xi32, #tpu.memory_space<vmem>>
      %dma_wait3A_194 = arith.constant 0 : i32
      %dma_wait3A_195 = arith.constant 0 : i32
      %dma_wait3A_196 = tpu.memref_slice %arg3[%dma_wait3A_194, %dma_wait3A_195] : memref<10000x128xf32, #tpu.memory_space<hbm>> -> memref<10000x128xf32, #tpu.memory_space<hbm>>
      tpu.wait_indirect_dma semaphore(%arg14 : memref<!tpu.dma_semaphore, #tpu.memory_space<semaphore_mem>>) src(%dma_wait3A_196 : memref<10000x128xf32, #tpu.memory_space<hbm>>) dst(%dma_wait3A_190 : memref<64x128xf32, #tpu.memory_space<vmem>>)
      %dma_start3A_197 = arith.constant 0 : i32
      %dma_start3A_198 = arith.constant 0 : i32
      %dma_start3A_199 = arith.constant 0 : i32
      %dma_start3A_200 = tpu.memref_slice %arg12[%dma_start3A_197, %dma_start3A_198, %dma_start3A_199] : memref<2x64x128xf32, #tpu.memory_space<vmem>> -> memref<1x64x128xf32, #tpu.memory_space<vmem>>
      %dma_start3A_201 = tpu.memref_squeeze %dma_start3A_200 : memref<1x64x128xf32, #tpu.memory_space<vmem>> -> memref<64x128xf32, #tpu.memory_space<vmem>>
      %dma_start3A_202 = arith.constant 0 : i32
      %dma_start3A_203 = tpu.memref_slice %arg11[%mul3A_183, %dma_start3A_202] : memref<128x64xi32, #tpu.memory_space<vmem>> -> memref<1x64xi32, #tpu.memory_space<vmem>>
      %dma_start3A_204 = tpu.memref_squeeze %dma_start3A_203 : memref<1x64xi32, #tpu.memory_space<vmem>> -> memref<64xi32, #tpu.memory_space<vmem>>
      %dma_start3A_205 = arith.constant 0 : i32
      %dma_start3A_206 = arith.constant 0 : i32
      %dma_start3A_207 = tpu.memref_slice %arg13[%dma_start3A_205, %dma_start3A_206] : memref<10112x128xf32, #tpu.memory_space<vmem_shared>> -> memref<10112x128xf32, #tpu.memory_space<vmem_shared>>
      tpu.enqueue_indirect_dma source(%dma_start3A_201 : memref<64x128xf32, #tpu.memory_space<vmem>>) target(%dma_start3A_207 : memref<10112x128xf32, #tpu.memory_space<vmem_shared>>) offsets(%dma_start3A_204 : memref<64xi32, #tpu.memory_space<vmem>>) semaphore(%arg15 : memref<!tpu.dma_semaphore, #tpu.memory_space<semaphore_mem>>) {add = true}
      %dma_wait3A_208 = arith.constant 0 : i32
      %dma_wait3A_209 = arith.constant 1 : i32
      %dma_wait3A_210 = arith.constant 0 : i32
      %dma_wait3A_211 = arith.constant 0 : i32
      %dma_wait3A_212 = tpu.memref_slice %arg12[%dma_wait3A_209, %dma_wait3A_210, %dma_wait3A_211] : memref<2x64x128xf32, #tpu.memory_space<vmem>> -> memref<1x64x128xf32, #tpu.memory_space<vmem>>
      %dma_wait3A_213 = tpu.memref_squeeze %dma_wait3A_212 : memref<1x64x128xf32, #tpu.memory_space<vmem>> -> memref<64x128xf32, #tpu.memory_space<vmem>>
      %dma_wait3A_214 = arith.constant 0 : i32
      %dma_wait3A_215 = tpu.memref_slice %arg10[%dma_wait3A_208, %dma_wait3A_214] : memref<128x64xi32, #tpu.memory_space<vmem>> -> memref<1x64xi32, #tpu.memory_space<vmem>>
      %dma_wait3A_216 = tpu.memref_squeeze %dma_wait3A_215 : memref<1x64xi32, #tpu.memory_space<vmem>> -> memref<64xi32, #tpu.memory_space<vmem>>
      %dma_wait3A_217 = arith.constant 0 : i32
      %dma_wait3A_218 = arith.constant 0 : i32
      %dma_wait3A_219 = tpu.memref_slice %arg3[%dma_wait3A_217, %dma_wait3A_218] : memref<10000x128xf32, #tpu.memory_space<hbm>> -> memref<10000x128xf32, #tpu.memory_space<hbm>>
      tpu.wait_indirect_dma semaphore(%arg14 : memref<!tpu.dma_semaphore, #tpu.memory_space<semaphore_mem>>) src(%dma_wait3A_219 : memref<10000x128xf32, #tpu.memory_space<hbm>>) dst(%dma_wait3A_213 : memref<64x128xf32, #tpu.memory_space<vmem>>)
      %dma_start3A_220 = arith.constant 1 : i32
      %dma_start3A_221 = arith.constant 0 : i32
      %dma_start3A_222 = arith.constant 0 : i32
      %dma_start3A_223 = tpu.memref_slice %arg12[%dma_start3A_220, %dma_start3A_221, %dma_start3A_222] : memref<2x64x128xf32, #tpu.memory_space<vmem>> -> memref<1x64x128xf32, #tpu.memory_space<vmem>>
      %dma_start3A_224 = tpu.memref_squeeze %dma_start3A_223 : memref<1x64x128xf32, #tpu.memory_space<vmem>> -> memref<64x128xf32, #tpu.memory_space<vmem>>
      %dma_start3A_225 = arith.constant 0 : i32
      %dma_start3A_226 = tpu.memref_slice %arg11[%add3A_185, %dma_start3A_225] : memref<128x64xi32, #tpu.memory_space<vmem>> -> memref<1x64xi32, #tpu.memory_space<vmem>>
      %dma_start3A_227 = tpu.memref_squeeze %dma_start3A_226 : memref<1x64xi32, #tpu.memory_space<vmem>> -> memref<64xi32, #tpu.memory_space<vmem>>
      %dma_start3A_228 = arith.constant 0 : i32
      %dma_start3A_229 = arith.constant 0 : i32
      %dma_start3A_230 = tpu.memref_slice %arg13[%dma_start3A_228, %dma_start3A_229] : memref<10112x128xf32, #tpu.memory_space<vmem_shared>> -> memref<10112x128xf32, #tpu.memory_space<vmem_shared>>
      tpu.enqueue_indirect_dma source(%dma_start3A_224 : memref<64x128xf32, #tpu.memory_space<vmem>>) target(%dma_start3A_230 : memref<10112x128xf32, #tpu.memory_space<vmem_shared>>) offsets(%dma_start3A_227 : memref<64xi32, #tpu.memory_space<vmem>>) semaphore(%arg15 : memref<!tpu.dma_semaphore, #tpu.memory_space<semaphore_mem>>) {add = true}
      %dma_wait3A_231 = arith.constant 0 : i32
      %dma_wait3A_232 = arith.constant 0 : i32
      %dma_wait3A_233 = arith.constant 0 : i32
      %dma_wait3A_234 = arith.constant 0 : i32
      %dma_wait3A_235 = tpu.memref_slice %arg12[%dma_wait3A_231, %dma_wait3A_233, %dma_wait3A_234] : memref<2x64x128xf32, #tpu.memory_space<vmem>> -> memref<1x64x128xf32, #tpu.memory_space<vmem>>
      %dma_wait3A_236 = tpu.memref_squeeze %dma_wait3A_235 : memref<1x64x128xf32, #tpu.memory_space<vmem>> -> memref<64x128xf32, #tpu.memory_space<vmem>>
      %dma_wait3A_237 = arith.constant 0 : i32
      %dma_wait3A_238 = tpu.memref_slice %arg11[%dma_wait3A_232, %dma_wait3A_237] : memref<128x64xi32, #tpu.memory_space<vmem>> -> memref<1x64xi32, #tpu.memory_space<vmem>>
      %dma_wait3A_239 = tpu.memref_squeeze %dma_wait3A_238 : memref<1x64xi32, #tpu.memory_space<vmem>> -> memref<64xi32, #tpu.memory_space<vmem>>
      %dma_wait3A_240 = arith.constant 0 : i32
      %dma_wait3A_241 = arith.constant 0 : i32
      %dma_wait3A_242 = tpu.memref_slice %arg13[%dma_wait3A_240, %dma_wait3A_241] : memref<10112x128xf32, #tpu.memory_space<vmem_shared>> -> memref<10112x128xf32, #tpu.memory_space<vmem_shared>>
      tpu.wait_indirect_dma semaphore(%arg15 : memref<!tpu.dma_semaphore, #tpu.memory_space<semaphore_mem>>) src(%dma_wait3A_236 : memref<64x128xf32, #tpu.memory_space<vmem>>) dst(%dma_wait3A_242 : memref<10112x128xf32, #tpu.memory_space<vmem_shared>>)
      %add3A_243 = arith.constant 2 : i32
      %add3A_244 = arith.addi %mul3A_183, %add3A_243 : i32
      %lt3A = arith.cmpi slt, %add3A_244, %add3A_4 : i32
      %convert_element_type3A = arith.extui %lt3A : i1 to i32
      %cond3A = arith.constant 0 : i32
      %cond3A_245 = arith.cmpi ne, %convert_element_type3A, %cond3A : i32
      scf.if %cond3A_245 {
        %add3A_264 = arith.constant 2 : i32
        %add3A_265 = arith.addi %mul3A_183, %add3A_264 : i32
        %dma_start3A_266 = arith.constant 0 : i32
        %dma_start3A_267 = arith.constant 0 : i32
        %dma_start3A_268 = arith.constant 0 : i32
        %dma_start3A_269 = tpu.memref_slice %arg12[%dma_start3A_266, %dma_start3A_267, %dma_start3A_268] : memref<2x64x128xf32, #tpu.memory_space<vmem>> -> memref<1x64x128xf32, #tpu.memory_space<vmem>>
        %dma_start3A_270 = tpu.memref_squeeze %dma_start3A_269 : memref<1x64x128xf32, #tpu.memory_space<vmem>> -> memref<64x128xf32, #tpu.memory_space<vmem>>
        %dma_start3A_271 = arith.constant 0 : i32
        %dma_start3A_272 = tpu.memref_slice %arg10[%add3A_265, %dma_start3A_271] : memref<128x64xi32, #tpu.memory_space<vmem>> -> memref<1x64xi32, #tpu.memory_space<vmem>>
        %dma_start3A_273 = tpu.memref_squeeze %dma_start3A_272 : memref<1x64xi32, #tpu.memory_space<vmem>> -> memref<64xi32, #tpu.memory_space<vmem>>
        %dma_start3A_274 = arith.constant 0 : i32
        %dma_start3A_275 = arith.constant 0 : i32
        %dma_start3A_276 = tpu.memref_slice %arg3[%dma_start3A_274, %dma_start3A_275] : memref<10000x128xf32, #tpu.memory_space<hbm>> -> memref<10000x128xf32, #tpu.memory_space<hbm>>
        tpu.enqueue_indirect_dma source(%dma_start3A_276 : memref<10000x128xf32, #tpu.memory_space<hbm>>) target(%dma_start3A_270 : memref<64x128xf32, #tpu.memory_space<vmem>>) offsets(%dma_start3A_273 : memref<64xi32, #tpu.memory_space<vmem>>) semaphore(%arg14 : memref<!tpu.dma_semaphore, #tpu.memory_space<semaphore_mem>>)
      } else {
      }
      %dma_wait3A_246 = arith.constant 1 : i32
      %dma_wait3A_247 = arith.constant 0 : i32
      %dma_wait3A_248 = arith.constant 0 : i32
      %dma_wait3A_249 = arith.constant 0 : i32
      %dma_wait3A_250 = tpu.memref_slice %arg12[%dma_wait3A_246, %dma_wait3A_248, %dma_wait3A_249] : memref<2x64x128xf32, #tpu.memory_space<vmem>> -> memref<1x64x128xf32, #tpu.memory_space<vmem>>
      %dma_wait3A_251 = tpu.memref_squeeze %dma_wait3A_250 : memref<1x64x128xf32, #tpu.memory_space<vmem>> -> memref<64x128xf32, #tpu.memory_space<vmem>>
      %dma_wait3A_252 = arith.constant 0 : i32
      %dma_wait3A_253 = tpu.memref_slice %arg11[%dma_wait3A_247, %dma_wait3A_252] : memref<128x64xi32, #tpu.memory_space<vmem>> -> memref<1x64xi32, #tpu.memory_space<vmem>>
      %dma_wait3A_254 = tpu.memref_squeeze %dma_wait3A_253 : memref<1x64xi32, #tpu.memory_space<vmem>> -> memref<64xi32, #tpu.memory_space<vmem>>
      %dma_wait3A_255 = arith.constant 0 : i32
      %dma_wait3A_256 = arith.constant 0 : i32
      %dma_wait3A_257 = tpu.memref_slice %arg13[%dma_wait3A_255, %dma_wait3A_256] : memref<10112x128xf32, #tpu.memory_space<vmem_shared>> -> memref<10112x128xf32, #tpu.memory_space<vmem_shared>>
      tpu.wait_indirect_dma semaphore(%arg15 : memref<!tpu.dma_semaphore, #tpu.memory_space<semaphore_mem>>) src(%dma_wait3A_251 : memref<64x128xf32, #tpu.memory_space<vmem>>) dst(%dma_wait3A_257 : memref<10112x128xf32, #tpu.memory_space<vmem_shared>>)
      %add3A_258 = arith.constant 2 : i32
      %add3A_259 = arith.addi %add3A_185, %add3A_258 : i32
      %lt3A_260 = arith.cmpi slt, %add3A_259, %add3A_4 : i32
      %convert_element_type3A_261 = arith.extui %lt3A_260 : i1 to i32
      %cond3A_262 = arith.constant 0 : i32
      %cond3A_263 = arith.cmpi ne, %convert_element_type3A_261, %cond3A_262 : i32
      scf.if %cond3A_263 {
        %add3A_264 = arith.constant 2 : i32
        %add3A_265 = arith.addi %add3A_185, %add3A_264 : i32
        %dma_start3A_266 = arith.constant 1 : i32
        %dma_start3A_267 = arith.constant 0 : i32
        %dma_start3A_268 = arith.constant 0 : i32
        %dma_start3A_269 = tpu.memref_slice %arg12[%dma_start3A_266, %dma_start3A_267, %dma_start3A_268] : memref<2x64x128xf32, #tpu.memory_space<vmem>> -> memref<1x64x128xf32, #tpu.memory_space<vmem>>
        %dma_start3A_270 = tpu.memref_squeeze %dma_start3A_269 : memref<1x64x128xf32, #tpu.memory_space<vmem>> -> memref<64x128xf32, #tpu.memory_space<vmem>>
        %dma_start3A_271 = arith.constant 0 : i32
        %dma_start3A_272 = tpu.memref_slice %arg10[%add3A_265, %dma_start3A_271] : memref<128x64xi32, #tpu.memory_space<vmem>> -> memref<1x64xi32, #tpu.memory_space<vmem>>
        %dma_start3A_273 = tpu.memref_squeeze %dma_start3A_272 : memref<1x64xi32, #tpu.memory_space<vmem>> -> memref<64xi32, #tpu.memory_space<vmem>>
        %dma_start3A_274 = arith.constant 0 : i32
        %dma_start3A_275 = arith.constant 0 : i32
        %dma_start3A_276 = tpu.memref_slice %arg3[%dma_start3A_274, %dma_start3A_275] : memref<10000x128xf32, #tpu.memory_space<hbm>> -> memref<10000x128xf32, #tpu.memory_space<hbm>>
        tpu.enqueue_indirect_dma source(%dma_start3A_276 : memref<10000x128xf32, #tpu.memory_space<hbm>>) target(%dma_start3A_270 : memref<64x128xf32, #tpu.memory_space<vmem>>) offsets(%dma_start3A_273 : memref<64xi32, #tpu.memory_space<vmem>>) semaphore(%arg14 : memref<!tpu.dma_semaphore, #tpu.memory_space<semaphore_mem>>)
      } else {
      }
    }
    %barrier3A_86 = arith.constant 0 : index
    tpu.barrier barrier_id(%barrier3A_86)
    %mul3A_87 = arith.constant 632 : i32
    %mul3A_88 = arith.muli %arg1, %mul3A_87 : i32
    %mul3A_89 = arith.constant 632 : i32
    %mul3A_90 = arith.muli %arg1, %mul3A_89 : i32
    %run_scoped3A_91 = arith.constant 1 : i32
    "tpu.region"() ({
      %run_scoped3A_181 = tpu.sem_alloc : memref<!tpu.dma_semaphore, #tpu.memory_space<semaphore_mem>>
      %dma_start3A_182 = arith.constant 0 : i32
      %dma_start3A_183 = tpu.memref_slice %arg9[%arg0, %run_scoped3A_91, %mul3A_90, %dma_start3A_182] : memref<2x4x10112x128xf32, #tpu.memory_space<hbm>> -> memref<1x1x632x128xf32, #tpu.memory_space<hbm>>
      %dma_start3A_184 = tpu.memref_squeeze %dma_start3A_183 : memref<1x1x632x128xf32, #tpu.memory_space<hbm>> -> memref<632x128xf32, #tpu.memory_space<hbm>>
      %dma_start3A_185 = arith.constant 0 : i32
      %dma_start3A_186 = tpu.memref_slice %arg13[%mul3A_88, %dma_start3A_185] : memref<10112x128xf32, #tpu.memory_space<vmem_shared>> -> memref<632x128xf32, #tpu.memory_space<vmem_shared>>
      tpu.enqueue_dma source(%dma_start3A_186 : memref<632x128xf32, #tpu.memory_space<vmem_shared>>) target(%dma_start3A_184 : memref<632x128xf32, #tpu.memory_space<hbm>>) target_semaphore(%run_scoped3A_181 : memref<!tpu.dma_semaphore, #tpu.memory_space<semaphore_mem>>)
      %dma_wait3A = arith.constant 0 : i32
      %dma_wait3A_187 = tpu.memref_slice %arg9[%arg0, %run_scoped3A_91, %mul3A_90, %dma_wait3A] : memref<2x4x10112x128xf32, #tpu.memory_space<hbm>> -> memref<1x1x632x128xf32, #tpu.memory_space<hbm>>
      %dma_wait3A_188 = tpu.memref_squeeze %dma_wait3A_187 : memref<1x1x632x128xf32, #tpu.memory_space<hbm>> -> memref<632x128xf32, #tpu.memory_space<hbm>>
      %dma_wait3A_189 = arith.constant 0 : i32
      %dma_wait3A_190 = tpu.memref_slice %arg13[%mul3A_88, %dma_wait3A_189] : memref<10112x128xf32, #tpu.memory_space<vmem_shared>> -> memref<632x128xf32, #tpu.memory_space<vmem_shared>>
      tpu.wait_dma2 semaphore(%run_scoped3A_181 : memref<!tpu.dma_semaphore, #tpu.memory_space<semaphore_mem>>) src(%dma_wait3A_190 : memref<632x128xf32, #tpu.memory_space<vmem_shared>>) dst(%dma_wait3A_188 : memref<632x128xf32, #tpu.memory_space<hbm>>)
      tpu.yield
    }) : () -> ()
    %barrier3A_92 = arith.constant 0 : index
    tpu.barrier barrier_id(%barrier3A_92)
    %mul3A_93 = arith.constant 632 : i32
    %mul3A_94 = arith.muli %arg1, %mul3A_93 : i32
    "tpu.region"() ({
      %run_scoped3A_181 = tpu.sem_alloc : memref<!tpu.dma_semaphore, #tpu.memory_space<semaphore_mem>>
      %dma_start3A_182 = arith.constant 0 : i32
      %dma_start3A_183 = tpu.memref_slice %arg13[%mul3A_94, %dma_start3A_182] : memref<10112x128xf32, #tpu.memory_space<vmem_shared>> -> memref<632x128xf32, #tpu.memory_space<vmem_shared>>
      tpu.enqueue_dma source(%arg8 : memref<632x128xf32, #tpu.memory_space<hbm>>) target(%dma_start3A_183 : memref<632x128xf32, #tpu.memory_space<vmem_shared>>) target_semaphore(%run_scoped3A_181 : memref<!tpu.dma_semaphore, #tpu.memory_space<semaphore_mem>>)
      %dma_wait3A = arith.constant 0 : i32
      %dma_wait3A_184 = tpu.memref_slice %arg13[%mul3A_94, %dma_wait3A] : memref<10112x128xf32, #tpu.memory_space<vmem_shared>> -> memref<632x128xf32, #tpu.memory_space<vmem_shared>>
      tpu.wait_dma2 semaphore(%run_scoped3A_181 : memref<!tpu.dma_semaphore, #tpu.memory_space<semaphore_mem>>) src(%arg8 : memref<632x128xf32, #tpu.memory_space<hbm>>) dst(%dma_wait3A_184 : memref<632x128xf32, #tpu.memory_space<vmem_shared>>)
      tpu.yield
    }) : () -> ()
    %barrier3A_95 = arith.constant 0 : index
    tpu.barrier barrier_id(%barrier3A_95)
    %dma_start3A_96 = arith.constant 0 : i32
    %dma_start3A_97 = arith.constant 0 : i32
    %dma_start3A_98 = arith.constant 0 : i32
    %dma_start3A_99 = arith.constant 0 : i32
    %dma_start3A_100 = tpu.memref_slice %arg12[%dma_start3A_97, %dma_start3A_98, %dma_start3A_99] : memref<2x64x128xf32, #tpu.memory_space<vmem>> -> memref<1x64x128xf32, #tpu.memory_space<vmem>>
    %dma_start3A_101 = tpu.memref_squeeze %dma_start3A_100 : memref<1x64x128xf32, #tpu.memory_space<vmem>> -> memref<64x128xf32, #tpu.memory_space<vmem>>
    %dma_start3A_102 = arith.constant 0 : i32
    %dma_start3A_103 = tpu.memref_slice %arg10[%dma_start3A_96, %dma_start3A_102] : memref<128x64xi32, #tpu.memory_space<vmem>> -> memref<1x64xi32, #tpu.memory_space<vmem>>
    %dma_start3A_104 = tpu.memref_squeeze %dma_start3A_103 : memref<1x64xi32, #tpu.memory_space<vmem>> -> memref<64xi32, #tpu.memory_space<vmem>>
    %dma_start3A_105 = arith.constant 0 : i32
    %dma_start3A_106 = arith.constant 0 : i32
    %dma_start3A_107 = tpu.memref_slice %arg4[%dma_start3A_105, %dma_start3A_106] : memref<10000x128xf32, #tpu.memory_space<hbm>> -> memref<10000x128xf32, #tpu.memory_space<hbm>>
    tpu.enqueue_indirect_dma source(%dma_start3A_107 : memref<10000x128xf32, #tpu.memory_space<hbm>>) target(%dma_start3A_101 : memref<64x128xf32, #tpu.memory_space<vmem>>) offsets(%dma_start3A_104 : memref<64xi32, #tpu.memory_space<vmem>>) semaphore(%arg14 : memref<!tpu.dma_semaphore, #tpu.memory_space<semaphore_mem>>)
    %dma_start3A_108 = arith.constant 1 : i32
    %dma_start3A_109 = arith.constant 1 : i32
    %dma_start3A_110 = arith.constant 0 : i32
    %dma_start3A_111 = arith.constant 0 : i32
    %dma_start3A_112 = tpu.memref_slice %arg12[%dma_start3A_109, %dma_start3A_110, %dma_start3A_111] : memref<2x64x128xf32, #tpu.memory_space<vmem>> -> memref<1x64x128xf32, #tpu.memory_space<vmem>>
    %dma_start3A_113 = tpu.memref_squeeze %dma_start3A_112 : memref<1x64x128xf32, #tpu.memory_space<vmem>> -> memref<64x128xf32, #tpu.memory_space<vmem>>
    %dma_start3A_114 = arith.constant 0 : i32
    %dma_start3A_115 = tpu.memref_slice %arg10[%dma_start3A_108, %dma_start3A_114] : memref<128x64xi32, #tpu.memory_space<vmem>> -> memref<1x64xi32, #tpu.memory_space<vmem>>
    %dma_start3A_116 = tpu.memref_squeeze %dma_start3A_115 : memref<1x64xi32, #tpu.memory_space<vmem>> -> memref<64xi32, #tpu.memory_space<vmem>>
    %dma_start3A_117 = arith.constant 0 : i32
    %dma_start3A_118 = arith.constant 0 : i32
    %dma_start3A_119 = tpu.memref_slice %arg4[%dma_start3A_117, %dma_start3A_118] : memref<10000x128xf32, #tpu.memory_space<hbm>> -> memref<10000x128xf32, #tpu.memory_space<hbm>>
    tpu.enqueue_indirect_dma source(%dma_start3A_119 : memref<10000x128xf32, #tpu.memory_space<hbm>>) target(%dma_start3A_113 : memref<64x128xf32, #tpu.memory_space<vmem>>) offsets(%dma_start3A_116 : memref<64xi32, #tpu.memory_space<vmem>>) semaphore(%arg14 : memref<!tpu.dma_semaphore, #tpu.memory_space<semaphore_mem>>)
    %while3A_120 = arith.constant 0 : i32
    %while3A_121 = arith.constant 0 : i32
    %while3A_122 = arith.subi %add3A_8, %while3A_121 : i32
    %while3A_123 = arith.addi %while3A_121, %while3A_122 : i32
    %while3A_124 = arith.constant 1 : i32
    %while3A_125 = arith.divsi %while3A_122, %while3A_124 : i32
    %while3A_126 = arith.muli %while3A_125, %while3A_124 : i32
    %while3A_127 = arith.addi %while3A_121, %while3A_126 : i32
    %while3A_128 = arith.constant 1 : i32
    scf.for %while3A_181 = %while3A_121 to %while3A_127 step %while3A_128  : i32 {
      %mul3A_182 = arith.constant 2 : i32
      %mul3A_183 = arith.muli %while3A_181, %mul3A_182 : i32
      %add3A_184 = arith.constant 1 : i32
      %add3A_185 = arith.addi %mul3A_183, %add3A_184 : i32
      %dma_wait3A = arith.constant 0 : i32
      %dma_wait3A_186 = arith.constant 0 : i32
      %dma_wait3A_187 = arith.constant 0 : i32
      %dma_wait3A_188 = arith.constant 0 : i32
      %dma_wait3A_189 = tpu.memref_slice %arg12[%dma_wait3A_186, %dma_wait3A_187, %dma_wait3A_188] : memref<2x64x128xf32, #tpu.memory_space<vmem>> -> memref<1x64x128xf32, #tpu.memory_space<vmem>>
      %dma_wait3A_190 = tpu.memref_squeeze %dma_wait3A_189 : memref<1x64x128xf32, #tpu.memory_space<vmem>> -> memref<64x128xf32, #tpu.memory_space<vmem>>
      %dma_wait3A_191 = arith.constant 0 : i32
      %dma_wait3A_192 = tpu.memref_slice %arg10[%dma_wait3A, %dma_wait3A_191] : memref<128x64xi32, #tpu.memory_space<vmem>> -> memref<1x64xi32, #tpu.memory_space<vmem>>
      %dma_wait3A_193 = tpu.memref_squeeze %dma_wait3A_192 : memref<1x64xi32, #tpu.memory_space<vmem>> -> memref<64xi32, #tpu.memory_space<vmem>>
      %dma_wait3A_194 = arith.constant 0 : i32
      %dma_wait3A_195 = arith.constant 0 : i32
      %dma_wait3A_196 = tpu.memref_slice %arg4[%dma_wait3A_194, %dma_wait3A_195] : memref<10000x128xf32, #tpu.memory_space<hbm>> -> memref<10000x128xf32, #tpu.memory_space<hbm>>
      tpu.wait_indirect_dma semaphore(%arg14 : memref<!tpu.dma_semaphore, #tpu.memory_space<semaphore_mem>>) src(%dma_wait3A_196 : memref<10000x128xf32, #tpu.memory_space<hbm>>) dst(%dma_wait3A_190 : memref<64x128xf32, #tpu.memory_space<vmem>>)
      %dma_start3A_197 = arith.constant 0 : i32
      %dma_start3A_198 = arith.constant 0 : i32
      %dma_start3A_199 = arith.constant 0 : i32
      %dma_start3A_200 = tpu.memref_slice %arg12[%dma_start3A_197, %dma_start3A_198, %dma_start3A_199] : memref<2x64x128xf32, #tpu.memory_space<vmem>> -> memref<1x64x128xf32, #tpu.memory_space<vmem>>
      %dma_start3A_201 = tpu.memref_squeeze %dma_start3A_200 : memref<1x64x128xf32, #tpu.memory_space<vmem>> -> memref<64x128xf32, #tpu.memory_space<vmem>>
      %dma_start3A_202 = arith.constant 0 : i32
      %dma_start3A_203 = tpu.memref_slice %arg11[%mul3A_183, %dma_start3A_202] : memref<128x64xi32, #tpu.memory_space<vmem>> -> memref<1x64xi32, #tpu.memory_space<vmem>>
      %dma_start3A_204 = tpu.memref_squeeze %dma_start3A_203 : memref<1x64xi32, #tpu.memory_space<vmem>> -> memref<64xi32, #tpu.memory_space<vmem>>
      %dma_start3A_205 = arith.constant 0 : i32
      %dma_start3A_206 = arith.constant 0 : i32
      %dma_start3A_207 = tpu.memref_slice %arg13[%dma_start3A_205, %dma_start3A_206] : memref<10112x128xf32, #tpu.memory_space<vmem_shared>> -> memref<10112x128xf32, #tpu.memory_space<vmem_shared>>
      tpu.enqueue_indirect_dma source(%dma_start3A_201 : memref<64x128xf32, #tpu.memory_space<vmem>>) target(%dma_start3A_207 : memref<10112x128xf32, #tpu.memory_space<vmem_shared>>) offsets(%dma_start3A_204 : memref<64xi32, #tpu.memory_space<vmem>>) semaphore(%arg15 : memref<!tpu.dma_semaphore, #tpu.memory_space<semaphore_mem>>) {add = true}
      %dma_wait3A_208 = arith.constant 0 : i32
      %dma_wait3A_209 = arith.constant 1 : i32
      %dma_wait3A_210 = arith.constant 0 : i32
      %dma_wait3A_211 = arith.constant 0 : i32
      %dma_wait3A_212 = tpu.memref_slice %arg12[%dma_wait3A_209, %dma_wait3A_210, %dma_wait3A_211] : memref<2x64x128xf32, #tpu.memory_space<vmem>> -> memref<1x64x128xf32, #tpu.memory_space<vmem>>
      %dma_wait3A_213 = tpu.memref_squeeze %dma_wait3A_212 : memref<1x64x128xf32, #tpu.memory_space<vmem>> -> memref<64x128xf32, #tpu.memory_space<vmem>>
      %dma_wait3A_214 = arith.constant 0 : i32
      %dma_wait3A_215 = tpu.memref_slice %arg10[%dma_wait3A_208, %dma_wait3A_214] : memref<128x64xi32, #tpu.memory_space<vmem>> -> memref<1x64xi32, #tpu.memory_space<vmem>>
      %dma_wait3A_216 = tpu.memref_squeeze %dma_wait3A_215 : memref<1x64xi32, #tpu.memory_space<vmem>> -> memref<64xi32, #tpu.memory_space<vmem>>
      %dma_wait3A_217 = arith.constant 0 : i32
      %dma_wait3A_218 = arith.constant 0 : i32
      %dma_wait3A_219 = tpu.memref_slice %arg4[%dma_wait3A_217, %dma_wait3A_218] : memref<10000x128xf32, #tpu.memory_space<hbm>> -> memref<10000x128xf32, #tpu.memory_space<hbm>>
      tpu.wait_indirect_dma semaphore(%arg14 : memref<!tpu.dma_semaphore, #tpu.memory_space<semaphore_mem>>) src(%dma_wait3A_219 : memref<10000x128xf32, #tpu.memory_space<hbm>>) dst(%dma_wait3A_213 : memref<64x128xf32, #tpu.memory_space<vmem>>)
      %dma_start3A_220 = arith.constant 1 : i32
      %dma_start3A_221 = arith.constant 0 : i32
      %dma_start3A_222 = arith.constant 0 : i32
      %dma_start3A_223 = tpu.memref_slice %arg12[%dma_start3A_220, %dma_start3A_221, %dma_start3A_222] : memref<2x64x128xf32, #tpu.memory_space<vmem>> -> memref<1x64x128xf32, #tpu.memory_space<vmem>>
      %dma_start3A_224 = tpu.memref_squeeze %dma_start3A_223 : memref<1x64x128xf32, #tpu.memory_space<vmem>> -> memref<64x128xf32, #tpu.memory_space<vmem>>
      %dma_start3A_225 = arith.constant 0 : i32
      %dma_start3A_226 = tpu.memref_slice %arg11[%add3A_185, %dma_start3A_225] : memref<128x64xi32, #tpu.memory_space<vmem>> -> memref<1x64xi32, #tpu.memory_space<vmem>>
      %dma_start3A_227 = tpu.memref_squeeze %dma_start3A_226 : memref<1x64xi32, #tpu.memory_space<vmem>> -> memref<64xi32, #tpu.memory_space<vmem>>
      %dma_start3A_228 = arith.constant 0 : i32
      %dma_start3A_229 = arith.constant 0 : i32
      %dma_start3A_230 = tpu.memref_slice %arg13[%dma_start3A_228, %dma_start3A_229] : memref<10112x128xf32, #tpu.memory_space<vmem_shared>> -> memref<10112x128xf32, #tpu.memory_space<vmem_shared>>
      tpu.enqueue_indirect_dma source(%dma_start3A_224 : memref<64x128xf32, #tpu.memory_space<vmem>>) target(%dma_start3A_230 : memref<10112x128xf32, #tpu.memory_space<vmem_shared>>) offsets(%dma_start3A_227 : memref<64xi32, #tpu.memory_space<vmem>>) semaphore(%arg15 : memref<!tpu.dma_semaphore, #tpu.memory_space<semaphore_mem>>) {add = true}
      %dma_wait3A_231 = arith.constant 0 : i32
      %dma_wait3A_232 = arith.constant 0 : i32
      %dma_wait3A_233 = arith.constant 0 : i32
      %dma_wait3A_234 = arith.constant 0 : i32
      %dma_wait3A_235 = tpu.memref_slice %arg12[%dma_wait3A_231, %dma_wait3A_233, %dma_wait3A_234] : memref<2x64x128xf32, #tpu.memory_space<vmem>> -> memref<1x64x128xf32, #tpu.memory_space<vmem>>
      %dma_wait3A_236 = tpu.memref_squeeze %dma_wait3A_235 : memref<1x64x128xf32, #tpu.memory_space<vmem>> -> memref<64x128xf32, #tpu.memory_space<vmem>>
      %dma_wait3A_237 = arith.constant 0 : i32
      %dma_wait3A_238 = tpu.memref_slice %arg11[%dma_wait3A_232, %dma_wait3A_237] : memref<128x64xi32, #tpu.memory_space<vmem>> -> memref<1x64xi32, #tpu.memory_space<vmem>>
      %dma_wait3A_239 = tpu.memref_squeeze %dma_wait3A_238 : memref<1x64xi32, #tpu.memory_space<vmem>> -> memref<64xi32, #tpu.memory_space<vmem>>
      %dma_wait3A_240 = arith.constant 0 : i32
      %dma_wait3A_241 = arith.constant 0 : i32
      %dma_wait3A_242 = tpu.memref_slice %arg13[%dma_wait3A_240, %dma_wait3A_241] : memref<10112x128xf32, #tpu.memory_space<vmem_shared>> -> memref<10112x128xf32, #tpu.memory_space<vmem_shared>>
      tpu.wait_indirect_dma semaphore(%arg15 : memref<!tpu.dma_semaphore, #tpu.memory_space<semaphore_mem>>) src(%dma_wait3A_236 : memref<64x128xf32, #tpu.memory_space<vmem>>) dst(%dma_wait3A_242 : memref<10112x128xf32, #tpu.memory_space<vmem_shared>>)
      %add3A_243 = arith.constant 2 : i32
      %add3A_244 = arith.addi %mul3A_183, %add3A_243 : i32
      %lt3A = arith.cmpi slt, %add3A_244, %add3A_4 : i32
      %convert_element_type3A = arith.extui %lt3A : i1 to i32
      %cond3A = arith.constant 0 : i32
      %cond3A_245 = arith.cmpi ne, %convert_element_type3A, %cond3A : i32
      scf.if %cond3A_245 {
        %add3A_264 = arith.constant 2 : i32
        %add3A_265 = arith.addi %mul3A_183, %add3A_264 : i32
        %dma_start3A_266 = arith.constant 0 : i32
        %dma_start3A_267 = arith.constant 0 : i32
        %dma_start3A_268 = arith.constant 0 : i32
        %dma_start3A_269 = tpu.memref_slice %arg12[%dma_start3A_266, %dma_start3A_267, %dma_start3A_268] : memref<2x64x128xf32, #tpu.memory_space<vmem>> -> memref<1x64x128xf32, #tpu.memory_space<vmem>>
        %dma_start3A_270 = tpu.memref_squeeze %dma_start3A_269 : memref<1x64x128xf32, #tpu.memory_space<vmem>> -> memref<64x128xf32, #tpu.memory_space<vmem>>
        %dma_start3A_271 = arith.constant 0 : i32
        %dma_start3A_272 = tpu.memref_slice %arg10[%add3A_265, %dma_start3A_271] : memref<128x64xi32, #tpu.memory_space<vmem>> -> memref<1x64xi32, #tpu.memory_space<vmem>>
        %dma_start3A_273 = tpu.memref_squeeze %dma_start3A_272 : memref<1x64xi32, #tpu.memory_space<vmem>> -> memref<64xi32, #tpu.memory_space<vmem>>
        %dma_start3A_274 = arith.constant 0 : i32
        %dma_start3A_275 = arith.constant 0 : i32
        %dma_start3A_276 = tpu.memref_slice %arg4[%dma_start3A_274, %dma_start3A_275] : memref<10000x128xf32, #tpu.memory_space<hbm>> -> memref<10000x128xf32, #tpu.memory_space<hbm>>
        tpu.enqueue_indirect_dma source(%dma_start3A_276 : memref<10000x128xf32, #tpu.memory_space<hbm>>) target(%dma_start3A_270 : memref<64x128xf32, #tpu.memory_space<vmem>>) offsets(%dma_start3A_273 : memref<64xi32, #tpu.memory_space<vmem>>) semaphore(%arg14 : memref<!tpu.dma_semaphore, #tpu.memory_space<semaphore_mem>>)
      } else {
      }
      %dma_wait3A_246 = arith.constant 1 : i32
      %dma_wait3A_247 = arith.constant 0 : i32
      %dma_wait3A_248 = arith.constant 0 : i32
      %dma_wait3A_249 = arith.constant 0 : i32
      %dma_wait3A_250 = tpu.memref_slice %arg12[%dma_wait3A_246, %dma_wait3A_248, %dma_wait3A_249] : memref<2x64x128xf32, #tpu.memory_space<vmem>> -> memref<1x64x128xf32, #tpu.memory_space<vmem>>
      %dma_wait3A_251 = tpu.memref_squeeze %dma_wait3A_250 : memref<1x64x128xf32, #tpu.memory_space<vmem>> -> memref<64x128xf32, #tpu.memory_space<vmem>>
      %dma_wait3A_252 = arith.constant 0 : i32
      %dma_wait3A_253 = tpu.memref_slice %arg11[%dma_wait3A_247, %dma_wait3A_252] : memref<128x64xi32, #tpu.memory_space<vmem>> -> memref<1x64xi32, #tpu.memory_space<vmem>>
      %dma_wait3A_254 = tpu.memref_squeeze %dma_wait3A_253 : memref<1x64xi32, #tpu.memory_space<vmem>> -> memref<64xi32, #tpu.memory_space<vmem>>
      %dma_wait3A_255 = arith.constant 0 : i32
      %dma_wait3A_256 = arith.constant 0 : i32
      %dma_wait3A_257 = tpu.memref_slice %arg13[%dma_wait3A_255, %dma_wait3A_256] : memref<10112x128xf32, #tpu.memory_space<vmem_shared>> -> memref<10112x128xf32, #tpu.memory_space<vmem_shared>>
      tpu.wait_indirect_dma semaphore(%arg15 : memref<!tpu.dma_semaphore, #tpu.memory_space<semaphore_mem>>) src(%dma_wait3A_251 : memref<64x128xf32, #tpu.memory_space<vmem>>) dst(%dma_wait3A_257 : memref<10112x128xf32, #tpu.memory_space<vmem_shared>>)
      %add3A_258 = arith.constant 2 : i32
      %add3A_259 = arith.addi %add3A_185, %add3A_258 : i32
      %lt3A_260 = arith.cmpi slt, %add3A_259, %add3A_4 : i32
      %convert_element_type3A_261 = arith.extui %lt3A_260 : i1 to i32
      %cond3A_262 = arith.constant 0 : i32
      %cond3A_263 = arith.cmpi ne, %convert_element_type3A_261, %cond3A_262 : i32
      scf.if %cond3A_263 {
        %add3A_264 = arith.constant 2 : i32
        %add3A_265 = arith.addi %add3A_185, %add3A_264 : i32
        %dma_start3A_266 = arith.constant 1 : i32
        %dma_start3A_267 = arith.constant 0 : i32
        %dma_start3A_268 = arith.constant 0 : i32
        %dma_start3A_269 = tpu.memref_slice %arg12[%dma_start3A_266, %dma_start3A_267, %dma_start3A_268] : memref<2x64x128xf32, #tpu.memory_space<vmem>> -> memref<1x64x128xf32, #tpu.memory_space<vmem>>
        %dma_start3A_270 = tpu.memref_squeeze %dma_start3A_269 : memref<1x64x128xf32, #tpu.memory_space<vmem>> -> memref<64x128xf32, #tpu.memory_space<vmem>>
        %dma_start3A_271 = arith.constant 0 : i32
        %dma_start3A_272 = tpu.memref_slice %arg10[%add3A_265, %dma_start3A_271] : memref<128x64xi32, #tpu.memory_space<vmem>> -> memref<1x64xi32, #tpu.memory_space<vmem>>
        %dma_start3A_273 = tpu.memref_squeeze %dma_start3A_272 : memref<1x64xi32, #tpu.memory_space<vmem>> -> memref<64xi32, #tpu.memory_space<vmem>>
        %dma_start3A_274 = arith.constant 0 : i32
        %dma_start3A_275 = arith.constant 0 : i32
        %dma_start3A_276 = tpu.memref_slice %arg4[%dma_start3A_274, %dma_start3A_275] : memref<10000x128xf32, #tpu.memory_space<hbm>> -> memref<10000x128xf32, #tpu.memory_space<hbm>>
        tpu.enqueue_indirect_dma source(%dma_start3A_276 : memref<10000x128xf32, #tpu.memory_space<hbm>>) target(%dma_start3A_270 : memref<64x128xf32, #tpu.memory_space<vmem>>) offsets(%dma_start3A_273 : memref<64xi32, #tpu.memory_space<vmem>>) semaphore(%arg14 : memref<!tpu.dma_semaphore, #tpu.memory_space<semaphore_mem>>)
      } else {
      }
    }
    %while3A_129 = arith.constant 1 : i32
    scf.for %while3A_181 = %while3A_127 to %while3A_123 step %while3A_129  : i32 {
      %mul3A_182 = arith.constant 2 : i32
      %mul3A_183 = arith.muli %while3A_181, %mul3A_182 : i32
      %add3A_184 = arith.constant 1 : i32
      %add3A_185 = arith.addi %mul3A_183, %add3A_184 : i32
      %dma_wait3A = arith.constant 0 : i32
      %dma_wait3A_186 = arith.constant 0 : i32
      %dma_wait3A_187 = arith.constant 0 : i32
      %dma_wait3A_188 = arith.constant 0 : i32
      %dma_wait3A_189 = tpu.memref_slice %arg12[%dma_wait3A_186, %dma_wait3A_187, %dma_wait3A_188] : memref<2x64x128xf32, #tpu.memory_space<vmem>> -> memref<1x64x128xf32, #tpu.memory_space<vmem>>
      %dma_wait3A_190 = tpu.memref_squeeze %dma_wait3A_189 : memref<1x64x128xf32, #tpu.memory_space<vmem>> -> memref<64x128xf32, #tpu.memory_space<vmem>>
      %dma_wait3A_191 = arith.constant 0 : i32
      %dma_wait3A_192 = tpu.memref_slice %arg10[%dma_wait3A, %dma_wait3A_191] : memref<128x64xi32, #tpu.memory_space<vmem>> -> memref<1x64xi32, #tpu.memory_space<vmem>>
      %dma_wait3A_193 = tpu.memref_squeeze %dma_wait3A_192 : memref<1x64xi32, #tpu.memory_space<vmem>> -> memref<64xi32, #tpu.memory_space<vmem>>
      %dma_wait3A_194 = arith.constant 0 : i32
      %dma_wait3A_195 = arith.constant 0 : i32
      %dma_wait3A_196 = tpu.memref_slice %arg4[%dma_wait3A_194, %dma_wait3A_195] : memref<10000x128xf32, #tpu.memory_space<hbm>> -> memref<10000x128xf32, #tpu.memory_space<hbm>>
      tpu.wait_indirect_dma semaphore(%arg14 : memref<!tpu.dma_semaphore, #tpu.memory_space<semaphore_mem>>) src(%dma_wait3A_196 : memref<10000x128xf32, #tpu.memory_space<hbm>>) dst(%dma_wait3A_190 : memref<64x128xf32, #tpu.memory_space<vmem>>)
      %dma_start3A_197 = arith.constant 0 : i32
      %dma_start3A_198 = arith.constant 0 : i32
      %dma_start3A_199 = arith.constant 0 : i32
      %dma_start3A_200 = tpu.memref_slice %arg12[%dma_start3A_197, %dma_start3A_198, %dma_start3A_199] : memref<2x64x128xf32, #tpu.memory_space<vmem>> -> memref<1x64x128xf32, #tpu.memory_space<vmem>>
      %dma_start3A_201 = tpu.memref_squeeze %dma_start3A_200 : memref<1x64x128xf32, #tpu.memory_space<vmem>> -> memref<64x128xf32, #tpu.memory_space<vmem>>
      %dma_start3A_202 = arith.constant 0 : i32
      %dma_start3A_203 = tpu.memref_slice %arg11[%mul3A_183, %dma_start3A_202] : memref<128x64xi32, #tpu.memory_space<vmem>> -> memref<1x64xi32, #tpu.memory_space<vmem>>
      %dma_start3A_204 = tpu.memref_squeeze %dma_start3A_203 : memref<1x64xi32, #tpu.memory_space<vmem>> -> memref<64xi32, #tpu.memory_space<vmem>>
      %dma_start3A_205 = arith.constant 0 : i32
      %dma_start3A_206 = arith.constant 0 : i32
      %dma_start3A_207 = tpu.memref_slice %arg13[%dma_start3A_205, %dma_start3A_206] : memref<10112x128xf32, #tpu.memory_space<vmem_shared>> -> memref<10112x128xf32, #tpu.memory_space<vmem_shared>>
      tpu.enqueue_indirect_dma source(%dma_start3A_201 : memref<64x128xf32, #tpu.memory_space<vmem>>) target(%dma_start3A_207 : memref<10112x128xf32, #tpu.memory_space<vmem_shared>>) offsets(%dma_start3A_204 : memref<64xi32, #tpu.memory_space<vmem>>) semaphore(%arg15 : memref<!tpu.dma_semaphore, #tpu.memory_space<semaphore_mem>>) {add = true}
      %dma_wait3A_208 = arith.constant 0 : i32
      %dma_wait3A_209 = arith.constant 1 : i32
      %dma_wait3A_210 = arith.constant 0 : i32
      %dma_wait3A_211 = arith.constant 0 : i32
      %dma_wait3A_212 = tpu.memref_slice %arg12[%dma_wait3A_209, %dma_wait3A_210, %dma_wait3A_211] : memref<2x64x128xf32, #tpu.memory_space<vmem>> -> memref<1x64x128xf32, #tpu.memory_space<vmem>>
      %dma_wait3A_213 = tpu.memref_squeeze %dma_wait3A_212 : memref<1x64x128xf32, #tpu.memory_space<vmem>> -> memref<64x128xf32, #tpu.memory_space<vmem>>
      %dma_wait3A_214 = arith.constant 0 : i32
      %dma_wait3A_215 = tpu.memref_slice %arg10[%dma_wait3A_208, %dma_wait3A_214] : memref<128x64xi32, #tpu.memory_space<vmem>> -> memref<1x64xi32, #tpu.memory_space<vmem>>
      %dma_wait3A_216 = tpu.memref_squeeze %dma_wait3A_215 : memref<1x64xi32, #tpu.memory_space<vmem>> -> memref<64xi32, #tpu.memory_space<vmem>>
      %dma_wait3A_217 = arith.constant 0 : i32
      %dma_wait3A_218 = arith.constant 0 : i32
      %dma_wait3A_219 = tpu.memref_slice %arg4[%dma_wait3A_217, %dma_wait3A_218] : memref<10000x128xf32, #tpu.memory_space<hbm>> -> memref<10000x128xf32, #tpu.memory_space<hbm>>
      tpu.wait_indirect_dma semaphore(%arg14 : memref<!tpu.dma_semaphore, #tpu.memory_space<semaphore_mem>>) src(%dma_wait3A_219 : memref<10000x128xf32, #tpu.memory_space<hbm>>) dst(%dma_wait3A_213 : memref<64x128xf32, #tpu.memory_space<vmem>>)
      %dma_start3A_220 = arith.constant 1 : i32
      %dma_start3A_221 = arith.constant 0 : i32
      %dma_start3A_222 = arith.constant 0 : i32
      %dma_start3A_223 = tpu.memref_slice %arg12[%dma_start3A_220, %dma_start3A_221, %dma_start3A_222] : memref<2x64x128xf32, #tpu.memory_space<vmem>> -> memref<1x64x128xf32, #tpu.memory_space<vmem>>
      %dma_start3A_224 = tpu.memref_squeeze %dma_start3A_223 : memref<1x64x128xf32, #tpu.memory_space<vmem>> -> memref<64x128xf32, #tpu.memory_space<vmem>>
      %dma_start3A_225 = arith.constant 0 : i32
      %dma_start3A_226 = tpu.memref_slice %arg11[%add3A_185, %dma_start3A_225] : memref<128x64xi32, #tpu.memory_space<vmem>> -> memref<1x64xi32, #tpu.memory_space<vmem>>
      %dma_start3A_227 = tpu.memref_squeeze %dma_start3A_226 : memref<1x64xi32, #tpu.memory_space<vmem>> -> memref<64xi32, #tpu.memory_space<vmem>>
      %dma_start3A_228 = arith.constant 0 : i32
      %dma_start3A_229 = arith.constant 0 : i32
      %dma_start3A_230 = tpu.memref_slice %arg13[%dma_start3A_228, %dma_start3A_229] : memref<10112x128xf32, #tpu.memory_space<vmem_shared>> -> memref<10112x128xf32, #tpu.memory_space<vmem_shared>>
      tpu.enqueue_indirect_dma source(%dma_start3A_224 : memref<64x128xf32, #tpu.memory_space<vmem>>) target(%dma_start3A_230 : memref<10112x128xf32, #tpu.memory_space<vmem_shared>>) offsets(%dma_start3A_227 : memref<64xi32, #tpu.memory_space<vmem>>) semaphore(%arg15 : memref<!tpu.dma_semaphore, #tpu.memory_space<semaphore_mem>>) {add = true}
      %dma_wait3A_231 = arith.constant 0 : i32
      %dma_wait3A_232 = arith.constant 0 : i32
      %dma_wait3A_233 = arith.constant 0 : i32
      %dma_wait3A_234 = arith.constant 0 : i32
      %dma_wait3A_235 = tpu.memref_slice %arg12[%dma_wait3A_231, %dma_wait3A_233, %dma_wait3A_234] : memref<2x64x128xf32, #tpu.memory_space<vmem>> -> memref<1x64x128xf32, #tpu.memory_space<vmem>>
      %dma_wait3A_236 = tpu.memref_squeeze %dma_wait3A_235 : memref<1x64x128xf32, #tpu.memory_space<vmem>> -> memref<64x128xf32, #tpu.memory_space<vmem>>
      %dma_wait3A_237 = arith.constant 0 : i32
      %dma_wait3A_238 = tpu.memref_slice %arg11[%dma_wait3A_232, %dma_wait3A_237] : memref<128x64xi32, #tpu.memory_space<vmem>> -> memref<1x64xi32, #tpu.memory_space<vmem>>
      %dma_wait3A_239 = tpu.memref_squeeze %dma_wait3A_238 : memref<1x64xi32, #tpu.memory_space<vmem>> -> memref<64xi32, #tpu.memory_space<vmem>>
      %dma_wait3A_240 = arith.constant 0 : i32
      %dma_wait3A_241 = arith.constant 0 : i32
      %dma_wait3A_242 = tpu.memref_slice %arg13[%dma_wait3A_240, %dma_wait3A_241] : memref<10112x128xf32, #tpu.memory_space<vmem_shared>> -> memref<10112x128xf32, #tpu.memory_space<vmem_shared>>
      tpu.wait_indirect_dma semaphore(%arg15 : memref<!tpu.dma_semaphore, #tpu.memory_space<semaphore_mem>>) src(%dma_wait3A_236 : memref<64x128xf32, #tpu.memory_space<vmem>>) dst(%dma_wait3A_242 : memref<10112x128xf32, #tpu.memory_space<vmem_shared>>)
      %add3A_243 = arith.constant 2 : i32
      %add3A_244 = arith.addi %mul3A_183, %add3A_243 : i32
      %lt3A = arith.cmpi slt, %add3A_244, %add3A_4 : i32
      %convert_element_type3A = arith.extui %lt3A : i1 to i32
      %cond3A = arith.constant 0 : i32
      %cond3A_245 = arith.cmpi ne, %convert_element_type3A, %cond3A : i32
      scf.if %cond3A_245 {
        %add3A_264 = arith.constant 2 : i32
        %add3A_265 = arith.addi %mul3A_183, %add3A_264 : i32
        %dma_start3A_266 = arith.constant 0 : i32
        %dma_start3A_267 = arith.constant 0 : i32
        %dma_start3A_268 = arith.constant 0 : i32
        %dma_start3A_269 = tpu.memref_slice %arg12[%dma_start3A_266, %dma_start3A_267, %dma_start3A_268] : memref<2x64x128xf32, #tpu.memory_space<vmem>> -> memref<1x64x128xf32, #tpu.memory_space<vmem>>
        %dma_start3A_270 = tpu.memref_squeeze %dma_start3A_269 : memref<1x64x128xf32, #tpu.memory_space<vmem>> -> memref<64x128xf32, #tpu.memory_space<vmem>>
        %dma_start3A_271 = arith.constant 0 : i32
        %dma_start3A_272 = tpu.memref_slice %arg10[%add3A_265, %dma_start3A_271] : memref<128x64xi32, #tpu.memory_space<vmem>> -> memref<1x64xi32, #tpu.memory_space<vmem>>
        %dma_start3A_273 = tpu.memref_squeeze %dma_start3A_272 : memref<1x64xi32, #tpu.memory_space<vmem>> -> memref<64xi32, #tpu.memory_space<vmem>>
        %dma_start3A_274 = arith.constant 0 : i32
        %dma_start3A_275 = arith.constant 0 : i32
        %dma_start3A_276 = tpu.memref_slice %arg4[%dma_start3A_274, %dma_start3A_275] : memref<10000x128xf32, #tpu.memory_space<hbm>> -> memref<10000x128xf32, #tpu.memory_space<hbm>>
        tpu.enqueue_indirect_dma source(%dma_start3A_276 : memref<10000x128xf32, #tpu.memory_space<hbm>>) target(%dma_start3A_270 : memref<64x128xf32, #tpu.memory_space<vmem>>) offsets(%dma_start3A_273 : memref<64xi32, #tpu.memory_space<vmem>>) semaphore(%arg14 : memref<!tpu.dma_semaphore, #tpu.memory_space<semaphore_mem>>)
      } else {
      }
      %dma_wait3A_246 = arith.constant 1 : i32
      %dma_wait3A_247 = arith.constant 0 : i32
      %dma_wait3A_248 = arith.constant 0 : i32
      %dma_wait3A_249 = arith.constant 0 : i32
      %dma_wait3A_250 = tpu.memref_slice %arg12[%dma_wait3A_246, %dma_wait3A_248, %dma_wait3A_249] : memref<2x64x128xf32, #tpu.memory_space<vmem>> -> memref<1x64x128xf32, #tpu.memory_space<vmem>>
      %dma_wait3A_251 = tpu.memref_squeeze %dma_wait3A_250 : memref<1x64x128xf32, #tpu.memory_space<vmem>> -> memref<64x128xf32, #tpu.memory_space<vmem>>
      %dma_wait3A_252 = arith.constant 0 : i32
      %dma_wait3A_253 = tpu.memref_slice %arg11[%dma_wait3A_247, %dma_wait3A_252] : memref<128x64xi32, #tpu.memory_space<vmem>> -> memref<1x64xi32, #tpu.memory_space<vmem>>
      %dma_wait3A_254 = tpu.memref_squeeze %dma_wait3A_253 : memref<1x64xi32, #tpu.memory_space<vmem>> -> memref<64xi32, #tpu.memory_space<vmem>>
      %dma_wait3A_255 = arith.constant 0 : i32
      %dma_wait3A_256 = arith.constant 0 : i32
      %dma_wait3A_257 = tpu.memref_slice %arg13[%dma_wait3A_255, %dma_wait3A_256] : memref<10112x128xf32, #tpu.memory_space<vmem_shared>> -> memref<10112x128xf32, #tpu.memory_space<vmem_shared>>
      tpu.wait_indirect_dma semaphore(%arg15 : memref<!tpu.dma_semaphore, #tpu.memory_space<semaphore_mem>>) src(%dma_wait3A_251 : memref<64x128xf32, #tpu.memory_space<vmem>>) dst(%dma_wait3A_257 : memref<10112x128xf32, #tpu.memory_space<vmem_shared>>)
      %add3A_258 = arith.constant 2 : i32
      %add3A_259 = arith.addi %add3A_185, %add3A_258 : i32
      %lt3A_260 = arith.cmpi slt, %add3A_259, %add3A_4 : i32
      %convert_element_type3A_261 = arith.extui %lt3A_260 : i1 to i32
      %cond3A_262 = arith.constant 0 : i32
      %cond3A_263 = arith.cmpi ne, %convert_element_type3A_261, %cond3A_262 : i32
      scf.if %cond3A_263 {
        %add3A_264 = arith.constant 2 : i32
        %add3A_265 = arith.addi %add3A_185, %add3A_264 : i32
        %dma_start3A_266 = arith.constant 1 : i32
        %dma_start3A_267 = arith.constant 0 : i32
        %dma_start3A_268 = arith.constant 0 : i32
        %dma_start3A_269 = tpu.memref_slice %arg12[%dma_start3A_266, %dma_start3A_267, %dma_start3A_268] : memref<2x64x128xf32, #tpu.memory_space<vmem>> -> memref<1x64x128xf32, #tpu.memory_space<vmem>>
        %dma_start3A_270 = tpu.memref_squeeze %dma_start3A_269 : memref<1x64x128xf32, #tpu.memory_space<vmem>> -> memref<64x128xf32, #tpu.memory_space<vmem>>
        %dma_start3A_271 = arith.constant 0 : i32
        %dma_start3A_272 = tpu.memref_slice %arg10[%add3A_265, %dma_start3A_271] : memref<128x64xi32, #tpu.memory_space<vmem>> -> memref<1x64xi32, #tpu.memory_space<vmem>>
        %dma_start3A_273 = tpu.memref_squeeze %dma_start3A_272 : memref<1x64xi32, #tpu.memory_space<vmem>> -> memref<64xi32, #tpu.memory_space<vmem>>
        %dma_start3A_274 = arith.constant 0 : i32
        %dma_start3A_275 = arith.constant 0 : i32
        %dma_start3A_276 = tpu.memref_slice %arg4[%dma_start3A_274, %dma_start3A_275] : memref<10000x128xf32, #tpu.memory_space<hbm>> -> memref<10000x128xf32, #tpu.memory_space<hbm>>
        tpu.enqueue_indirect_dma source(%dma_start3A_276 : memref<10000x128xf32, #tpu.memory_space<hbm>>) target(%dma_start3A_270 : memref<64x128xf32, #tpu.memory_space<vmem>>) offsets(%dma_start3A_273 : memref<64xi32, #tpu.memory_space<vmem>>) semaphore(%arg14 : memref<!tpu.dma_semaphore, #tpu.memory_space<semaphore_mem>>)
      } else {
      }
    }
    %barrier3A_130 = arith.constant 0 : index
    tpu.barrier barrier_id(%barrier3A_130)
    %mul3A_131 = arith.constant 632 : i32
    %mul3A_132 = arith.muli %arg1, %mul3A_131 : i32
    %mul3A_133 = arith.constant 632 : i32
    %mul3A_134 = arith.muli %arg1, %mul3A_133 : i32
    %run_scoped3A_135 = arith.constant 2 : i32
    "tpu.region"() ({
      %run_scoped3A_181 = tpu.sem_alloc : memref<!tpu.dma_semaphore, #tpu.memory_space<semaphore_mem>>
      %dma_start3A_182 = arith.constant 0 : i32
      %dma_start3A_183 = tpu.memref_slice %arg9[%arg0, %run_scoped3A_135, %mul3A_134, %dma_start3A_182] : memref<2x4x10112x128xf32, #tpu.memory_space<hbm>> -> memref<1x1x632x128xf32, #tpu.memory_space<hbm>>
      %dma_start3A_184 = tpu.memref_squeeze %dma_start3A_183 : memref<1x1x632x128xf32, #tpu.memory_space<hbm>> -> memref<632x128xf32, #tpu.memory_space<hbm>>
      %dma_start3A_185 = arith.constant 0 : i32
      %dma_start3A_186 = tpu.memref_slice %arg13[%mul3A_132, %dma_start3A_185] : memref<10112x128xf32, #tpu.memory_space<vmem_shared>> -> memref<632x128xf32, #tpu.memory_space<vmem_shared>>
      tpu.enqueue_dma source(%dma_start3A_186 : memref<632x128xf32, #tpu.memory_space<vmem_shared>>) target(%dma_start3A_184 : memref<632x128xf32, #tpu.memory_space<hbm>>) target_semaphore(%run_scoped3A_181 : memref<!tpu.dma_semaphore, #tpu.memory_space<semaphore_mem>>)
      %dma_wait3A = arith.constant 0 : i32
      %dma_wait3A_187 = tpu.memref_slice %arg9[%arg0, %run_scoped3A_135, %mul3A_134, %dma_wait3A] : memref<2x4x10112x128xf32, #tpu.memory_space<hbm>> -> memref<1x1x632x128xf32, #tpu.memory_space<hbm>>
      %dma_wait3A_188 = tpu.memref_squeeze %dma_wait3A_187 : memref<1x1x632x128xf32, #tpu.memory_space<hbm>> -> memref<632x128xf32, #tpu.memory_space<hbm>>
      %dma_wait3A_189 = arith.constant 0 : i32
      %dma_wait3A_190 = tpu.memref_slice %arg13[%mul3A_132, %dma_wait3A_189] : memref<10112x128xf32, #tpu.memory_space<vmem_shared>> -> memref<632x128xf32, #tpu.memory_space<vmem_shared>>
      tpu.wait_dma2 semaphore(%run_scoped3A_181 : memref<!tpu.dma_semaphore, #tpu.memory_space<semaphore_mem>>) src(%dma_wait3A_190 : memref<632x128xf32, #tpu.memory_space<vmem_shared>>) dst(%dma_wait3A_188 : memref<632x128xf32, #tpu.memory_space<hbm>>)
      tpu.yield
    }) : () -> ()
    %barrier3A_136 = arith.constant 0 : index
    tpu.barrier barrier_id(%barrier3A_136)
    %mul3A_137 = arith.constant 632 : i32
    %mul3A_138 = arith.muli %arg1, %mul3A_137 : i32
    "tpu.region"() ({
      %run_scoped3A_181 = tpu.sem_alloc : memref<!tpu.dma_semaphore, #tpu.memory_space<semaphore_mem>>
      %dma_start3A_182 = arith.constant 0 : i32
      %dma_start3A_183 = tpu.memref_slice %arg13[%mul3A_138, %dma_start3A_182] : memref<10112x128xf32, #tpu.memory_space<vmem_shared>> -> memref<632x128xf32, #tpu.memory_space<vmem_shared>>
      tpu.enqueue_dma source(%arg8 : memref<632x128xf32, #tpu.memory_space<hbm>>) target(%dma_start3A_183 : memref<632x128xf32, #tpu.memory_space<vmem_shared>>) target_semaphore(%run_scoped3A_181 : memref<!tpu.dma_semaphore, #tpu.memory_space<semaphore_mem>>)
      %dma_wait3A = arith.constant 0 : i32
      %dma_wait3A_184 = tpu.memref_slice %arg13[%mul3A_138, %dma_wait3A] : memref<10112x128xf32, #tpu.memory_space<vmem_shared>> -> memref<632x128xf32, #tpu.memory_space<vmem_shared>>
      tpu.wait_dma2 semaphore(%run_scoped3A_181 : memref<!tpu.dma_semaphore, #tpu.memory_space<semaphore_mem>>) src(%arg8 : memref<632x128xf32, #tpu.memory_space<hbm>>) dst(%dma_wait3A_184 : memref<632x128xf32, #tpu.memory_space<vmem_shared>>)
      tpu.yield
    }) : () -> ()
    %barrier3A_139 = arith.constant 0 : index
    tpu.barrier barrier_id(%barrier3A_139)
    %dma_start3A_140 = arith.constant 0 : i32
    %dma_start3A_141 = arith.constant 0 : i32
    %dma_start3A_142 = arith.constant 0 : i32
    %dma_start3A_143 = arith.constant 0 : i32
    %dma_start3A_144 = tpu.memref_slice %arg12[%dma_start3A_141, %dma_start3A_142, %dma_start3A_143] : memref<2x64x128xf32, #tpu.memory_space<vmem>> -> memref<1x64x128xf32, #tpu.memory_space<vmem>>
    %dma_start3A_145 = tpu.memref_squeeze %dma_start3A_144 : memref<1x64x128xf32, #tpu.memory_space<vmem>> -> memref<64x128xf32, #tpu.memory_space<vmem>>
    %dma_start3A_146 = arith.constant 0 : i32
    %dma_start3A_147 = tpu.memref_slice %arg10[%dma_start3A_140, %dma_start3A_146] : memref<128x64xi32, #tpu.memory_space<vmem>> -> memref<1x64xi32, #tpu.memory_space<vmem>>
    %dma_start3A_148 = tpu.memref_squeeze %dma_start3A_147 : memref<1x64xi32, #tpu.memory_space<vmem>> -> memref<64xi32, #tpu.memory_space<vmem>>
    %dma_start3A_149 = arith.constant 0 : i32
    %dma_start3A_150 = arith.constant 0 : i32
    %dma_start3A_151 = tpu.memref_slice %arg5[%dma_start3A_149, %dma_start3A_150] : memref<10000x128xf32, #tpu.memory_space<hbm>> -> memref<10000x128xf32, #tpu.memory_space<hbm>>
    tpu.enqueue_indirect_dma source(%dma_start3A_151 : memref<10000x128xf32, #tpu.memory_space<hbm>>) target(%dma_start3A_145 : memref<64x128xf32, #tpu.memory_space<vmem>>) offsets(%dma_start3A_148 : memref<64xi32, #tpu.memory_space<vmem>>) semaphore(%arg14 : memref<!tpu.dma_semaphore, #tpu.memory_space<semaphore_mem>>)
    %dma_start3A_152 = arith.constant 1 : i32
    %dma_start3A_153 = arith.constant 1 : i32
    %dma_start3A_154 = arith.constant 0 : i32
    %dma_start3A_155 = arith.constant 0 : i32
    %dma_start3A_156 = tpu.memref_slice %arg12[%dma_start3A_153, %dma_start3A_154, %dma_start3A_155] : memref<2x64x128xf32, #tpu.memory_space<vmem>> -> memref<1x64x128xf32, #tpu.memory_space<vmem>>
    %dma_start3A_157 = tpu.memref_squeeze %dma_start3A_156 : memref<1x64x128xf32, #tpu.memory_space<vmem>> -> memref<64x128xf32, #tpu.memory_space<vmem>>
    %dma_start3A_158 = arith.constant 0 : i32
    %dma_start3A_159 = tpu.memref_slice %arg10[%dma_start3A_152, %dma_start3A_158] : memref<128x64xi32, #tpu.memory_space<vmem>> -> memref<1x64xi32, #tpu.memory_space<vmem>>
    %dma_start3A_160 = tpu.memref_squeeze %dma_start3A_159 : memref<1x64xi32, #tpu.memory_space<vmem>> -> memref<64xi32, #tpu.memory_space<vmem>>
    %dma_start3A_161 = arith.constant 0 : i32
    %dma_start3A_162 = arith.constant 0 : i32
    %dma_start3A_163 = tpu.memref_slice %arg5[%dma_start3A_161, %dma_start3A_162] : memref<10000x128xf32, #tpu.memory_space<hbm>> -> memref<10000x128xf32, #tpu.memory_space<hbm>>
    tpu.enqueue_indirect_dma source(%dma_start3A_163 : memref<10000x128xf32, #tpu.memory_space<hbm>>) target(%dma_start3A_157 : memref<64x128xf32, #tpu.memory_space<vmem>>) offsets(%dma_start3A_160 : memref<64xi32, #tpu.memory_space<vmem>>) semaphore(%arg14 : memref<!tpu.dma_semaphore, #tpu.memory_space<semaphore_mem>>)
    %while3A_164 = arith.constant 0 : i32
    %while3A_165 = arith.constant 0 : i32
    %while3A_166 = arith.subi %add3A_8, %while3A_165 : i32
    %while3A_167 = arith.addi %while3A_165, %while3A_166 : i32
    %while3A_168 = arith.constant 1 : i32
    %while3A_169 = arith.divsi %while3A_166, %while3A_168 : i32
    %while3A_170 = arith.muli %while3A_169, %while3A_168 : i32
    %while3A_171 = arith.addi %while3A_165, %while3A_170 : i32
    %while3A_172 = arith.constant 1 : i32
    scf.for %while3A_181 = %while3A_165 to %while3A_171 step %while3A_172  : i32 {
      %mul3A_182 = arith.constant 2 : i32
      %mul3A_183 = arith.muli %while3A_181, %mul3A_182 : i32
      %add3A_184 = arith.constant 1 : i32
      %add3A_185 = arith.addi %mul3A_183, %add3A_184 : i32
      %dma_wait3A = arith.constant 0 : i32
      %dma_wait3A_186 = arith.constant 0 : i32
      %dma_wait3A_187 = arith.constant 0 : i32
      %dma_wait3A_188 = arith.constant 0 : i32
      %dma_wait3A_189 = tpu.memref_slice %arg12[%dma_wait3A_186, %dma_wait3A_187, %dma_wait3A_188] : memref<2x64x128xf32, #tpu.memory_space<vmem>> -> memref<1x64x128xf32, #tpu.memory_space<vmem>>
      %dma_wait3A_190 = tpu.memref_squeeze %dma_wait3A_189 : memref<1x64x128xf32, #tpu.memory_space<vmem>> -> memref<64x128xf32, #tpu.memory_space<vmem>>
      %dma_wait3A_191 = arith.constant 0 : i32
      %dma_wait3A_192 = tpu.memref_slice %arg10[%dma_wait3A, %dma_wait3A_191] : memref<128x64xi32, #tpu.memory_space<vmem>> -> memref<1x64xi32, #tpu.memory_space<vmem>>
      %dma_wait3A_193 = tpu.memref_squeeze %dma_wait3A_192 : memref<1x64xi32, #tpu.memory_space<vmem>> -> memref<64xi32, #tpu.memory_space<vmem>>
      %dma_wait3A_194 = arith.constant 0 : i32
      %dma_wait3A_195 = arith.constant 0 : i32
      %dma_wait3A_196 = tpu.memref_slice %arg5[%dma_wait3A_194, %dma_wait3A_195] : memref<10000x128xf32, #tpu.memory_space<hbm>> -> memref<10000x128xf32, #tpu.memory_space<hbm>>
      tpu.wait_indirect_dma semaphore(%arg14 : memref<!tpu.dma_semaphore, #tpu.memory_space<semaphore_mem>>) src(%dma_wait3A_196 : memref<10000x128xf32, #tpu.memory_space<hbm>>) dst(%dma_wait3A_190 : memref<64x128xf32, #tpu.memory_space<vmem>>)
      %dma_start3A_197 = arith.constant 0 : i32
      %dma_start3A_198 = arith.constant 0 : i32
      %dma_start3A_199 = arith.constant 0 : i32
      %dma_start3A_200 = tpu.memref_slice %arg12[%dma_start3A_197, %dma_start3A_198, %dma_start3A_199] : memref<2x64x128xf32, #tpu.memory_space<vmem>> -> memref<1x64x128xf32, #tpu.memory_space<vmem>>
      %dma_start3A_201 = tpu.memref_squeeze %dma_start3A_200 : memref<1x64x128xf32, #tpu.memory_space<vmem>> -> memref<64x128xf32, #tpu.memory_space<vmem>>
      %dma_start3A_202 = arith.constant 0 : i32
      %dma_start3A_203 = tpu.memref_slice %arg11[%mul3A_183, %dma_start3A_202] : memref<128x64xi32, #tpu.memory_space<vmem>> -> memref<1x64xi32, #tpu.memory_space<vmem>>
      %dma_start3A_204 = tpu.memref_squeeze %dma_start3A_203 : memref<1x64xi32, #tpu.memory_space<vmem>> -> memref<64xi32, #tpu.memory_space<vmem>>
      %dma_start3A_205 = arith.constant 0 : i32
      %dma_start3A_206 = arith.constant 0 : i32
      %dma_start3A_207 = tpu.memref_slice %arg13[%dma_start3A_205, %dma_start3A_206] : memref<10112x128xf32, #tpu.memory_space<vmem_shared>> -> memref<10112x128xf32, #tpu.memory_space<vmem_shared>>
      tpu.enqueue_indirect_dma source(%dma_start3A_201 : memref<64x128xf32, #tpu.memory_space<vmem>>) target(%dma_start3A_207 : memref<10112x128xf32, #tpu.memory_space<vmem_shared>>) offsets(%dma_start3A_204 : memref<64xi32, #tpu.memory_space<vmem>>) semaphore(%arg15 : memref<!tpu.dma_semaphore, #tpu.memory_space<semaphore_mem>>) {add = true}
      %dma_wait3A_208 = arith.constant 0 : i32
      %dma_wait3A_209 = arith.constant 1 : i32
      %dma_wait3A_210 = arith.constant 0 : i32
      %dma_wait3A_211 = arith.constant 0 : i32
      %dma_wait3A_212 = tpu.memref_slice %arg12[%dma_wait3A_209, %dma_wait3A_210, %dma_wait3A_211] : memref<2x64x128xf32, #tpu.memory_space<vmem>> -> memref<1x64x128xf32, #tpu.memory_space<vmem>>
      %dma_wait3A_213 = tpu.memref_squeeze %dma_wait3A_212 : memref<1x64x128xf32, #tpu.memory_space<vmem>> -> memref<64x128xf32, #tpu.memory_space<vmem>>
      %dma_wait3A_214 = arith.constant 0 : i32
      %dma_wait3A_215 = tpu.memref_slice %arg10[%dma_wait3A_208, %dma_wait3A_214] : memref<128x64xi32, #tpu.memory_space<vmem>> -> memref<1x64xi32, #tpu.memory_space<vmem>>
      %dma_wait3A_216 = tpu.memref_squeeze %dma_wait3A_215 : memref<1x64xi32, #tpu.memory_space<vmem>> -> memref<64xi32, #tpu.memory_space<vmem>>
      %dma_wait3A_217 = arith.constant 0 : i32
      %dma_wait3A_218 = arith.constant 0 : i32
      %dma_wait3A_219 = tpu.memref_slice %arg5[%dma_wait3A_217, %dma_wait3A_218] : memref<10000x128xf32, #tpu.memory_space<hbm>> -> memref<10000x128xf32, #tpu.memory_space<hbm>>
      tpu.wait_indirect_dma semaphore(%arg14 : memref<!tpu.dma_semaphore, #tpu.memory_space<semaphore_mem>>) src(%dma_wait3A_219 : memref<10000x128xf32, #tpu.memory_space<hbm>>) dst(%dma_wait3A_213 : memref<64x128xf32, #tpu.memory_space<vmem>>)
      %dma_start3A_220 = arith.constant 1 : i32
      %dma_start3A_221 = arith.constant 0 : i32
      %dma_start3A_222 = arith.constant 0 : i32
      %dma_start3A_223 = tpu.memref_slice %arg12[%dma_start3A_220, %dma_start3A_221, %dma_start3A_222] : memref<2x64x128xf32, #tpu.memory_space<vmem>> -> memref<1x64x128xf32, #tpu.memory_space<vmem>>
      %dma_start3A_224 = tpu.memref_squeeze %dma_start3A_223 : memref<1x64x128xf32, #tpu.memory_space<vmem>> -> memref<64x128xf32, #tpu.memory_space<vmem>>
      %dma_start3A_225 = arith.constant 0 : i32
      %dma_start3A_226 = tpu.memref_slice %arg11[%add3A_185, %dma_start3A_225] : memref<128x64xi32, #tpu.memory_space<vmem>> -> memref<1x64xi32, #tpu.memory_space<vmem>>
      %dma_start3A_227 = tpu.memref_squeeze %dma_start3A_226 : memref<1x64xi32, #tpu.memory_space<vmem>> -> memref<64xi32, #tpu.memory_space<vmem>>
      %dma_start3A_228 = arith.constant 0 : i32
      %dma_start3A_229 = arith.constant 0 : i32
      %dma_start3A_230 = tpu.memref_slice %arg13[%dma_start3A_228, %dma_start3A_229] : memref<10112x128xf32, #tpu.memory_space<vmem_shared>> -> memref<10112x128xf32, #tpu.memory_space<vmem_shared>>
      tpu.enqueue_indirect_dma source(%dma_start3A_224 : memref<64x128xf32, #tpu.memory_space<vmem>>) target(%dma_start3A_230 : memref<10112x128xf32, #tpu.memory_space<vmem_shared>>) offsets(%dma_start3A_227 : memref<64xi32, #tpu.memory_space<vmem>>) semaphore(%arg15 : memref<!tpu.dma_semaphore, #tpu.memory_space<semaphore_mem>>) {add = true}
      %dma_wait3A_231 = arith.constant 0 : i32
      %dma_wait3A_232 = arith.constant 0 : i32
      %dma_wait3A_233 = arith.constant 0 : i32
      %dma_wait3A_234 = arith.constant 0 : i32
      %dma_wait3A_235 = tpu.memref_slice %arg12[%dma_wait3A_231, %dma_wait3A_233, %dma_wait3A_234] : memref<2x64x128xf32, #tpu.memory_space<vmem>> -> memref<1x64x128xf32, #tpu.memory_space<vmem>>
      %dma_wait3A_236 = tpu.memref_squeeze %dma_wait3A_235 : memref<1x64x128xf32, #tpu.memory_space<vmem>> -> memref<64x128xf32, #tpu.memory_space<vmem>>
      %dma_wait3A_237 = arith.constant 0 : i32
      %dma_wait3A_238 = tpu.memref_slice %arg11[%dma_wait3A_232, %dma_wait3A_237] : memref<128x64xi32, #tpu.memory_space<vmem>> -> memref<1x64xi32, #tpu.memory_space<vmem>>
      %dma_wait3A_239 = tpu.memref_squeeze %dma_wait3A_238 : memref<1x64xi32, #tpu.memory_space<vmem>> -> memref<64xi32, #tpu.memory_space<vmem>>
      %dma_wait3A_240 = arith.constant 0 : i32
      %dma_wait3A_241 = arith.constant 0 : i32
      %dma_wait3A_242 = tpu.memref_slice %arg13[%dma_wait3A_240, %dma_wait3A_241] : memref<10112x128xf32, #tpu.memory_space<vmem_shared>> -> memref<10112x128xf32, #tpu.memory_space<vmem_shared>>
      tpu.wait_indirect_dma semaphore(%arg15 : memref<!tpu.dma_semaphore, #tpu.memory_space<semaphore_mem>>) src(%dma_wait3A_236 : memref<64x128xf32, #tpu.memory_space<vmem>>) dst(%dma_wait3A_242 : memref<10112x128xf32, #tpu.memory_space<vmem_shared>>)
      %add3A_243 = arith.constant 2 : i32
      %add3A_244 = arith.addi %mul3A_183, %add3A_243 : i32
      %lt3A = arith.cmpi slt, %add3A_244, %add3A_4 : i32
      %convert_element_type3A = arith.extui %lt3A : i1 to i32
      %cond3A = arith.constant 0 : i32
      %cond3A_245 = arith.cmpi ne, %convert_element_type3A, %cond3A : i32
      scf.if %cond3A_245 {
        %add3A_264 = arith.constant 2 : i32
        %add3A_265 = arith.addi %mul3A_183, %add3A_264 : i32
        %dma_start3A_266 = arith.constant 0 : i32
        %dma_start3A_267 = arith.constant 0 : i32
        %dma_start3A_268 = arith.constant 0 : i32
        %dma_start3A_269 = tpu.memref_slice %arg12[%dma_start3A_266, %dma_start3A_267, %dma_start3A_268] : memref<2x64x128xf32, #tpu.memory_space<vmem>> -> memref<1x64x128xf32, #tpu.memory_space<vmem>>
        %dma_start3A_270 = tpu.memref_squeeze %dma_start3A_269 : memref<1x64x128xf32, #tpu.memory_space<vmem>> -> memref<64x128xf32, #tpu.memory_space<vmem>>
        %dma_start3A_271 = arith.constant 0 : i32
        %dma_start3A_272 = tpu.memref_slice %arg10[%add3A_265, %dma_start3A_271] : memref<128x64xi32, #tpu.memory_space<vmem>> -> memref<1x64xi32, #tpu.memory_space<vmem>>
        %dma_start3A_273 = tpu.memref_squeeze %dma_start3A_272 : memref<1x64xi32, #tpu.memory_space<vmem>> -> memref<64xi32, #tpu.memory_space<vmem>>
        %dma_start3A_274 = arith.constant 0 : i32
        %dma_start3A_275 = arith.constant 0 : i32
        %dma_start3A_276 = tpu.memref_slice %arg5[%dma_start3A_274, %dma_start3A_275] : memref<10000x128xf32, #tpu.memory_space<hbm>> -> memref<10000x128xf32, #tpu.memory_space<hbm>>
        tpu.enqueue_indirect_dma source(%dma_start3A_276 : memref<10000x128xf32, #tpu.memory_space<hbm>>) target(%dma_start3A_270 : memref<64x128xf32, #tpu.memory_space<vmem>>) offsets(%dma_start3A_273 : memref<64xi32, #tpu.memory_space<vmem>>) semaphore(%arg14 : memref<!tpu.dma_semaphore, #tpu.memory_space<semaphore_mem>>)
      } else {
      }
      %dma_wait3A_246 = arith.constant 1 : i32
      %dma_wait3A_247 = arith.constant 0 : i32
      %dma_wait3A_248 = arith.constant 0 : i32
      %dma_wait3A_249 = arith.constant 0 : i32
      %dma_wait3A_250 = tpu.memref_slice %arg12[%dma_wait3A_246, %dma_wait3A_248, %dma_wait3A_249] : memref<2x64x128xf32, #tpu.memory_space<vmem>> -> memref<1x64x128xf32, #tpu.memory_space<vmem>>
      %dma_wait3A_251 = tpu.memref_squeeze %dma_wait3A_250 : memref<1x64x128xf32, #tpu.memory_space<vmem>> -> memref<64x128xf32, #tpu.memory_space<vmem>>
      %dma_wait3A_252 = arith.constant 0 : i32
      %dma_wait3A_253 = tpu.memref_slice %arg11[%dma_wait3A_247, %dma_wait3A_252] : memref<128x64xi32, #tpu.memory_space<vmem>> -> memref<1x64xi32, #tpu.memory_space<vmem>>
      %dma_wait3A_254 = tpu.memref_squeeze %dma_wait3A_253 : memref<1x64xi32, #tpu.memory_space<vmem>> -> memref<64xi32, #tpu.memory_space<vmem>>
      %dma_wait3A_255 = arith.constant 0 : i32
      %dma_wait3A_256 = arith.constant 0 : i32
      %dma_wait3A_257 = tpu.memref_slice %arg13[%dma_wait3A_255, %dma_wait3A_256] : memref<10112x128xf32, #tpu.memory_space<vmem_shared>> -> memref<10112x128xf32, #tpu.memory_space<vmem_shared>>
      tpu.wait_indirect_dma semaphore(%arg15 : memref<!tpu.dma_semaphore, #tpu.memory_space<semaphore_mem>>) src(%dma_wait3A_251 : memref<64x128xf32, #tpu.memory_space<vmem>>) dst(%dma_wait3A_257 : memref<10112x128xf32, #tpu.memory_space<vmem_shared>>)
      %add3A_258 = arith.constant 2 : i32
      %add3A_259 = arith.addi %add3A_185, %add3A_258 : i32
      %lt3A_260 = arith.cmpi slt, %add3A_259, %add3A_4 : i32
      %convert_element_type3A_261 = arith.extui %lt3A_260 : i1 to i32
      %cond3A_262 = arith.constant 0 : i32
      %cond3A_263 = arith.cmpi ne, %convert_element_type3A_261, %cond3A_262 : i32
      scf.if %cond3A_263 {
        %add3A_264 = arith.constant 2 : i32
        %add3A_265 = arith.addi %add3A_185, %add3A_264 : i32
        %dma_start3A_266 = arith.constant 1 : i32
        %dma_start3A_267 = arith.constant 0 : i32
        %dma_start3A_268 = arith.constant 0 : i32
        %dma_start3A_269 = tpu.memref_slice %arg12[%dma_start3A_266, %dma_start3A_267, %dma_start3A_268] : memref<2x64x128xf32, #tpu.memory_space<vmem>> -> memref<1x64x128xf32, #tpu.memory_space<vmem>>
        %dma_start3A_270 = tpu.memref_squeeze %dma_start3A_269 : memref<1x64x128xf32, #tpu.memory_space<vmem>> -> memref<64x128xf32, #tpu.memory_space<vmem>>
        %dma_start3A_271 = arith.constant 0 : i32
        %dma_start3A_272 = tpu.memref_slice %arg10[%add3A_265, %dma_start3A_271] : memref<128x64xi32, #tpu.memory_space<vmem>> -> memref<1x64xi32, #tpu.memory_space<vmem>>
        %dma_start3A_273 = tpu.memref_squeeze %dma_start3A_272 : memref<1x64xi32, #tpu.memory_space<vmem>> -> memref<64xi32, #tpu.memory_space<vmem>>
        %dma_start3A_274 = arith.constant 0 : i32
        %dma_start3A_275 = arith.constant 0 : i32
        %dma_start3A_276 = tpu.memref_slice %arg5[%dma_start3A_274, %dma_start3A_275] : memref<10000x128xf32, #tpu.memory_space<hbm>> -> memref<10000x128xf32, #tpu.memory_space<hbm>>
        tpu.enqueue_indirect_dma source(%dma_start3A_276 : memref<10000x128xf32, #tpu.memory_space<hbm>>) target(%dma_start3A_270 : memref<64x128xf32, #tpu.memory_space<vmem>>) offsets(%dma_start3A_273 : memref<64xi32, #tpu.memory_space<vmem>>) semaphore(%arg14 : memref<!tpu.dma_semaphore, #tpu.memory_space<semaphore_mem>>)
      } else {
      }
    }
    %while3A_173 = arith.constant 1 : i32
    scf.for %while3A_181 = %while3A_171 to %while3A_167 step %while3A_173  : i32 {
      %mul3A_182 = arith.constant 2 : i32
      %mul3A_183 = arith.muli %while3A_181, %mul3A_182 : i32
      %add3A_184 = arith.constant 1 : i32
      %add3A_185 = arith.addi %mul3A_183, %add3A_184 : i32
      %dma_wait3A = arith.constant 0 : i32
      %dma_wait3A_186 = arith.constant 0 : i32
      %dma_wait3A_187 = arith.constant 0 : i32
      %dma_wait3A_188 = arith.constant 0 : i32
      %dma_wait3A_189 = tpu.memref_slice %arg12[%dma_wait3A_186, %dma_wait3A_187, %dma_wait3A_188] : memref<2x64x128xf32, #tpu.memory_space<vmem>> -> memref<1x64x128xf32, #tpu.memory_space<vmem>>
      %dma_wait3A_190 = tpu.memref_squeeze %dma_wait3A_189 : memref<1x64x128xf32, #tpu.memory_space<vmem>> -> memref<64x128xf32, #tpu.memory_space<vmem>>
      %dma_wait3A_191 = arith.constant 0 : i32
      %dma_wait3A_192 = tpu.memref_slice %arg10[%dma_wait3A, %dma_wait3A_191] : memref<128x64xi32, #tpu.memory_space<vmem>> -> memref<1x64xi32, #tpu.memory_space<vmem>>
      %dma_wait3A_193 = tpu.memref_squeeze %dma_wait3A_192 : memref<1x64xi32, #tpu.memory_space<vmem>> -> memref<64xi32, #tpu.memory_space<vmem>>
      %dma_wait3A_194 = arith.constant 0 : i32
      %dma_wait3A_195 = arith.constant 0 : i32
      %dma_wait3A_196 = tpu.memref_slice %arg5[%dma_wait3A_194, %dma_wait3A_195] : memref<10000x128xf32, #tpu.memory_space<hbm>> -> memref<10000x128xf32, #tpu.memory_space<hbm>>
      tpu.wait_indirect_dma semaphore(%arg14 : memref<!tpu.dma_semaphore, #tpu.memory_space<semaphore_mem>>) src(%dma_wait3A_196 : memref<10000x128xf32, #tpu.memory_space<hbm>>) dst(%dma_wait3A_190 : memref<64x128xf32, #tpu.memory_space<vmem>>)
      %dma_start3A_197 = arith.constant 0 : i32
      %dma_start3A_198 = arith.constant 0 : i32
      %dma_start3A_199 = arith.constant 0 : i32
      %dma_start3A_200 = tpu.memref_slice %arg12[%dma_start3A_197, %dma_start3A_198, %dma_start3A_199] : memref<2x64x128xf32, #tpu.memory_space<vmem>> -> memref<1x64x128xf32, #tpu.memory_space<vmem>>
      %dma_start3A_201 = tpu.memref_squeeze %dma_start3A_200 : memref<1x64x128xf32, #tpu.memory_space<vmem>> -> memref<64x128xf32, #tpu.memory_space<vmem>>
      %dma_start3A_202 = arith.constant 0 : i32
      %dma_start3A_203 = tpu.memref_slice %arg11[%mul3A_183, %dma_start3A_202] : memref<128x64xi32, #tpu.memory_space<vmem>> -> memref<1x64xi32, #tpu.memory_space<vmem>>
      %dma_start3A_204 = tpu.memref_squeeze %dma_start3A_203 : memref<1x64xi32, #tpu.memory_space<vmem>> -> memref<64xi32, #tpu.memory_space<vmem>>
      %dma_start3A_205 = arith.constant 0 : i32
      %dma_start3A_206 = arith.constant 0 : i32
      %dma_start3A_207 = tpu.memref_slice %arg13[%dma_start3A_205, %dma_start3A_206] : memref<10112x128xf32, #tpu.memory_space<vmem_shared>> -> memref<10112x128xf32, #tpu.memory_space<vmem_shared>>
      tpu.enqueue_indirect_dma source(%dma_start3A_201 : memref<64x128xf32, #tpu.memory_space<vmem>>) target(%dma_start3A_207 : memref<10112x128xf32, #tpu.memory_space<vmem_shared>>) offsets(%dma_start3A_204 : memref<64xi32, #tpu.memory_space<vmem>>) semaphore(%arg15 : memref<!tpu.dma_semaphore, #tpu.memory_space<semaphore_mem>>) {add = true}
      %dma_wait3A_208 = arith.constant 0 : i32
      %dma_wait3A_209 = arith.constant 1 : i32
      %dma_wait3A_210 = arith.constant 0 : i32
      %dma_wait3A_211 = arith.constant 0 : i32
      %dma_wait3A_212 = tpu.memref_slice %arg12[%dma_wait3A_209, %dma_wait3A_210, %dma_wait3A_211] : memref<2x64x128xf32, #tpu.memory_space<vmem>> -> memref<1x64x128xf32, #tpu.memory_space<vmem>>
      %dma_wait3A_213 = tpu.memref_squeeze %dma_wait3A_212 : memref<1x64x128xf32, #tpu.memory_space<vmem>> -> memref<64x128xf32, #tpu.memory_space<vmem>>
      %dma_wait3A_214 = arith.constant 0 : i32
      %dma_wait3A_215 = tpu.memref_slice %arg10[%dma_wait3A_208, %dma_wait3A_214] : memref<128x64xi32, #tpu.memory_space<vmem>> -> memref<1x64xi32, #tpu.memory_space<vmem>>
      %dma_wait3A_216 = tpu.memref_squeeze %dma_wait3A_215 : memref<1x64xi32, #tpu.memory_space<vmem>> -> memref<64xi32, #tpu.memory_space<vmem>>
      %dma_wait3A_217 = arith.constant 0 : i32
      %dma_wait3A_218 = arith.constant 0 : i32
      %dma_wait3A_219 = tpu.memref_slice %arg5[%dma_wait3A_217, %dma_wait3A_218] : memref<10000x128xf32, #tpu.memory_space<hbm>> -> memref<10000x128xf32, #tpu.memory_space<hbm>>
      tpu.wait_indirect_dma semaphore(%arg14 : memref<!tpu.dma_semaphore, #tpu.memory_space<semaphore_mem>>) src(%dma_wait3A_219 : memref<10000x128xf32, #tpu.memory_space<hbm>>) dst(%dma_wait3A_213 : memref<64x128xf32, #tpu.memory_space<vmem>>)
      %dma_start3A_220 = arith.constant 1 : i32
      %dma_start3A_221 = arith.constant 0 : i32
      %dma_start3A_222 = arith.constant 0 : i32
      %dma_start3A_223 = tpu.memref_slice %arg12[%dma_start3A_220, %dma_start3A_221, %dma_start3A_222] : memref<2x64x128xf32, #tpu.memory_space<vmem>> -> memref<1x64x128xf32, #tpu.memory_space<vmem>>
      %dma_start3A_224 = tpu.memref_squeeze %dma_start3A_223 : memref<1x64x128xf32, #tpu.memory_space<vmem>> -> memref<64x128xf32, #tpu.memory_space<vmem>>
      %dma_start3A_225 = arith.constant 0 : i32
      %dma_start3A_226 = tpu.memref_slice %arg11[%add3A_185, %dma_start3A_225] : memref<128x64xi32, #tpu.memory_space<vmem>> -> memref<1x64xi32, #tpu.memory_space<vmem>>
      %dma_start3A_227 = tpu.memref_squeeze %dma_start3A_226 : memref<1x64xi32, #tpu.memory_space<vmem>> -> memref<64xi32, #tpu.memory_space<vmem>>
      %dma_start3A_228 = arith.constant 0 : i32
      %dma_start3A_229 = arith.constant 0 : i32
      %dma_start3A_230 = tpu.memref_slice %arg13[%dma_start3A_228, %dma_start3A_229] : memref<10112x128xf32, #tpu.memory_space<vmem_shared>> -> memref<10112x128xf32, #tpu.memory_space<vmem_shared>>
      tpu.enqueue_indirect_dma source(%dma_start3A_224 : memref<64x128xf32, #tpu.memory_space<vmem>>) target(%dma_start3A_230 : memref<10112x128xf32, #tpu.memory_space<vmem_shared>>) offsets(%dma_start3A_227 : memref<64xi32, #tpu.memory_space<vmem>>) semaphore(%arg15 : memref<!tpu.dma_semaphore, #tpu.memory_space<semaphore_mem>>) {add = true}
      %dma_wait3A_231 = arith.constant 0 : i32
      %dma_wait3A_232 = arith.constant 0 : i32
      %dma_wait3A_233 = arith.constant 0 : i32
      %dma_wait3A_234 = arith.constant 0 : i32
      %dma_wait3A_235 = tpu.memref_slice %arg12[%dma_wait3A_231, %dma_wait3A_233, %dma_wait3A_234] : memref<2x64x128xf32, #tpu.memory_space<vmem>> -> memref<1x64x128xf32, #tpu.memory_space<vmem>>
      %dma_wait3A_236 = tpu.memref_squeeze %dma_wait3A_235 : memref<1x64x128xf32, #tpu.memory_space<vmem>> -> memref<64x128xf32, #tpu.memory_space<vmem>>
      %dma_wait3A_237 = arith.constant 0 : i32
      %dma_wait3A_238 = tpu.memref_slice %arg11[%dma_wait3A_232, %dma_wait3A_237] : memref<128x64xi32, #tpu.memory_space<vmem>> -> memref<1x64xi32, #tpu.memory_space<vmem>>
      %dma_wait3A_239 = tpu.memref_squeeze %dma_wait3A_238 : memref<1x64xi32, #tpu.memory_space<vmem>> -> memref<64xi32, #tpu.memory_space<vmem>>
      %dma_wait3A_240 = arith.constant 0 : i32
      %dma_wait3A_241 = arith.constant 0 : i32
      %dma_wait3A_242 = tpu.memref_slice %arg13[%dma_wait3A_240, %dma_wait3A_241] : memref<10112x128xf32, #tpu.memory_space<vmem_shared>> -> memref<10112x128xf32, #tpu.memory_space<vmem_shared>>
      tpu.wait_indirect_dma semaphore(%arg15 : memref<!tpu.dma_semaphore, #tpu.memory_space<semaphore_mem>>) src(%dma_wait3A_236 : memref<64x128xf32, #tpu.memory_space<vmem>>) dst(%dma_wait3A_242 : memref<10112x128xf32, #tpu.memory_space<vmem_shared>>)
      %add3A_243 = arith.constant 2 : i32
      %add3A_244 = arith.addi %mul3A_183, %add3A_243 : i32
      %lt3A = arith.cmpi slt, %add3A_244, %add3A_4 : i32
      %convert_element_type3A = arith.extui %lt3A : i1 to i32
      %cond3A = arith.constant 0 : i32
      %cond3A_245 = arith.cmpi ne, %convert_element_type3A, %cond3A : i32
      scf.if %cond3A_245 {
        %add3A_264 = arith.constant 2 : i32
        %add3A_265 = arith.addi %mul3A_183, %add3A_264 : i32
        %dma_start3A_266 = arith.constant 0 : i32
        %dma_start3A_267 = arith.constant 0 : i32
        %dma_start3A_268 = arith.constant 0 : i32
        %dma_start3A_269 = tpu.memref_slice %arg12[%dma_start3A_266, %dma_start3A_267, %dma_start3A_268] : memref<2x64x128xf32, #tpu.memory_space<vmem>> -> memref<1x64x128xf32, #tpu.memory_space<vmem>>
        %dma_start3A_270 = tpu.memref_squeeze %dma_start3A_269 : memref<1x64x128xf32, #tpu.memory_space<vmem>> -> memref<64x128xf32, #tpu.memory_space<vmem>>
        %dma_start3A_271 = arith.constant 0 : i32
        %dma_start3A_272 = tpu.memref_slice %arg10[%add3A_265, %dma_start3A_271] : memref<128x64xi32, #tpu.memory_space<vmem>> -> memref<1x64xi32, #tpu.memory_space<vmem>>
        %dma_start3A_273 = tpu.memref_squeeze %dma_start3A_272 : memref<1x64xi32, #tpu.memory_space<vmem>> -> memref<64xi32, #tpu.memory_space<vmem>>
        %dma_start3A_274 = arith.constant 0 : i32
        %dma_start3A_275 = arith.constant 0 : i32
        %dma_start3A_276 = tpu.memref_slice %arg5[%dma_start3A_274, %dma_start3A_275] : memref<10000x128xf32, #tpu.memory_space<hbm>> -> memref<10000x128xf32, #tpu.memory_space<hbm>>
        tpu.enqueue_indirect_dma source(%dma_start3A_276 : memref<10000x128xf32, #tpu.memory_space<hbm>>) target(%dma_start3A_270 : memref<64x128xf32, #tpu.memory_space<vmem>>) offsets(%dma_start3A_273 : memref<64xi32, #tpu.memory_space<vmem>>) semaphore(%arg14 : memref<!tpu.dma_semaphore, #tpu.memory_space<semaphore_mem>>)
      } else {
      }
      %dma_wait3A_246 = arith.constant 1 : i32
      %dma_wait3A_247 = arith.constant 0 : i32
      %dma_wait3A_248 = arith.constant 0 : i32
      %dma_wait3A_249 = arith.constant 0 : i32
      %dma_wait3A_250 = tpu.memref_slice %arg12[%dma_wait3A_246, %dma_wait3A_248, %dma_wait3A_249] : memref<2x64x128xf32, #tpu.memory_space<vmem>> -> memref<1x64x128xf32, #tpu.memory_space<vmem>>
      %dma_wait3A_251 = tpu.memref_squeeze %dma_wait3A_250 : memref<1x64x128xf32, #tpu.memory_space<vmem>> -> memref<64x128xf32, #tpu.memory_space<vmem>>
      %dma_wait3A_252 = arith.constant 0 : i32
      %dma_wait3A_253 = tpu.memref_slice %arg11[%dma_wait3A_247, %dma_wait3A_252] : memref<128x64xi32, #tpu.memory_space<vmem>> -> memref<1x64xi32, #tpu.memory_space<vmem>>
      %dma_wait3A_254 = tpu.memref_squeeze %dma_wait3A_253 : memref<1x64xi32, #tpu.memory_space<vmem>> -> memref<64xi32, #tpu.memory_space<vmem>>
      %dma_wait3A_255 = arith.constant 0 : i32
      %dma_wait3A_256 = arith.constant 0 : i32
      %dma_wait3A_257 = tpu.memref_slice %arg13[%dma_wait3A_255, %dma_wait3A_256] : memref<10112x128xf32, #tpu.memory_space<vmem_shared>> -> memref<10112x128xf32, #tpu.memory_space<vmem_shared>>
      tpu.wait_indirect_dma semaphore(%arg15 : memref<!tpu.dma_semaphore, #tpu.memory_space<semaphore_mem>>) src(%dma_wait3A_251 : memref<64x128xf32, #tpu.memory_space<vmem>>) dst(%dma_wait3A_257 : memref<10112x128xf32, #tpu.memory_space<vmem_shared>>)
      %add3A_258 = arith.constant 2 : i32
      %add3A_259 = arith.addi %add3A_185, %add3A_258 : i32
      %lt3A_260 = arith.cmpi slt, %add3A_259, %add3A_4 : i32
      %convert_element_type3A_261 = arith.extui %lt3A_260 : i1 to i32
      %cond3A_262 = arith.constant 0 : i32
      %cond3A_263 = arith.cmpi ne, %convert_element_type3A_261, %cond3A_262 : i32
      scf.if %cond3A_263 {
        %add3A_264 = arith.constant 2 : i32
        %add3A_265 = arith.addi %add3A_185, %add3A_264 : i32
        %dma_start3A_266 = arith.constant 1 : i32
        %dma_start3A_267 = arith.constant 0 : i32
        %dma_start3A_268 = arith.constant 0 : i32
        %dma_start3A_269 = tpu.memref_slice %arg12[%dma_start3A_266, %dma_start3A_267, %dma_start3A_268] : memref<2x64x128xf32, #tpu.memory_space<vmem>> -> memref<1x64x128xf32, #tpu.memory_space<vmem>>
        %dma_start3A_270 = tpu.memref_squeeze %dma_start3A_269 : memref<1x64x128xf32, #tpu.memory_space<vmem>> -> memref<64x128xf32, #tpu.memory_space<vmem>>
        %dma_start3A_271 = arith.constant 0 : i32
        %dma_start3A_272 = tpu.memref_slice %arg10[%add3A_265, %dma_start3A_271] : memref<128x64xi32, #tpu.memory_space<vmem>> -> memref<1x64xi32, #tpu.memory_space<vmem>>
        %dma_start3A_273 = tpu.memref_squeeze %dma_start3A_272 : memref<1x64xi32, #tpu.memory_space<vmem>> -> memref<64xi32, #tpu.memory_space<vmem>>
        %dma_start3A_274 = arith.constant 0 : i32
        %dma_start3A_275 = arith.constant 0 : i32
        %dma_start3A_276 = tpu.memref_slice %arg5[%dma_start3A_274, %dma_start3A_275] : memref<10000x128xf32, #tpu.memory_space<hbm>> -> memref<10000x128xf32, #tpu.memory_space<hbm>>
        tpu.enqueue_indirect_dma source(%dma_start3A_276 : memref<10000x128xf32, #tpu.memory_space<hbm>>) target(%dma_start3A_270 : memref<64x128xf32, #tpu.memory_space<vmem>>) offsets(%dma_start3A_273 : memref<64xi32, #tpu.memory_space<vmem>>) semaphore(%arg14 : memref<!tpu.dma_semaphore, #tpu.memory_space<semaphore_mem>>)
      } else {
      }
    }
    %barrier3A_174 = arith.constant 0 : index
    tpu.barrier barrier_id(%barrier3A_174)
    %mul3A_175 = arith.constant 632 : i32
    %mul3A_176 = arith.muli %arg1, %mul3A_175 : i32
    %mul3A_177 = arith.constant 632 : i32
    %mul3A_178 = arith.muli %arg1, %mul3A_177 : i32
    %run_scoped3A_179 = arith.constant 3 : i32
    "tpu.region"() ({
      %run_scoped3A_181 = tpu.sem_alloc : memref<!tpu.dma_semaphore, #tpu.memory_space<semaphore_mem>>
      %dma_start3A_182 = arith.constant 0 : i32
      %dma_start3A_183 = tpu.memref_slice %arg9[%arg0, %run_scoped3A_179, %mul3A_178, %dma_start3A_182] : memref<2x4x10112x128xf32, #tpu.memory_space<hbm>> -> memref<1x1x632x128xf32, #tpu.memory_space<hbm>>
      %dma_start3A_184 = tpu.memref_squeeze %dma_start3A_183 : memref<1x1x632x128xf32, #tpu.memory_space<hbm>> -> memref<632x128xf32, #tpu.memory_space<hbm>>
      %dma_start3A_185 = arith.constant 0 : i32
      %dma_start3A_186 = tpu.memref_slice %arg13[%mul3A_176, %dma_start3A_185] : memref<10112x128xf32, #tpu.memory_space<vmem_shared>> -> memref<632x128xf32, #tpu.memory_space<vmem_shared>>
      tpu.enqueue_dma source(%dma_start3A_186 : memref<632x128xf32, #tpu.memory_space<vmem_shared>>) target(%dma_start3A_184 : memref<632x128xf32, #tpu.memory_space<hbm>>) target_semaphore(%run_scoped3A_181 : memref<!tpu.dma_semaphore, #tpu.memory_space<semaphore_mem>>)
      %dma_wait3A = arith.constant 0 : i32
      %dma_wait3A_187 = tpu.memref_slice %arg9[%arg0, %run_scoped3A_179, %mul3A_178, %dma_wait3A] : memref<2x4x10112x128xf32, #tpu.memory_space<hbm>> -> memref<1x1x632x128xf32, #tpu.memory_space<hbm>>
      %dma_wait3A_188 = tpu.memref_squeeze %dma_wait3A_187 : memref<1x1x632x128xf32, #tpu.memory_space<hbm>> -> memref<632x128xf32, #tpu.memory_space<hbm>>
      %dma_wait3A_189 = arith.constant 0 : i32
      %dma_wait3A_190 = tpu.memref_slice %arg13[%mul3A_176, %dma_wait3A_189] : memref<10112x128xf32, #tpu.memory_space<vmem_shared>> -> memref<632x128xf32, #tpu.memory_space<vmem_shared>>
      tpu.wait_dma2 semaphore(%run_scoped3A_181 : memref<!tpu.dma_semaphore, #tpu.memory_space<semaphore_mem>>) src(%dma_wait3A_190 : memref<632x128xf32, #tpu.memory_space<vmem_shared>>) dst(%dma_wait3A_188 : memref<632x128xf32, #tpu.memory_space<hbm>>)
      tpu.yield
    }) : () -> ()
    %barrier3A_180 = arith.constant 0 : index
    tpu.barrier barrier_id(%barrier3A_180)
    return
  }
}

#map = affine_map<(d0, d1) -> (0, 0)>
#map1 = affine_map<(d0, d1) -> (0, 0, 0)>
#map2 = affine_map<(d0, d1) -> (0, 0, 0, 0)>
module attributes {stable_mosaic.version = 14 : i64} {
  func.func @body(%arg0: i32, %arg1: i32, %arg2: memref<10000x128xf32, #tpu.memory_space<hbm>>, %arg3: memref<10000x128xf32, #tpu.memory_space<hbm>>, %arg4: memref<32x128x64xi32, #tpu.memory_space<hbm>>, %arg5: memref<32x128x64xi32, #tpu.memory_space<hbm>>, %arg6: memref<632x128xf32, #tpu.memory_space<hbm>>, %arg7: memref<64x128xf32, #tpu.memory_space<hbm>>, %arg8: memref<2x3x10112x128xf32, #tpu.memory_space<hbm>>, %arg9: memref<128x64xi32, #tpu.memory_space<vmem>>, %arg10: memref<128x64xi32, #tpu.memory_space<vmem>>, %arg11: memref<2x64x128xf32, #tpu.memory_space<vmem>>, %arg12: memref<10112x128xf32, #tpu.memory_space<vmem_shared>>, %arg13: memref<!tpu.dma_semaphore, #tpu.memory_space<semaphore_mem>>, %arg14: memref<!tpu.dma_semaphore, #tpu.memory_space<semaphore_mem>>) attributes {dimension_semantics = [#tpu.dimension_semantics<core_parallel>, #tpu.dimension_semantics<subcore_parallel>], iteration_bounds = array<i64: 2, 16>, scalar_prefetch = 0 : i64, scratch_operands = 6 : i64, tpu.core_type = #tpu.core_type<sc_vector_subcore>, window_params = [{transform_indices = #map}, {transform_indices = #map}, {transform_indices = #map1}, {transform_indices = #map1}, {transform_indices = #map}, {transform_indices = #map}, {transform_indices = #map2}]} {
    %mul3A = arith.constant 16 : i32
    %mul3A_0 = arith.muli %arg0, %mul3A : i32
    %add3A = arith.addi %mul3A_0, %arg1 : i32
    %mul3A_1 = arith.constant -96 : i32
    %mul3A_2 = arith.muli %arg0, %mul3A_1 : i32
    %add3A_3 = arith.constant 128 : i32
    %add3A_4 = arith.addi %add3A_3, %mul3A_2 : i32
    %mul3A_5 = arith.constant -48 : i32
    %mul3A_6 = arith.muli %arg0, %mul3A_5 : i32
    %add3A_7 = arith.constant 64 : i32
    %add3A_8 = arith.addi %add3A_7, %mul3A_6 : i32
    "tpu.region"() ({
      %run_scoped3A_114 = tpu.sem_alloc : memref<!tpu.dma_semaphore, #tpu.memory_space<semaphore_mem>>
      %dma_start3A_115 = arith.constant 0 : i32
      %dma_start3A_116 = arith.constant 0 : i32
      %dma_start3A_117 = tpu.memref_slice %arg4[%add3A, %dma_start3A_115, %dma_start3A_116] : memref<32x128x64xi32, #tpu.memory_space<hbm>> -> memref<1x128x64xi32, #tpu.memory_space<hbm>>
      %dma_start3A_118 = tpu.memref_squeeze %dma_start3A_117 : memref<1x128x64xi32, #tpu.memory_space<hbm>> -> memref<128x64xi32, #tpu.memory_space<hbm>>
      %dma_start3A_119 = arith.constant 0 : i32
      %dma_start3A_120 = arith.constant 0 : i32
      %dma_start3A_121 = tpu.memref_slice %arg4[%add3A, %dma_start3A_119, %dma_start3A_120] : memref<32x128x64xi32, #tpu.memory_space<hbm>> -> memref<1x128x64xi32, #tpu.memory_space<hbm>>
      %dma_start3A_122 = tpu.memref_squeeze %dma_start3A_121 : memref<1x128x64xi32, #tpu.memory_space<hbm>> -> memref<128x64xi32, #tpu.memory_space<hbm>>
      tpu.enqueue_dma source(%dma_start3A_122 : memref<128x64xi32, #tpu.memory_space<hbm>>) target(%arg9 : memref<128x64xi32, #tpu.memory_space<vmem>>) target_semaphore(%run_scoped3A_114 : memref<!tpu.dma_semaphore, #tpu.memory_space<semaphore_mem>>)
      %dma_wait3A = arith.constant 0 : i32
      %dma_wait3A_123 = arith.constant 0 : i32
      %dma_wait3A_124 = tpu.memref_slice %arg4[%add3A, %dma_wait3A, %dma_wait3A_123] : memref<32x128x64xi32, #tpu.memory_space<hbm>> -> memref<1x128x64xi32, #tpu.memory_space<hbm>>
      %dma_wait3A_125 = tpu.memref_squeeze %dma_wait3A_124 : memref<1x128x64xi32, #tpu.memory_space<hbm>> -> memref<128x64xi32, #tpu.memory_space<hbm>>
      %dma_wait3A_126 = arith.constant 0 : i32
      %dma_wait3A_127 = arith.constant 0 : i32
      %dma_wait3A_128 = tpu.memref_slice %arg4[%add3A, %dma_wait3A_126, %dma_wait3A_127] : memref<32x128x64xi32, #tpu.memory_space<hbm>> -> memref<1x128x64xi32, #tpu.memory_space<hbm>>
      %dma_wait3A_129 = tpu.memref_squeeze %dma_wait3A_128 : memref<1x128x64xi32, #tpu.memory_space<hbm>> -> memref<128x64xi32, #tpu.memory_space<hbm>>
      tpu.wait_dma2 semaphore(%run_scoped3A_114 : memref<!tpu.dma_semaphore, #tpu.memory_space<semaphore_mem>>) src(%dma_wait3A_129 : memref<128x64xi32, #tpu.memory_space<hbm>>) dst(%arg9 : memref<128x64xi32, #tpu.memory_space<vmem>>)
      tpu.yield
    }) : () -> ()
    "tpu.region"() ({
      %run_scoped3A_114 = tpu.sem_alloc : memref<!tpu.dma_semaphore, #tpu.memory_space<semaphore_mem>>
      %dma_start3A_115 = arith.constant 0 : i32
      %dma_start3A_116 = arith.constant 0 : i32
      %dma_start3A_117 = tpu.memref_slice %arg5[%add3A, %dma_start3A_115, %dma_start3A_116] : memref<32x128x64xi32, #tpu.memory_space<hbm>> -> memref<1x128x64xi32, #tpu.memory_space<hbm>>
      %dma_start3A_118 = tpu.memref_squeeze %dma_start3A_117 : memref<1x128x64xi32, #tpu.memory_space<hbm>> -> memref<128x64xi32, #tpu.memory_space<hbm>>
      %dma_start3A_119 = arith.constant 0 : i32
      %dma_start3A_120 = arith.constant 0 : i32
      %dma_start3A_121 = tpu.memref_slice %arg5[%add3A, %dma_start3A_119, %dma_start3A_120] : memref<32x128x64xi32, #tpu.memory_space<hbm>> -> memref<1x128x64xi32, #tpu.memory_space<hbm>>
      %dma_start3A_122 = tpu.memref_squeeze %dma_start3A_121 : memref<1x128x64xi32, #tpu.memory_space<hbm>> -> memref<128x64xi32, #tpu.memory_space<hbm>>
      tpu.enqueue_dma source(%dma_start3A_122 : memref<128x64xi32, #tpu.memory_space<hbm>>) target(%arg10 : memref<128x64xi32, #tpu.memory_space<vmem>>) target_semaphore(%run_scoped3A_114 : memref<!tpu.dma_semaphore, #tpu.memory_space<semaphore_mem>>)
      %dma_wait3A = arith.constant 0 : i32
      %dma_wait3A_123 = arith.constant 0 : i32
      %dma_wait3A_124 = tpu.memref_slice %arg5[%add3A, %dma_wait3A, %dma_wait3A_123] : memref<32x128x64xi32, #tpu.memory_space<hbm>> -> memref<1x128x64xi32, #tpu.memory_space<hbm>>
      %dma_wait3A_125 = tpu.memref_squeeze %dma_wait3A_124 : memref<1x128x64xi32, #tpu.memory_space<hbm>> -> memref<128x64xi32, #tpu.memory_space<hbm>>
      %dma_wait3A_126 = arith.constant 0 : i32
      %dma_wait3A_127 = arith.constant 0 : i32
      %dma_wait3A_128 = tpu.memref_slice %arg5[%add3A, %dma_wait3A_126, %dma_wait3A_127] : memref<32x128x64xi32, #tpu.memory_space<hbm>> -> memref<1x128x64xi32, #tpu.memory_space<hbm>>
      %dma_wait3A_129 = tpu.memref_squeeze %dma_wait3A_128 : memref<1x128x64xi32, #tpu.memory_space<hbm>> -> memref<128x64xi32, #tpu.memory_space<hbm>>
      tpu.wait_dma2 semaphore(%run_scoped3A_114 : memref<!tpu.dma_semaphore, #tpu.memory_space<semaphore_mem>>) src(%dma_wait3A_129 : memref<128x64xi32, #tpu.memory_space<hbm>>) dst(%arg10 : memref<128x64xi32, #tpu.memory_space<vmem>>)
      tpu.yield
    }) : () -> ()
    %mul3A_9 = arith.constant 632 : i32
    %mul3A_10 = arith.muli %arg1, %mul3A_9 : i32
    "tpu.region"() ({
      %run_scoped3A_114 = tpu.sem_alloc : memref<!tpu.dma_semaphore, #tpu.memory_space<semaphore_mem>>
      %dma_start3A_115 = arith.constant 0 : i32
      %dma_start3A_116 = tpu.memref_slice %arg12[%mul3A_10, %dma_start3A_115] : memref<10112x128xf32, #tpu.memory_space<vmem_shared>> -> memref<632x128xf32, #tpu.memory_space<vmem_shared>>
      tpu.enqueue_dma source(%arg6 : memref<632x128xf32, #tpu.memory_space<hbm>>) target(%dma_start3A_116 : memref<632x128xf32, #tpu.memory_space<vmem_shared>>) target_semaphore(%run_scoped3A_114 : memref<!tpu.dma_semaphore, #tpu.memory_space<semaphore_mem>>)
      %dma_wait3A = arith.constant 0 : i32
      %dma_wait3A_117 = tpu.memref_slice %arg12[%mul3A_10, %dma_wait3A] : memref<10112x128xf32, #tpu.memory_space<vmem_shared>> -> memref<632x128xf32, #tpu.memory_space<vmem_shared>>
      tpu.wait_dma2 semaphore(%run_scoped3A_114 : memref<!tpu.dma_semaphore, #tpu.memory_space<semaphore_mem>>) src(%arg6 : memref<632x128xf32, #tpu.memory_space<hbm>>) dst(%dma_wait3A_117 : memref<632x128xf32, #tpu.memory_space<vmem_shared>>)
      tpu.yield
    }) : () -> ()
    %barrier3A = arith.constant 0 : index
    tpu.barrier barrier_id(%barrier3A)
    %dma_start3A = arith.constant 0 : i32
    %dma_start3A_11 = arith.constant 0 : i32
    %dma_start3A_12 = arith.constant 0 : i32
    %dma_start3A_13 = arith.constant 0 : i32
    %dma_start3A_14 = tpu.memref_slice %arg11[%dma_start3A_11, %dma_start3A_12, %dma_start3A_13] : memref<2x64x128xf32, #tpu.memory_space<vmem>> -> memref<1x64x128xf32, #tpu.memory_space<vmem>>
    %dma_start3A_15 = tpu.memref_squeeze %dma_start3A_14 : memref<1x64x128xf32, #tpu.memory_space<vmem>> -> memref<64x128xf32, #tpu.memory_space<vmem>>
    %dma_start3A_16 = arith.constant 0 : i32
    %dma_start3A_17 = tpu.memref_slice %arg9[%dma_start3A, %dma_start3A_16] : memref<128x64xi32, #tpu.memory_space<vmem>> -> memref<1x64xi32, #tpu.memory_space<vmem>>
    %dma_start3A_18 = tpu.memref_squeeze %dma_start3A_17 : memref<1x64xi32, #tpu.memory_space<vmem>> -> memref<64xi32, #tpu.memory_space<vmem>>
    %dma_start3A_19 = arith.constant 0 : i32
    %dma_start3A_20 = arith.constant 0 : i32
    %dma_start3A_21 = tpu.memref_slice %arg2[%dma_start3A_19, %dma_start3A_20] : memref<10000x128xf32, #tpu.memory_space<hbm>> -> memref<10000x128xf32, #tpu.memory_space<hbm>>
    tpu.enqueue_indirect_dma source(%dma_start3A_21 : memref<10000x128xf32, #tpu.memory_space<hbm>>) target(%dma_start3A_15 : memref<64x128xf32, #tpu.memory_space<vmem>>) offsets(%dma_start3A_18 : memref<64xi32, #tpu.memory_space<vmem>>) semaphore(%arg13 : memref<!tpu.dma_semaphore, #tpu.memory_space<semaphore_mem>>)
    %dma_start3A_22 = arith.constant 1 : i32
    %dma_start3A_23 = arith.constant 1 : i32
    %dma_start3A_24 = arith.constant 0 : i32
    %dma_start3A_25 = arith.constant 0 : i32
    %dma_start3A_26 = tpu.memref_slice %arg11[%dma_start3A_23, %dma_start3A_24, %dma_start3A_25] : memref<2x64x128xf32, #tpu.memory_space<vmem>> -> memref<1x64x128xf32, #tpu.memory_space<vmem>>
    %dma_start3A_27 = tpu.memref_squeeze %dma_start3A_26 : memref<1x64x128xf32, #tpu.memory_space<vmem>> -> memref<64x128xf32, #tpu.memory_space<vmem>>
    %dma_start3A_28 = arith.constant 0 : i32
    %dma_start3A_29 = tpu.memref_slice %arg9[%dma_start3A_22, %dma_start3A_28] : memref<128x64xi32, #tpu.memory_space<vmem>> -> memref<1x64xi32, #tpu.memory_space<vmem>>
    %dma_start3A_30 = tpu.memref_squeeze %dma_start3A_29 : memref<1x64xi32, #tpu.memory_space<vmem>> -> memref<64xi32, #tpu.memory_space<vmem>>
    %dma_start3A_31 = arith.constant 0 : i32
    %dma_start3A_32 = arith.constant 0 : i32
    %dma_start3A_33 = tpu.memref_slice %arg2[%dma_start3A_31, %dma_start3A_32] : memref<10000x128xf32, #tpu.memory_space<hbm>> -> memref<10000x128xf32, #tpu.memory_space<hbm>>
    tpu.enqueue_indirect_dma source(%dma_start3A_33 : memref<10000x128xf32, #tpu.memory_space<hbm>>) target(%dma_start3A_27 : memref<64x128xf32, #tpu.memory_space<vmem>>) offsets(%dma_start3A_30 : memref<64xi32, #tpu.memory_space<vmem>>) semaphore(%arg13 : memref<!tpu.dma_semaphore, #tpu.memory_space<semaphore_mem>>)
    %while3A = arith.constant 0 : i32
    %while3A_34 = arith.constant 0 : i32
    %while3A_35 = arith.subi %add3A_8, %while3A_34 : i32
    %while3A_36 = arith.addi %while3A_34, %while3A_35 : i32
    %while3A_37 = arith.constant 1 : i32
    %while3A_38 = arith.divsi %while3A_35, %while3A_37 : i32
    %while3A_39 = arith.muli %while3A_38, %while3A_37 : i32
    %while3A_40 = arith.addi %while3A_34, %while3A_39 : i32
    %while3A_41 = arith.constant 1 : i32
    scf.for %while3A_114 = %while3A_34 to %while3A_40 step %while3A_41  : i32 {
      %mul3A_115 = arith.constant 2 : i32
      %mul3A_116 = arith.muli %while3A_114, %mul3A_115 : i32
      %add3A_117 = arith.constant 1 : i32
      %add3A_118 = arith.addi %mul3A_116, %add3A_117 : i32
      %dma_wait3A = arith.constant 0 : i32
      %dma_wait3A_119 = arith.constant 0 : i32
      %dma_wait3A_120 = arith.constant 0 : i32
      %dma_wait3A_121 = arith.constant 0 : i32
      %dma_wait3A_122 = tpu.memref_slice %arg11[%dma_wait3A_119, %dma_wait3A_120, %dma_wait3A_121] : memref<2x64x128xf32, #tpu.memory_space<vmem>> -> memref<1x64x128xf32, #tpu.memory_space<vmem>>
      %dma_wait3A_123 = tpu.memref_squeeze %dma_wait3A_122 : memref<1x64x128xf32, #tpu.memory_space<vmem>> -> memref<64x128xf32, #tpu.memory_space<vmem>>
      %dma_wait3A_124 = arith.constant 0 : i32
      %dma_wait3A_125 = tpu.memref_slice %arg9[%dma_wait3A, %dma_wait3A_124] : memref<128x64xi32, #tpu.memory_space<vmem>> -> memref<1x64xi32, #tpu.memory_space<vmem>>
      %dma_wait3A_126 = tpu.memref_squeeze %dma_wait3A_125 : memref<1x64xi32, #tpu.memory_space<vmem>> -> memref<64xi32, #tpu.memory_space<vmem>>
      %dma_wait3A_127 = arith.constant 0 : i32
      %dma_wait3A_128 = arith.constant 0 : i32
      %dma_wait3A_129 = tpu.memref_slice %arg2[%dma_wait3A_127, %dma_wait3A_128] : memref<10000x128xf32, #tpu.memory_space<hbm>> -> memref<10000x128xf32, #tpu.memory_space<hbm>>
      tpu.wait_indirect_dma semaphore(%arg13 : memref<!tpu.dma_semaphore, #tpu.memory_space<semaphore_mem>>) src(%dma_wait3A_129 : memref<10000x128xf32, #tpu.memory_space<hbm>>) dst(%dma_wait3A_123 : memref<64x128xf32, #tpu.memory_space<vmem>>)
      %dma_start3A_130 = arith.constant 0 : i32
      %dma_start3A_131 = arith.constant 0 : i32
      %dma_start3A_132 = arith.constant 0 : i32
      %dma_start3A_133 = tpu.memref_slice %arg11[%dma_start3A_130, %dma_start3A_131, %dma_start3A_132] : memref<2x64x128xf32, #tpu.memory_space<vmem>> -> memref<1x64x128xf32, #tpu.memory_space<vmem>>
      %dma_start3A_134 = tpu.memref_squeeze %dma_start3A_133 : memref<1x64x128xf32, #tpu.memory_space<vmem>> -> memref<64x128xf32, #tpu.memory_space<vmem>>
      %dma_start3A_135 = arith.constant 0 : i32
      %dma_start3A_136 = tpu.memref_slice %arg10[%mul3A_116, %dma_start3A_135] : memref<128x64xi32, #tpu.memory_space<vmem>> -> memref<1x64xi32, #tpu.memory_space<vmem>>
      %dma_start3A_137 = tpu.memref_squeeze %dma_start3A_136 : memref<1x64xi32, #tpu.memory_space<vmem>> -> memref<64xi32, #tpu.memory_space<vmem>>
      %dma_start3A_138 = arith.constant 0 : i32
      %dma_start3A_139 = arith.constant 0 : i32
      %dma_start3A_140 = tpu.memref_slice %arg12[%dma_start3A_138, %dma_start3A_139] : memref<10112x128xf32, #tpu.memory_space<vmem_shared>> -> memref<10112x128xf32, #tpu.memory_space<vmem_shared>>
      tpu.enqueue_indirect_dma source(%dma_start3A_134 : memref<64x128xf32, #tpu.memory_space<vmem>>) target(%dma_start3A_140 : memref<10112x128xf32, #tpu.memory_space<vmem_shared>>) offsets(%dma_start3A_137 : memref<64xi32, #tpu.memory_space<vmem>>) semaphore(%arg14 : memref<!tpu.dma_semaphore, #tpu.memory_space<semaphore_mem>>) {add = true}
      %dma_wait3A_141 = arith.constant 0 : i32
      %dma_wait3A_142 = arith.constant 1 : i32
      %dma_wait3A_143 = arith.constant 0 : i32
      %dma_wait3A_144 = arith.constant 0 : i32
      %dma_wait3A_145 = tpu.memref_slice %arg11[%dma_wait3A_142, %dma_wait3A_143, %dma_wait3A_144] : memref<2x64x128xf32, #tpu.memory_space<vmem>> -> memref<1x64x128xf32, #tpu.memory_space<vmem>>
      %dma_wait3A_146 = tpu.memref_squeeze %dma_wait3A_145 : memref<1x64x128xf32, #tpu.memory_space<vmem>> -> memref<64x128xf32, #tpu.memory_space<vmem>>
      %dma_wait3A_147 = arith.constant 0 : i32
      %dma_wait3A_148 = tpu.memref_slice %arg9[%dma_wait3A_141, %dma_wait3A_147] : memref<128x64xi32, #tpu.memory_space<vmem>> -> memref<1x64xi32, #tpu.memory_space<vmem>>
      %dma_wait3A_149 = tpu.memref_squeeze %dma_wait3A_148 : memref<1x64xi32, #tpu.memory_space<vmem>> -> memref<64xi32, #tpu.memory_space<vmem>>
      %dma_wait3A_150 = arith.constant 0 : i32
      %dma_wait3A_151 = arith.constant 0 : i32
      %dma_wait3A_152 = tpu.memref_slice %arg2[%dma_wait3A_150, %dma_wait3A_151] : memref<10000x128xf32, #tpu.memory_space<hbm>> -> memref<10000x128xf32, #tpu.memory_space<hbm>>
      tpu.wait_indirect_dma semaphore(%arg13 : memref<!tpu.dma_semaphore, #tpu.memory_space<semaphore_mem>>) src(%dma_wait3A_152 : memref<10000x128xf32, #tpu.memory_space<hbm>>) dst(%dma_wait3A_146 : memref<64x128xf32, #tpu.memory_space<vmem>>)
      %dma_start3A_153 = arith.constant 1 : i32
      %dma_start3A_154 = arith.constant 0 : i32
      %dma_start3A_155 = arith.constant 0 : i32
      %dma_start3A_156 = tpu.memref_slice %arg11[%dma_start3A_153, %dma_start3A_154, %dma_start3A_155] : memref<2x64x128xf32, #tpu.memory_space<vmem>> -> memref<1x64x128xf32, #tpu.memory_space<vmem>>
      %dma_start3A_157 = tpu.memref_squeeze %dma_start3A_156 : memref<1x64x128xf32, #tpu.memory_space<vmem>> -> memref<64x128xf32, #tpu.memory_space<vmem>>
      %dma_start3A_158 = arith.constant 0 : i32
      %dma_start3A_159 = tpu.memref_slice %arg10[%add3A_118, %dma_start3A_158] : memref<128x64xi32, #tpu.memory_space<vmem>> -> memref<1x64xi32, #tpu.memory_space<vmem>>
      %dma_start3A_160 = tpu.memref_squeeze %dma_start3A_159 : memref<1x64xi32, #tpu.memory_space<vmem>> -> memref<64xi32, #tpu.memory_space<vmem>>
      %dma_start3A_161 = arith.constant 0 : i32
      %dma_start3A_162 = arith.constant 0 : i32
      %dma_start3A_163 = tpu.memref_slice %arg12[%dma_start3A_161, %dma_start3A_162] : memref<10112x128xf32, #tpu.memory_space<vmem_shared>> -> memref<10112x128xf32, #tpu.memory_space<vmem_shared>>
      tpu.enqueue_indirect_dma source(%dma_start3A_157 : memref<64x128xf32, #tpu.memory_space<vmem>>) target(%dma_start3A_163 : memref<10112x128xf32, #tpu.memory_space<vmem_shared>>) offsets(%dma_start3A_160 : memref<64xi32, #tpu.memory_space<vmem>>) semaphore(%arg14 : memref<!tpu.dma_semaphore, #tpu.memory_space<semaphore_mem>>) {add = true}
      %dma_wait3A_164 = arith.constant 0 : i32
      %dma_wait3A_165 = arith.constant 0 : i32
      %dma_wait3A_166 = arith.constant 0 : i32
      %dma_wait3A_167 = arith.constant 0 : i32
      %dma_wait3A_168 = tpu.memref_slice %arg11[%dma_wait3A_164, %dma_wait3A_166, %dma_wait3A_167] : memref<2x64x128xf32, #tpu.memory_space<vmem>> -> memref<1x64x128xf32, #tpu.memory_space<vmem>>
      %dma_wait3A_169 = tpu.memref_squeeze %dma_wait3A_168 : memref<1x64x128xf32, #tpu.memory_space<vmem>> -> memref<64x128xf32, #tpu.memory_space<vmem>>
      %dma_wait3A_170 = arith.constant 0 : i32
      %dma_wait3A_171 = tpu.memref_slice %arg10[%dma_wait3A_165, %dma_wait3A_170] : memref<128x64xi32, #tpu.memory_space<vmem>> -> memref<1x64xi32, #tpu.memory_space<vmem>>
      %dma_wait3A_172 = tpu.memref_squeeze %dma_wait3A_171 : memref<1x64xi32, #tpu.memory_space<vmem>> -> memref<64xi32, #tpu.memory_space<vmem>>
      %dma_wait3A_173 = arith.constant 0 : i32
      %dma_wait3A_174 = arith.constant 0 : i32
      %dma_wait3A_175 = tpu.memref_slice %arg12[%dma_wait3A_173, %dma_wait3A_174] : memref<10112x128xf32, #tpu.memory_space<vmem_shared>> -> memref<10112x128xf32, #tpu.memory_space<vmem_shared>>
      tpu.wait_indirect_dma semaphore(%arg14 : memref<!tpu.dma_semaphore, #tpu.memory_space<semaphore_mem>>) src(%dma_wait3A_169 : memref<64x128xf32, #tpu.memory_space<vmem>>) dst(%dma_wait3A_175 : memref<10112x128xf32, #tpu.memory_space<vmem_shared>>)
      %add3A_176 = arith.constant 2 : i32
      %add3A_177 = arith.addi %mul3A_116, %add3A_176 : i32
      %lt3A = arith.cmpi slt, %add3A_177, %add3A_4 : i32
      %convert_element_type3A = arith.extui %lt3A : i1 to i32
      %cond3A = arith.constant 0 : i32
      %cond3A_178 = arith.cmpi ne, %convert_element_type3A, %cond3A : i32
      scf.if %cond3A_178 {
        %add3A_197 = arith.constant 2 : i32
        %add3A_198 = arith.addi %mul3A_116, %add3A_197 : i32
        %dma_start3A_199 = arith.constant 0 : i32
        %dma_start3A_200 = arith.constant 0 : i32
        %dma_start3A_201 = arith.constant 0 : i32
        %dma_start3A_202 = tpu.memref_slice %arg11[%dma_start3A_199, %dma_start3A_200, %dma_start3A_201] : memref<2x64x128xf32, #tpu.memory_space<vmem>> -> memref<1x64x128xf32, #tpu.memory_space<vmem>>
        %dma_start3A_203 = tpu.memref_squeeze %dma_start3A_202 : memref<1x64x128xf32, #tpu.memory_space<vmem>> -> memref<64x128xf32, #tpu.memory_space<vmem>>
        %dma_start3A_204 = arith.constant 0 : i32
        %dma_start3A_205 = tpu.memref_slice %arg9[%add3A_198, %dma_start3A_204] : memref<128x64xi32, #tpu.memory_space<vmem>> -> memref<1x64xi32, #tpu.memory_space<vmem>>
        %dma_start3A_206 = tpu.memref_squeeze %dma_start3A_205 : memref<1x64xi32, #tpu.memory_space<vmem>> -> memref<64xi32, #tpu.memory_space<vmem>>
        %dma_start3A_207 = arith.constant 0 : i32
        %dma_start3A_208 = arith.constant 0 : i32
        %dma_start3A_209 = tpu.memref_slice %arg2[%dma_start3A_207, %dma_start3A_208] : memref<10000x128xf32, #tpu.memory_space<hbm>> -> memref<10000x128xf32, #tpu.memory_space<hbm>>
        tpu.enqueue_indirect_dma source(%dma_start3A_209 : memref<10000x128xf32, #tpu.memory_space<hbm>>) target(%dma_start3A_203 : memref<64x128xf32, #tpu.memory_space<vmem>>) offsets(%dma_start3A_206 : memref<64xi32, #tpu.memory_space<vmem>>) semaphore(%arg13 : memref<!tpu.dma_semaphore, #tpu.memory_space<semaphore_mem>>)
      } else {
      }
      %dma_wait3A_179 = arith.constant 1 : i32
      %dma_wait3A_180 = arith.constant 0 : i32
      %dma_wait3A_181 = arith.constant 0 : i32
      %dma_wait3A_182 = arith.constant 0 : i32
      %dma_wait3A_183 = tpu.memref_slice %arg11[%dma_wait3A_179, %dma_wait3A_181, %dma_wait3A_182] : memref<2x64x128xf32, #tpu.memory_space<vmem>> -> memref<1x64x128xf32, #tpu.memory_space<vmem>>
      %dma_wait3A_184 = tpu.memref_squeeze %dma_wait3A_183 : memref<1x64x128xf32, #tpu.memory_space<vmem>> -> memref<64x128xf32, #tpu.memory_space<vmem>>
      %dma_wait3A_185 = arith.constant 0 : i32
      %dma_wait3A_186 = tpu.memref_slice %arg10[%dma_wait3A_180, %dma_wait3A_185] : memref<128x64xi32, #tpu.memory_space<vmem>> -> memref<1x64xi32, #tpu.memory_space<vmem>>
      %dma_wait3A_187 = tpu.memref_squeeze %dma_wait3A_186 : memref<1x64xi32, #tpu.memory_space<vmem>> -> memref<64xi32, #tpu.memory_space<vmem>>
      %dma_wait3A_188 = arith.constant 0 : i32
      %dma_wait3A_189 = arith.constant 0 : i32
      %dma_wait3A_190 = tpu.memref_slice %arg12[%dma_wait3A_188, %dma_wait3A_189] : memref<10112x128xf32, #tpu.memory_space<vmem_shared>> -> memref<10112x128xf32, #tpu.memory_space<vmem_shared>>
      tpu.wait_indirect_dma semaphore(%arg14 : memref<!tpu.dma_semaphore, #tpu.memory_space<semaphore_mem>>) src(%dma_wait3A_184 : memref<64x128xf32, #tpu.memory_space<vmem>>) dst(%dma_wait3A_190 : memref<10112x128xf32, #tpu.memory_space<vmem_shared>>)
      %add3A_191 = arith.constant 2 : i32
      %add3A_192 = arith.addi %add3A_118, %add3A_191 : i32
      %lt3A_193 = arith.cmpi slt, %add3A_192, %add3A_4 : i32
      %convert_element_type3A_194 = arith.extui %lt3A_193 : i1 to i32
      %cond3A_195 = arith.constant 0 : i32
      %cond3A_196 = arith.cmpi ne, %convert_element_type3A_194, %cond3A_195 : i32
      scf.if %cond3A_196 {
        %add3A_197 = arith.constant 2 : i32
        %add3A_198 = arith.addi %add3A_118, %add3A_197 : i32
        %dma_start3A_199 = arith.constant 1 : i32
        %dma_start3A_200 = arith.constant 0 : i32
        %dma_start3A_201 = arith.constant 0 : i32
        %dma_start3A_202 = tpu.memref_slice %arg11[%dma_start3A_199, %dma_start3A_200, %dma_start3A_201] : memref<2x64x128xf32, #tpu.memory_space<vmem>> -> memref<1x64x128xf32, #tpu.memory_space<vmem>>
        %dma_start3A_203 = tpu.memref_squeeze %dma_start3A_202 : memref<1x64x128xf32, #tpu.memory_space<vmem>> -> memref<64x128xf32, #tpu.memory_space<vmem>>
        %dma_start3A_204 = arith.constant 0 : i32
        %dma_start3A_205 = tpu.memref_slice %arg9[%add3A_198, %dma_start3A_204] : memref<128x64xi32, #tpu.memory_space<vmem>> -> memref<1x64xi32, #tpu.memory_space<vmem>>
        %dma_start3A_206 = tpu.memref_squeeze %dma_start3A_205 : memref<1x64xi32, #tpu.memory_space<vmem>> -> memref<64xi32, #tpu.memory_space<vmem>>
        %dma_start3A_207 = arith.constant 0 : i32
        %dma_start3A_208 = arith.constant 0 : i32
        %dma_start3A_209 = tpu.memref_slice %arg2[%dma_start3A_207, %dma_start3A_208] : memref<10000x128xf32, #tpu.memory_space<hbm>> -> memref<10000x128xf32, #tpu.memory_space<hbm>>
        tpu.enqueue_indirect_dma source(%dma_start3A_209 : memref<10000x128xf32, #tpu.memory_space<hbm>>) target(%dma_start3A_203 : memref<64x128xf32, #tpu.memory_space<vmem>>) offsets(%dma_start3A_206 : memref<64xi32, #tpu.memory_space<vmem>>) semaphore(%arg13 : memref<!tpu.dma_semaphore, #tpu.memory_space<semaphore_mem>>)
      } else {
      }
    }
    %while3A_42 = arith.constant 1 : i32
    scf.for %while3A_114 = %while3A_40 to %while3A_36 step %while3A_42  : i32 {
      %mul3A_115 = arith.constant 2 : i32
      %mul3A_116 = arith.muli %while3A_114, %mul3A_115 : i32
      %add3A_117 = arith.constant 1 : i32
      %add3A_118 = arith.addi %mul3A_116, %add3A_117 : i32
      %dma_wait3A = arith.constant 0 : i32
      %dma_wait3A_119 = arith.constant 0 : i32
      %dma_wait3A_120 = arith.constant 0 : i32
      %dma_wait3A_121 = arith.constant 0 : i32
      %dma_wait3A_122 = tpu.memref_slice %arg11[%dma_wait3A_119, %dma_wait3A_120, %dma_wait3A_121] : memref<2x64x128xf32, #tpu.memory_space<vmem>> -> memref<1x64x128xf32, #tpu.memory_space<vmem>>
      %dma_wait3A_123 = tpu.memref_squeeze %dma_wait3A_122 : memref<1x64x128xf32, #tpu.memory_space<vmem>> -> memref<64x128xf32, #tpu.memory_space<vmem>>
      %dma_wait3A_124 = arith.constant 0 : i32
      %dma_wait3A_125 = tpu.memref_slice %arg9[%dma_wait3A, %dma_wait3A_124] : memref<128x64xi32, #tpu.memory_space<vmem>> -> memref<1x64xi32, #tpu.memory_space<vmem>>
      %dma_wait3A_126 = tpu.memref_squeeze %dma_wait3A_125 : memref<1x64xi32, #tpu.memory_space<vmem>> -> memref<64xi32, #tpu.memory_space<vmem>>
      %dma_wait3A_127 = arith.constant 0 : i32
      %dma_wait3A_128 = arith.constant 0 : i32
      %dma_wait3A_129 = tpu.memref_slice %arg2[%dma_wait3A_127, %dma_wait3A_128] : memref<10000x128xf32, #tpu.memory_space<hbm>> -> memref<10000x128xf32, #tpu.memory_space<hbm>>
      tpu.wait_indirect_dma semaphore(%arg13 : memref<!tpu.dma_semaphore, #tpu.memory_space<semaphore_mem>>) src(%dma_wait3A_129 : memref<10000x128xf32, #tpu.memory_space<hbm>>) dst(%dma_wait3A_123 : memref<64x128xf32, #tpu.memory_space<vmem>>)
      %dma_start3A_130 = arith.constant 0 : i32
      %dma_start3A_131 = arith.constant 0 : i32
      %dma_start3A_132 = arith.constant 0 : i32
      %dma_start3A_133 = tpu.memref_slice %arg11[%dma_start3A_130, %dma_start3A_131, %dma_start3A_132] : memref<2x64x128xf32, #tpu.memory_space<vmem>> -> memref<1x64x128xf32, #tpu.memory_space<vmem>>
      %dma_start3A_134 = tpu.memref_squeeze %dma_start3A_133 : memref<1x64x128xf32, #tpu.memory_space<vmem>> -> memref<64x128xf32, #tpu.memory_space<vmem>>
      %dma_start3A_135 = arith.constant 0 : i32
      %dma_start3A_136 = tpu.memref_slice %arg10[%mul3A_116, %dma_start3A_135] : memref<128x64xi32, #tpu.memory_space<vmem>> -> memref<1x64xi32, #tpu.memory_space<vmem>>
      %dma_start3A_137 = tpu.memref_squeeze %dma_start3A_136 : memref<1x64xi32, #tpu.memory_space<vmem>> -> memref<64xi32, #tpu.memory_space<vmem>>
      %dma_start3A_138 = arith.constant 0 : i32
      %dma_start3A_139 = arith.constant 0 : i32
      %dma_start3A_140 = tpu.memref_slice %arg12[%dma_start3A_138, %dma_start3A_139] : memref<10112x128xf32, #tpu.memory_space<vmem_shared>> -> memref<10112x128xf32, #tpu.memory_space<vmem_shared>>
      tpu.enqueue_indirect_dma source(%dma_start3A_134 : memref<64x128xf32, #tpu.memory_space<vmem>>) target(%dma_start3A_140 : memref<10112x128xf32, #tpu.memory_space<vmem_shared>>) offsets(%dma_start3A_137 : memref<64xi32, #tpu.memory_space<vmem>>) semaphore(%arg14 : memref<!tpu.dma_semaphore, #tpu.memory_space<semaphore_mem>>) {add = true}
      %dma_wait3A_141 = arith.constant 0 : i32
      %dma_wait3A_142 = arith.constant 1 : i32
      %dma_wait3A_143 = arith.constant 0 : i32
      %dma_wait3A_144 = arith.constant 0 : i32
      %dma_wait3A_145 = tpu.memref_slice %arg11[%dma_wait3A_142, %dma_wait3A_143, %dma_wait3A_144] : memref<2x64x128xf32, #tpu.memory_space<vmem>> -> memref<1x64x128xf32, #tpu.memory_space<vmem>>
      %dma_wait3A_146 = tpu.memref_squeeze %dma_wait3A_145 : memref<1x64x128xf32, #tpu.memory_space<vmem>> -> memref<64x128xf32, #tpu.memory_space<vmem>>
      %dma_wait3A_147 = arith.constant 0 : i32
      %dma_wait3A_148 = tpu.memref_slice %arg9[%dma_wait3A_141, %dma_wait3A_147] : memref<128x64xi32, #tpu.memory_space<vmem>> -> memref<1x64xi32, #tpu.memory_space<vmem>>
      %dma_wait3A_149 = tpu.memref_squeeze %dma_wait3A_148 : memref<1x64xi32, #tpu.memory_space<vmem>> -> memref<64xi32, #tpu.memory_space<vmem>>
      %dma_wait3A_150 = arith.constant 0 : i32
      %dma_wait3A_151 = arith.constant 0 : i32
      %dma_wait3A_152 = tpu.memref_slice %arg2[%dma_wait3A_150, %dma_wait3A_151] : memref<10000x128xf32, #tpu.memory_space<hbm>> -> memref<10000x128xf32, #tpu.memory_space<hbm>>
      tpu.wait_indirect_dma semaphore(%arg13 : memref<!tpu.dma_semaphore, #tpu.memory_space<semaphore_mem>>) src(%dma_wait3A_152 : memref<10000x128xf32, #tpu.memory_space<hbm>>) dst(%dma_wait3A_146 : memref<64x128xf32, #tpu.memory_space<vmem>>)
      %dma_start3A_153 = arith.constant 1 : i32
      %dma_start3A_154 = arith.constant 0 : i32
      %dma_start3A_155 = arith.constant 0 : i32
      %dma_start3A_156 = tpu.memref_slice %arg11[%dma_start3A_153, %dma_start3A_154, %dma_start3A_155] : memref<2x64x128xf32, #tpu.memory_space<vmem>> -> memref<1x64x128xf32, #tpu.memory_space<vmem>>
      %dma_start3A_157 = tpu.memref_squeeze %dma_start3A_156 : memref<1x64x128xf32, #tpu.memory_space<vmem>> -> memref<64x128xf32, #tpu.memory_space<vmem>>
      %dma_start3A_158 = arith.constant 0 : i32
      %dma_start3A_159 = tpu.memref_slice %arg10[%add3A_118, %dma_start3A_158] : memref<128x64xi32, #tpu.memory_space<vmem>> -> memref<1x64xi32, #tpu.memory_space<vmem>>
      %dma_start3A_160 = tpu.memref_squeeze %dma_start3A_159 : memref<1x64xi32, #tpu.memory_space<vmem>> -> memref<64xi32, #tpu.memory_space<vmem>>
      %dma_start3A_161 = arith.constant 0 : i32
      %dma_start3A_162 = arith.constant 0 : i32
      %dma_start3A_163 = tpu.memref_slice %arg12[%dma_start3A_161, %dma_start3A_162] : memref<10112x128xf32, #tpu.memory_space<vmem_shared>> -> memref<10112x128xf32, #tpu.memory_space<vmem_shared>>
      tpu.enqueue_indirect_dma source(%dma_start3A_157 : memref<64x128xf32, #tpu.memory_space<vmem>>) target(%dma_start3A_163 : memref<10112x128xf32, #tpu.memory_space<vmem_shared>>) offsets(%dma_start3A_160 : memref<64xi32, #tpu.memory_space<vmem>>) semaphore(%arg14 : memref<!tpu.dma_semaphore, #tpu.memory_space<semaphore_mem>>) {add = true}
      %dma_wait3A_164 = arith.constant 0 : i32
      %dma_wait3A_165 = arith.constant 0 : i32
      %dma_wait3A_166 = arith.constant 0 : i32
      %dma_wait3A_167 = arith.constant 0 : i32
      %dma_wait3A_168 = tpu.memref_slice %arg11[%dma_wait3A_164, %dma_wait3A_166, %dma_wait3A_167] : memref<2x64x128xf32, #tpu.memory_space<vmem>> -> memref<1x64x128xf32, #tpu.memory_space<vmem>>
      %dma_wait3A_169 = tpu.memref_squeeze %dma_wait3A_168 : memref<1x64x128xf32, #tpu.memory_space<vmem>> -> memref<64x128xf32, #tpu.memory_space<vmem>>
      %dma_wait3A_170 = arith.constant 0 : i32
      %dma_wait3A_171 = tpu.memref_slice %arg10[%dma_wait3A_165, %dma_wait3A_170] : memref<128x64xi32, #tpu.memory_space<vmem>> -> memref<1x64xi32, #tpu.memory_space<vmem>>
      %dma_wait3A_172 = tpu.memref_squeeze %dma_wait3A_171 : memref<1x64xi32, #tpu.memory_space<vmem>> -> memref<64xi32, #tpu.memory_space<vmem>>
      %dma_wait3A_173 = arith.constant 0 : i32
      %dma_wait3A_174 = arith.constant 0 : i32
      %dma_wait3A_175 = tpu.memref_slice %arg12[%dma_wait3A_173, %dma_wait3A_174] : memref<10112x128xf32, #tpu.memory_space<vmem_shared>> -> memref<10112x128xf32, #tpu.memory_space<vmem_shared>>
      tpu.wait_indirect_dma semaphore(%arg14 : memref<!tpu.dma_semaphore, #tpu.memory_space<semaphore_mem>>) src(%dma_wait3A_169 : memref<64x128xf32, #tpu.memory_space<vmem>>) dst(%dma_wait3A_175 : memref<10112x128xf32, #tpu.memory_space<vmem_shared>>)
      %add3A_176 = arith.constant 2 : i32
      %add3A_177 = arith.addi %mul3A_116, %add3A_176 : i32
      %lt3A = arith.cmpi slt, %add3A_177, %add3A_4 : i32
      %convert_element_type3A = arith.extui %lt3A : i1 to i32
      %cond3A = arith.constant 0 : i32
      %cond3A_178 = arith.cmpi ne, %convert_element_type3A, %cond3A : i32
      scf.if %cond3A_178 {
        %add3A_197 = arith.constant 2 : i32
        %add3A_198 = arith.addi %mul3A_116, %add3A_197 : i32
        %dma_start3A_199 = arith.constant 0 : i32
        %dma_start3A_200 = arith.constant 0 : i32
        %dma_start3A_201 = arith.constant 0 : i32
        %dma_start3A_202 = tpu.memref_slice %arg11[%dma_start3A_199, %dma_start3A_200, %dma_start3A_201] : memref<2x64x128xf32, #tpu.memory_space<vmem>> -> memref<1x64x128xf32, #tpu.memory_space<vmem>>
        %dma_start3A_203 = tpu.memref_squeeze %dma_start3A_202 : memref<1x64x128xf32, #tpu.memory_space<vmem>> -> memref<64x128xf32, #tpu.memory_space<vmem>>
        %dma_start3A_204 = arith.constant 0 : i32
        %dma_start3A_205 = tpu.memref_slice %arg9[%add3A_198, %dma_start3A_204] : memref<128x64xi32, #tpu.memory_space<vmem>> -> memref<1x64xi32, #tpu.memory_space<vmem>>
        %dma_start3A_206 = tpu.memref_squeeze %dma_start3A_205 : memref<1x64xi32, #tpu.memory_space<vmem>> -> memref<64xi32, #tpu.memory_space<vmem>>
        %dma_start3A_207 = arith.constant 0 : i32
        %dma_start3A_208 = arith.constant 0 : i32
        %dma_start3A_209 = tpu.memref_slice %arg2[%dma_start3A_207, %dma_start3A_208] : memref<10000x128xf32, #tpu.memory_space<hbm>> -> memref<10000x128xf32, #tpu.memory_space<hbm>>
        tpu.enqueue_indirect_dma source(%dma_start3A_209 : memref<10000x128xf32, #tpu.memory_space<hbm>>) target(%dma_start3A_203 : memref<64x128xf32, #tpu.memory_space<vmem>>) offsets(%dma_start3A_206 : memref<64xi32, #tpu.memory_space<vmem>>) semaphore(%arg13 : memref<!tpu.dma_semaphore, #tpu.memory_space<semaphore_mem>>)
      } else {
      }
      %dma_wait3A_179 = arith.constant 1 : i32
      %dma_wait3A_180 = arith.constant 0 : i32
      %dma_wait3A_181 = arith.constant 0 : i32
      %dma_wait3A_182 = arith.constant 0 : i32
      %dma_wait3A_183 = tpu.memref_slice %arg11[%dma_wait3A_179, %dma_wait3A_181, %dma_wait3A_182] : memref<2x64x128xf32, #tpu.memory_space<vmem>> -> memref<1x64x128xf32, #tpu.memory_space<vmem>>
      %dma_wait3A_184 = tpu.memref_squeeze %dma_wait3A_183 : memref<1x64x128xf32, #tpu.memory_space<vmem>> -> memref<64x128xf32, #tpu.memory_space<vmem>>
      %dma_wait3A_185 = arith.constant 0 : i32
      %dma_wait3A_186 = tpu.memref_slice %arg10[%dma_wait3A_180, %dma_wait3A_185] : memref<128x64xi32, #tpu.memory_space<vmem>> -> memref<1x64xi32, #tpu.memory_space<vmem>>
      %dma_wait3A_187 = tpu.memref_squeeze %dma_wait3A_186 : memref<1x64xi32, #tpu.memory_space<vmem>> -> memref<64xi32, #tpu.memory_space<vmem>>
      %dma_wait3A_188 = arith.constant 0 : i32
      %dma_wait3A_189 = arith.constant 0 : i32
      %dma_wait3A_190 = tpu.memref_slice %arg12[%dma_wait3A_188, %dma_wait3A_189] : memref<10112x128xf32, #tpu.memory_space<vmem_shared>> -> memref<10112x128xf32, #tpu.memory_space<vmem_shared>>
      tpu.wait_indirect_dma semaphore(%arg14 : memref<!tpu.dma_semaphore, #tpu.memory_space<semaphore_mem>>) src(%dma_wait3A_184 : memref<64x128xf32, #tpu.memory_space<vmem>>) dst(%dma_wait3A_190 : memref<10112x128xf32, #tpu.memory_space<vmem_shared>>)
      %add3A_191 = arith.constant 2 : i32
      %add3A_192 = arith.addi %add3A_118, %add3A_191 : i32
      %lt3A_193 = arith.cmpi slt, %add3A_192, %add3A_4 : i32
      %convert_element_type3A_194 = arith.extui %lt3A_193 : i1 to i32
      %cond3A_195 = arith.constant 0 : i32
      %cond3A_196 = arith.cmpi ne, %convert_element_type3A_194, %cond3A_195 : i32
      scf.if %cond3A_196 {
        %add3A_197 = arith.constant 2 : i32
        %add3A_198 = arith.addi %add3A_118, %add3A_197 : i32
        %dma_start3A_199 = arith.constant 1 : i32
        %dma_start3A_200 = arith.constant 0 : i32
        %dma_start3A_201 = arith.constant 0 : i32
        %dma_start3A_202 = tpu.memref_slice %arg11[%dma_start3A_199, %dma_start3A_200, %dma_start3A_201] : memref<2x64x128xf32, #tpu.memory_space<vmem>> -> memref<1x64x128xf32, #tpu.memory_space<vmem>>
        %dma_start3A_203 = tpu.memref_squeeze %dma_start3A_202 : memref<1x64x128xf32, #tpu.memory_space<vmem>> -> memref<64x128xf32, #tpu.memory_space<vmem>>
        %dma_start3A_204 = arith.constant 0 : i32
        %dma_start3A_205 = tpu.memref_slice %arg9[%add3A_198, %dma_start3A_204] : memref<128x64xi32, #tpu.memory_space<vmem>> -> memref<1x64xi32, #tpu.memory_space<vmem>>
        %dma_start3A_206 = tpu.memref_squeeze %dma_start3A_205 : memref<1x64xi32, #tpu.memory_space<vmem>> -> memref<64xi32, #tpu.memory_space<vmem>>
        %dma_start3A_207 = arith.constant 0 : i32
        %dma_start3A_208 = arith.constant 0 : i32
        %dma_start3A_209 = tpu.memref_slice %arg2[%dma_start3A_207, %dma_start3A_208] : memref<10000x128xf32, #tpu.memory_space<hbm>> -> memref<10000x128xf32, #tpu.memory_space<hbm>>
        tpu.enqueue_indirect_dma source(%dma_start3A_209 : memref<10000x128xf32, #tpu.memory_space<hbm>>) target(%dma_start3A_203 : memref<64x128xf32, #tpu.memory_space<vmem>>) offsets(%dma_start3A_206 : memref<64xi32, #tpu.memory_space<vmem>>) semaphore(%arg13 : memref<!tpu.dma_semaphore, #tpu.memory_space<semaphore_mem>>)
      } else {
      }
    }
    %barrier3A_43 = arith.constant 0 : index
    tpu.barrier barrier_id(%barrier3A_43)
    %mul3A_44 = arith.constant 632 : i32
    %mul3A_45 = arith.muli %arg1, %mul3A_44 : i32
    %mul3A_46 = arith.constant 632 : i32
    %mul3A_47 = arith.muli %arg1, %mul3A_46 : i32
    %run_scoped3A = arith.constant 0 : i32
    "tpu.region"() ({
      %run_scoped3A_114 = tpu.sem_alloc : memref<!tpu.dma_semaphore, #tpu.memory_space<semaphore_mem>>
      %dma_start3A_115 = arith.constant 0 : i32
      %dma_start3A_116 = tpu.memref_slice %arg8[%arg0, %run_scoped3A, %mul3A_47, %dma_start3A_115] : memref<2x3x10112x128xf32, #tpu.memory_space<hbm>> -> memref<1x1x632x128xf32, #tpu.memory_space<hbm>>
      %dma_start3A_117 = tpu.memref_squeeze %dma_start3A_116 : memref<1x1x632x128xf32, #tpu.memory_space<hbm>> -> memref<632x128xf32, #tpu.memory_space<hbm>>
      %dma_start3A_118 = arith.constant 0 : i32
      %dma_start3A_119 = tpu.memref_slice %arg12[%mul3A_45, %dma_start3A_118] : memref<10112x128xf32, #tpu.memory_space<vmem_shared>> -> memref<632x128xf32, #tpu.memory_space<vmem_shared>>
      tpu.enqueue_dma source(%dma_start3A_119 : memref<632x128xf32, #tpu.memory_space<vmem_shared>>) target(%dma_start3A_117 : memref<632x128xf32, #tpu.memory_space<hbm>>) target_semaphore(%run_scoped3A_114 : memref<!tpu.dma_semaphore, #tpu.memory_space<semaphore_mem>>)
      %dma_wait3A = arith.constant 0 : i32
      %dma_wait3A_120 = tpu.memref_slice %arg8[%arg0, %run_scoped3A, %mul3A_47, %dma_wait3A] : memref<2x3x10112x128xf32, #tpu.memory_space<hbm>> -> memref<1x1x632x128xf32, #tpu.memory_space<hbm>>
      %dma_wait3A_121 = tpu.memref_squeeze %dma_wait3A_120 : memref<1x1x632x128xf32, #tpu.memory_space<hbm>> -> memref<632x128xf32, #tpu.memory_space<hbm>>
      %dma_wait3A_122 = arith.constant 0 : i32
      %dma_wait3A_123 = tpu.memref_slice %arg12[%mul3A_45, %dma_wait3A_122] : memref<10112x128xf32, #tpu.memory_space<vmem_shared>> -> memref<632x128xf32, #tpu.memory_space<vmem_shared>>
      tpu.wait_dma2 semaphore(%run_scoped3A_114 : memref<!tpu.dma_semaphore, #tpu.memory_space<semaphore_mem>>) src(%dma_wait3A_123 : memref<632x128xf32, #tpu.memory_space<vmem_shared>>) dst(%dma_wait3A_121 : memref<632x128xf32, #tpu.memory_space<hbm>>)
      tpu.yield
    }) : () -> ()
    %barrier3A_48 = arith.constant 0 : index
    tpu.barrier barrier_id(%barrier3A_48)
    %mul3A_49 = arith.constant 632 : i32
    %mul3A_50 = arith.muli %arg1, %mul3A_49 : i32
    "tpu.region"() ({
      %run_scoped3A_114 = tpu.sem_alloc : memref<!tpu.dma_semaphore, #tpu.memory_space<semaphore_mem>>
      %dma_start3A_115 = arith.constant 0 : i32
      %dma_start3A_116 = tpu.memref_slice %arg12[%mul3A_50, %dma_start3A_115] : memref<10112x128xf32, #tpu.memory_space<vmem_shared>> -> memref<632x128xf32, #tpu.memory_space<vmem_shared>>
      tpu.enqueue_dma source(%arg6 : memref<632x128xf32, #tpu.memory_space<hbm>>) target(%dma_start3A_116 : memref<632x128xf32, #tpu.memory_space<vmem_shared>>) target_semaphore(%run_scoped3A_114 : memref<!tpu.dma_semaphore, #tpu.memory_space<semaphore_mem>>)
      %dma_wait3A = arith.constant 0 : i32
      %dma_wait3A_117 = tpu.memref_slice %arg12[%mul3A_50, %dma_wait3A] : memref<10112x128xf32, #tpu.memory_space<vmem_shared>> -> memref<632x128xf32, #tpu.memory_space<vmem_shared>>
      tpu.wait_dma2 semaphore(%run_scoped3A_114 : memref<!tpu.dma_semaphore, #tpu.memory_space<semaphore_mem>>) src(%arg6 : memref<632x128xf32, #tpu.memory_space<hbm>>) dst(%dma_wait3A_117 : memref<632x128xf32, #tpu.memory_space<vmem_shared>>)
      tpu.yield
    }) : () -> ()
    %barrier3A_51 = arith.constant 0 : index
    tpu.barrier barrier_id(%barrier3A_51)
    %dma_start3A_52 = arith.constant 0 : i32
    %dma_start3A_53 = arith.constant 0 : i32
    %dma_start3A_54 = arith.constant 0 : i32
    %dma_start3A_55 = arith.constant 0 : i32
    %dma_start3A_56 = tpu.memref_slice %arg11[%dma_start3A_53, %dma_start3A_54, %dma_start3A_55] : memref<2x64x128xf32, #tpu.memory_space<vmem>> -> memref<1x64x128xf32, #tpu.memory_space<vmem>>
    %dma_start3A_57 = tpu.memref_squeeze %dma_start3A_56 : memref<1x64x128xf32, #tpu.memory_space<vmem>> -> memref<64x128xf32, #tpu.memory_space<vmem>>
    %dma_start3A_58 = arith.constant 0 : i32
    %dma_start3A_59 = tpu.memref_slice %arg9[%dma_start3A_52, %dma_start3A_58] : memref<128x64xi32, #tpu.memory_space<vmem>> -> memref<1x64xi32, #tpu.memory_space<vmem>>
    %dma_start3A_60 = tpu.memref_squeeze %dma_start3A_59 : memref<1x64xi32, #tpu.memory_space<vmem>> -> memref<64xi32, #tpu.memory_space<vmem>>
    %dma_start3A_61 = arith.constant 0 : i32
    %dma_start3A_62 = arith.constant 0 : i32
    %dma_start3A_63 = tpu.memref_slice %arg3[%dma_start3A_61, %dma_start3A_62] : memref<10000x128xf32, #tpu.memory_space<hbm>> -> memref<10000x128xf32, #tpu.memory_space<hbm>>
    tpu.enqueue_indirect_dma source(%dma_start3A_63 : memref<10000x128xf32, #tpu.memory_space<hbm>>) target(%dma_start3A_57 : memref<64x128xf32, #tpu.memory_space<vmem>>) offsets(%dma_start3A_60 : memref<64xi32, #tpu.memory_space<vmem>>) semaphore(%arg13 : memref<!tpu.dma_semaphore, #tpu.memory_space<semaphore_mem>>)
    %dma_start3A_64 = arith.constant 1 : i32
    %dma_start3A_65 = arith.constant 1 : i32
    %dma_start3A_66 = arith.constant 0 : i32
    %dma_start3A_67 = arith.constant 0 : i32
    %dma_start3A_68 = tpu.memref_slice %arg11[%dma_start3A_65, %dma_start3A_66, %dma_start3A_67] : memref<2x64x128xf32, #tpu.memory_space<vmem>> -> memref<1x64x128xf32, #tpu.memory_space<vmem>>
    %dma_start3A_69 = tpu.memref_squeeze %dma_start3A_68 : memref<1x64x128xf32, #tpu.memory_space<vmem>> -> memref<64x128xf32, #tpu.memory_space<vmem>>
    %dma_start3A_70 = arith.constant 0 : i32
    %dma_start3A_71 = tpu.memref_slice %arg9[%dma_start3A_64, %dma_start3A_70] : memref<128x64xi32, #tpu.memory_space<vmem>> -> memref<1x64xi32, #tpu.memory_space<vmem>>
    %dma_start3A_72 = tpu.memref_squeeze %dma_start3A_71 : memref<1x64xi32, #tpu.memory_space<vmem>> -> memref<64xi32, #tpu.memory_space<vmem>>
    %dma_start3A_73 = arith.constant 0 : i32
    %dma_start3A_74 = arith.constant 0 : i32
    %dma_start3A_75 = tpu.memref_slice %arg3[%dma_start3A_73, %dma_start3A_74] : memref<10000x128xf32, #tpu.memory_space<hbm>> -> memref<10000x128xf32, #tpu.memory_space<hbm>>
    tpu.enqueue_indirect_dma source(%dma_start3A_75 : memref<10000x128xf32, #tpu.memory_space<hbm>>) target(%dma_start3A_69 : memref<64x128xf32, #tpu.memory_space<vmem>>) offsets(%dma_start3A_72 : memref<64xi32, #tpu.memory_space<vmem>>) semaphore(%arg13 : memref<!tpu.dma_semaphore, #tpu.memory_space<semaphore_mem>>)
    %while3A_76 = arith.constant 0 : i32
    %while3A_77 = arith.constant 0 : i32
    %while3A_78 = arith.subi %add3A_8, %while3A_77 : i32
    %while3A_79 = arith.addi %while3A_77, %while3A_78 : i32
    %while3A_80 = arith.constant 1 : i32
    %while3A_81 = arith.divsi %while3A_78, %while3A_80 : i32
    %while3A_82 = arith.muli %while3A_81, %while3A_80 : i32
    %while3A_83 = arith.addi %while3A_77, %while3A_82 : i32
    %while3A_84 = arith.constant 1 : i32
    scf.for %while3A_114 = %while3A_77 to %while3A_83 step %while3A_84  : i32 {
      %mul3A_115 = arith.constant 2 : i32
      %mul3A_116 = arith.muli %while3A_114, %mul3A_115 : i32
      %add3A_117 = arith.constant 1 : i32
      %add3A_118 = arith.addi %mul3A_116, %add3A_117 : i32
      %dma_wait3A = arith.constant 0 : i32
      %dma_wait3A_119 = arith.constant 0 : i32
      %dma_wait3A_120 = arith.constant 0 : i32
      %dma_wait3A_121 = arith.constant 0 : i32
      %dma_wait3A_122 = tpu.memref_slice %arg11[%dma_wait3A_119, %dma_wait3A_120, %dma_wait3A_121] : memref<2x64x128xf32, #tpu.memory_space<vmem>> -> memref<1x64x128xf32, #tpu.memory_space<vmem>>
      %dma_wait3A_123 = tpu.memref_squeeze %dma_wait3A_122 : memref<1x64x128xf32, #tpu.memory_space<vmem>> -> memref<64x128xf32, #tpu.memory_space<vmem>>
      %dma_wait3A_124 = arith.constant 0 : i32
      %dma_wait3A_125 = tpu.memref_slice %arg9[%dma_wait3A, %dma_wait3A_124] : memref<128x64xi32, #tpu.memory_space<vmem>> -> memref<1x64xi32, #tpu.memory_space<vmem>>
      %dma_wait3A_126 = tpu.memref_squeeze %dma_wait3A_125 : memref<1x64xi32, #tpu.memory_space<vmem>> -> memref<64xi32, #tpu.memory_space<vmem>>
      %dma_wait3A_127 = arith.constant 0 : i32
      %dma_wait3A_128 = arith.constant 0 : i32
      %dma_wait3A_129 = tpu.memref_slice %arg3[%dma_wait3A_127, %dma_wait3A_128] : memref<10000x128xf32, #tpu.memory_space<hbm>> -> memref<10000x128xf32, #tpu.memory_space<hbm>>
      tpu.wait_indirect_dma semaphore(%arg13 : memref<!tpu.dma_semaphore, #tpu.memory_space<semaphore_mem>>) src(%dma_wait3A_129 : memref<10000x128xf32, #tpu.memory_space<hbm>>) dst(%dma_wait3A_123 : memref<64x128xf32, #tpu.memory_space<vmem>>)
      %dma_start3A_130 = arith.constant 0 : i32
      %dma_start3A_131 = arith.constant 0 : i32
      %dma_start3A_132 = arith.constant 0 : i32
      %dma_start3A_133 = tpu.memref_slice %arg11[%dma_start3A_130, %dma_start3A_131, %dma_start3A_132] : memref<2x64x128xf32, #tpu.memory_space<vmem>> -> memref<1x64x128xf32, #tpu.memory_space<vmem>>
      %dma_start3A_134 = tpu.memref_squeeze %dma_start3A_133 : memref<1x64x128xf32, #tpu.memory_space<vmem>> -> memref<64x128xf32, #tpu.memory_space<vmem>>
      %dma_start3A_135 = arith.constant 0 : i32
      %dma_start3A_136 = tpu.memref_slice %arg10[%mul3A_116, %dma_start3A_135] : memref<128x64xi32, #tpu.memory_space<vmem>> -> memref<1x64xi32, #tpu.memory_space<vmem>>
      %dma_start3A_137 = tpu.memref_squeeze %dma_start3A_136 : memref<1x64xi32, #tpu.memory_space<vmem>> -> memref<64xi32, #tpu.memory_space<vmem>>
      %dma_start3A_138 = arith.constant 0 : i32
      %dma_start3A_139 = arith.constant 0 : i32
      %dma_start3A_140 = tpu.memref_slice %arg12[%dma_start3A_138, %dma_start3A_139] : memref<10112x128xf32, #tpu.memory_space<vmem_shared>> -> memref<10112x128xf32, #tpu.memory_space<vmem_shared>>
      tpu.enqueue_indirect_dma source(%dma_start3A_134 : memref<64x128xf32, #tpu.memory_space<vmem>>) target(%dma_start3A_140 : memref<10112x128xf32, #tpu.memory_space<vmem_shared>>) offsets(%dma_start3A_137 : memref<64xi32, #tpu.memory_space<vmem>>) semaphore(%arg14 : memref<!tpu.dma_semaphore, #tpu.memory_space<semaphore_mem>>) {add = true}
      %dma_wait3A_141 = arith.constant 0 : i32
      %dma_wait3A_142 = arith.constant 1 : i32
      %dma_wait3A_143 = arith.constant 0 : i32
      %dma_wait3A_144 = arith.constant 0 : i32
      %dma_wait3A_145 = tpu.memref_slice %arg11[%dma_wait3A_142, %dma_wait3A_143, %dma_wait3A_144] : memref<2x64x128xf32, #tpu.memory_space<vmem>> -> memref<1x64x128xf32, #tpu.memory_space<vmem>>
      %dma_wait3A_146 = tpu.memref_squeeze %dma_wait3A_145 : memref<1x64x128xf32, #tpu.memory_space<vmem>> -> memref<64x128xf32, #tpu.memory_space<vmem>>
      %dma_wait3A_147 = arith.constant 0 : i32
      %dma_wait3A_148 = tpu.memref_slice %arg9[%dma_wait3A_141, %dma_wait3A_147] : memref<128x64xi32, #tpu.memory_space<vmem>> -> memref<1x64xi32, #tpu.memory_space<vmem>>
      %dma_wait3A_149 = tpu.memref_squeeze %dma_wait3A_148 : memref<1x64xi32, #tpu.memory_space<vmem>> -> memref<64xi32, #tpu.memory_space<vmem>>
      %dma_wait3A_150 = arith.constant 0 : i32
      %dma_wait3A_151 = arith.constant 0 : i32
      %dma_wait3A_152 = tpu.memref_slice %arg3[%dma_wait3A_150, %dma_wait3A_151] : memref<10000x128xf32, #tpu.memory_space<hbm>> -> memref<10000x128xf32, #tpu.memory_space<hbm>>
      tpu.wait_indirect_dma semaphore(%arg13 : memref<!tpu.dma_semaphore, #tpu.memory_space<semaphore_mem>>) src(%dma_wait3A_152 : memref<10000x128xf32, #tpu.memory_space<hbm>>) dst(%dma_wait3A_146 : memref<64x128xf32, #tpu.memory_space<vmem>>)
      %dma_start3A_153 = arith.constant 1 : i32
      %dma_start3A_154 = arith.constant 0 : i32
      %dma_start3A_155 = arith.constant 0 : i32
      %dma_start3A_156 = tpu.memref_slice %arg11[%dma_start3A_153, %dma_start3A_154, %dma_start3A_155] : memref<2x64x128xf32, #tpu.memory_space<vmem>> -> memref<1x64x128xf32, #tpu.memory_space<vmem>>
      %dma_start3A_157 = tpu.memref_squeeze %dma_start3A_156 : memref<1x64x128xf32, #tpu.memory_space<vmem>> -> memref<64x128xf32, #tpu.memory_space<vmem>>
      %dma_start3A_158 = arith.constant 0 : i32
      %dma_start3A_159 = tpu.memref_slice %arg10[%add3A_118, %dma_start3A_158] : memref<128x64xi32, #tpu.memory_space<vmem>> -> memref<1x64xi32, #tpu.memory_space<vmem>>
      %dma_start3A_160 = tpu.memref_squeeze %dma_start3A_159 : memref<1x64xi32, #tpu.memory_space<vmem>> -> memref<64xi32, #tpu.memory_space<vmem>>
      %dma_start3A_161 = arith.constant 0 : i32
      %dma_start3A_162 = arith.constant 0 : i32
      %dma_start3A_163 = tpu.memref_slice %arg12[%dma_start3A_161, %dma_start3A_162] : memref<10112x128xf32, #tpu.memory_space<vmem_shared>> -> memref<10112x128xf32, #tpu.memory_space<vmem_shared>>
      tpu.enqueue_indirect_dma source(%dma_start3A_157 : memref<64x128xf32, #tpu.memory_space<vmem>>) target(%dma_start3A_163 : memref<10112x128xf32, #tpu.memory_space<vmem_shared>>) offsets(%dma_start3A_160 : memref<64xi32, #tpu.memory_space<vmem>>) semaphore(%arg14 : memref<!tpu.dma_semaphore, #tpu.memory_space<semaphore_mem>>) {add = true}
      %dma_wait3A_164 = arith.constant 0 : i32
      %dma_wait3A_165 = arith.constant 0 : i32
      %dma_wait3A_166 = arith.constant 0 : i32
      %dma_wait3A_167 = arith.constant 0 : i32
      %dma_wait3A_168 = tpu.memref_slice %arg11[%dma_wait3A_164, %dma_wait3A_166, %dma_wait3A_167] : memref<2x64x128xf32, #tpu.memory_space<vmem>> -> memref<1x64x128xf32, #tpu.memory_space<vmem>>
      %dma_wait3A_169 = tpu.memref_squeeze %dma_wait3A_168 : memref<1x64x128xf32, #tpu.memory_space<vmem>> -> memref<64x128xf32, #tpu.memory_space<vmem>>
      %dma_wait3A_170 = arith.constant 0 : i32
      %dma_wait3A_171 = tpu.memref_slice %arg10[%dma_wait3A_165, %dma_wait3A_170] : memref<128x64xi32, #tpu.memory_space<vmem>> -> memref<1x64xi32, #tpu.memory_space<vmem>>
      %dma_wait3A_172 = tpu.memref_squeeze %dma_wait3A_171 : memref<1x64xi32, #tpu.memory_space<vmem>> -> memref<64xi32, #tpu.memory_space<vmem>>
      %dma_wait3A_173 = arith.constant 0 : i32
      %dma_wait3A_174 = arith.constant 0 : i32
      %dma_wait3A_175 = tpu.memref_slice %arg12[%dma_wait3A_173, %dma_wait3A_174] : memref<10112x128xf32, #tpu.memory_space<vmem_shared>> -> memref<10112x128xf32, #tpu.memory_space<vmem_shared>>
      tpu.wait_indirect_dma semaphore(%arg14 : memref<!tpu.dma_semaphore, #tpu.memory_space<semaphore_mem>>) src(%dma_wait3A_169 : memref<64x128xf32, #tpu.memory_space<vmem>>) dst(%dma_wait3A_175 : memref<10112x128xf32, #tpu.memory_space<vmem_shared>>)
      %add3A_176 = arith.constant 2 : i32
      %add3A_177 = arith.addi %mul3A_116, %add3A_176 : i32
      %lt3A = arith.cmpi slt, %add3A_177, %add3A_4 : i32
      %convert_element_type3A = arith.extui %lt3A : i1 to i32
      %cond3A = arith.constant 0 : i32
      %cond3A_178 = arith.cmpi ne, %convert_element_type3A, %cond3A : i32
      scf.if %cond3A_178 {
        %add3A_197 = arith.constant 2 : i32
        %add3A_198 = arith.addi %mul3A_116, %add3A_197 : i32
        %dma_start3A_199 = arith.constant 0 : i32
        %dma_start3A_200 = arith.constant 0 : i32
        %dma_start3A_201 = arith.constant 0 : i32
        %dma_start3A_202 = tpu.memref_slice %arg11[%dma_start3A_199, %dma_start3A_200, %dma_start3A_201] : memref<2x64x128xf32, #tpu.memory_space<vmem>> -> memref<1x64x128xf32, #tpu.memory_space<vmem>>
        %dma_start3A_203 = tpu.memref_squeeze %dma_start3A_202 : memref<1x64x128xf32, #tpu.memory_space<vmem>> -> memref<64x128xf32, #tpu.memory_space<vmem>>
        %dma_start3A_204 = arith.constant 0 : i32
        %dma_start3A_205 = tpu.memref_slice %arg9[%add3A_198, %dma_start3A_204] : memref<128x64xi32, #tpu.memory_space<vmem>> -> memref<1x64xi32, #tpu.memory_space<vmem>>
        %dma_start3A_206 = tpu.memref_squeeze %dma_start3A_205 : memref<1x64xi32, #tpu.memory_space<vmem>> -> memref<64xi32, #tpu.memory_space<vmem>>
        %dma_start3A_207 = arith.constant 0 : i32
        %dma_start3A_208 = arith.constant 0 : i32
        %dma_start3A_209 = tpu.memref_slice %arg3[%dma_start3A_207, %dma_start3A_208] : memref<10000x128xf32, #tpu.memory_space<hbm>> -> memref<10000x128xf32, #tpu.memory_space<hbm>>
        tpu.enqueue_indirect_dma source(%dma_start3A_209 : memref<10000x128xf32, #tpu.memory_space<hbm>>) target(%dma_start3A_203 : memref<64x128xf32, #tpu.memory_space<vmem>>) offsets(%dma_start3A_206 : memref<64xi32, #tpu.memory_space<vmem>>) semaphore(%arg13 : memref<!tpu.dma_semaphore, #tpu.memory_space<semaphore_mem>>)
      } else {
      }
      %dma_wait3A_179 = arith.constant 1 : i32
      %dma_wait3A_180 = arith.constant 0 : i32
      %dma_wait3A_181 = arith.constant 0 : i32
      %dma_wait3A_182 = arith.constant 0 : i32
      %dma_wait3A_183 = tpu.memref_slice %arg11[%dma_wait3A_179, %dma_wait3A_181, %dma_wait3A_182] : memref<2x64x128xf32, #tpu.memory_space<vmem>> -> memref<1x64x128xf32, #tpu.memory_space<vmem>>
      %dma_wait3A_184 = tpu.memref_squeeze %dma_wait3A_183 : memref<1x64x128xf32, #tpu.memory_space<vmem>> -> memref<64x128xf32, #tpu.memory_space<vmem>>
      %dma_wait3A_185 = arith.constant 0 : i32
      %dma_wait3A_186 = tpu.memref_slice %arg10[%dma_wait3A_180, %dma_wait3A_185] : memref<128x64xi32, #tpu.memory_space<vmem>> -> memref<1x64xi32, #tpu.memory_space<vmem>>
      %dma_wait3A_187 = tpu.memref_squeeze %dma_wait3A_186 : memref<1x64xi32, #tpu.memory_space<vmem>> -> memref<64xi32, #tpu.memory_space<vmem>>
      %dma_wait3A_188 = arith.constant 0 : i32
      %dma_wait3A_189 = arith.constant 0 : i32
      %dma_wait3A_190 = tpu.memref_slice %arg12[%dma_wait3A_188, %dma_wait3A_189] : memref<10112x128xf32, #tpu.memory_space<vmem_shared>> -> memref<10112x128xf32, #tpu.memory_space<vmem_shared>>
      tpu.wait_indirect_dma semaphore(%arg14 : memref<!tpu.dma_semaphore, #tpu.memory_space<semaphore_mem>>) src(%dma_wait3A_184 : memref<64x128xf32, #tpu.memory_space<vmem>>) dst(%dma_wait3A_190 : memref<10112x128xf32, #tpu.memory_space<vmem_shared>>)
      %add3A_191 = arith.constant 2 : i32
      %add3A_192 = arith.addi %add3A_118, %add3A_191 : i32
      %lt3A_193 = arith.cmpi slt, %add3A_192, %add3A_4 : i32
      %convert_element_type3A_194 = arith.extui %lt3A_193 : i1 to i32
      %cond3A_195 = arith.constant 0 : i32
      %cond3A_196 = arith.cmpi ne, %convert_element_type3A_194, %cond3A_195 : i32
      scf.if %cond3A_196 {
        %add3A_197 = arith.constant 2 : i32
        %add3A_198 = arith.addi %add3A_118, %add3A_197 : i32
        %dma_start3A_199 = arith.constant 1 : i32
        %dma_start3A_200 = arith.constant 0 : i32
        %dma_start3A_201 = arith.constant 0 : i32
        %dma_start3A_202 = tpu.memref_slice %arg11[%dma_start3A_199, %dma_start3A_200, %dma_start3A_201] : memref<2x64x128xf32, #tpu.memory_space<vmem>> -> memref<1x64x128xf32, #tpu.memory_space<vmem>>
        %dma_start3A_203 = tpu.memref_squeeze %dma_start3A_202 : memref<1x64x128xf32, #tpu.memory_space<vmem>> -> memref<64x128xf32, #tpu.memory_space<vmem>>
        %dma_start3A_204 = arith.constant 0 : i32
        %dma_start3A_205 = tpu.memref_slice %arg9[%add3A_198, %dma_start3A_204] : memref<128x64xi32, #tpu.memory_space<vmem>> -> memref<1x64xi32, #tpu.memory_space<vmem>>
        %dma_start3A_206 = tpu.memref_squeeze %dma_start3A_205 : memref<1x64xi32, #tpu.memory_space<vmem>> -> memref<64xi32, #tpu.memory_space<vmem>>
        %dma_start3A_207 = arith.constant 0 : i32
        %dma_start3A_208 = arith.constant 0 : i32
        %dma_start3A_209 = tpu.memref_slice %arg3[%dma_start3A_207, %dma_start3A_208] : memref<10000x128xf32, #tpu.memory_space<hbm>> -> memref<10000x128xf32, #tpu.memory_space<hbm>>
        tpu.enqueue_indirect_dma source(%dma_start3A_209 : memref<10000x128xf32, #tpu.memory_space<hbm>>) target(%dma_start3A_203 : memref<64x128xf32, #tpu.memory_space<vmem>>) offsets(%dma_start3A_206 : memref<64xi32, #tpu.memory_space<vmem>>) semaphore(%arg13 : memref<!tpu.dma_semaphore, #tpu.memory_space<semaphore_mem>>)
      } else {
      }
    }
    %while3A_85 = arith.constant 1 : i32
    scf.for %while3A_114 = %while3A_83 to %while3A_79 step %while3A_85  : i32 {
      %mul3A_115 = arith.constant 2 : i32
      %mul3A_116 = arith.muli %while3A_114, %mul3A_115 : i32
      %add3A_117 = arith.constant 1 : i32
      %add3A_118 = arith.addi %mul3A_116, %add3A_117 : i32
      %dma_wait3A = arith.constant 0 : i32
      %dma_wait3A_119 = arith.constant 0 : i32
      %dma_wait3A_120 = arith.constant 0 : i32
      %dma_wait3A_121 = arith.constant 0 : i32
      %dma_wait3A_122 = tpu.memref_slice %arg11[%dma_wait3A_119, %dma_wait3A_120, %dma_wait3A_121] : memref<2x64x128xf32, #tpu.memory_space<vmem>> -> memref<1x64x128xf32, #tpu.memory_space<vmem>>
      %dma_wait3A_123 = tpu.memref_squeeze %dma_wait3A_122 : memref<1x64x128xf32, #tpu.memory_space<vmem>> -> memref<64x128xf32, #tpu.memory_space<vmem>>
      %dma_wait3A_124 = arith.constant 0 : i32
      %dma_wait3A_125 = tpu.memref_slice %arg9[%dma_wait3A, %dma_wait3A_124] : memref<128x64xi32, #tpu.memory_space<vmem>> -> memref<1x64xi32, #tpu.memory_space<vmem>>
      %dma_wait3A_126 = tpu.memref_squeeze %dma_wait3A_125 : memref<1x64xi32, #tpu.memory_space<vmem>> -> memref<64xi32, #tpu.memory_space<vmem>>
      %dma_wait3A_127 = arith.constant 0 : i32
      %dma_wait3A_128 = arith.constant 0 : i32
      %dma_wait3A_129 = tpu.memref_slice %arg3[%dma_wait3A_127, %dma_wait3A_128] : memref<10000x128xf32, #tpu.memory_space<hbm>> -> memref<10000x128xf32, #tpu.memory_space<hbm>>
      tpu.wait_indirect_dma semaphore(%arg13 : memref<!tpu.dma_semaphore, #tpu.memory_space<semaphore_mem>>) src(%dma_wait3A_129 : memref<10000x128xf32, #tpu.memory_space<hbm>>) dst(%dma_wait3A_123 : memref<64x128xf32, #tpu.memory_space<vmem>>)
      %dma_start3A_130 = arith.constant 0 : i32
      %dma_start3A_131 = arith.constant 0 : i32
      %dma_start3A_132 = arith.constant 0 : i32
      %dma_start3A_133 = tpu.memref_slice %arg11[%dma_start3A_130, %dma_start3A_131, %dma_start3A_132] : memref<2x64x128xf32, #tpu.memory_space<vmem>> -> memref<1x64x128xf32, #tpu.memory_space<vmem>>
      %dma_start3A_134 = tpu.memref_squeeze %dma_start3A_133 : memref<1x64x128xf32, #tpu.memory_space<vmem>> -> memref<64x128xf32, #tpu.memory_space<vmem>>
      %dma_start3A_135 = arith.constant 0 : i32
      %dma_start3A_136 = tpu.memref_slice %arg10[%mul3A_116, %dma_start3A_135] : memref<128x64xi32, #tpu.memory_space<vmem>> -> memref<1x64xi32, #tpu.memory_space<vmem>>
      %dma_start3A_137 = tpu.memref_squeeze %dma_start3A_136 : memref<1x64xi32, #tpu.memory_space<vmem>> -> memref<64xi32, #tpu.memory_space<vmem>>
      %dma_start3A_138 = arith.constant 0 : i32
      %dma_start3A_139 = arith.constant 0 : i32
      %dma_start3A_140 = tpu.memref_slice %arg12[%dma_start3A_138, %dma_start3A_139] : memref<10112x128xf32, #tpu.memory_space<vmem_shared>> -> memref<10112x128xf32, #tpu.memory_space<vmem_shared>>
      tpu.enqueue_indirect_dma source(%dma_start3A_134 : memref<64x128xf32, #tpu.memory_space<vmem>>) target(%dma_start3A_140 : memref<10112x128xf32, #tpu.memory_space<vmem_shared>>) offsets(%dma_start3A_137 : memref<64xi32, #tpu.memory_space<vmem>>) semaphore(%arg14 : memref<!tpu.dma_semaphore, #tpu.memory_space<semaphore_mem>>) {add = true}
      %dma_wait3A_141 = arith.constant 0 : i32
      %dma_wait3A_142 = arith.constant 1 : i32
      %dma_wait3A_143 = arith.constant 0 : i32
      %dma_wait3A_144 = arith.constant 0 : i32
      %dma_wait3A_145 = tpu.memref_slice %arg11[%dma_wait3A_142, %dma_wait3A_143, %dma_wait3A_144] : memref<2x64x128xf32, #tpu.memory_space<vmem>> -> memref<1x64x128xf32, #tpu.memory_space<vmem>>
      %dma_wait3A_146 = tpu.memref_squeeze %dma_wait3A_145 : memref<1x64x128xf32, #tpu.memory_space<vmem>> -> memref<64x128xf32, #tpu.memory_space<vmem>>
      %dma_wait3A_147 = arith.constant 0 : i32
      %dma_wait3A_148 = tpu.memref_slice %arg9[%dma_wait3A_141, %dma_wait3A_147] : memref<128x64xi32, #tpu.memory_space<vmem>> -> memref<1x64xi32, #tpu.memory_space<vmem>>
      %dma_wait3A_149 = tpu.memref_squeeze %dma_wait3A_148 : memref<1x64xi32, #tpu.memory_space<vmem>> -> memref<64xi32, #tpu.memory_space<vmem>>
      %dma_wait3A_150 = arith.constant 0 : i32
      %dma_wait3A_151 = arith.constant 0 : i32
      %dma_wait3A_152 = tpu.memref_slice %arg3[%dma_wait3A_150, %dma_wait3A_151] : memref<10000x128xf32, #tpu.memory_space<hbm>> -> memref<10000x128xf32, #tpu.memory_space<hbm>>
      tpu.wait_indirect_dma semaphore(%arg13 : memref<!tpu.dma_semaphore, #tpu.memory_space<semaphore_mem>>) src(%dma_wait3A_152 : memref<10000x128xf32, #tpu.memory_space<hbm>>) dst(%dma_wait3A_146 : memref<64x128xf32, #tpu.memory_space<vmem>>)
      %dma_start3A_153 = arith.constant 1 : i32
      %dma_start3A_154 = arith.constant 0 : i32
      %dma_start3A_155 = arith.constant 0 : i32
      %dma_start3A_156 = tpu.memref_slice %arg11[%dma_start3A_153, %dma_start3A_154, %dma_start3A_155] : memref<2x64x128xf32, #tpu.memory_space<vmem>> -> memref<1x64x128xf32, #tpu.memory_space<vmem>>
      %dma_start3A_157 = tpu.memref_squeeze %dma_start3A_156 : memref<1x64x128xf32, #tpu.memory_space<vmem>> -> memref<64x128xf32, #tpu.memory_space<vmem>>
      %dma_start3A_158 = arith.constant 0 : i32
      %dma_start3A_159 = tpu.memref_slice %arg10[%add3A_118, %dma_start3A_158] : memref<128x64xi32, #tpu.memory_space<vmem>> -> memref<1x64xi32, #tpu.memory_space<vmem>>
      %dma_start3A_160 = tpu.memref_squeeze %dma_start3A_159 : memref<1x64xi32, #tpu.memory_space<vmem>> -> memref<64xi32, #tpu.memory_space<vmem>>
      %dma_start3A_161 = arith.constant 0 : i32
      %dma_start3A_162 = arith.constant 0 : i32
      %dma_start3A_163 = tpu.memref_slice %arg12[%dma_start3A_161, %dma_start3A_162] : memref<10112x128xf32, #tpu.memory_space<vmem_shared>> -> memref<10112x128xf32, #tpu.memory_space<vmem_shared>>
      tpu.enqueue_indirect_dma source(%dma_start3A_157 : memref<64x128xf32, #tpu.memory_space<vmem>>) target(%dma_start3A_163 : memref<10112x128xf32, #tpu.memory_space<vmem_shared>>) offsets(%dma_start3A_160 : memref<64xi32, #tpu.memory_space<vmem>>) semaphore(%arg14 : memref<!tpu.dma_semaphore, #tpu.memory_space<semaphore_mem>>) {add = true}
      %dma_wait3A_164 = arith.constant 0 : i32
      %dma_wait3A_165 = arith.constant 0 : i32
      %dma_wait3A_166 = arith.constant 0 : i32
      %dma_wait3A_167 = arith.constant 0 : i32
      %dma_wait3A_168 = tpu.memref_slice %arg11[%dma_wait3A_164, %dma_wait3A_166, %dma_wait3A_167] : memref<2x64x128xf32, #tpu.memory_space<vmem>> -> memref<1x64x128xf32, #tpu.memory_space<vmem>>
      %dma_wait3A_169 = tpu.memref_squeeze %dma_wait3A_168 : memref<1x64x128xf32, #tpu.memory_space<vmem>> -> memref<64x128xf32, #tpu.memory_space<vmem>>
      %dma_wait3A_170 = arith.constant 0 : i32
      %dma_wait3A_171 = tpu.memref_slice %arg10[%dma_wait3A_165, %dma_wait3A_170] : memref<128x64xi32, #tpu.memory_space<vmem>> -> memref<1x64xi32, #tpu.memory_space<vmem>>
      %dma_wait3A_172 = tpu.memref_squeeze %dma_wait3A_171 : memref<1x64xi32, #tpu.memory_space<vmem>> -> memref<64xi32, #tpu.memory_space<vmem>>
      %dma_wait3A_173 = arith.constant 0 : i32
      %dma_wait3A_174 = arith.constant 0 : i32
      %dma_wait3A_175 = tpu.memref_slice %arg12[%dma_wait3A_173, %dma_wait3A_174] : memref<10112x128xf32, #tpu.memory_space<vmem_shared>> -> memref<10112x128xf32, #tpu.memory_space<vmem_shared>>
      tpu.wait_indirect_dma semaphore(%arg14 : memref<!tpu.dma_semaphore, #tpu.memory_space<semaphore_mem>>) src(%dma_wait3A_169 : memref<64x128xf32, #tpu.memory_space<vmem>>) dst(%dma_wait3A_175 : memref<10112x128xf32, #tpu.memory_space<vmem_shared>>)
      %add3A_176 = arith.constant 2 : i32
      %add3A_177 = arith.addi %mul3A_116, %add3A_176 : i32
      %lt3A = arith.cmpi slt, %add3A_177, %add3A_4 : i32
      %convert_element_type3A = arith.extui %lt3A : i1 to i32
      %cond3A = arith.constant 0 : i32
      %cond3A_178 = arith.cmpi ne, %convert_element_type3A, %cond3A : i32
      scf.if %cond3A_178 {
        %add3A_197 = arith.constant 2 : i32
        %add3A_198 = arith.addi %mul3A_116, %add3A_197 : i32
        %dma_start3A_199 = arith.constant 0 : i32
        %dma_start3A_200 = arith.constant 0 : i32
        %dma_start3A_201 = arith.constant 0 : i32
        %dma_start3A_202 = tpu.memref_slice %arg11[%dma_start3A_199, %dma_start3A_200, %dma_start3A_201] : memref<2x64x128xf32, #tpu.memory_space<vmem>> -> memref<1x64x128xf32, #tpu.memory_space<vmem>>
        %dma_start3A_203 = tpu.memref_squeeze %dma_start3A_202 : memref<1x64x128xf32, #tpu.memory_space<vmem>> -> memref<64x128xf32, #tpu.memory_space<vmem>>
        %dma_start3A_204 = arith.constant 0 : i32
        %dma_start3A_205 = tpu.memref_slice %arg9[%add3A_198, %dma_start3A_204] : memref<128x64xi32, #tpu.memory_space<vmem>> -> memref<1x64xi32, #tpu.memory_space<vmem>>
        %dma_start3A_206 = tpu.memref_squeeze %dma_start3A_205 : memref<1x64xi32, #tpu.memory_space<vmem>> -> memref<64xi32, #tpu.memory_space<vmem>>
        %dma_start3A_207 = arith.constant 0 : i32
        %dma_start3A_208 = arith.constant 0 : i32
        %dma_start3A_209 = tpu.memref_slice %arg3[%dma_start3A_207, %dma_start3A_208] : memref<10000x128xf32, #tpu.memory_space<hbm>> -> memref<10000x128xf32, #tpu.memory_space<hbm>>
        tpu.enqueue_indirect_dma source(%dma_start3A_209 : memref<10000x128xf32, #tpu.memory_space<hbm>>) target(%dma_start3A_203 : memref<64x128xf32, #tpu.memory_space<vmem>>) offsets(%dma_start3A_206 : memref<64xi32, #tpu.memory_space<vmem>>) semaphore(%arg13 : memref<!tpu.dma_semaphore, #tpu.memory_space<semaphore_mem>>)
      } else {
      }
      %dma_wait3A_179 = arith.constant 1 : i32
      %dma_wait3A_180 = arith.constant 0 : i32
      %dma_wait3A_181 = arith.constant 0 : i32
      %dma_wait3A_182 = arith.constant 0 : i32
      %dma_wait3A_183 = tpu.memref_slice %arg11[%dma_wait3A_179, %dma_wait3A_181, %dma_wait3A_182] : memref<2x64x128xf32, #tpu.memory_space<vmem>> -> memref<1x64x128xf32, #tpu.memory_space<vmem>>
      %dma_wait3A_184 = tpu.memref_squeeze %dma_wait3A_183 : memref<1x64x128xf32, #tpu.memory_space<vmem>> -> memref<64x128xf32, #tpu.memory_space<vmem>>
      %dma_wait3A_185 = arith.constant 0 : i32
      %dma_wait3A_186 = tpu.memref_slice %arg10[%dma_wait3A_180, %dma_wait3A_185] : memref<128x64xi32, #tpu.memory_space<vmem>> -> memref<1x64xi32, #tpu.memory_space<vmem>>
      %dma_wait3A_187 = tpu.memref_squeeze %dma_wait3A_186 : memref<1x64xi32, #tpu.memory_space<vmem>> -> memref<64xi32, #tpu.memory_space<vmem>>
      %dma_wait3A_188 = arith.constant 0 : i32
      %dma_wait3A_189 = arith.constant 0 : i32
      %dma_wait3A_190 = tpu.memref_slice %arg12[%dma_wait3A_188, %dma_wait3A_189] : memref<10112x128xf32, #tpu.memory_space<vmem_shared>> -> memref<10112x128xf32, #tpu.memory_space<vmem_shared>>
      tpu.wait_indirect_dma semaphore(%arg14 : memref<!tpu.dma_semaphore, #tpu.memory_space<semaphore_mem>>) src(%dma_wait3A_184 : memref<64x128xf32, #tpu.memory_space<vmem>>) dst(%dma_wait3A_190 : memref<10112x128xf32, #tpu.memory_space<vmem_shared>>)
      %add3A_191 = arith.constant 2 : i32
      %add3A_192 = arith.addi %add3A_118, %add3A_191 : i32
      %lt3A_193 = arith.cmpi slt, %add3A_192, %add3A_4 : i32
      %convert_element_type3A_194 = arith.extui %lt3A_193 : i1 to i32
      %cond3A_195 = arith.constant 0 : i32
      %cond3A_196 = arith.cmpi ne, %convert_element_type3A_194, %cond3A_195 : i32
      scf.if %cond3A_196 {
        %add3A_197 = arith.constant 2 : i32
        %add3A_198 = arith.addi %add3A_118, %add3A_197 : i32
        %dma_start3A_199 = arith.constant 1 : i32
        %dma_start3A_200 = arith.constant 0 : i32
        %dma_start3A_201 = arith.constant 0 : i32
        %dma_start3A_202 = tpu.memref_slice %arg11[%dma_start3A_199, %dma_start3A_200, %dma_start3A_201] : memref<2x64x128xf32, #tpu.memory_space<vmem>> -> memref<1x64x128xf32, #tpu.memory_space<vmem>>
        %dma_start3A_203 = tpu.memref_squeeze %dma_start3A_202 : memref<1x64x128xf32, #tpu.memory_space<vmem>> -> memref<64x128xf32, #tpu.memory_space<vmem>>
        %dma_start3A_204 = arith.constant 0 : i32
        %dma_start3A_205 = tpu.memref_slice %arg9[%add3A_198, %dma_start3A_204] : memref<128x64xi32, #tpu.memory_space<vmem>> -> memref<1x64xi32, #tpu.memory_space<vmem>>
        %dma_start3A_206 = tpu.memref_squeeze %dma_start3A_205 : memref<1x64xi32, #tpu.memory_space<vmem>> -> memref<64xi32, #tpu.memory_space<vmem>>
        %dma_start3A_207 = arith.constant 0 : i32
        %dma_start3A_208 = arith.constant 0 : i32
        %dma_start3A_209 = tpu.memref_slice %arg3[%dma_start3A_207, %dma_start3A_208] : memref<10000x128xf32, #tpu.memory_space<hbm>> -> memref<10000x128xf32, #tpu.memory_space<hbm>>
        tpu.enqueue_indirect_dma source(%dma_start3A_209 : memref<10000x128xf32, #tpu.memory_space<hbm>>) target(%dma_start3A_203 : memref<64x128xf32, #tpu.memory_space<vmem>>) offsets(%dma_start3A_206 : memref<64xi32, #tpu.memory_space<vmem>>) semaphore(%arg13 : memref<!tpu.dma_semaphore, #tpu.memory_space<semaphore_mem>>)
      } else {
      }
    }
    %barrier3A_86 = arith.constant 0 : index
    tpu.barrier barrier_id(%barrier3A_86)
    %mul3A_87 = arith.constant 632 : i32
    %mul3A_88 = arith.muli %arg1, %mul3A_87 : i32
    %mul3A_89 = arith.constant 632 : i32
    %mul3A_90 = arith.muli %arg1, %mul3A_89 : i32
    %run_scoped3A_91 = arith.constant 1 : i32
    "tpu.region"() ({
      %run_scoped3A_114 = tpu.sem_alloc : memref<!tpu.dma_semaphore, #tpu.memory_space<semaphore_mem>>
      %dma_start3A_115 = arith.constant 0 : i32
      %dma_start3A_116 = tpu.memref_slice %arg8[%arg0, %run_scoped3A_91, %mul3A_90, %dma_start3A_115] : memref<2x3x10112x128xf32, #tpu.memory_space<hbm>> -> memref<1x1x632x128xf32, #tpu.memory_space<hbm>>
      %dma_start3A_117 = tpu.memref_squeeze %dma_start3A_116 : memref<1x1x632x128xf32, #tpu.memory_space<hbm>> -> memref<632x128xf32, #tpu.memory_space<hbm>>
      %dma_start3A_118 = arith.constant 0 : i32
      %dma_start3A_119 = tpu.memref_slice %arg12[%mul3A_88, %dma_start3A_118] : memref<10112x128xf32, #tpu.memory_space<vmem_shared>> -> memref<632x128xf32, #tpu.memory_space<vmem_shared>>
      tpu.enqueue_dma source(%dma_start3A_119 : memref<632x128xf32, #tpu.memory_space<vmem_shared>>) target(%dma_start3A_117 : memref<632x128xf32, #tpu.memory_space<hbm>>) target_semaphore(%run_scoped3A_114 : memref<!tpu.dma_semaphore, #tpu.memory_space<semaphore_mem>>)
      %dma_wait3A = arith.constant 0 : i32
      %dma_wait3A_120 = tpu.memref_slice %arg8[%arg0, %run_scoped3A_91, %mul3A_90, %dma_wait3A] : memref<2x3x10112x128xf32, #tpu.memory_space<hbm>> -> memref<1x1x632x128xf32, #tpu.memory_space<hbm>>
      %dma_wait3A_121 = tpu.memref_squeeze %dma_wait3A_120 : memref<1x1x632x128xf32, #tpu.memory_space<hbm>> -> memref<632x128xf32, #tpu.memory_space<hbm>>
      %dma_wait3A_122 = arith.constant 0 : i32
      %dma_wait3A_123 = tpu.memref_slice %arg12[%mul3A_88, %dma_wait3A_122] : memref<10112x128xf32, #tpu.memory_space<vmem_shared>> -> memref<632x128xf32, #tpu.memory_space<vmem_shared>>
      tpu.wait_dma2 semaphore(%run_scoped3A_114 : memref<!tpu.dma_semaphore, #tpu.memory_space<semaphore_mem>>) src(%dma_wait3A_123 : memref<632x128xf32, #tpu.memory_space<vmem_shared>>) dst(%dma_wait3A_121 : memref<632x128xf32, #tpu.memory_space<hbm>>)
      tpu.yield
    }) : () -> ()
    %barrier3A_92 = arith.constant 0 : index
    tpu.barrier barrier_id(%barrier3A_92)
    %mul3A_93 = arith.constant 632 : i32
    %mul3A_94 = arith.muli %arg1, %mul3A_93 : i32
    "tpu.region"() ({
      %run_scoped3A_114 = tpu.sem_alloc : memref<!tpu.dma_semaphore, #tpu.memory_space<semaphore_mem>>
      %dma_start3A_115 = arith.constant 0 : i32
      %dma_start3A_116 = tpu.memref_slice %arg12[%mul3A_94, %dma_start3A_115] : memref<10112x128xf32, #tpu.memory_space<vmem_shared>> -> memref<632x128xf32, #tpu.memory_space<vmem_shared>>
      tpu.enqueue_dma source(%arg6 : memref<632x128xf32, #tpu.memory_space<hbm>>) target(%dma_start3A_116 : memref<632x128xf32, #tpu.memory_space<vmem_shared>>) target_semaphore(%run_scoped3A_114 : memref<!tpu.dma_semaphore, #tpu.memory_space<semaphore_mem>>)
      %dma_wait3A = arith.constant 0 : i32
      %dma_wait3A_117 = tpu.memref_slice %arg12[%mul3A_94, %dma_wait3A] : memref<10112x128xf32, #tpu.memory_space<vmem_shared>> -> memref<632x128xf32, #tpu.memory_space<vmem_shared>>
      tpu.wait_dma2 semaphore(%run_scoped3A_114 : memref<!tpu.dma_semaphore, #tpu.memory_space<semaphore_mem>>) src(%arg6 : memref<632x128xf32, #tpu.memory_space<hbm>>) dst(%dma_wait3A_117 : memref<632x128xf32, #tpu.memory_space<vmem_shared>>)
      tpu.yield
    }) : () -> ()
    %run_scoped3A_95 = arith.constant 0 : i32
    "tpu.region"() ({
      %run_scoped3A_114 = tpu.sem_alloc : memref<!tpu.dma_semaphore, #tpu.memory_space<semaphore_mem>>
      %dma_start3A_115 = arith.constant 0 : i32
      %dma_start3A_116 = arith.constant 0 : i32
      %dma_start3A_117 = tpu.memref_slice %arg11[%run_scoped3A_95, %dma_start3A_115, %dma_start3A_116] : memref<2x64x128xf32, #tpu.memory_space<vmem>> -> memref<1x64x128xf32, #tpu.memory_space<vmem>>
      %dma_start3A_118 = tpu.memref_squeeze %dma_start3A_117 : memref<1x64x128xf32, #tpu.memory_space<vmem>> -> memref<64x128xf32, #tpu.memory_space<vmem>>
      %dma_start3A_119 = arith.constant 0 : i32
      %dma_start3A_120 = arith.constant 0 : i32
      %dma_start3A_121 = tpu.memref_slice %arg11[%run_scoped3A_95, %dma_start3A_119, %dma_start3A_120] : memref<2x64x128xf32, #tpu.memory_space<vmem>> -> memref<1x64x128xf32, #tpu.memory_space<vmem>>
      %dma_start3A_122 = tpu.memref_squeeze %dma_start3A_121 : memref<1x64x128xf32, #tpu.memory_space<vmem>> -> memref<64x128xf32, #tpu.memory_space<vmem>>
      tpu.enqueue_dma source(%arg7 : memref<64x128xf32, #tpu.memory_space<hbm>>) target(%dma_start3A_122 : memref<64x128xf32, #tpu.memory_space<vmem>>) target_semaphore(%run_scoped3A_114 : memref<!tpu.dma_semaphore, #tpu.memory_space<semaphore_mem>>)
      %dma_wait3A = arith.constant 0 : i32
      %dma_wait3A_123 = arith.constant 0 : i32
      %dma_wait3A_124 = tpu.memref_slice %arg11[%run_scoped3A_95, %dma_wait3A, %dma_wait3A_123] : memref<2x64x128xf32, #tpu.memory_space<vmem>> -> memref<1x64x128xf32, #tpu.memory_space<vmem>>
      %dma_wait3A_125 = tpu.memref_squeeze %dma_wait3A_124 : memref<1x64x128xf32, #tpu.memory_space<vmem>> -> memref<64x128xf32, #tpu.memory_space<vmem>>
      %dma_wait3A_126 = arith.constant 0 : i32
      %dma_wait3A_127 = arith.constant 0 : i32
      %dma_wait3A_128 = tpu.memref_slice %arg11[%run_scoped3A_95, %dma_wait3A_126, %dma_wait3A_127] : memref<2x64x128xf32, #tpu.memory_space<vmem>> -> memref<1x64x128xf32, #tpu.memory_space<vmem>>
      %dma_wait3A_129 = tpu.memref_squeeze %dma_wait3A_128 : memref<1x64x128xf32, #tpu.memory_space<vmem>> -> memref<64x128xf32, #tpu.memory_space<vmem>>
      tpu.wait_dma2 semaphore(%run_scoped3A_114 : memref<!tpu.dma_semaphore, #tpu.memory_space<semaphore_mem>>) src(%arg7 : memref<64x128xf32, #tpu.memory_space<hbm>>) dst(%dma_wait3A_129 : memref<64x128xf32, #tpu.memory_space<vmem>>)
      tpu.yield
    }) : () -> ()
    %barrier3A_96 = arith.constant 0 : index
    tpu.barrier barrier_id(%barrier3A_96)
    %while3A_97 = arith.constant 0 : i32
    %while3A_98 = arith.constant 0 : i32
    %while3A_99 = arith.subi %add3A_4, %while3A_98 : i32
    %while3A_100 = arith.addi %while3A_98, %while3A_99 : i32
    %while3A_101 = arith.constant 1 : i32
    %while3A_102 = arith.divsi %while3A_99, %while3A_101 : i32
    %while3A_103 = arith.muli %while3A_102, %while3A_101 : i32
    %while3A_104 = arith.addi %while3A_98, %while3A_103 : i32
    %while3A_105 = arith.constant 1 : i32
    scf.for %while3A_114 = %while3A_98 to %while3A_104 step %while3A_105  : i32 {
      %run_scoped3A_115 = arith.constant 0 : i32
      "tpu.region"() ({
        %run_scoped3A_116 = tpu.sem_alloc : memref<!tpu.dma_semaphore, #tpu.memory_space<semaphore_mem>>
        %dma_start3A_117 = arith.constant 0 : i32
        %dma_start3A_118 = arith.constant 0 : i32
        %dma_start3A_119 = tpu.memref_slice %arg11[%run_scoped3A_115, %dma_start3A_117, %dma_start3A_118] : memref<2x64x128xf32, #tpu.memory_space<vmem>> -> memref<1x64x128xf32, #tpu.memory_space<vmem>>
        %dma_start3A_120 = tpu.memref_squeeze %dma_start3A_119 : memref<1x64x128xf32, #tpu.memory_space<vmem>> -> memref<64x128xf32, #tpu.memory_space<vmem>>
        %dma_start3A_121 = arith.constant 0 : i32
        %dma_start3A_122 = tpu.memref_slice %arg10[%while3A_114, %dma_start3A_121] : memref<128x64xi32, #tpu.memory_space<vmem>> -> memref<1x64xi32, #tpu.memory_space<vmem>>
        %dma_start3A_123 = tpu.memref_squeeze %dma_start3A_122 : memref<1x64xi32, #tpu.memory_space<vmem>> -> memref<64xi32, #tpu.memory_space<vmem>>
        %dma_start3A_124 = arith.constant 0 : i32
        %dma_start3A_125 = arith.constant 0 : i32
        %dma_start3A_126 = tpu.memref_slice %arg12[%dma_start3A_124, %dma_start3A_125] : memref<10112x128xf32, #tpu.memory_space<vmem_shared>> -> memref<10112x128xf32, #tpu.memory_space<vmem_shared>>
        tpu.enqueue_indirect_dma source(%dma_start3A_120 : memref<64x128xf32, #tpu.memory_space<vmem>>) target(%dma_start3A_126 : memref<10112x128xf32, #tpu.memory_space<vmem_shared>>) offsets(%dma_start3A_123 : memref<64xi32, #tpu.memory_space<vmem>>) semaphore(%run_scoped3A_116 : memref<!tpu.dma_semaphore, #tpu.memory_space<semaphore_mem>>) {add = true}
        %dma_wait3A = arith.constant 0 : i32
        %dma_wait3A_127 = arith.constant 0 : i32
        %dma_wait3A_128 = tpu.memref_slice %arg11[%run_scoped3A_115, %dma_wait3A, %dma_wait3A_127] : memref<2x64x128xf32, #tpu.memory_space<vmem>> -> memref<1x64x128xf32, #tpu.memory_space<vmem>>
        %dma_wait3A_129 = tpu.memref_squeeze %dma_wait3A_128 : memref<1x64x128xf32, #tpu.memory_space<vmem>> -> memref<64x128xf32, #tpu.memory_space<vmem>>
        %dma_wait3A_130 = arith.constant 0 : i32
        %dma_wait3A_131 = tpu.memref_slice %arg10[%while3A_114, %dma_wait3A_130] : memref<128x64xi32, #tpu.memory_space<vmem>> -> memref<1x64xi32, #tpu.memory_space<vmem>>
        %dma_wait3A_132 = tpu.memref_squeeze %dma_wait3A_131 : memref<1x64xi32, #tpu.memory_space<vmem>> -> memref<64xi32, #tpu.memory_space<vmem>>
        %dma_wait3A_133 = arith.constant 0 : i32
        %dma_wait3A_134 = arith.constant 0 : i32
        %dma_wait3A_135 = tpu.memref_slice %arg12[%dma_wait3A_133, %dma_wait3A_134] : memref<10112x128xf32, #tpu.memory_space<vmem_shared>> -> memref<10112x128xf32, #tpu.memory_space<vmem_shared>>
        tpu.wait_indirect_dma semaphore(%run_scoped3A_116 : memref<!tpu.dma_semaphore, #tpu.memory_space<semaphore_mem>>) src(%dma_wait3A_129 : memref<64x128xf32, #tpu.memory_space<vmem>>) dst(%dma_wait3A_135 : memref<10112x128xf32, #tpu.memory_space<vmem_shared>>)
        tpu.yield
      }) : () -> ()
    }
    %while3A_106 = arith.constant 1 : i32
    scf.for %while3A_114 = %while3A_104 to %while3A_100 step %while3A_106  : i32 {
      %run_scoped3A_115 = arith.constant 0 : i32
      "tpu.region"() ({
        %run_scoped3A_116 = tpu.sem_alloc : memref<!tpu.dma_semaphore, #tpu.memory_space<semaphore_mem>>
        %dma_start3A_117 = arith.constant 0 : i32
        %dma_start3A_118 = arith.constant 0 : i32
        %dma_start3A_119 = tpu.memref_slice %arg11[%run_scoped3A_115, %dma_start3A_117, %dma_start3A_118] : memref<2x64x128xf32, #tpu.memory_space<vmem>> -> memref<1x64x128xf32, #tpu.memory_space<vmem>>
        %dma_start3A_120 = tpu.memref_squeeze %dma_start3A_119 : memref<1x64x128xf32, #tpu.memory_space<vmem>> -> memref<64x128xf32, #tpu.memory_space<vmem>>
        %dma_start3A_121 = arith.constant 0 : i32
        %dma_start3A_122 = tpu.memref_slice %arg10[%while3A_114, %dma_start3A_121] : memref<128x64xi32, #tpu.memory_space<vmem>> -> memref<1x64xi32, #tpu.memory_space<vmem>>
        %dma_start3A_123 = tpu.memref_squeeze %dma_start3A_122 : memref<1x64xi32, #tpu.memory_space<vmem>> -> memref<64xi32, #tpu.memory_space<vmem>>
        %dma_start3A_124 = arith.constant 0 : i32
        %dma_start3A_125 = arith.constant 0 : i32
        %dma_start3A_126 = tpu.memref_slice %arg12[%dma_start3A_124, %dma_start3A_125] : memref<10112x128xf32, #tpu.memory_space<vmem_shared>> -> memref<10112x128xf32, #tpu.memory_space<vmem_shared>>
        tpu.enqueue_indirect_dma source(%dma_start3A_120 : memref<64x128xf32, #tpu.memory_space<vmem>>) target(%dma_start3A_126 : memref<10112x128xf32, #tpu.memory_space<vmem_shared>>) offsets(%dma_start3A_123 : memref<64xi32, #tpu.memory_space<vmem>>) semaphore(%run_scoped3A_116 : memref<!tpu.dma_semaphore, #tpu.memory_space<semaphore_mem>>) {add = true}
        %dma_wait3A = arith.constant 0 : i32
        %dma_wait3A_127 = arith.constant 0 : i32
        %dma_wait3A_128 = tpu.memref_slice %arg11[%run_scoped3A_115, %dma_wait3A, %dma_wait3A_127] : memref<2x64x128xf32, #tpu.memory_space<vmem>> -> memref<1x64x128xf32, #tpu.memory_space<vmem>>
        %dma_wait3A_129 = tpu.memref_squeeze %dma_wait3A_128 : memref<1x64x128xf32, #tpu.memory_space<vmem>> -> memref<64x128xf32, #tpu.memory_space<vmem>>
        %dma_wait3A_130 = arith.constant 0 : i32
        %dma_wait3A_131 = tpu.memref_slice %arg10[%while3A_114, %dma_wait3A_130] : memref<128x64xi32, #tpu.memory_space<vmem>> -> memref<1x64xi32, #tpu.memory_space<vmem>>
        %dma_wait3A_132 = tpu.memref_squeeze %dma_wait3A_131 : memref<1x64xi32, #tpu.memory_space<vmem>> -> memref<64xi32, #tpu.memory_space<vmem>>
        %dma_wait3A_133 = arith.constant 0 : i32
        %dma_wait3A_134 = arith.constant 0 : i32
        %dma_wait3A_135 = tpu.memref_slice %arg12[%dma_wait3A_133, %dma_wait3A_134] : memref<10112x128xf32, #tpu.memory_space<vmem_shared>> -> memref<10112x128xf32, #tpu.memory_space<vmem_shared>>
        tpu.wait_indirect_dma semaphore(%run_scoped3A_116 : memref<!tpu.dma_semaphore, #tpu.memory_space<semaphore_mem>>) src(%dma_wait3A_129 : memref<64x128xf32, #tpu.memory_space<vmem>>) dst(%dma_wait3A_135 : memref<10112x128xf32, #tpu.memory_space<vmem_shared>>)
        tpu.yield
      }) : () -> ()
    }
    %barrier3A_107 = arith.constant 0 : index
    tpu.barrier barrier_id(%barrier3A_107)
    %mul3A_108 = arith.constant 632 : i32
    %mul3A_109 = arith.muli %arg1, %mul3A_108 : i32
    %mul3A_110 = arith.constant 632 : i32
    %mul3A_111 = arith.muli %arg1, %mul3A_110 : i32
    %run_scoped3A_112 = arith.constant 2 : i32
    "tpu.region"() ({
      %run_scoped3A_114 = tpu.sem_alloc : memref<!tpu.dma_semaphore, #tpu.memory_space<semaphore_mem>>
      %dma_start3A_115 = arith.constant 0 : i32
      %dma_start3A_116 = tpu.memref_slice %arg8[%arg0, %run_scoped3A_112, %mul3A_111, %dma_start3A_115] : memref<2x3x10112x128xf32, #tpu.memory_space<hbm>> -> memref<1x1x632x128xf32, #tpu.memory_space<hbm>>
      %dma_start3A_117 = tpu.memref_squeeze %dma_start3A_116 : memref<1x1x632x128xf32, #tpu.memory_space<hbm>> -> memref<632x128xf32, #tpu.memory_space<hbm>>
      %dma_start3A_118 = arith.constant 0 : i32
      %dma_start3A_119 = tpu.memref_slice %arg12[%mul3A_109, %dma_start3A_118] : memref<10112x128xf32, #tpu.memory_space<vmem_shared>> -> memref<632x128xf32, #tpu.memory_space<vmem_shared>>
      tpu.enqueue_dma source(%dma_start3A_119 : memref<632x128xf32, #tpu.memory_space<vmem_shared>>) target(%dma_start3A_117 : memref<632x128xf32, #tpu.memory_space<hbm>>) target_semaphore(%run_scoped3A_114 : memref<!tpu.dma_semaphore, #tpu.memory_space<semaphore_mem>>)
      %dma_wait3A = arith.constant 0 : i32
      %dma_wait3A_120 = tpu.memref_slice %arg8[%arg0, %run_scoped3A_112, %mul3A_111, %dma_wait3A] : memref<2x3x10112x128xf32, #tpu.memory_space<hbm>> -> memref<1x1x632x128xf32, #tpu.memory_space<hbm>>
      %dma_wait3A_121 = tpu.memref_squeeze %dma_wait3A_120 : memref<1x1x632x128xf32, #tpu.memory_space<hbm>> -> memref<632x128xf32, #tpu.memory_space<hbm>>
      %dma_wait3A_122 = arith.constant 0 : i32
      %dma_wait3A_123 = tpu.memref_slice %arg12[%mul3A_109, %dma_wait3A_122] : memref<10112x128xf32, #tpu.memory_space<vmem_shared>> -> memref<632x128xf32, #tpu.memory_space<vmem_shared>>
      tpu.wait_dma2 semaphore(%run_scoped3A_114 : memref<!tpu.dma_semaphore, #tpu.memory_space<semaphore_mem>>) src(%dma_wait3A_123 : memref<632x128xf32, #tpu.memory_space<vmem_shared>>) dst(%dma_wait3A_121 : memref<632x128xf32, #tpu.memory_space<hbm>>)
      tpu.yield
    }) : () -> ()
    %barrier3A_113 = arith.constant 0 : index
    tpu.barrier barrier_id(%barrier3A_113)
    return
  }
}

#map = affine_map<(d0, d1) -> (0, 0)>
#map1 = affine_map<(d0, d1) -> (0, 0, 0)>
#map2 = affine_map<(d0, d1) -> (0, 0, 0, 0)>
module attributes {stable_mosaic.version = 14 : i64} {
  func.func @body(%arg0: i32, %arg1: i32, %arg2: memref<10000x128xf32, #tpu.memory_space<hbm>>, %arg3: memref<10000x128xf32, #tpu.memory_space<hbm>>, %arg4: memref<32x128x64xi32, #tpu.memory_space<hbm>>, %arg5: memref<32x128x64xi32, #tpu.memory_space<hbm>>, %arg6: memref<632x128xf32, #tpu.memory_space<hbm>>, %arg7: memref<2x2x10112x128xf32, #tpu.memory_space<hbm>>, %arg8: memref<128x64xi32, #tpu.memory_space<vmem>>, %arg9: memref<128x64xi32, #tpu.memory_space<vmem>>, %arg10: memref<2x64x128xf32, #tpu.memory_space<vmem>>, %arg11: memref<10112x128xf32, #tpu.memory_space<vmem_shared>>, %arg12: memref<!tpu.dma_semaphore, #tpu.memory_space<semaphore_mem>>, %arg13: memref<!tpu.dma_semaphore, #tpu.memory_space<semaphore_mem>>) attributes {dimension_semantics = [#tpu.dimension_semantics<core_parallel>, #tpu.dimension_semantics<subcore_parallel>], iteration_bounds = array<i64: 2, 16>, scalar_prefetch = 0 : i64, scratch_operands = 6 : i64, tpu.core_type = #tpu.core_type<sc_vector_subcore>, window_params = [{transform_indices = #map}, {transform_indices = #map}, {transform_indices = #map1}, {transform_indices = #map1}, {transform_indices = #map}, {transform_indices = #map2}]} {
    %mul3A = arith.constant 16 : i32
    %mul3A_0 = arith.muli %arg0, %mul3A : i32
    %add3A = arith.addi %mul3A_0, %arg1 : i32
    %mul3A_1 = arith.constant -96 : i32
    %mul3A_2 = arith.muli %arg0, %mul3A_1 : i32
    %add3A_3 = arith.constant 128 : i32
    %add3A_4 = arith.addi %add3A_3, %mul3A_2 : i32
    %mul3A_5 = arith.constant -48 : i32
    %mul3A_6 = arith.muli %arg0, %mul3A_5 : i32
    %add3A_7 = arith.constant 64 : i32
    %add3A_8 = arith.addi %add3A_7, %mul3A_6 : i32
    "tpu.region"() ({
      %run_scoped3A_93 = tpu.sem_alloc : memref<!tpu.dma_semaphore, #tpu.memory_space<semaphore_mem>>
      %dma_start3A_94 = arith.constant 0 : i32
      %dma_start3A_95 = arith.constant 0 : i32
      %dma_start3A_96 = tpu.memref_slice %arg4[%add3A, %dma_start3A_94, %dma_start3A_95] : memref<32x128x64xi32, #tpu.memory_space<hbm>> -> memref<1x128x64xi32, #tpu.memory_space<hbm>>
      %dma_start3A_97 = tpu.memref_squeeze %dma_start3A_96 : memref<1x128x64xi32, #tpu.memory_space<hbm>> -> memref<128x64xi32, #tpu.memory_space<hbm>>
      %dma_start3A_98 = arith.constant 0 : i32
      %dma_start3A_99 = arith.constant 0 : i32
      %dma_start3A_100 = tpu.memref_slice %arg4[%add3A, %dma_start3A_98, %dma_start3A_99] : memref<32x128x64xi32, #tpu.memory_space<hbm>> -> memref<1x128x64xi32, #tpu.memory_space<hbm>>
      %dma_start3A_101 = tpu.memref_squeeze %dma_start3A_100 : memref<1x128x64xi32, #tpu.memory_space<hbm>> -> memref<128x64xi32, #tpu.memory_space<hbm>>
      tpu.enqueue_dma source(%dma_start3A_101 : memref<128x64xi32, #tpu.memory_space<hbm>>) target(%arg8 : memref<128x64xi32, #tpu.memory_space<vmem>>) target_semaphore(%run_scoped3A_93 : memref<!tpu.dma_semaphore, #tpu.memory_space<semaphore_mem>>)
      %dma_wait3A = arith.constant 0 : i32
      %dma_wait3A_102 = arith.constant 0 : i32
      %dma_wait3A_103 = tpu.memref_slice %arg4[%add3A, %dma_wait3A, %dma_wait3A_102] : memref<32x128x64xi32, #tpu.memory_space<hbm>> -> memref<1x128x64xi32, #tpu.memory_space<hbm>>
      %dma_wait3A_104 = tpu.memref_squeeze %dma_wait3A_103 : memref<1x128x64xi32, #tpu.memory_space<hbm>> -> memref<128x64xi32, #tpu.memory_space<hbm>>
      %dma_wait3A_105 = arith.constant 0 : i32
      %dma_wait3A_106 = arith.constant 0 : i32
      %dma_wait3A_107 = tpu.memref_slice %arg4[%add3A, %dma_wait3A_105, %dma_wait3A_106] : memref<32x128x64xi32, #tpu.memory_space<hbm>> -> memref<1x128x64xi32, #tpu.memory_space<hbm>>
      %dma_wait3A_108 = tpu.memref_squeeze %dma_wait3A_107 : memref<1x128x64xi32, #tpu.memory_space<hbm>> -> memref<128x64xi32, #tpu.memory_space<hbm>>
      tpu.wait_dma2 semaphore(%run_scoped3A_93 : memref<!tpu.dma_semaphore, #tpu.memory_space<semaphore_mem>>) src(%dma_wait3A_108 : memref<128x64xi32, #tpu.memory_space<hbm>>) dst(%arg8 : memref<128x64xi32, #tpu.memory_space<vmem>>)
      tpu.yield
    }) : () -> ()
    "tpu.region"() ({
      %run_scoped3A_93 = tpu.sem_alloc : memref<!tpu.dma_semaphore, #tpu.memory_space<semaphore_mem>>
      %dma_start3A_94 = arith.constant 0 : i32
      %dma_start3A_95 = arith.constant 0 : i32
      %dma_start3A_96 = tpu.memref_slice %arg5[%add3A, %dma_start3A_94, %dma_start3A_95] : memref<32x128x64xi32, #tpu.memory_space<hbm>> -> memref<1x128x64xi32, #tpu.memory_space<hbm>>
      %dma_start3A_97 = tpu.memref_squeeze %dma_start3A_96 : memref<1x128x64xi32, #tpu.memory_space<hbm>> -> memref<128x64xi32, #tpu.memory_space<hbm>>
      %dma_start3A_98 = arith.constant 0 : i32
      %dma_start3A_99 = arith.constant 0 : i32
      %dma_start3A_100 = tpu.memref_slice %arg5[%add3A, %dma_start3A_98, %dma_start3A_99] : memref<32x128x64xi32, #tpu.memory_space<hbm>> -> memref<1x128x64xi32, #tpu.memory_space<hbm>>
      %dma_start3A_101 = tpu.memref_squeeze %dma_start3A_100 : memref<1x128x64xi32, #tpu.memory_space<hbm>> -> memref<128x64xi32, #tpu.memory_space<hbm>>
      tpu.enqueue_dma source(%dma_start3A_101 : memref<128x64xi32, #tpu.memory_space<hbm>>) target(%arg9 : memref<128x64xi32, #tpu.memory_space<vmem>>) target_semaphore(%run_scoped3A_93 : memref<!tpu.dma_semaphore, #tpu.memory_space<semaphore_mem>>)
      %dma_wait3A = arith.constant 0 : i32
      %dma_wait3A_102 = arith.constant 0 : i32
      %dma_wait3A_103 = tpu.memref_slice %arg5[%add3A, %dma_wait3A, %dma_wait3A_102] : memref<32x128x64xi32, #tpu.memory_space<hbm>> -> memref<1x128x64xi32, #tpu.memory_space<hbm>>
      %dma_wait3A_104 = tpu.memref_squeeze %dma_wait3A_103 : memref<1x128x64xi32, #tpu.memory_space<hbm>> -> memref<128x64xi32, #tpu.memory_space<hbm>>
      %dma_wait3A_105 = arith.constant 0 : i32
      %dma_wait3A_106 = arith.constant 0 : i32
      %dma_wait3A_107 = tpu.memref_slice %arg5[%add3A, %dma_wait3A_105, %dma_wait3A_106] : memref<32x128x64xi32, #tpu.memory_space<hbm>> -> memref<1x128x64xi32, #tpu.memory_space<hbm>>
      %dma_wait3A_108 = tpu.memref_squeeze %dma_wait3A_107 : memref<1x128x64xi32, #tpu.memory_space<hbm>> -> memref<128x64xi32, #tpu.memory_space<hbm>>
      tpu.wait_dma2 semaphore(%run_scoped3A_93 : memref<!tpu.dma_semaphore, #tpu.memory_space<semaphore_mem>>) src(%dma_wait3A_108 : memref<128x64xi32, #tpu.memory_space<hbm>>) dst(%arg9 : memref<128x64xi32, #tpu.memory_space<vmem>>)
      tpu.yield
    }) : () -> ()
    %mul3A_9 = arith.constant 632 : i32
    %mul3A_10 = arith.muli %arg1, %mul3A_9 : i32
    "tpu.region"() ({
      %run_scoped3A_93 = tpu.sem_alloc : memref<!tpu.dma_semaphore, #tpu.memory_space<semaphore_mem>>
      %dma_start3A_94 = arith.constant 0 : i32
      %dma_start3A_95 = tpu.memref_slice %arg11[%mul3A_10, %dma_start3A_94] : memref<10112x128xf32, #tpu.memory_space<vmem_shared>> -> memref<632x128xf32, #tpu.memory_space<vmem_shared>>
      tpu.enqueue_dma source(%arg6 : memref<632x128xf32, #tpu.memory_space<hbm>>) target(%dma_start3A_95 : memref<632x128xf32, #tpu.memory_space<vmem_shared>>) target_semaphore(%run_scoped3A_93 : memref<!tpu.dma_semaphore, #tpu.memory_space<semaphore_mem>>)
      %dma_wait3A = arith.constant 0 : i32
      %dma_wait3A_96 = tpu.memref_slice %arg11[%mul3A_10, %dma_wait3A] : memref<10112x128xf32, #tpu.memory_space<vmem_shared>> -> memref<632x128xf32, #tpu.memory_space<vmem_shared>>
      tpu.wait_dma2 semaphore(%run_scoped3A_93 : memref<!tpu.dma_semaphore, #tpu.memory_space<semaphore_mem>>) src(%arg6 : memref<632x128xf32, #tpu.memory_space<hbm>>) dst(%dma_wait3A_96 : memref<632x128xf32, #tpu.memory_space<vmem_shared>>)
      tpu.yield
    }) : () -> ()
    %barrier3A = arith.constant 0 : index
    tpu.barrier barrier_id(%barrier3A)
    %dma_start3A = arith.constant 0 : i32
    %dma_start3A_11 = arith.constant 0 : i32
    %dma_start3A_12 = arith.constant 0 : i32
    %dma_start3A_13 = arith.constant 0 : i32
    %dma_start3A_14 = tpu.memref_slice %arg10[%dma_start3A_11, %dma_start3A_12, %dma_start3A_13] : memref<2x64x128xf32, #tpu.memory_space<vmem>> -> memref<1x64x128xf32, #tpu.memory_space<vmem>>
    %dma_start3A_15 = tpu.memref_squeeze %dma_start3A_14 : memref<1x64x128xf32, #tpu.memory_space<vmem>> -> memref<64x128xf32, #tpu.memory_space<vmem>>
    %dma_start3A_16 = arith.constant 0 : i32
    %dma_start3A_17 = tpu.memref_slice %arg8[%dma_start3A, %dma_start3A_16] : memref<128x64xi32, #tpu.memory_space<vmem>> -> memref<1x64xi32, #tpu.memory_space<vmem>>
    %dma_start3A_18 = tpu.memref_squeeze %dma_start3A_17 : memref<1x64xi32, #tpu.memory_space<vmem>> -> memref<64xi32, #tpu.memory_space<vmem>>
    %dma_start3A_19 = arith.constant 0 : i32
    %dma_start3A_20 = arith.constant 0 : i32
    %dma_start3A_21 = tpu.memref_slice %arg2[%dma_start3A_19, %dma_start3A_20] : memref<10000x128xf32, #tpu.memory_space<hbm>> -> memref<10000x128xf32, #tpu.memory_space<hbm>>
    tpu.enqueue_indirect_dma source(%dma_start3A_21 : memref<10000x128xf32, #tpu.memory_space<hbm>>) target(%dma_start3A_15 : memref<64x128xf32, #tpu.memory_space<vmem>>) offsets(%dma_start3A_18 : memref<64xi32, #tpu.memory_space<vmem>>) semaphore(%arg12 : memref<!tpu.dma_semaphore, #tpu.memory_space<semaphore_mem>>)
    %dma_start3A_22 = arith.constant 1 : i32
    %dma_start3A_23 = arith.constant 1 : i32
    %dma_start3A_24 = arith.constant 0 : i32
    %dma_start3A_25 = arith.constant 0 : i32
    %dma_start3A_26 = tpu.memref_slice %arg10[%dma_start3A_23, %dma_start3A_24, %dma_start3A_25] : memref<2x64x128xf32, #tpu.memory_space<vmem>> -> memref<1x64x128xf32, #tpu.memory_space<vmem>>
    %dma_start3A_27 = tpu.memref_squeeze %dma_start3A_26 : memref<1x64x128xf32, #tpu.memory_space<vmem>> -> memref<64x128xf32, #tpu.memory_space<vmem>>
    %dma_start3A_28 = arith.constant 0 : i32
    %dma_start3A_29 = tpu.memref_slice %arg8[%dma_start3A_22, %dma_start3A_28] : memref<128x64xi32, #tpu.memory_space<vmem>> -> memref<1x64xi32, #tpu.memory_space<vmem>>
    %dma_start3A_30 = tpu.memref_squeeze %dma_start3A_29 : memref<1x64xi32, #tpu.memory_space<vmem>> -> memref<64xi32, #tpu.memory_space<vmem>>
    %dma_start3A_31 = arith.constant 0 : i32
    %dma_start3A_32 = arith.constant 0 : i32
    %dma_start3A_33 = tpu.memref_slice %arg2[%dma_start3A_31, %dma_start3A_32] : memref<10000x128xf32, #tpu.memory_space<hbm>> -> memref<10000x128xf32, #tpu.memory_space<hbm>>
    tpu.enqueue_indirect_dma source(%dma_start3A_33 : memref<10000x128xf32, #tpu.memory_space<hbm>>) target(%dma_start3A_27 : memref<64x128xf32, #tpu.memory_space<vmem>>) offsets(%dma_start3A_30 : memref<64xi32, #tpu.memory_space<vmem>>) semaphore(%arg12 : memref<!tpu.dma_semaphore, #tpu.memory_space<semaphore_mem>>)
    %while3A = arith.constant 0 : i32
    %while3A_34 = arith.constant 0 : i32
    %while3A_35 = arith.subi %add3A_8, %while3A_34 : i32
    %while3A_36 = arith.addi %while3A_34, %while3A_35 : i32
    %while3A_37 = arith.constant 1 : i32
    %while3A_38 = arith.divsi %while3A_35, %while3A_37 : i32
    %while3A_39 = arith.muli %while3A_38, %while3A_37 : i32
    %while3A_40 = arith.addi %while3A_34, %while3A_39 : i32
    %while3A_41 = arith.constant 1 : i32
    scf.for %while3A_93 = %while3A_34 to %while3A_40 step %while3A_41  : i32 {
      %mul3A_94 = arith.constant 2 : i32
      %mul3A_95 = arith.muli %while3A_93, %mul3A_94 : i32
      %add3A_96 = arith.constant 1 : i32
      %add3A_97 = arith.addi %mul3A_95, %add3A_96 : i32
      %dma_wait3A = arith.constant 0 : i32
      %dma_wait3A_98 = arith.constant 0 : i32
      %dma_wait3A_99 = arith.constant 0 : i32
      %dma_wait3A_100 = arith.constant 0 : i32
      %dma_wait3A_101 = tpu.memref_slice %arg10[%dma_wait3A_98, %dma_wait3A_99, %dma_wait3A_100] : memref<2x64x128xf32, #tpu.memory_space<vmem>> -> memref<1x64x128xf32, #tpu.memory_space<vmem>>
      %dma_wait3A_102 = tpu.memref_squeeze %dma_wait3A_101 : memref<1x64x128xf32, #tpu.memory_space<vmem>> -> memref<64x128xf32, #tpu.memory_space<vmem>>
      %dma_wait3A_103 = arith.constant 0 : i32
      %dma_wait3A_104 = tpu.memref_slice %arg8[%dma_wait3A, %dma_wait3A_103] : memref<128x64xi32, #tpu.memory_space<vmem>> -> memref<1x64xi32, #tpu.memory_space<vmem>>
      %dma_wait3A_105 = tpu.memref_squeeze %dma_wait3A_104 : memref<1x64xi32, #tpu.memory_space<vmem>> -> memref<64xi32, #tpu.memory_space<vmem>>
      %dma_wait3A_106 = arith.constant 0 : i32
      %dma_wait3A_107 = arith.constant 0 : i32
      %dma_wait3A_108 = tpu.memref_slice %arg2[%dma_wait3A_106, %dma_wait3A_107] : memref<10000x128xf32, #tpu.memory_space<hbm>> -> memref<10000x128xf32, #tpu.memory_space<hbm>>
      tpu.wait_indirect_dma semaphore(%arg12 : memref<!tpu.dma_semaphore, #tpu.memory_space<semaphore_mem>>) src(%dma_wait3A_108 : memref<10000x128xf32, #tpu.memory_space<hbm>>) dst(%dma_wait3A_102 : memref<64x128xf32, #tpu.memory_space<vmem>>)
      %dma_start3A_109 = arith.constant 0 : i32
      %dma_start3A_110 = arith.constant 0 : i32
      %dma_start3A_111 = arith.constant 0 : i32
      %dma_start3A_112 = tpu.memref_slice %arg10[%dma_start3A_109, %dma_start3A_110, %dma_start3A_111] : memref<2x64x128xf32, #tpu.memory_space<vmem>> -> memref<1x64x128xf32, #tpu.memory_space<vmem>>
      %dma_start3A_113 = tpu.memref_squeeze %dma_start3A_112 : memref<1x64x128xf32, #tpu.memory_space<vmem>> -> memref<64x128xf32, #tpu.memory_space<vmem>>
      %dma_start3A_114 = arith.constant 0 : i32
      %dma_start3A_115 = tpu.memref_slice %arg9[%mul3A_95, %dma_start3A_114] : memref<128x64xi32, #tpu.memory_space<vmem>> -> memref<1x64xi32, #tpu.memory_space<vmem>>
      %dma_start3A_116 = tpu.memref_squeeze %dma_start3A_115 : memref<1x64xi32, #tpu.memory_space<vmem>> -> memref<64xi32, #tpu.memory_space<vmem>>
      %dma_start3A_117 = arith.constant 0 : i32
      %dma_start3A_118 = arith.constant 0 : i32
      %dma_start3A_119 = tpu.memref_slice %arg11[%dma_start3A_117, %dma_start3A_118] : memref<10112x128xf32, #tpu.memory_space<vmem_shared>> -> memref<10112x128xf32, #tpu.memory_space<vmem_shared>>
      tpu.enqueue_indirect_dma source(%dma_start3A_113 : memref<64x128xf32, #tpu.memory_space<vmem>>) target(%dma_start3A_119 : memref<10112x128xf32, #tpu.memory_space<vmem_shared>>) offsets(%dma_start3A_116 : memref<64xi32, #tpu.memory_space<vmem>>) semaphore(%arg13 : memref<!tpu.dma_semaphore, #tpu.memory_space<semaphore_mem>>) {add = true}
      %dma_wait3A_120 = arith.constant 0 : i32
      %dma_wait3A_121 = arith.constant 1 : i32
      %dma_wait3A_122 = arith.constant 0 : i32
      %dma_wait3A_123 = arith.constant 0 : i32
      %dma_wait3A_124 = tpu.memref_slice %arg10[%dma_wait3A_121, %dma_wait3A_122, %dma_wait3A_123] : memref<2x64x128xf32, #tpu.memory_space<vmem>> -> memref<1x64x128xf32, #tpu.memory_space<vmem>>
      %dma_wait3A_125 = tpu.memref_squeeze %dma_wait3A_124 : memref<1x64x128xf32, #tpu.memory_space<vmem>> -> memref<64x128xf32, #tpu.memory_space<vmem>>
      %dma_wait3A_126 = arith.constant 0 : i32
      %dma_wait3A_127 = tpu.memref_slice %arg8[%dma_wait3A_120, %dma_wait3A_126] : memref<128x64xi32, #tpu.memory_space<vmem>> -> memref<1x64xi32, #tpu.memory_space<vmem>>
      %dma_wait3A_128 = tpu.memref_squeeze %dma_wait3A_127 : memref<1x64xi32, #tpu.memory_space<vmem>> -> memref<64xi32, #tpu.memory_space<vmem>>
      %dma_wait3A_129 = arith.constant 0 : i32
      %dma_wait3A_130 = arith.constant 0 : i32
      %dma_wait3A_131 = tpu.memref_slice %arg2[%dma_wait3A_129, %dma_wait3A_130] : memref<10000x128xf32, #tpu.memory_space<hbm>> -> memref<10000x128xf32, #tpu.memory_space<hbm>>
      tpu.wait_indirect_dma semaphore(%arg12 : memref<!tpu.dma_semaphore, #tpu.memory_space<semaphore_mem>>) src(%dma_wait3A_131 : memref<10000x128xf32, #tpu.memory_space<hbm>>) dst(%dma_wait3A_125 : memref<64x128xf32, #tpu.memory_space<vmem>>)
      %dma_start3A_132 = arith.constant 1 : i32
      %dma_start3A_133 = arith.constant 0 : i32
      %dma_start3A_134 = arith.constant 0 : i32
      %dma_start3A_135 = tpu.memref_slice %arg10[%dma_start3A_132, %dma_start3A_133, %dma_start3A_134] : memref<2x64x128xf32, #tpu.memory_space<vmem>> -> memref<1x64x128xf32, #tpu.memory_space<vmem>>
      %dma_start3A_136 = tpu.memref_squeeze %dma_start3A_135 : memref<1x64x128xf32, #tpu.memory_space<vmem>> -> memref<64x128xf32, #tpu.memory_space<vmem>>
      %dma_start3A_137 = arith.constant 0 : i32
      %dma_start3A_138 = tpu.memref_slice %arg9[%add3A_97, %dma_start3A_137] : memref<128x64xi32, #tpu.memory_space<vmem>> -> memref<1x64xi32, #tpu.memory_space<vmem>>
      %dma_start3A_139 = tpu.memref_squeeze %dma_start3A_138 : memref<1x64xi32, #tpu.memory_space<vmem>> -> memref<64xi32, #tpu.memory_space<vmem>>
      %dma_start3A_140 = arith.constant 0 : i32
      %dma_start3A_141 = arith.constant 0 : i32
      %dma_start3A_142 = tpu.memref_slice %arg11[%dma_start3A_140, %dma_start3A_141] : memref<10112x128xf32, #tpu.memory_space<vmem_shared>> -> memref<10112x128xf32, #tpu.memory_space<vmem_shared>>
      tpu.enqueue_indirect_dma source(%dma_start3A_136 : memref<64x128xf32, #tpu.memory_space<vmem>>) target(%dma_start3A_142 : memref<10112x128xf32, #tpu.memory_space<vmem_shared>>) offsets(%dma_start3A_139 : memref<64xi32, #tpu.memory_space<vmem>>) semaphore(%arg13 : memref<!tpu.dma_semaphore, #tpu.memory_space<semaphore_mem>>) {add = true}
      %dma_wait3A_143 = arith.constant 0 : i32
      %dma_wait3A_144 = arith.constant 0 : i32
      %dma_wait3A_145 = arith.constant 0 : i32
      %dma_wait3A_146 = arith.constant 0 : i32
      %dma_wait3A_147 = tpu.memref_slice %arg10[%dma_wait3A_143, %dma_wait3A_145, %dma_wait3A_146] : memref<2x64x128xf32, #tpu.memory_space<vmem>> -> memref<1x64x128xf32, #tpu.memory_space<vmem>>
      %dma_wait3A_148 = tpu.memref_squeeze %dma_wait3A_147 : memref<1x64x128xf32, #tpu.memory_space<vmem>> -> memref<64x128xf32, #tpu.memory_space<vmem>>
      %dma_wait3A_149 = arith.constant 0 : i32
      %dma_wait3A_150 = tpu.memref_slice %arg9[%dma_wait3A_144, %dma_wait3A_149] : memref<128x64xi32, #tpu.memory_space<vmem>> -> memref<1x64xi32, #tpu.memory_space<vmem>>
      %dma_wait3A_151 = tpu.memref_squeeze %dma_wait3A_150 : memref<1x64xi32, #tpu.memory_space<vmem>> -> memref<64xi32, #tpu.memory_space<vmem>>
      %dma_wait3A_152 = arith.constant 0 : i32
      %dma_wait3A_153 = arith.constant 0 : i32
      %dma_wait3A_154 = tpu.memref_slice %arg11[%dma_wait3A_152, %dma_wait3A_153] : memref<10112x128xf32, #tpu.memory_space<vmem_shared>> -> memref<10112x128xf32, #tpu.memory_space<vmem_shared>>
      tpu.wait_indirect_dma semaphore(%arg13 : memref<!tpu.dma_semaphore, #tpu.memory_space<semaphore_mem>>) src(%dma_wait3A_148 : memref<64x128xf32, #tpu.memory_space<vmem>>) dst(%dma_wait3A_154 : memref<10112x128xf32, #tpu.memory_space<vmem_shared>>)
      %add3A_155 = arith.constant 2 : i32
      %add3A_156 = arith.addi %mul3A_95, %add3A_155 : i32
      %lt3A = arith.cmpi slt, %add3A_156, %add3A_4 : i32
      %convert_element_type3A = arith.extui %lt3A : i1 to i32
      %cond3A = arith.constant 0 : i32
      %cond3A_157 = arith.cmpi ne, %convert_element_type3A, %cond3A : i32
      scf.if %cond3A_157 {
        %add3A_176 = arith.constant 2 : i32
        %add3A_177 = arith.addi %mul3A_95, %add3A_176 : i32
        %dma_start3A_178 = arith.constant 0 : i32
        %dma_start3A_179 = arith.constant 0 : i32
        %dma_start3A_180 = arith.constant 0 : i32
        %dma_start3A_181 = tpu.memref_slice %arg10[%dma_start3A_178, %dma_start3A_179, %dma_start3A_180] : memref<2x64x128xf32, #tpu.memory_space<vmem>> -> memref<1x64x128xf32, #tpu.memory_space<vmem>>
        %dma_start3A_182 = tpu.memref_squeeze %dma_start3A_181 : memref<1x64x128xf32, #tpu.memory_space<vmem>> -> memref<64x128xf32, #tpu.memory_space<vmem>>
        %dma_start3A_183 = arith.constant 0 : i32
        %dma_start3A_184 = tpu.memref_slice %arg8[%add3A_177, %dma_start3A_183] : memref<128x64xi32, #tpu.memory_space<vmem>> -> memref<1x64xi32, #tpu.memory_space<vmem>>
        %dma_start3A_185 = tpu.memref_squeeze %dma_start3A_184 : memref<1x64xi32, #tpu.memory_space<vmem>> -> memref<64xi32, #tpu.memory_space<vmem>>
        %dma_start3A_186 = arith.constant 0 : i32
        %dma_start3A_187 = arith.constant 0 : i32
        %dma_start3A_188 = tpu.memref_slice %arg2[%dma_start3A_186, %dma_start3A_187] : memref<10000x128xf32, #tpu.memory_space<hbm>> -> memref<10000x128xf32, #tpu.memory_space<hbm>>
        tpu.enqueue_indirect_dma source(%dma_start3A_188 : memref<10000x128xf32, #tpu.memory_space<hbm>>) target(%dma_start3A_182 : memref<64x128xf32, #tpu.memory_space<vmem>>) offsets(%dma_start3A_185 : memref<64xi32, #tpu.memory_space<vmem>>) semaphore(%arg12 : memref<!tpu.dma_semaphore, #tpu.memory_space<semaphore_mem>>)
      } else {
      }
      %dma_wait3A_158 = arith.constant 1 : i32
      %dma_wait3A_159 = arith.constant 0 : i32
      %dma_wait3A_160 = arith.constant 0 : i32
      %dma_wait3A_161 = arith.constant 0 : i32
      %dma_wait3A_162 = tpu.memref_slice %arg10[%dma_wait3A_158, %dma_wait3A_160, %dma_wait3A_161] : memref<2x64x128xf32, #tpu.memory_space<vmem>> -> memref<1x64x128xf32, #tpu.memory_space<vmem>>
      %dma_wait3A_163 = tpu.memref_squeeze %dma_wait3A_162 : memref<1x64x128xf32, #tpu.memory_space<vmem>> -> memref<64x128xf32, #tpu.memory_space<vmem>>
      %dma_wait3A_164 = arith.constant 0 : i32
      %dma_wait3A_165 = tpu.memref_slice %arg9[%dma_wait3A_159, %dma_wait3A_164] : memref<128x64xi32, #tpu.memory_space<vmem>> -> memref<1x64xi32, #tpu.memory_space<vmem>>
      %dma_wait3A_166 = tpu.memref_squeeze %dma_wait3A_165 : memref<1x64xi32, #tpu.memory_space<vmem>> -> memref<64xi32, #tpu.memory_space<vmem>>
      %dma_wait3A_167 = arith.constant 0 : i32
      %dma_wait3A_168 = arith.constant 0 : i32
      %dma_wait3A_169 = tpu.memref_slice %arg11[%dma_wait3A_167, %dma_wait3A_168] : memref<10112x128xf32, #tpu.memory_space<vmem_shared>> -> memref<10112x128xf32, #tpu.memory_space<vmem_shared>>
      tpu.wait_indirect_dma semaphore(%arg13 : memref<!tpu.dma_semaphore, #tpu.memory_space<semaphore_mem>>) src(%dma_wait3A_163 : memref<64x128xf32, #tpu.memory_space<vmem>>) dst(%dma_wait3A_169 : memref<10112x128xf32, #tpu.memory_space<vmem_shared>>)
      %add3A_170 = arith.constant 2 : i32
      %add3A_171 = arith.addi %add3A_97, %add3A_170 : i32
      %lt3A_172 = arith.cmpi slt, %add3A_171, %add3A_4 : i32
      %convert_element_type3A_173 = arith.extui %lt3A_172 : i1 to i32
      %cond3A_174 = arith.constant 0 : i32
      %cond3A_175 = arith.cmpi ne, %convert_element_type3A_173, %cond3A_174 : i32
      scf.if %cond3A_175 {
        %add3A_176 = arith.constant 2 : i32
        %add3A_177 = arith.addi %add3A_97, %add3A_176 : i32
        %dma_start3A_178 = arith.constant 1 : i32
        %dma_start3A_179 = arith.constant 0 : i32
        %dma_start3A_180 = arith.constant 0 : i32
        %dma_start3A_181 = tpu.memref_slice %arg10[%dma_start3A_178, %dma_start3A_179, %dma_start3A_180] : memref<2x64x128xf32, #tpu.memory_space<vmem>> -> memref<1x64x128xf32, #tpu.memory_space<vmem>>
        %dma_start3A_182 = tpu.memref_squeeze %dma_start3A_181 : memref<1x64x128xf32, #tpu.memory_space<vmem>> -> memref<64x128xf32, #tpu.memory_space<vmem>>
        %dma_start3A_183 = arith.constant 0 : i32
        %dma_start3A_184 = tpu.memref_slice %arg8[%add3A_177, %dma_start3A_183] : memref<128x64xi32, #tpu.memory_space<vmem>> -> memref<1x64xi32, #tpu.memory_space<vmem>>
        %dma_start3A_185 = tpu.memref_squeeze %dma_start3A_184 : memref<1x64xi32, #tpu.memory_space<vmem>> -> memref<64xi32, #tpu.memory_space<vmem>>
        %dma_start3A_186 = arith.constant 0 : i32
        %dma_start3A_187 = arith.constant 0 : i32
        %dma_start3A_188 = tpu.memref_slice %arg2[%dma_start3A_186, %dma_start3A_187] : memref<10000x128xf32, #tpu.memory_space<hbm>> -> memref<10000x128xf32, #tpu.memory_space<hbm>>
        tpu.enqueue_indirect_dma source(%dma_start3A_188 : memref<10000x128xf32, #tpu.memory_space<hbm>>) target(%dma_start3A_182 : memref<64x128xf32, #tpu.memory_space<vmem>>) offsets(%dma_start3A_185 : memref<64xi32, #tpu.memory_space<vmem>>) semaphore(%arg12 : memref<!tpu.dma_semaphore, #tpu.memory_space<semaphore_mem>>)
      } else {
      }
    }
    %while3A_42 = arith.constant 1 : i32
    scf.for %while3A_93 = %while3A_40 to %while3A_36 step %while3A_42  : i32 {
      %mul3A_94 = arith.constant 2 : i32
      %mul3A_95 = arith.muli %while3A_93, %mul3A_94 : i32
      %add3A_96 = arith.constant 1 : i32
      %add3A_97 = arith.addi %mul3A_95, %add3A_96 : i32
      %dma_wait3A = arith.constant 0 : i32
      %dma_wait3A_98 = arith.constant 0 : i32
      %dma_wait3A_99 = arith.constant 0 : i32
      %dma_wait3A_100 = arith.constant 0 : i32
      %dma_wait3A_101 = tpu.memref_slice %arg10[%dma_wait3A_98, %dma_wait3A_99, %dma_wait3A_100] : memref<2x64x128xf32, #tpu.memory_space<vmem>> -> memref<1x64x128xf32, #tpu.memory_space<vmem>>
      %dma_wait3A_102 = tpu.memref_squeeze %dma_wait3A_101 : memref<1x64x128xf32, #tpu.memory_space<vmem>> -> memref<64x128xf32, #tpu.memory_space<vmem>>
      %dma_wait3A_103 = arith.constant 0 : i32
      %dma_wait3A_104 = tpu.memref_slice %arg8[%dma_wait3A, %dma_wait3A_103] : memref<128x64xi32, #tpu.memory_space<vmem>> -> memref<1x64xi32, #tpu.memory_space<vmem>>
      %dma_wait3A_105 = tpu.memref_squeeze %dma_wait3A_104 : memref<1x64xi32, #tpu.memory_space<vmem>> -> memref<64xi32, #tpu.memory_space<vmem>>
      %dma_wait3A_106 = arith.constant 0 : i32
      %dma_wait3A_107 = arith.constant 0 : i32
      %dma_wait3A_108 = tpu.memref_slice %arg2[%dma_wait3A_106, %dma_wait3A_107] : memref<10000x128xf32, #tpu.memory_space<hbm>> -> memref<10000x128xf32, #tpu.memory_space<hbm>>
      tpu.wait_indirect_dma semaphore(%arg12 : memref<!tpu.dma_semaphore, #tpu.memory_space<semaphore_mem>>) src(%dma_wait3A_108 : memref<10000x128xf32, #tpu.memory_space<hbm>>) dst(%dma_wait3A_102 : memref<64x128xf32, #tpu.memory_space<vmem>>)
      %dma_start3A_109 = arith.constant 0 : i32
      %dma_start3A_110 = arith.constant 0 : i32
      %dma_start3A_111 = arith.constant 0 : i32
      %dma_start3A_112 = tpu.memref_slice %arg10[%dma_start3A_109, %dma_start3A_110, %dma_start3A_111] : memref<2x64x128xf32, #tpu.memory_space<vmem>> -> memref<1x64x128xf32, #tpu.memory_space<vmem>>
      %dma_start3A_113 = tpu.memref_squeeze %dma_start3A_112 : memref<1x64x128xf32, #tpu.memory_space<vmem>> -> memref<64x128xf32, #tpu.memory_space<vmem>>
      %dma_start3A_114 = arith.constant 0 : i32
      %dma_start3A_115 = tpu.memref_slice %arg9[%mul3A_95, %dma_start3A_114] : memref<128x64xi32, #tpu.memory_space<vmem>> -> memref<1x64xi32, #tpu.memory_space<vmem>>
      %dma_start3A_116 = tpu.memref_squeeze %dma_start3A_115 : memref<1x64xi32, #tpu.memory_space<vmem>> -> memref<64xi32, #tpu.memory_space<vmem>>
      %dma_start3A_117 = arith.constant 0 : i32
      %dma_start3A_118 = arith.constant 0 : i32
      %dma_start3A_119 = tpu.memref_slice %arg11[%dma_start3A_117, %dma_start3A_118] : memref<10112x128xf32, #tpu.memory_space<vmem_shared>> -> memref<10112x128xf32, #tpu.memory_space<vmem_shared>>
      tpu.enqueue_indirect_dma source(%dma_start3A_113 : memref<64x128xf32, #tpu.memory_space<vmem>>) target(%dma_start3A_119 : memref<10112x128xf32, #tpu.memory_space<vmem_shared>>) offsets(%dma_start3A_116 : memref<64xi32, #tpu.memory_space<vmem>>) semaphore(%arg13 : memref<!tpu.dma_semaphore, #tpu.memory_space<semaphore_mem>>) {add = true}
      %dma_wait3A_120 = arith.constant 0 : i32
      %dma_wait3A_121 = arith.constant 1 : i32
      %dma_wait3A_122 = arith.constant 0 : i32
      %dma_wait3A_123 = arith.constant 0 : i32
      %dma_wait3A_124 = tpu.memref_slice %arg10[%dma_wait3A_121, %dma_wait3A_122, %dma_wait3A_123] : memref<2x64x128xf32, #tpu.memory_space<vmem>> -> memref<1x64x128xf32, #tpu.memory_space<vmem>>
      %dma_wait3A_125 = tpu.memref_squeeze %dma_wait3A_124 : memref<1x64x128xf32, #tpu.memory_space<vmem>> -> memref<64x128xf32, #tpu.memory_space<vmem>>
      %dma_wait3A_126 = arith.constant 0 : i32
      %dma_wait3A_127 = tpu.memref_slice %arg8[%dma_wait3A_120, %dma_wait3A_126] : memref<128x64xi32, #tpu.memory_space<vmem>> -> memref<1x64xi32, #tpu.memory_space<vmem>>
      %dma_wait3A_128 = tpu.memref_squeeze %dma_wait3A_127 : memref<1x64xi32, #tpu.memory_space<vmem>> -> memref<64xi32, #tpu.memory_space<vmem>>
      %dma_wait3A_129 = arith.constant 0 : i32
      %dma_wait3A_130 = arith.constant 0 : i32
      %dma_wait3A_131 = tpu.memref_slice %arg2[%dma_wait3A_129, %dma_wait3A_130] : memref<10000x128xf32, #tpu.memory_space<hbm>> -> memref<10000x128xf32, #tpu.memory_space<hbm>>
      tpu.wait_indirect_dma semaphore(%arg12 : memref<!tpu.dma_semaphore, #tpu.memory_space<semaphore_mem>>) src(%dma_wait3A_131 : memref<10000x128xf32, #tpu.memory_space<hbm>>) dst(%dma_wait3A_125 : memref<64x128xf32, #tpu.memory_space<vmem>>)
      %dma_start3A_132 = arith.constant 1 : i32
      %dma_start3A_133 = arith.constant 0 : i32
      %dma_start3A_134 = arith.constant 0 : i32
      %dma_start3A_135 = tpu.memref_slice %arg10[%dma_start3A_132, %dma_start3A_133, %dma_start3A_134] : memref<2x64x128xf32, #tpu.memory_space<vmem>> -> memref<1x64x128xf32, #tpu.memory_space<vmem>>
      %dma_start3A_136 = tpu.memref_squeeze %dma_start3A_135 : memref<1x64x128xf32, #tpu.memory_space<vmem>> -> memref<64x128xf32, #tpu.memory_space<vmem>>
      %dma_start3A_137 = arith.constant 0 : i32
      %dma_start3A_138 = tpu.memref_slice %arg9[%add3A_97, %dma_start3A_137] : memref<128x64xi32, #tpu.memory_space<vmem>> -> memref<1x64xi32, #tpu.memory_space<vmem>>
      %dma_start3A_139 = tpu.memref_squeeze %dma_start3A_138 : memref<1x64xi32, #tpu.memory_space<vmem>> -> memref<64xi32, #tpu.memory_space<vmem>>
      %dma_start3A_140 = arith.constant 0 : i32
      %dma_start3A_141 = arith.constant 0 : i32
      %dma_start3A_142 = tpu.memref_slice %arg11[%dma_start3A_140, %dma_start3A_141] : memref<10112x128xf32, #tpu.memory_space<vmem_shared>> -> memref<10112x128xf32, #tpu.memory_space<vmem_shared>>
      tpu.enqueue_indirect_dma source(%dma_start3A_136 : memref<64x128xf32, #tpu.memory_space<vmem>>) target(%dma_start3A_142 : memref<10112x128xf32, #tpu.memory_space<vmem_shared>>) offsets(%dma_start3A_139 : memref<64xi32, #tpu.memory_space<vmem>>) semaphore(%arg13 : memref<!tpu.dma_semaphore, #tpu.memory_space<semaphore_mem>>) {add = true}
      %dma_wait3A_143 = arith.constant 0 : i32
      %dma_wait3A_144 = arith.constant 0 : i32
      %dma_wait3A_145 = arith.constant 0 : i32
      %dma_wait3A_146 = arith.constant 0 : i32
      %dma_wait3A_147 = tpu.memref_slice %arg10[%dma_wait3A_143, %dma_wait3A_145, %dma_wait3A_146] : memref<2x64x128xf32, #tpu.memory_space<vmem>> -> memref<1x64x128xf32, #tpu.memory_space<vmem>>
      %dma_wait3A_148 = tpu.memref_squeeze %dma_wait3A_147 : memref<1x64x128xf32, #tpu.memory_space<vmem>> -> memref<64x128xf32, #tpu.memory_space<vmem>>
      %dma_wait3A_149 = arith.constant 0 : i32
      %dma_wait3A_150 = tpu.memref_slice %arg9[%dma_wait3A_144, %dma_wait3A_149] : memref<128x64xi32, #tpu.memory_space<vmem>> -> memref<1x64xi32, #tpu.memory_space<vmem>>
      %dma_wait3A_151 = tpu.memref_squeeze %dma_wait3A_150 : memref<1x64xi32, #tpu.memory_space<vmem>> -> memref<64xi32, #tpu.memory_space<vmem>>
      %dma_wait3A_152 = arith.constant 0 : i32
      %dma_wait3A_153 = arith.constant 0 : i32
      %dma_wait3A_154 = tpu.memref_slice %arg11[%dma_wait3A_152, %dma_wait3A_153] : memref<10112x128xf32, #tpu.memory_space<vmem_shared>> -> memref<10112x128xf32, #tpu.memory_space<vmem_shared>>
      tpu.wait_indirect_dma semaphore(%arg13 : memref<!tpu.dma_semaphore, #tpu.memory_space<semaphore_mem>>) src(%dma_wait3A_148 : memref<64x128xf32, #tpu.memory_space<vmem>>) dst(%dma_wait3A_154 : memref<10112x128xf32, #tpu.memory_space<vmem_shared>>)
      %add3A_155 = arith.constant 2 : i32
      %add3A_156 = arith.addi %mul3A_95, %add3A_155 : i32
      %lt3A = arith.cmpi slt, %add3A_156, %add3A_4 : i32
      %convert_element_type3A = arith.extui %lt3A : i1 to i32
      %cond3A = arith.constant 0 : i32
      %cond3A_157 = arith.cmpi ne, %convert_element_type3A, %cond3A : i32
      scf.if %cond3A_157 {
        %add3A_176 = arith.constant 2 : i32
        %add3A_177 = arith.addi %mul3A_95, %add3A_176 : i32
        %dma_start3A_178 = arith.constant 0 : i32
        %dma_start3A_179 = arith.constant 0 : i32
        %dma_start3A_180 = arith.constant 0 : i32
        %dma_start3A_181 = tpu.memref_slice %arg10[%dma_start3A_178, %dma_start3A_179, %dma_start3A_180] : memref<2x64x128xf32, #tpu.memory_space<vmem>> -> memref<1x64x128xf32, #tpu.memory_space<vmem>>
        %dma_start3A_182 = tpu.memref_squeeze %dma_start3A_181 : memref<1x64x128xf32, #tpu.memory_space<vmem>> -> memref<64x128xf32, #tpu.memory_space<vmem>>
        %dma_start3A_183 = arith.constant 0 : i32
        %dma_start3A_184 = tpu.memref_slice %arg8[%add3A_177, %dma_start3A_183] : memref<128x64xi32, #tpu.memory_space<vmem>> -> memref<1x64xi32, #tpu.memory_space<vmem>>
        %dma_start3A_185 = tpu.memref_squeeze %dma_start3A_184 : memref<1x64xi32, #tpu.memory_space<vmem>> -> memref<64xi32, #tpu.memory_space<vmem>>
        %dma_start3A_186 = arith.constant 0 : i32
        %dma_start3A_187 = arith.constant 0 : i32
        %dma_start3A_188 = tpu.memref_slice %arg2[%dma_start3A_186, %dma_start3A_187] : memref<10000x128xf32, #tpu.memory_space<hbm>> -> memref<10000x128xf32, #tpu.memory_space<hbm>>
        tpu.enqueue_indirect_dma source(%dma_start3A_188 : memref<10000x128xf32, #tpu.memory_space<hbm>>) target(%dma_start3A_182 : memref<64x128xf32, #tpu.memory_space<vmem>>) offsets(%dma_start3A_185 : memref<64xi32, #tpu.memory_space<vmem>>) semaphore(%arg12 : memref<!tpu.dma_semaphore, #tpu.memory_space<semaphore_mem>>)
      } else {
      }
      %dma_wait3A_158 = arith.constant 1 : i32
      %dma_wait3A_159 = arith.constant 0 : i32
      %dma_wait3A_160 = arith.constant 0 : i32
      %dma_wait3A_161 = arith.constant 0 : i32
      %dma_wait3A_162 = tpu.memref_slice %arg10[%dma_wait3A_158, %dma_wait3A_160, %dma_wait3A_161] : memref<2x64x128xf32, #tpu.memory_space<vmem>> -> memref<1x64x128xf32, #tpu.memory_space<vmem>>
      %dma_wait3A_163 = tpu.memref_squeeze %dma_wait3A_162 : memref<1x64x128xf32, #tpu.memory_space<vmem>> -> memref<64x128xf32, #tpu.memory_space<vmem>>
      %dma_wait3A_164 = arith.constant 0 : i32
      %dma_wait3A_165 = tpu.memref_slice %arg9[%dma_wait3A_159, %dma_wait3A_164] : memref<128x64xi32, #tpu.memory_space<vmem>> -> memref<1x64xi32, #tpu.memory_space<vmem>>
      %dma_wait3A_166 = tpu.memref_squeeze %dma_wait3A_165 : memref<1x64xi32, #tpu.memory_space<vmem>> -> memref<64xi32, #tpu.memory_space<vmem>>
      %dma_wait3A_167 = arith.constant 0 : i32
      %dma_wait3A_168 = arith.constant 0 : i32
      %dma_wait3A_169 = tpu.memref_slice %arg11[%dma_wait3A_167, %dma_wait3A_168] : memref<10112x128xf32, #tpu.memory_space<vmem_shared>> -> memref<10112x128xf32, #tpu.memory_space<vmem_shared>>
      tpu.wait_indirect_dma semaphore(%arg13 : memref<!tpu.dma_semaphore, #tpu.memory_space<semaphore_mem>>) src(%dma_wait3A_163 : memref<64x128xf32, #tpu.memory_space<vmem>>) dst(%dma_wait3A_169 : memref<10112x128xf32, #tpu.memory_space<vmem_shared>>)
      %add3A_170 = arith.constant 2 : i32
      %add3A_171 = arith.addi %add3A_97, %add3A_170 : i32
      %lt3A_172 = arith.cmpi slt, %add3A_171, %add3A_4 : i32
      %convert_element_type3A_173 = arith.extui %lt3A_172 : i1 to i32
      %cond3A_174 = arith.constant 0 : i32
      %cond3A_175 = arith.cmpi ne, %convert_element_type3A_173, %cond3A_174 : i32
      scf.if %cond3A_175 {
        %add3A_176 = arith.constant 2 : i32
        %add3A_177 = arith.addi %add3A_97, %add3A_176 : i32
        %dma_start3A_178 = arith.constant 1 : i32
        %dma_start3A_179 = arith.constant 0 : i32
        %dma_start3A_180 = arith.constant 0 : i32
        %dma_start3A_181 = tpu.memref_slice %arg10[%dma_start3A_178, %dma_start3A_179, %dma_start3A_180] : memref<2x64x128xf32, #tpu.memory_space<vmem>> -> memref<1x64x128xf32, #tpu.memory_space<vmem>>
        %dma_start3A_182 = tpu.memref_squeeze %dma_start3A_181 : memref<1x64x128xf32, #tpu.memory_space<vmem>> -> memref<64x128xf32, #tpu.memory_space<vmem>>
        %dma_start3A_183 = arith.constant 0 : i32
        %dma_start3A_184 = tpu.memref_slice %arg8[%add3A_177, %dma_start3A_183] : memref<128x64xi32, #tpu.memory_space<vmem>> -> memref<1x64xi32, #tpu.memory_space<vmem>>
        %dma_start3A_185 = tpu.memref_squeeze %dma_start3A_184 : memref<1x64xi32, #tpu.memory_space<vmem>> -> memref<64xi32, #tpu.memory_space<vmem>>
        %dma_start3A_186 = arith.constant 0 : i32
        %dma_start3A_187 = arith.constant 0 : i32
        %dma_start3A_188 = tpu.memref_slice %arg2[%dma_start3A_186, %dma_start3A_187] : memref<10000x128xf32, #tpu.memory_space<hbm>> -> memref<10000x128xf32, #tpu.memory_space<hbm>>
        tpu.enqueue_indirect_dma source(%dma_start3A_188 : memref<10000x128xf32, #tpu.memory_space<hbm>>) target(%dma_start3A_182 : memref<64x128xf32, #tpu.memory_space<vmem>>) offsets(%dma_start3A_185 : memref<64xi32, #tpu.memory_space<vmem>>) semaphore(%arg12 : memref<!tpu.dma_semaphore, #tpu.memory_space<semaphore_mem>>)
      } else {
      }
    }
    %barrier3A_43 = arith.constant 0 : index
    tpu.barrier barrier_id(%barrier3A_43)
    %mul3A_44 = arith.constant 632 : i32
    %mul3A_45 = arith.muli %arg1, %mul3A_44 : i32
    %mul3A_46 = arith.constant 632 : i32
    %mul3A_47 = arith.muli %arg1, %mul3A_46 : i32
    %run_scoped3A = arith.constant 0 : i32
    "tpu.region"() ({
      %run_scoped3A_93 = tpu.sem_alloc : memref<!tpu.dma_semaphore, #tpu.memory_space<semaphore_mem>>
      %dma_start3A_94 = arith.constant 0 : i32
      %dma_start3A_95 = tpu.memref_slice %arg7[%arg0, %run_scoped3A, %mul3A_47, %dma_start3A_94] : memref<2x2x10112x128xf32, #tpu.memory_space<hbm>> -> memref<1x1x632x128xf32, #tpu.memory_space<hbm>>
      %dma_start3A_96 = tpu.memref_squeeze %dma_start3A_95 : memref<1x1x632x128xf32, #tpu.memory_space<hbm>> -> memref<632x128xf32, #tpu.memory_space<hbm>>
      %dma_start3A_97 = arith.constant 0 : i32
      %dma_start3A_98 = tpu.memref_slice %arg11[%mul3A_45, %dma_start3A_97] : memref<10112x128xf32, #tpu.memory_space<vmem_shared>> -> memref<632x128xf32, #tpu.memory_space<vmem_shared>>
      tpu.enqueue_dma source(%dma_start3A_98 : memref<632x128xf32, #tpu.memory_space<vmem_shared>>) target(%dma_start3A_96 : memref<632x128xf32, #tpu.memory_space<hbm>>) target_semaphore(%run_scoped3A_93 : memref<!tpu.dma_semaphore, #tpu.memory_space<semaphore_mem>>)
      %dma_wait3A = arith.constant 0 : i32
      %dma_wait3A_99 = tpu.memref_slice %arg7[%arg0, %run_scoped3A, %mul3A_47, %dma_wait3A] : memref<2x2x10112x128xf32, #tpu.memory_space<hbm>> -> memref<1x1x632x128xf32, #tpu.memory_space<hbm>>
      %dma_wait3A_100 = tpu.memref_squeeze %dma_wait3A_99 : memref<1x1x632x128xf32, #tpu.memory_space<hbm>> -> memref<632x128xf32, #tpu.memory_space<hbm>>
      %dma_wait3A_101 = arith.constant 0 : i32
      %dma_wait3A_102 = tpu.memref_slice %arg11[%mul3A_45, %dma_wait3A_101] : memref<10112x128xf32, #tpu.memory_space<vmem_shared>> -> memref<632x128xf32, #tpu.memory_space<vmem_shared>>
      tpu.wait_dma2 semaphore(%run_scoped3A_93 : memref<!tpu.dma_semaphore, #tpu.memory_space<semaphore_mem>>) src(%dma_wait3A_102 : memref<632x128xf32, #tpu.memory_space<vmem_shared>>) dst(%dma_wait3A_100 : memref<632x128xf32, #tpu.memory_space<hbm>>)
      tpu.yield
    }) : () -> ()
    %barrier3A_48 = arith.constant 0 : index
    tpu.barrier barrier_id(%barrier3A_48)
    %mul3A_49 = arith.constant 632 : i32
    %mul3A_50 = arith.muli %arg1, %mul3A_49 : i32
    "tpu.region"() ({
      %run_scoped3A_93 = tpu.sem_alloc : memref<!tpu.dma_semaphore, #tpu.memory_space<semaphore_mem>>
      %dma_start3A_94 = arith.constant 0 : i32
      %dma_start3A_95 = tpu.memref_slice %arg11[%mul3A_50, %dma_start3A_94] : memref<10112x128xf32, #tpu.memory_space<vmem_shared>> -> memref<632x128xf32, #tpu.memory_space<vmem_shared>>
      tpu.enqueue_dma source(%arg6 : memref<632x128xf32, #tpu.memory_space<hbm>>) target(%dma_start3A_95 : memref<632x128xf32, #tpu.memory_space<vmem_shared>>) target_semaphore(%run_scoped3A_93 : memref<!tpu.dma_semaphore, #tpu.memory_space<semaphore_mem>>)
      %dma_wait3A = arith.constant 0 : i32
      %dma_wait3A_96 = tpu.memref_slice %arg11[%mul3A_50, %dma_wait3A] : memref<10112x128xf32, #tpu.memory_space<vmem_shared>> -> memref<632x128xf32, #tpu.memory_space<vmem_shared>>
      tpu.wait_dma2 semaphore(%run_scoped3A_93 : memref<!tpu.dma_semaphore, #tpu.memory_space<semaphore_mem>>) src(%arg6 : memref<632x128xf32, #tpu.memory_space<hbm>>) dst(%dma_wait3A_96 : memref<632x128xf32, #tpu.memory_space<vmem_shared>>)
      tpu.yield
    }) : () -> ()
    %barrier3A_51 = arith.constant 0 : index
    tpu.barrier barrier_id(%barrier3A_51)
    %dma_start3A_52 = arith.constant 0 : i32
    %dma_start3A_53 = arith.constant 0 : i32
    %dma_start3A_54 = arith.constant 0 : i32
    %dma_start3A_55 = arith.constant 0 : i32
    %dma_start3A_56 = tpu.memref_slice %arg10[%dma_start3A_53, %dma_start3A_54, %dma_start3A_55] : memref<2x64x128xf32, #tpu.memory_space<vmem>> -> memref<1x64x128xf32, #tpu.memory_space<vmem>>
    %dma_start3A_57 = tpu.memref_squeeze %dma_start3A_56 : memref<1x64x128xf32, #tpu.memory_space<vmem>> -> memref<64x128xf32, #tpu.memory_space<vmem>>
    %dma_start3A_58 = arith.constant 0 : i32
    %dma_start3A_59 = tpu.memref_slice %arg8[%dma_start3A_52, %dma_start3A_58] : memref<128x64xi32, #tpu.memory_space<vmem>> -> memref<1x64xi32, #tpu.memory_space<vmem>>
    %dma_start3A_60 = tpu.memref_squeeze %dma_start3A_59 : memref<1x64xi32, #tpu.memory_space<vmem>> -> memref<64xi32, #tpu.memory_space<vmem>>
    %dma_start3A_61 = arith.constant 0 : i32
    %dma_start3A_62 = arith.constant 0 : i32
    %dma_start3A_63 = tpu.memref_slice %arg3[%dma_start3A_61, %dma_start3A_62] : memref<10000x128xf32, #tpu.memory_space<hbm>> -> memref<10000x128xf32, #tpu.memory_space<hbm>>
    tpu.enqueue_indirect_dma source(%dma_start3A_63 : memref<10000x128xf32, #tpu.memory_space<hbm>>) target(%dma_start3A_57 : memref<64x128xf32, #tpu.memory_space<vmem>>) offsets(%dma_start3A_60 : memref<64xi32, #tpu.memory_space<vmem>>) semaphore(%arg12 : memref<!tpu.dma_semaphore, #tpu.memory_space<semaphore_mem>>)
    %dma_start3A_64 = arith.constant 1 : i32
    %dma_start3A_65 = arith.constant 1 : i32
    %dma_start3A_66 = arith.constant 0 : i32
    %dma_start3A_67 = arith.constant 0 : i32
    %dma_start3A_68 = tpu.memref_slice %arg10[%dma_start3A_65, %dma_start3A_66, %dma_start3A_67] : memref<2x64x128xf32, #tpu.memory_space<vmem>> -> memref<1x64x128xf32, #tpu.memory_space<vmem>>
    %dma_start3A_69 = tpu.memref_squeeze %dma_start3A_68 : memref<1x64x128xf32, #tpu.memory_space<vmem>> -> memref<64x128xf32, #tpu.memory_space<vmem>>
    %dma_start3A_70 = arith.constant 0 : i32
    %dma_start3A_71 = tpu.memref_slice %arg8[%dma_start3A_64, %dma_start3A_70] : memref<128x64xi32, #tpu.memory_space<vmem>> -> memref<1x64xi32, #tpu.memory_space<vmem>>
    %dma_start3A_72 = tpu.memref_squeeze %dma_start3A_71 : memref<1x64xi32, #tpu.memory_space<vmem>> -> memref<64xi32, #tpu.memory_space<vmem>>
    %dma_start3A_73 = arith.constant 0 : i32
    %dma_start3A_74 = arith.constant 0 : i32
    %dma_start3A_75 = tpu.memref_slice %arg3[%dma_start3A_73, %dma_start3A_74] : memref<10000x128xf32, #tpu.memory_space<hbm>> -> memref<10000x128xf32, #tpu.memory_space<hbm>>
    tpu.enqueue_indirect_dma source(%dma_start3A_75 : memref<10000x128xf32, #tpu.memory_space<hbm>>) target(%dma_start3A_69 : memref<64x128xf32, #tpu.memory_space<vmem>>) offsets(%dma_start3A_72 : memref<64xi32, #tpu.memory_space<vmem>>) semaphore(%arg12 : memref<!tpu.dma_semaphore, #tpu.memory_space<semaphore_mem>>)
    %while3A_76 = arith.constant 0 : i32
    %while3A_77 = arith.constant 0 : i32
    %while3A_78 = arith.subi %add3A_8, %while3A_77 : i32
    %while3A_79 = arith.addi %while3A_77, %while3A_78 : i32
    %while3A_80 = arith.constant 1 : i32
    %while3A_81 = arith.divsi %while3A_78, %while3A_80 : i32
    %while3A_82 = arith.muli %while3A_81, %while3A_80 : i32
    %while3A_83 = arith.addi %while3A_77, %while3A_82 : i32
    %while3A_84 = arith.constant 1 : i32
    scf.for %while3A_93 = %while3A_77 to %while3A_83 step %while3A_84  : i32 {
      %mul3A_94 = arith.constant 2 : i32
      %mul3A_95 = arith.muli %while3A_93, %mul3A_94 : i32
      %add3A_96 = arith.constant 1 : i32
      %add3A_97 = arith.addi %mul3A_95, %add3A_96 : i32
      %dma_wait3A = arith.constant 0 : i32
      %dma_wait3A_98 = arith.constant 0 : i32
      %dma_wait3A_99 = arith.constant 0 : i32
      %dma_wait3A_100 = arith.constant 0 : i32
      %dma_wait3A_101 = tpu.memref_slice %arg10[%dma_wait3A_98, %dma_wait3A_99, %dma_wait3A_100] : memref<2x64x128xf32, #tpu.memory_space<vmem>> -> memref<1x64x128xf32, #tpu.memory_space<vmem>>
      %dma_wait3A_102 = tpu.memref_squeeze %dma_wait3A_101 : memref<1x64x128xf32, #tpu.memory_space<vmem>> -> memref<64x128xf32, #tpu.memory_space<vmem>>
      %dma_wait3A_103 = arith.constant 0 : i32
      %dma_wait3A_104 = tpu.memref_slice %arg8[%dma_wait3A, %dma_wait3A_103] : memref<128x64xi32, #tpu.memory_space<vmem>> -> memref<1x64xi32, #tpu.memory_space<vmem>>
      %dma_wait3A_105 = tpu.memref_squeeze %dma_wait3A_104 : memref<1x64xi32, #tpu.memory_space<vmem>> -> memref<64xi32, #tpu.memory_space<vmem>>
      %dma_wait3A_106 = arith.constant 0 : i32
      %dma_wait3A_107 = arith.constant 0 : i32
      %dma_wait3A_108 = tpu.memref_slice %arg3[%dma_wait3A_106, %dma_wait3A_107] : memref<10000x128xf32, #tpu.memory_space<hbm>> -> memref<10000x128xf32, #tpu.memory_space<hbm>>
      tpu.wait_indirect_dma semaphore(%arg12 : memref<!tpu.dma_semaphore, #tpu.memory_space<semaphore_mem>>) src(%dma_wait3A_108 : memref<10000x128xf32, #tpu.memory_space<hbm>>) dst(%dma_wait3A_102 : memref<64x128xf32, #tpu.memory_space<vmem>>)
      %dma_start3A_109 = arith.constant 0 : i32
      %dma_start3A_110 = arith.constant 0 : i32
      %dma_start3A_111 = arith.constant 0 : i32
      %dma_start3A_112 = tpu.memref_slice %arg10[%dma_start3A_109, %dma_start3A_110, %dma_start3A_111] : memref<2x64x128xf32, #tpu.memory_space<vmem>> -> memref<1x64x128xf32, #tpu.memory_space<vmem>>
      %dma_start3A_113 = tpu.memref_squeeze %dma_start3A_112 : memref<1x64x128xf32, #tpu.memory_space<vmem>> -> memref<64x128xf32, #tpu.memory_space<vmem>>
      %dma_start3A_114 = arith.constant 0 : i32
      %dma_start3A_115 = tpu.memref_slice %arg9[%mul3A_95, %dma_start3A_114] : memref<128x64xi32, #tpu.memory_space<vmem>> -> memref<1x64xi32, #tpu.memory_space<vmem>>
      %dma_start3A_116 = tpu.memref_squeeze %dma_start3A_115 : memref<1x64xi32, #tpu.memory_space<vmem>> -> memref<64xi32, #tpu.memory_space<vmem>>
      %dma_start3A_117 = arith.constant 0 : i32
      %dma_start3A_118 = arith.constant 0 : i32
      %dma_start3A_119 = tpu.memref_slice %arg11[%dma_start3A_117, %dma_start3A_118] : memref<10112x128xf32, #tpu.memory_space<vmem_shared>> -> memref<10112x128xf32, #tpu.memory_space<vmem_shared>>
      tpu.enqueue_indirect_dma source(%dma_start3A_113 : memref<64x128xf32, #tpu.memory_space<vmem>>) target(%dma_start3A_119 : memref<10112x128xf32, #tpu.memory_space<vmem_shared>>) offsets(%dma_start3A_116 : memref<64xi32, #tpu.memory_space<vmem>>) semaphore(%arg13 : memref<!tpu.dma_semaphore, #tpu.memory_space<semaphore_mem>>) {add = true}
      %dma_wait3A_120 = arith.constant 0 : i32
      %dma_wait3A_121 = arith.constant 1 : i32
      %dma_wait3A_122 = arith.constant 0 : i32
      %dma_wait3A_123 = arith.constant 0 : i32
      %dma_wait3A_124 = tpu.memref_slice %arg10[%dma_wait3A_121, %dma_wait3A_122, %dma_wait3A_123] : memref<2x64x128xf32, #tpu.memory_space<vmem>> -> memref<1x64x128xf32, #tpu.memory_space<vmem>>
      %dma_wait3A_125 = tpu.memref_squeeze %dma_wait3A_124 : memref<1x64x128xf32, #tpu.memory_space<vmem>> -> memref<64x128xf32, #tpu.memory_space<vmem>>
      %dma_wait3A_126 = arith.constant 0 : i32
      %dma_wait3A_127 = tpu.memref_slice %arg8[%dma_wait3A_120, %dma_wait3A_126] : memref<128x64xi32, #tpu.memory_space<vmem>> -> memref<1x64xi32, #tpu.memory_space<vmem>>
      %dma_wait3A_128 = tpu.memref_squeeze %dma_wait3A_127 : memref<1x64xi32, #tpu.memory_space<vmem>> -> memref<64xi32, #tpu.memory_space<vmem>>
      %dma_wait3A_129 = arith.constant 0 : i32
      %dma_wait3A_130 = arith.constant 0 : i32
      %dma_wait3A_131 = tpu.memref_slice %arg3[%dma_wait3A_129, %dma_wait3A_130] : memref<10000x128xf32, #tpu.memory_space<hbm>> -> memref<10000x128xf32, #tpu.memory_space<hbm>>
      tpu.wait_indirect_dma semaphore(%arg12 : memref<!tpu.dma_semaphore, #tpu.memory_space<semaphore_mem>>) src(%dma_wait3A_131 : memref<10000x128xf32, #tpu.memory_space<hbm>>) dst(%dma_wait3A_125 : memref<64x128xf32, #tpu.memory_space<vmem>>)
      %dma_start3A_132 = arith.constant 1 : i32
      %dma_start3A_133 = arith.constant 0 : i32
      %dma_start3A_134 = arith.constant 0 : i32
      %dma_start3A_135 = tpu.memref_slice %arg10[%dma_start3A_132, %dma_start3A_133, %dma_start3A_134] : memref<2x64x128xf32, #tpu.memory_space<vmem>> -> memref<1x64x128xf32, #tpu.memory_space<vmem>>
      %dma_start3A_136 = tpu.memref_squeeze %dma_start3A_135 : memref<1x64x128xf32, #tpu.memory_space<vmem>> -> memref<64x128xf32, #tpu.memory_space<vmem>>
      %dma_start3A_137 = arith.constant 0 : i32
      %dma_start3A_138 = tpu.memref_slice %arg9[%add3A_97, %dma_start3A_137] : memref<128x64xi32, #tpu.memory_space<vmem>> -> memref<1x64xi32, #tpu.memory_space<vmem>>
      %dma_start3A_139 = tpu.memref_squeeze %dma_start3A_138 : memref<1x64xi32, #tpu.memory_space<vmem>> -> memref<64xi32, #tpu.memory_space<vmem>>
      %dma_start3A_140 = arith.constant 0 : i32
      %dma_start3A_141 = arith.constant 0 : i32
      %dma_start3A_142 = tpu.memref_slice %arg11[%dma_start3A_140, %dma_start3A_141] : memref<10112x128xf32, #tpu.memory_space<vmem_shared>> -> memref<10112x128xf32, #tpu.memory_space<vmem_shared>>
      tpu.enqueue_indirect_dma source(%dma_start3A_136 : memref<64x128xf32, #tpu.memory_space<vmem>>) target(%dma_start3A_142 : memref<10112x128xf32, #tpu.memory_space<vmem_shared>>) offsets(%dma_start3A_139 : memref<64xi32, #tpu.memory_space<vmem>>) semaphore(%arg13 : memref<!tpu.dma_semaphore, #tpu.memory_space<semaphore_mem>>) {add = true}
      %dma_wait3A_143 = arith.constant 0 : i32
      %dma_wait3A_144 = arith.constant 0 : i32
      %dma_wait3A_145 = arith.constant 0 : i32
      %dma_wait3A_146 = arith.constant 0 : i32
      %dma_wait3A_147 = tpu.memref_slice %arg10[%dma_wait3A_143, %dma_wait3A_145, %dma_wait3A_146] : memref<2x64x128xf32, #tpu.memory_space<vmem>> -> memref<1x64x128xf32, #tpu.memory_space<vmem>>
      %dma_wait3A_148 = tpu.memref_squeeze %dma_wait3A_147 : memref<1x64x128xf32, #tpu.memory_space<vmem>> -> memref<64x128xf32, #tpu.memory_space<vmem>>
      %dma_wait3A_149 = arith.constant 0 : i32
      %dma_wait3A_150 = tpu.memref_slice %arg9[%dma_wait3A_144, %dma_wait3A_149] : memref<128x64xi32, #tpu.memory_space<vmem>> -> memref<1x64xi32, #tpu.memory_space<vmem>>
      %dma_wait3A_151 = tpu.memref_squeeze %dma_wait3A_150 : memref<1x64xi32, #tpu.memory_space<vmem>> -> memref<64xi32, #tpu.memory_space<vmem>>
      %dma_wait3A_152 = arith.constant 0 : i32
      %dma_wait3A_153 = arith.constant 0 : i32
      %dma_wait3A_154 = tpu.memref_slice %arg11[%dma_wait3A_152, %dma_wait3A_153] : memref<10112x128xf32, #tpu.memory_space<vmem_shared>> -> memref<10112x128xf32, #tpu.memory_space<vmem_shared>>
      tpu.wait_indirect_dma semaphore(%arg13 : memref<!tpu.dma_semaphore, #tpu.memory_space<semaphore_mem>>) src(%dma_wait3A_148 : memref<64x128xf32, #tpu.memory_space<vmem>>) dst(%dma_wait3A_154 : memref<10112x128xf32, #tpu.memory_space<vmem_shared>>)
      %add3A_155 = arith.constant 2 : i32
      %add3A_156 = arith.addi %mul3A_95, %add3A_155 : i32
      %lt3A = arith.cmpi slt, %add3A_156, %add3A_4 : i32
      %convert_element_type3A = arith.extui %lt3A : i1 to i32
      %cond3A = arith.constant 0 : i32
      %cond3A_157 = arith.cmpi ne, %convert_element_type3A, %cond3A : i32
      scf.if %cond3A_157 {
        %add3A_176 = arith.constant 2 : i32
        %add3A_177 = arith.addi %mul3A_95, %add3A_176 : i32
        %dma_start3A_178 = arith.constant 0 : i32
        %dma_start3A_179 = arith.constant 0 : i32
        %dma_start3A_180 = arith.constant 0 : i32
        %dma_start3A_181 = tpu.memref_slice %arg10[%dma_start3A_178, %dma_start3A_179, %dma_start3A_180] : memref<2x64x128xf32, #tpu.memory_space<vmem>> -> memref<1x64x128xf32, #tpu.memory_space<vmem>>
        %dma_start3A_182 = tpu.memref_squeeze %dma_start3A_181 : memref<1x64x128xf32, #tpu.memory_space<vmem>> -> memref<64x128xf32, #tpu.memory_space<vmem>>
        %dma_start3A_183 = arith.constant 0 : i32
        %dma_start3A_184 = tpu.memref_slice %arg8[%add3A_177, %dma_start3A_183] : memref<128x64xi32, #tpu.memory_space<vmem>> -> memref<1x64xi32, #tpu.memory_space<vmem>>
        %dma_start3A_185 = tpu.memref_squeeze %dma_start3A_184 : memref<1x64xi32, #tpu.memory_space<vmem>> -> memref<64xi32, #tpu.memory_space<vmem>>
        %dma_start3A_186 = arith.constant 0 : i32
        %dma_start3A_187 = arith.constant 0 : i32
        %dma_start3A_188 = tpu.memref_slice %arg3[%dma_start3A_186, %dma_start3A_187] : memref<10000x128xf32, #tpu.memory_space<hbm>> -> memref<10000x128xf32, #tpu.memory_space<hbm>>
        tpu.enqueue_indirect_dma source(%dma_start3A_188 : memref<10000x128xf32, #tpu.memory_space<hbm>>) target(%dma_start3A_182 : memref<64x128xf32, #tpu.memory_space<vmem>>) offsets(%dma_start3A_185 : memref<64xi32, #tpu.memory_space<vmem>>) semaphore(%arg12 : memref<!tpu.dma_semaphore, #tpu.memory_space<semaphore_mem>>)
      } else {
      }
      %dma_wait3A_158 = arith.constant 1 : i32
      %dma_wait3A_159 = arith.constant 0 : i32
      %dma_wait3A_160 = arith.constant 0 : i32
      %dma_wait3A_161 = arith.constant 0 : i32
      %dma_wait3A_162 = tpu.memref_slice %arg10[%dma_wait3A_158, %dma_wait3A_160, %dma_wait3A_161] : memref<2x64x128xf32, #tpu.memory_space<vmem>> -> memref<1x64x128xf32, #tpu.memory_space<vmem>>
      %dma_wait3A_163 = tpu.memref_squeeze %dma_wait3A_162 : memref<1x64x128xf32, #tpu.memory_space<vmem>> -> memref<64x128xf32, #tpu.memory_space<vmem>>
      %dma_wait3A_164 = arith.constant 0 : i32
      %dma_wait3A_165 = tpu.memref_slice %arg9[%dma_wait3A_159, %dma_wait3A_164] : memref<128x64xi32, #tpu.memory_space<vmem>> -> memref<1x64xi32, #tpu.memory_space<vmem>>
      %dma_wait3A_166 = tpu.memref_squeeze %dma_wait3A_165 : memref<1x64xi32, #tpu.memory_space<vmem>> -> memref<64xi32, #tpu.memory_space<vmem>>
      %dma_wait3A_167 = arith.constant 0 : i32
      %dma_wait3A_168 = arith.constant 0 : i32
      %dma_wait3A_169 = tpu.memref_slice %arg11[%dma_wait3A_167, %dma_wait3A_168] : memref<10112x128xf32, #tpu.memory_space<vmem_shared>> -> memref<10112x128xf32, #tpu.memory_space<vmem_shared>>
      tpu.wait_indirect_dma semaphore(%arg13 : memref<!tpu.dma_semaphore, #tpu.memory_space<semaphore_mem>>) src(%dma_wait3A_163 : memref<64x128xf32, #tpu.memory_space<vmem>>) dst(%dma_wait3A_169 : memref<10112x128xf32, #tpu.memory_space<vmem_shared>>)
      %add3A_170 = arith.constant 2 : i32
      %add3A_171 = arith.addi %add3A_97, %add3A_170 : i32
      %lt3A_172 = arith.cmpi slt, %add3A_171, %add3A_4 : i32
      %convert_element_type3A_173 = arith.extui %lt3A_172 : i1 to i32
      %cond3A_174 = arith.constant 0 : i32
      %cond3A_175 = arith.cmpi ne, %convert_element_type3A_173, %cond3A_174 : i32
      scf.if %cond3A_175 {
        %add3A_176 = arith.constant 2 : i32
        %add3A_177 = arith.addi %add3A_97, %add3A_176 : i32
        %dma_start3A_178 = arith.constant 1 : i32
        %dma_start3A_179 = arith.constant 0 : i32
        %dma_start3A_180 = arith.constant 0 : i32
        %dma_start3A_181 = tpu.memref_slice %arg10[%dma_start3A_178, %dma_start3A_179, %dma_start3A_180] : memref<2x64x128xf32, #tpu.memory_space<vmem>> -> memref<1x64x128xf32, #tpu.memory_space<vmem>>
        %dma_start3A_182 = tpu.memref_squeeze %dma_start3A_181 : memref<1x64x128xf32, #tpu.memory_space<vmem>> -> memref<64x128xf32, #tpu.memory_space<vmem>>
        %dma_start3A_183 = arith.constant 0 : i32
        %dma_start3A_184 = tpu.memref_slice %arg8[%add3A_177, %dma_start3A_183] : memref<128x64xi32, #tpu.memory_space<vmem>> -> memref<1x64xi32, #tpu.memory_space<vmem>>
        %dma_start3A_185 = tpu.memref_squeeze %dma_start3A_184 : memref<1x64xi32, #tpu.memory_space<vmem>> -> memref<64xi32, #tpu.memory_space<vmem>>
        %dma_start3A_186 = arith.constant 0 : i32
        %dma_start3A_187 = arith.constant 0 : i32
        %dma_start3A_188 = tpu.memref_slice %arg3[%dma_start3A_186, %dma_start3A_187] : memref<10000x128xf32, #tpu.memory_space<hbm>> -> memref<10000x128xf32, #tpu.memory_space<hbm>>
        tpu.enqueue_indirect_dma source(%dma_start3A_188 : memref<10000x128xf32, #tpu.memory_space<hbm>>) target(%dma_start3A_182 : memref<64x128xf32, #tpu.memory_space<vmem>>) offsets(%dma_start3A_185 : memref<64xi32, #tpu.memory_space<vmem>>) semaphore(%arg12 : memref<!tpu.dma_semaphore, #tpu.memory_space<semaphore_mem>>)
      } else {
      }
    }
    %while3A_85 = arith.constant 1 : i32
    scf.for %while3A_93 = %while3A_83 to %while3A_79 step %while3A_85  : i32 {
      %mul3A_94 = arith.constant 2 : i32
      %mul3A_95 = arith.muli %while3A_93, %mul3A_94 : i32
      %add3A_96 = arith.constant 1 : i32
      %add3A_97 = arith.addi %mul3A_95, %add3A_96 : i32
      %dma_wait3A = arith.constant 0 : i32
      %dma_wait3A_98 = arith.constant 0 : i32
      %dma_wait3A_99 = arith.constant 0 : i32
      %dma_wait3A_100 = arith.constant 0 : i32
      %dma_wait3A_101 = tpu.memref_slice %arg10[%dma_wait3A_98, %dma_wait3A_99, %dma_wait3A_100] : memref<2x64x128xf32, #tpu.memory_space<vmem>> -> memref<1x64x128xf32, #tpu.memory_space<vmem>>
      %dma_wait3A_102 = tpu.memref_squeeze %dma_wait3A_101 : memref<1x64x128xf32, #tpu.memory_space<vmem>> -> memref<64x128xf32, #tpu.memory_space<vmem>>
      %dma_wait3A_103 = arith.constant 0 : i32
      %dma_wait3A_104 = tpu.memref_slice %arg8[%dma_wait3A, %dma_wait3A_103] : memref<128x64xi32, #tpu.memory_space<vmem>> -> memref<1x64xi32, #tpu.memory_space<vmem>>
      %dma_wait3A_105 = tpu.memref_squeeze %dma_wait3A_104 : memref<1x64xi32, #tpu.memory_space<vmem>> -> memref<64xi32, #tpu.memory_space<vmem>>
      %dma_wait3A_106 = arith.constant 0 : i32
      %dma_wait3A_107 = arith.constant 0 : i32
      %dma_wait3A_108 = tpu.memref_slice %arg3[%dma_wait3A_106, %dma_wait3A_107] : memref<10000x128xf32, #tpu.memory_space<hbm>> -> memref<10000x128xf32, #tpu.memory_space<hbm>>
      tpu.wait_indirect_dma semaphore(%arg12 : memref<!tpu.dma_semaphore, #tpu.memory_space<semaphore_mem>>) src(%dma_wait3A_108 : memref<10000x128xf32, #tpu.memory_space<hbm>>) dst(%dma_wait3A_102 : memref<64x128xf32, #tpu.memory_space<vmem>>)
      %dma_start3A_109 = arith.constant 0 : i32
      %dma_start3A_110 = arith.constant 0 : i32
      %dma_start3A_111 = arith.constant 0 : i32
      %dma_start3A_112 = tpu.memref_slice %arg10[%dma_start3A_109, %dma_start3A_110, %dma_start3A_111] : memref<2x64x128xf32, #tpu.memory_space<vmem>> -> memref<1x64x128xf32, #tpu.memory_space<vmem>>
      %dma_start3A_113 = tpu.memref_squeeze %dma_start3A_112 : memref<1x64x128xf32, #tpu.memory_space<vmem>> -> memref<64x128xf32, #tpu.memory_space<vmem>>
      %dma_start3A_114 = arith.constant 0 : i32
      %dma_start3A_115 = tpu.memref_slice %arg9[%mul3A_95, %dma_start3A_114] : memref<128x64xi32, #tpu.memory_space<vmem>> -> memref<1x64xi32, #tpu.memory_space<vmem>>
      %dma_start3A_116 = tpu.memref_squeeze %dma_start3A_115 : memref<1x64xi32, #tpu.memory_space<vmem>> -> memref<64xi32, #tpu.memory_space<vmem>>
      %dma_start3A_117 = arith.constant 0 : i32
      %dma_start3A_118 = arith.constant 0 : i32
      %dma_start3A_119 = tpu.memref_slice %arg11[%dma_start3A_117, %dma_start3A_118] : memref<10112x128xf32, #tpu.memory_space<vmem_shared>> -> memref<10112x128xf32, #tpu.memory_space<vmem_shared>>
      tpu.enqueue_indirect_dma source(%dma_start3A_113 : memref<64x128xf32, #tpu.memory_space<vmem>>) target(%dma_start3A_119 : memref<10112x128xf32, #tpu.memory_space<vmem_shared>>) offsets(%dma_start3A_116 : memref<64xi32, #tpu.memory_space<vmem>>) semaphore(%arg13 : memref<!tpu.dma_semaphore, #tpu.memory_space<semaphore_mem>>) {add = true}
      %dma_wait3A_120 = arith.constant 0 : i32
      %dma_wait3A_121 = arith.constant 1 : i32
      %dma_wait3A_122 = arith.constant 0 : i32
      %dma_wait3A_123 = arith.constant 0 : i32
      %dma_wait3A_124 = tpu.memref_slice %arg10[%dma_wait3A_121, %dma_wait3A_122, %dma_wait3A_123] : memref<2x64x128xf32, #tpu.memory_space<vmem>> -> memref<1x64x128xf32, #tpu.memory_space<vmem>>
      %dma_wait3A_125 = tpu.memref_squeeze %dma_wait3A_124 : memref<1x64x128xf32, #tpu.memory_space<vmem>> -> memref<64x128xf32, #tpu.memory_space<vmem>>
      %dma_wait3A_126 = arith.constant 0 : i32
      %dma_wait3A_127 = tpu.memref_slice %arg8[%dma_wait3A_120, %dma_wait3A_126] : memref<128x64xi32, #tpu.memory_space<vmem>> -> memref<1x64xi32, #tpu.memory_space<vmem>>
      %dma_wait3A_128 = tpu.memref_squeeze %dma_wait3A_127 : memref<1x64xi32, #tpu.memory_space<vmem>> -> memref<64xi32, #tpu.memory_space<vmem>>
      %dma_wait3A_129 = arith.constant 0 : i32
      %dma_wait3A_130 = arith.constant 0 : i32
      %dma_wait3A_131 = tpu.memref_slice %arg3[%dma_wait3A_129, %dma_wait3A_130] : memref<10000x128xf32, #tpu.memory_space<hbm>> -> memref<10000x128xf32, #tpu.memory_space<hbm>>
      tpu.wait_indirect_dma semaphore(%arg12 : memref<!tpu.dma_semaphore, #tpu.memory_space<semaphore_mem>>) src(%dma_wait3A_131 : memref<10000x128xf32, #tpu.memory_space<hbm>>) dst(%dma_wait3A_125 : memref<64x128xf32, #tpu.memory_space<vmem>>)
      %dma_start3A_132 = arith.constant 1 : i32
      %dma_start3A_133 = arith.constant 0 : i32
      %dma_start3A_134 = arith.constant 0 : i32
      %dma_start3A_135 = tpu.memref_slice %arg10[%dma_start3A_132, %dma_start3A_133, %dma_start3A_134] : memref<2x64x128xf32, #tpu.memory_space<vmem>> -> memref<1x64x128xf32, #tpu.memory_space<vmem>>
      %dma_start3A_136 = tpu.memref_squeeze %dma_start3A_135 : memref<1x64x128xf32, #tpu.memory_space<vmem>> -> memref<64x128xf32, #tpu.memory_space<vmem>>
      %dma_start3A_137 = arith.constant 0 : i32
      %dma_start3A_138 = tpu.memref_slice %arg9[%add3A_97, %dma_start3A_137] : memref<128x64xi32, #tpu.memory_space<vmem>> -> memref<1x64xi32, #tpu.memory_space<vmem>>
      %dma_start3A_139 = tpu.memref_squeeze %dma_start3A_138 : memref<1x64xi32, #tpu.memory_space<vmem>> -> memref<64xi32, #tpu.memory_space<vmem>>
      %dma_start3A_140 = arith.constant 0 : i32
      %dma_start3A_141 = arith.constant 0 : i32
      %dma_start3A_142 = tpu.memref_slice %arg11[%dma_start3A_140, %dma_start3A_141] : memref<10112x128xf32, #tpu.memory_space<vmem_shared>> -> memref<10112x128xf32, #tpu.memory_space<vmem_shared>>
      tpu.enqueue_indirect_dma source(%dma_start3A_136 : memref<64x128xf32, #tpu.memory_space<vmem>>) target(%dma_start3A_142 : memref<10112x128xf32, #tpu.memory_space<vmem_shared>>) offsets(%dma_start3A_139 : memref<64xi32, #tpu.memory_space<vmem>>) semaphore(%arg13 : memref<!tpu.dma_semaphore, #tpu.memory_space<semaphore_mem>>) {add = true}
      %dma_wait3A_143 = arith.constant 0 : i32
      %dma_wait3A_144 = arith.constant 0 : i32
      %dma_wait3A_145 = arith.constant 0 : i32
      %dma_wait3A_146 = arith.constant 0 : i32
      %dma_wait3A_147 = tpu.memref_slice %arg10[%dma_wait3A_143, %dma_wait3A_145, %dma_wait3A_146] : memref<2x64x128xf32, #tpu.memory_space<vmem>> -> memref<1x64x128xf32, #tpu.memory_space<vmem>>
      %dma_wait3A_148 = tpu.memref_squeeze %dma_wait3A_147 : memref<1x64x128xf32, #tpu.memory_space<vmem>> -> memref<64x128xf32, #tpu.memory_space<vmem>>
      %dma_wait3A_149 = arith.constant 0 : i32
      %dma_wait3A_150 = tpu.memref_slice %arg9[%dma_wait3A_144, %dma_wait3A_149] : memref<128x64xi32, #tpu.memory_space<vmem>> -> memref<1x64xi32, #tpu.memory_space<vmem>>
      %dma_wait3A_151 = tpu.memref_squeeze %dma_wait3A_150 : memref<1x64xi32, #tpu.memory_space<vmem>> -> memref<64xi32, #tpu.memory_space<vmem>>
      %dma_wait3A_152 = arith.constant 0 : i32
      %dma_wait3A_153 = arith.constant 0 : i32
      %dma_wait3A_154 = tpu.memref_slice %arg11[%dma_wait3A_152, %dma_wait3A_153] : memref<10112x128xf32, #tpu.memory_space<vmem_shared>> -> memref<10112x128xf32, #tpu.memory_space<vmem_shared>>
      tpu.wait_indirect_dma semaphore(%arg13 : memref<!tpu.dma_semaphore, #tpu.memory_space<semaphore_mem>>) src(%dma_wait3A_148 : memref<64x128xf32, #tpu.memory_space<vmem>>) dst(%dma_wait3A_154 : memref<10112x128xf32, #tpu.memory_space<vmem_shared>>)
      %add3A_155 = arith.constant 2 : i32
      %add3A_156 = arith.addi %mul3A_95, %add3A_155 : i32
      %lt3A = arith.cmpi slt, %add3A_156, %add3A_4 : i32
      %convert_element_type3A = arith.extui %lt3A : i1 to i32
      %cond3A = arith.constant 0 : i32
      %cond3A_157 = arith.cmpi ne, %convert_element_type3A, %cond3A : i32
      scf.if %cond3A_157 {
        %add3A_176 = arith.constant 2 : i32
        %add3A_177 = arith.addi %mul3A_95, %add3A_176 : i32
        %dma_start3A_178 = arith.constant 0 : i32
        %dma_start3A_179 = arith.constant 0 : i32
        %dma_start3A_180 = arith.constant 0 : i32
        %dma_start3A_181 = tpu.memref_slice %arg10[%dma_start3A_178, %dma_start3A_179, %dma_start3A_180] : memref<2x64x128xf32, #tpu.memory_space<vmem>> -> memref<1x64x128xf32, #tpu.memory_space<vmem>>
        %dma_start3A_182 = tpu.memref_squeeze %dma_start3A_181 : memref<1x64x128xf32, #tpu.memory_space<vmem>> -> memref<64x128xf32, #tpu.memory_space<vmem>>
        %dma_start3A_183 = arith.constant 0 : i32
        %dma_start3A_184 = tpu.memref_slice %arg8[%add3A_177, %dma_start3A_183] : memref<128x64xi32, #tpu.memory_space<vmem>> -> memref<1x64xi32, #tpu.memory_space<vmem>>
        %dma_start3A_185 = tpu.memref_squeeze %dma_start3A_184 : memref<1x64xi32, #tpu.memory_space<vmem>> -> memref<64xi32, #tpu.memory_space<vmem>>
        %dma_start3A_186 = arith.constant 0 : i32
        %dma_start3A_187 = arith.constant 0 : i32
        %dma_start3A_188 = tpu.memref_slice %arg3[%dma_start3A_186, %dma_start3A_187] : memref<10000x128xf32, #tpu.memory_space<hbm>> -> memref<10000x128xf32, #tpu.memory_space<hbm>>
        tpu.enqueue_indirect_dma source(%dma_start3A_188 : memref<10000x128xf32, #tpu.memory_space<hbm>>) target(%dma_start3A_182 : memref<64x128xf32, #tpu.memory_space<vmem>>) offsets(%dma_start3A_185 : memref<64xi32, #tpu.memory_space<vmem>>) semaphore(%arg12 : memref<!tpu.dma_semaphore, #tpu.memory_space<semaphore_mem>>)
      } else {
      }
      %dma_wait3A_158 = arith.constant 1 : i32
      %dma_wait3A_159 = arith.constant 0 : i32
      %dma_wait3A_160 = arith.constant 0 : i32
      %dma_wait3A_161 = arith.constant 0 : i32
      %dma_wait3A_162 = tpu.memref_slice %arg10[%dma_wait3A_158, %dma_wait3A_160, %dma_wait3A_161] : memref<2x64x128xf32, #tpu.memory_space<vmem>> -> memref<1x64x128xf32, #tpu.memory_space<vmem>>
      %dma_wait3A_163 = tpu.memref_squeeze %dma_wait3A_162 : memref<1x64x128xf32, #tpu.memory_space<vmem>> -> memref<64x128xf32, #tpu.memory_space<vmem>>
      %dma_wait3A_164 = arith.constant 0 : i32
      %dma_wait3A_165 = tpu.memref_slice %arg9[%dma_wait3A_159, %dma_wait3A_164] : memref<128x64xi32, #tpu.memory_space<vmem>> -> memref<1x64xi32, #tpu.memory_space<vmem>>
      %dma_wait3A_166 = tpu.memref_squeeze %dma_wait3A_165 : memref<1x64xi32, #tpu.memory_space<vmem>> -> memref<64xi32, #tpu.memory_space<vmem>>
      %dma_wait3A_167 = arith.constant 0 : i32
      %dma_wait3A_168 = arith.constant 0 : i32
      %dma_wait3A_169 = tpu.memref_slice %arg11[%dma_wait3A_167, %dma_wait3A_168] : memref<10112x128xf32, #tpu.memory_space<vmem_shared>> -> memref<10112x128xf32, #tpu.memory_space<vmem_shared>>
      tpu.wait_indirect_dma semaphore(%arg13 : memref<!tpu.dma_semaphore, #tpu.memory_space<semaphore_mem>>) src(%dma_wait3A_163 : memref<64x128xf32, #tpu.memory_space<vmem>>) dst(%dma_wait3A_169 : memref<10112x128xf32, #tpu.memory_space<vmem_shared>>)
      %add3A_170 = arith.constant 2 : i32
      %add3A_171 = arith.addi %add3A_97, %add3A_170 : i32
      %lt3A_172 = arith.cmpi slt, %add3A_171, %add3A_4 : i32
      %convert_element_type3A_173 = arith.extui %lt3A_172 : i1 to i32
      %cond3A_174 = arith.constant 0 : i32
      %cond3A_175 = arith.cmpi ne, %convert_element_type3A_173, %cond3A_174 : i32
      scf.if %cond3A_175 {
        %add3A_176 = arith.constant 2 : i32
        %add3A_177 = arith.addi %add3A_97, %add3A_176 : i32
        %dma_start3A_178 = arith.constant 1 : i32
        %dma_start3A_179 = arith.constant 0 : i32
        %dma_start3A_180 = arith.constant 0 : i32
        %dma_start3A_181 = tpu.memref_slice %arg10[%dma_start3A_178, %dma_start3A_179, %dma_start3A_180] : memref<2x64x128xf32, #tpu.memory_space<vmem>> -> memref<1x64x128xf32, #tpu.memory_space<vmem>>
        %dma_start3A_182 = tpu.memref_squeeze %dma_start3A_181 : memref<1x64x128xf32, #tpu.memory_space<vmem>> -> memref<64x128xf32, #tpu.memory_space<vmem>>
        %dma_start3A_183 = arith.constant 0 : i32
        %dma_start3A_184 = tpu.memref_slice %arg8[%add3A_177, %dma_start3A_183] : memref<128x64xi32, #tpu.memory_space<vmem>> -> memref<1x64xi32, #tpu.memory_space<vmem>>
        %dma_start3A_185 = tpu.memref_squeeze %dma_start3A_184 : memref<1x64xi32, #tpu.memory_space<vmem>> -> memref<64xi32, #tpu.memory_space<vmem>>
        %dma_start3A_186 = arith.constant 0 : i32
        %dma_start3A_187 = arith.constant 0 : i32
        %dma_start3A_188 = tpu.memref_slice %arg3[%dma_start3A_186, %dma_start3A_187] : memref<10000x128xf32, #tpu.memory_space<hbm>> -> memref<10000x128xf32, #tpu.memory_space<hbm>>
        tpu.enqueue_indirect_dma source(%dma_start3A_188 : memref<10000x128xf32, #tpu.memory_space<hbm>>) target(%dma_start3A_182 : memref<64x128xf32, #tpu.memory_space<vmem>>) offsets(%dma_start3A_185 : memref<64xi32, #tpu.memory_space<vmem>>) semaphore(%arg12 : memref<!tpu.dma_semaphore, #tpu.memory_space<semaphore_mem>>)
      } else {
      }
    }
    %barrier3A_86 = arith.constant 0 : index
    tpu.barrier barrier_id(%barrier3A_86)
    %mul3A_87 = arith.constant 632 : i32
    %mul3A_88 = arith.muli %arg1, %mul3A_87 : i32
    %mul3A_89 = arith.constant 632 : i32
    %mul3A_90 = arith.muli %arg1, %mul3A_89 : i32
    %run_scoped3A_91 = arith.constant 1 : i32
    "tpu.region"() ({
      %run_scoped3A_93 = tpu.sem_alloc : memref<!tpu.dma_semaphore, #tpu.memory_space<semaphore_mem>>
      %dma_start3A_94 = arith.constant 0 : i32
      %dma_start3A_95 = tpu.memref_slice %arg7[%arg0, %run_scoped3A_91, %mul3A_90, %dma_start3A_94] : memref<2x2x10112x128xf32, #tpu.memory_space<hbm>> -> memref<1x1x632x128xf32, #tpu.memory_space<hbm>>
      %dma_start3A_96 = tpu.memref_squeeze %dma_start3A_95 : memref<1x1x632x128xf32, #tpu.memory_space<hbm>> -> memref<632x128xf32, #tpu.memory_space<hbm>>
      %dma_start3A_97 = arith.constant 0 : i32
      %dma_start3A_98 = tpu.memref_slice %arg11[%mul3A_88, %dma_start3A_97] : memref<10112x128xf32, #tpu.memory_space<vmem_shared>> -> memref<632x128xf32, #tpu.memory_space<vmem_shared>>
      tpu.enqueue_dma source(%dma_start3A_98 : memref<632x128xf32, #tpu.memory_space<vmem_shared>>) target(%dma_start3A_96 : memref<632x128xf32, #tpu.memory_space<hbm>>) target_semaphore(%run_scoped3A_93 : memref<!tpu.dma_semaphore, #tpu.memory_space<semaphore_mem>>)
      %dma_wait3A = arith.constant 0 : i32
      %dma_wait3A_99 = tpu.memref_slice %arg7[%arg0, %run_scoped3A_91, %mul3A_90, %dma_wait3A] : memref<2x2x10112x128xf32, #tpu.memory_space<hbm>> -> memref<1x1x632x128xf32, #tpu.memory_space<hbm>>
      %dma_wait3A_100 = tpu.memref_squeeze %dma_wait3A_99 : memref<1x1x632x128xf32, #tpu.memory_space<hbm>> -> memref<632x128xf32, #tpu.memory_space<hbm>>
      %dma_wait3A_101 = arith.constant 0 : i32
      %dma_wait3A_102 = tpu.memref_slice %arg11[%mul3A_88, %dma_wait3A_101] : memref<10112x128xf32, #tpu.memory_space<vmem_shared>> -> memref<632x128xf32, #tpu.memory_space<vmem_shared>>
      tpu.wait_dma2 semaphore(%run_scoped3A_93 : memref<!tpu.dma_semaphore, #tpu.memory_space<semaphore_mem>>) src(%dma_wait3A_102 : memref<632x128xf32, #tpu.memory_space<vmem_shared>>) dst(%dma_wait3A_100 : memref<632x128xf32, #tpu.memory_space<hbm>>)
      tpu.yield
    }) : () -> ()
    %barrier3A_92 = arith.constant 0 : index
    tpu.barrier barrier_id(%barrier3A_92)
    return
  }
}

module attributes {stable_mosaic.version = 14 : i64} {
  func.func @body(%arg0: i32, %arg1: memref<2x2x1000x128xf32, #tpu.memory_space<vmem>>, %arg2: memref<2x1000x128xf32, #tpu.memory_space<vmem>>, %arg3: memref<1000x128xf32, #tpu.memory_space<vmem>>, %arg4: memref<1000x128xf32, #tpu.memory_space<vmem>>, %arg5: memref<256x512xf32, #tpu.memory_space<vmem>>, %arg6: memref<1x512xf32, #tpu.memory_space<vmem>>, %arg7: memref<256x512xf32, #tpu.memory_space<vmem>>, %arg8: memref<1000x128xf32, #tpu.memory_space<vmem>>, %arg9: memref<1000x128xf32, #tpu.memory_space<vmem>>, %arg10: memref<1000x128xf32, #tpu.memory_space<vmem>>, %arg11: memref<1000x128xf32, #tpu.memory_space<vmem>>) attributes {dimension_semantics = [#tpu.dimension_semantics<arbitrary>], iteration_bounds = array<i64: 10>, scalar_prefetch = 0 : i64, scratch_operands = 0 : i64, tpu.core_type = #tpu.core_type<tc>, window_params = [{transform_indices = @transform_0, window_bounds = array<i64: 2, 2, 1000, 128>}, {transform_indices = @transform_1, window_bounds = array<i64: 2, 1000, 128>}, {transform_indices = @transform_2, window_bounds = array<i64: 1000, 128>}, {transform_indices = @transform_3, window_bounds = array<i64: 1000, 128>}, {pipeline_mode = #tpu.pipeline_mode<synchronous>, transform_indices = @transform_4, window_bounds = array<i64: 256, 512>}, {pipeline_mode = #tpu.pipeline_mode<synchronous>, transform_indices = @transform_5, window_bounds = array<i64: 1, 512>}, {pipeline_mode = #tpu.pipeline_mode<synchronous>, transform_indices = @transform_6, window_bounds = array<i64: 256, 512>}, {transform_indices = @transform_7, window_bounds = array<i64: 1000, 128>}, {transform_indices = @transform_8, window_bounds = array<i64: 1000, 128>}, {transform_indices = @transform_9, window_bounds = array<i64: 1000, 128>}, {transform_indices = @transform_10, window_bounds = array<i64: 1000, 128>}]} {
    %get3A = arith.constant 0 : index
    %get3A_0 = arith.constant 0 : index
    %get3A_1 = arith.constant 0 : index
    %get3A_2 = vector.load %arg2[%get3A, %get3A_0, %get3A_1] : memref<2x1000x128xf32, #tpu.memory_space<vmem>>, vector<1x1000x1xf32>
    %get3A_3 = vector.shape_cast %get3A_2 : vector<1x1000x1xf32> to vector<1000x1xf32>
    %get3A_4 = arith.constant 1 : index
    %get3A_5 = arith.constant 0 : index
    %get3A_6 = arith.constant 0 : index
    %get3A_7 = vector.load %arg2[%get3A_4, %get3A_5, %get3A_6] : memref<2x1000x128xf32, #tpu.memory_space<vmem>>, vector<1x1000x1xf32>
    %get3A_8 = vector.shape_cast %get3A_7 : vector<1x1000x1xf32> to vector<1000x1xf32>
    %add3A = arith.addf %get3A_3, %get3A_8 : vector<1000x1xf32>
    %max3A = arith.constant 1.000000e+00 : f32
    %max3A_9 = vector.broadcast %max3A : f32 to vector<1000x1xf32>
    %max3A_10 = arith.maximumf %add3A, %max3A_9 : vector<1000x1xf32>
    %div3A = arith.constant 1.000000e+00 : f32
    %div3A_11 = vector.broadcast %div3A : f32 to vector<1000x1xf32>
    %div3A_12 = arith.divf %div3A_11, %max3A_10 : vector<1000x1xf32>
    %broadcast_in_dim3A = arith.constant 0.000000e+00 : f32
    %broadcast_in_dim3A_13 = vector.broadcast %broadcast_in_dim3A : f32 to vector<1000x512xf32>
    %get3A_14 = arith.constant 0 : index
    %get3A_15 = arith.constant 0 : index
    %get3A_16 = arith.constant 0 : index
    %get3A_17 = arith.constant 0 : index
    %get3A_18 = vector.load %arg1[%get3A_14, %get3A_15, %get3A_16, %get3A_17] : memref<2x2x1000x128xf32, #tpu.memory_space<vmem>>, vector<1x1x1000x128xf32>
    %get3A_19 = vector.shape_cast %get3A_18 : vector<1x1x1000x128xf32> to vector<1000x128xf32>
    %get3A_20 = arith.constant 1 : index
    %get3A_21 = arith.constant 0 : index
    %get3A_22 = arith.constant 0 : index
    %get3A_23 = arith.constant 0 : index
    %get3A_24 = vector.load %arg1[%get3A_20, %get3A_21, %get3A_22, %get3A_23] : memref<2x2x1000x128xf32, #tpu.memory_space<vmem>>, vector<1x1x1000x128xf32>
    %get3A_25 = vector.shape_cast %get3A_24 : vector<1x1x1000x128xf32> to vector<1000x128xf32>
    %add3A_26 = arith.addf %get3A_19, %get3A_25 : vector<1000x128xf32>
    %mul3A = vector.broadcast %div3A_12 : vector<1000x1xf32> to vector<1000x128xf32>
    %mul3A_27 = arith.mulf %add3A_26, %mul3A : vector<1000x128xf32>
    %get3A_28 = arith.constant 0 : index
    %get3A_29 = arith.constant 0 : index
    %get3A_30 = vector.load %arg5[%get3A_28, %get3A_29] : memref<256x512xf32, #tpu.memory_space<vmem>>, vector<128x512xf32>
    %dot_general3A = arith.constant dense<0.000000e+00> : vector<1000x512xf32>
    %dot_general3A_31 = tpu.matmul %mul3A_27, %get3A_30, %dot_general3A {dimension_numbers = #tpu.dot_dimension_numbers<[1], [0], [0], [1], [0, 0, 1, 1], [], []>, transpose_lhs_hint = false} : vector<1000x128xf32>, vector<128x512xf32>, vector<1000x512xf32> -> vector<1000x512xf32>
    %add3A_32 = arith.addf %broadcast_in_dim3A_13, %dot_general3A_31 : vector<1000x512xf32>
    %get3A_33 = arith.constant 0 : index
    %get3A_34 = arith.constant 0 : index
    %get3A_35 = vector.load %arg3[%get3A_33, %get3A_34] : memref<1000x128xf32, #tpu.memory_space<vmem>>, vector<1000x128xf32>
    %get3A_36 = arith.constant 0 : index
    %get3A_37 = arith.constant 0 : index
    %get3A_38 = vector.load %arg7[%get3A_36, %get3A_37] : memref<256x512xf32, #tpu.memory_space<vmem>>, vector<128x512xf32>
    %dot_general3A_39 = arith.constant dense<0.000000e+00> : vector<1000x512xf32>
    %dot_general3A_40 = tpu.matmul %get3A_35, %get3A_38, %dot_general3A_39 {dimension_numbers = #tpu.dot_dimension_numbers<[1], [0], [0], [1], [0, 0, 1, 1], [], []>, transpose_lhs_hint = false} : vector<1000x128xf32>, vector<128x512xf32>, vector<1000x512xf32> -> vector<1000x512xf32>
    %add3A_41 = arith.addf %add3A_32, %dot_general3A_40 : vector<1000x512xf32>
    %get3A_42 = arith.constant 0 : index
    %get3A_43 = arith.constant 1 : index
    %get3A_44 = arith.constant 0 : index
    %get3A_45 = arith.constant 0 : index
    %get3A_46 = vector.load %arg1[%get3A_42, %get3A_43, %get3A_44, %get3A_45] : memref<2x2x1000x128xf32, #tpu.memory_space<vmem>>, vector<1x1x1000x128xf32>
    %get3A_47 = vector.shape_cast %get3A_46 : vector<1x1x1000x128xf32> to vector<1000x128xf32>
    %get3A_48 = arith.constant 1 : index
    %get3A_49 = arith.constant 1 : index
    %get3A_50 = arith.constant 0 : index
    %get3A_51 = arith.constant 0 : index
    %get3A_52 = vector.load %arg1[%get3A_48, %get3A_49, %get3A_50, %get3A_51] : memref<2x2x1000x128xf32, #tpu.memory_space<vmem>>, vector<1x1x1000x128xf32>
    %get3A_53 = vector.shape_cast %get3A_52 : vector<1x1x1000x128xf32> to vector<1000x128xf32>
    %add3A_54 = arith.addf %get3A_47, %get3A_53 : vector<1000x128xf32>
    %mul3A_55 = vector.broadcast %div3A_12 : vector<1000x1xf32> to vector<1000x128xf32>
    %mul3A_56 = arith.mulf %add3A_54, %mul3A_55 : vector<1000x128xf32>
    %get3A_57 = arith.constant 128 : index
    %get3A_58 = arith.constant 0 : index
    %get3A_59 = vector.load %arg5[%get3A_57, %get3A_58] : memref<256x512xf32, #tpu.memory_space<vmem>>, vector<128x512xf32>
    %dot_general3A_60 = arith.constant dense<0.000000e+00> : vector<1000x512xf32>
    %dot_general3A_61 = tpu.matmul %mul3A_56, %get3A_59, %dot_general3A_60 {dimension_numbers = #tpu.dot_dimension_numbers<[1], [0], [0], [1], [0, 0, 1, 1], [], []>, transpose_lhs_hint = false} : vector<1000x128xf32>, vector<128x512xf32>, vector<1000x512xf32> -> vector<1000x512xf32>
    %add3A_62 = arith.addf %add3A_41, %dot_general3A_61 : vector<1000x512xf32>
    %get3A_63 = arith.constant 0 : index
    %get3A_64 = arith.constant 0 : index
    %get3A_65 = vector.load %arg4[%get3A_63, %get3A_64] : memref<1000x128xf32, #tpu.memory_space<vmem>>, vector<1000x128xf32>
    %get3A_66 = arith.constant 128 : index
    %get3A_67 = arith.constant 0 : index
    %get3A_68 = vector.load %arg7[%get3A_66, %get3A_67] : memref<256x512xf32, #tpu.memory_space<vmem>>, vector<128x512xf32>
    %dot_general3A_69 = arith.constant dense<0.000000e+00> : vector<1000x512xf32>
    %dot_general3A_70 = tpu.matmul %get3A_65, %get3A_68, %dot_general3A_69 {dimension_numbers = #tpu.dot_dimension_numbers<[1], [0], [0], [1], [0, 0, 1, 1], [], []>, transpose_lhs_hint = false} : vector<1000x128xf32>, vector<128x512xf32>, vector<1000x512xf32> -> vector<1000x512xf32>
    %add3A_71 = arith.addf %add3A_62, %dot_general3A_70 : vector<1000x512xf32>
    %get3A_72 = arith.constant 0 : index
    %get3A_73 = arith.constant 0 : index
    %get3A_74 = vector.load %arg6[%get3A_72, %get3A_73] : memref<1x512xf32, #tpu.memory_space<vmem>>, vector<1x512xf32>
    %add3A_75 = vector.broadcast %get3A_74 : vector<1x512xf32> to vector<1000x512xf32>
    %add3A_76 = arith.addf %add3A_71, %add3A_75 : vector<1000x512xf32>
    %max3A_77 = arith.constant 0.000000e+00 : f32
    %max3A_78 = vector.broadcast %max3A_77 : f32 to vector<1000x512xf32>
    %max3A_79 = arith.maximumf %add3A_76, %max3A_78 : vector<1000x512xf32>
    %slice3A = vector.extract_strided_slice %max3A_79 {offsets = [0, 0], sizes = [1000, 128], strides = [1, 1]} : vector<1000x512xf32> to vector<1000x128xf32>
    %swap3A = arith.constant 0 : index
    %swap3A_80 = arith.constant 0 : index
    %swap3A_81 = vector.load %arg8[%swap3A, %swap3A_80] : memref<1000x128xf32, #tpu.memory_space<vmem>>, vector<1000x128xf32>
    tpu.vector_store %arg8[%swap3A, %swap3A_80], %slice3A {strides = array<i32>} : memref<1000x128xf32, #tpu.memory_space<vmem>>, vector<1000x128xf32>,
    %slice3A_82 = vector.extract_strided_slice %max3A_79 {offsets = [0, 128], sizes = [1000, 128], strides = [1, 1]} : vector<1000x512xf32> to vector<1000x128xf32>
    %swap3A_83 = arith.constant 0 : index
    %swap3A_84 = arith.constant 0 : index
    %swap3A_85 = vector.load %arg9[%swap3A_83, %swap3A_84] : memref<1000x128xf32, #tpu.memory_space<vmem>>, vector<1000x128xf32>
    tpu.vector_store %arg9[%swap3A_83, %swap3A_84], %slice3A_82 {strides = array<i32>} : memref<1000x128xf32, #tpu.memory_space<vmem>>, vector<1000x128xf32>,
    %slice3A_86 = vector.extract_strided_slice %max3A_79 {offsets = [0, 256], sizes = [1000, 128], strides = [1, 1]} : vector<1000x512xf32> to vector<1000x128xf32>
    %swap3A_87 = arith.constant 0 : index
    %swap3A_88 = arith.constant 0 : index
    %swap3A_89 = vector.load %arg10[%swap3A_87, %swap3A_88] : memref<1000x128xf32, #tpu.memory_space<vmem>>, vector<1000x128xf32>
    tpu.vector_store %arg10[%swap3A_87, %swap3A_88], %slice3A_86 {strides = array<i32>} : memref<1000x128xf32, #tpu.memory_space<vmem>>, vector<1000x128xf32>,
    %slice3A_90 = vector.extract_strided_slice %max3A_79 {offsets = [0, 384], sizes = [1000, 128], strides = [1, 1]} : vector<1000x512xf32> to vector<1000x128xf32>
    %swap3A_91 = arith.constant 0 : index
    %swap3A_92 = arith.constant 0 : index
    %swap3A_93 = vector.load %arg11[%swap3A_91, %swap3A_92] : memref<1000x128xf32, #tpu.memory_space<vmem>>, vector<1000x128xf32>
    tpu.vector_store %arg11[%swap3A_91, %swap3A_92], %slice3A_90 {strides = array<i32>} : memref<1000x128xf32, #tpu.memory_space<vmem>>, vector<1000x128xf32>,
    return
  }
  func.func @transform_0(%arg0: i32) -> (i32, i32, i32, i32) {
    %c0_i32 = arith.constant 0 : i32
    %c0_i32_0 = arith.constant 0 : i32
    %c0_i32_1 = arith.constant 0 : i32
    %c0_i32_2 = arith.constant 0 : i32
    return %c0_i32, %c0_i32_0, %arg0, %c0_i32_1 : i32, i32, i32, i32
  }
  func.func @transform_1(%arg0: i32) -> (i32, i32, i32) {
    %c0_i32 = arith.constant 0 : i32
    %c0_i32_0 = arith.constant 0 : i32
    %c0_i32_1 = arith.constant 0 : i32
    return %c0_i32, %arg0, %c0_i32_0 : i32, i32, i32
  }
  func.func @transform_2(%arg0: i32) -> (i32, i32) {
    %c0_i32 = arith.constant 0 : i32
    %c0_i32_0 = arith.constant 0 : i32
    return %arg0, %c0_i32 : i32, i32
  }
  func.func @transform_3(%arg0: i32) -> (i32, i32) {
    %c0_i32 = arith.constant 0 : i32
    %c0_i32_0 = arith.constant 0 : i32
    return %arg0, %c0_i32 : i32, i32
  }
  func.func @transform_4(%arg0: i32) -> (i32, i32) {
    %c0_i32 = arith.constant 0 : i32
    %c0_i32_0 = arith.constant 0 : i32
    %c0_i32_1 = arith.constant 0 : i32
    return %c0_i32, %c0_i32_0 : i32, i32
  }
  func.func @transform_5(%arg0: i32) -> (i32, i32) {
    %c0_i32 = arith.constant 0 : i32
    %c0_i32_0 = arith.constant 0 : i32
    %c0_i32_1 = arith.constant 0 : i32
    return %c0_i32, %c0_i32_0 : i32, i32
  }
  func.func @transform_6(%arg0: i32) -> (i32, i32) {
    %c0_i32 = arith.constant 0 : i32
    %c0_i32_0 = arith.constant 0 : i32
    %c0_i32_1 = arith.constant 0 : i32
    return %c0_i32, %c0_i32_0 : i32, i32
  }
  func.func @transform_7(%arg0: i32) -> (i32, i32) {
    %c0_i32 = arith.constant 0 : i32
    %c0_i32_0 = arith.constant 0 : i32
    return %arg0, %c0_i32 : i32, i32
  }
  func.func @transform_8(%arg0: i32) -> (i32, i32) {
    %c0_i32 = arith.constant 0 : i32
    %c0_i32_0 = arith.constant 0 : i32
    return %arg0, %c0_i32 : i32, i32
  }
  func.func @transform_9(%arg0: i32) -> (i32, i32) {
    %c0_i32 = arith.constant 0 : i32
    %c0_i32_0 = arith.constant 0 : i32
    return %arg0, %c0_i32 : i32, i32
  }
  func.func @transform_10(%arg0: i32) -> (i32, i32) {
    %c0_i32 = arith.constant 0 : i32
    %c0_i32_0 = arith.constant 0 : i32
    return %arg0, %c0_i32 : i32, i32
  }
}

module attributes {stable_mosaic.version = 14 : i64} {
  func.func @body(%arg0: i32, %arg1: memref<2x4x1000x128xf32, #tpu.memory_space<vmem>>, %arg2: memref<2x1000x128xf32, #tpu.memory_space<vmem>>, %arg3: memref<1000x128xf32, #tpu.memory_space<vmem>>, %arg4: memref<1000x128xf32, #tpu.memory_space<vmem>>, %arg5: memref<1000x128xf32, #tpu.memory_space<vmem>>, %arg6: memref<1000x128xf32, #tpu.memory_space<vmem>>, %arg7: memref<512x512xf32, #tpu.memory_space<vmem>>, %arg8: memref<1x512xf32, #tpu.memory_space<vmem>>, %arg9: memref<512x512xf32, #tpu.memory_space<vmem>>, %arg10: memref<1000x128xf32, #tpu.memory_space<vmem>>, %arg11: memref<1000x128xf32, #tpu.memory_space<vmem>>, %arg12: memref<1000x128xf32, #tpu.memory_space<vmem>>, %arg13: memref<1000x128xf32, #tpu.memory_space<vmem>>) attributes {dimension_semantics = [#tpu.dimension_semantics<arbitrary>], iteration_bounds = array<i64: 10>, scalar_prefetch = 0 : i64, scratch_operands = 0 : i64, tpu.core_type = #tpu.core_type<tc>, window_params = [{transform_indices = @transform_0, window_bounds = array<i64: 2, 4, 1000, 128>}, {transform_indices = @transform_1, window_bounds = array<i64: 2, 1000, 128>}, {transform_indices = @transform_2, window_bounds = array<i64: 1000, 128>}, {transform_indices = @transform_3, window_bounds = array<i64: 1000, 128>}, {transform_indices = @transform_4, window_bounds = array<i64: 1000, 128>}, {transform_indices = @transform_5, window_bounds = array<i64: 1000, 128>}, {pipeline_mode = #tpu.pipeline_mode<synchronous>, transform_indices = @transform_6, window_bounds = array<i64: 512, 512>}, {pipeline_mode = #tpu.pipeline_mode<synchronous>, transform_indices = @transform_7, window_bounds = array<i64: 1, 512>}, {pipeline_mode = #tpu.pipeline_mode<synchronous>, transform_indices = @transform_8, window_bounds = array<i64: 512, 512>}, {transform_indices = @transform_9, window_bounds = array<i64: 1000, 128>}, {transform_indices = @transform_10, window_bounds = array<i64: 1000, 128>}, {transform_indices = @transform_11, window_bounds = array<i64: 1000, 128>}, {transform_indices = @transform_12, window_bounds = array<i64: 1000, 128>}]} {
    %get3A = arith.constant 0 : index
    %get3A_0 = arith.constant 0 : index
    %get3A_1 = arith.constant 0 : index
    %get3A_2 = vector.load %arg2[%get3A, %get3A_0, %get3A_1] : memref<2x1000x128xf32, #tpu.memory_space<vmem>>, vector<1x1000x1xf32>
    %get3A_3 = vector.shape_cast %get3A_2 : vector<1x1000x1xf32> to vector<1000x1xf32>
    %get3A_4 = arith.constant 1 : index
    %get3A_5 = arith.constant 0 : index
    %get3A_6 = arith.constant 0 : index
    %get3A_7 = vector.load %arg2[%get3A_4, %get3A_5, %get3A_6] : memref<2x1000x128xf32, #tpu.memory_space<vmem>>, vector<1x1000x1xf32>
    %get3A_8 = vector.shape_cast %get3A_7 : vector<1x1000x1xf32> to vector<1000x1xf32>
    %add3A = arith.addf %get3A_3, %get3A_8 : vector<1000x1xf32>
    %max3A = arith.constant 1.000000e+00 : f32
    %max3A_9 = vector.broadcast %max3A : f32 to vector<1000x1xf32>
    %max3A_10 = arith.maximumf %add3A, %max3A_9 : vector<1000x1xf32>
    %div3A = arith.constant 1.000000e+00 : f32
    %div3A_11 = vector.broadcast %div3A : f32 to vector<1000x1xf32>
    %div3A_12 = arith.divf %div3A_11, %max3A_10 : vector<1000x1xf32>
    %broadcast_in_dim3A = arith.constant 0.000000e+00 : f32
    %broadcast_in_dim3A_13 = vector.broadcast %broadcast_in_dim3A : f32 to vector<1000x512xf32>
    %get3A_14 = arith.constant 0 : index
    %get3A_15 = arith.constant 0 : index
    %get3A_16 = arith.constant 0 : index
    %get3A_17 = arith.constant 0 : index
    %get3A_18 = vector.load %arg1[%get3A_14, %get3A_15, %get3A_16, %get3A_17] : memref<2x4x1000x128xf32, #tpu.memory_space<vmem>>, vector<1x1x1000x128xf32>
    %get3A_19 = vector.shape_cast %get3A_18 : vector<1x1x1000x128xf32> to vector<1000x128xf32>
    %get3A_20 = arith.constant 1 : index
    %get3A_21 = arith.constant 0 : index
    %get3A_22 = arith.constant 0 : index
    %get3A_23 = arith.constant 0 : index
    %get3A_24 = vector.load %arg1[%get3A_20, %get3A_21, %get3A_22, %get3A_23] : memref<2x4x1000x128xf32, #tpu.memory_space<vmem>>, vector<1x1x1000x128xf32>
    %get3A_25 = vector.shape_cast %get3A_24 : vector<1x1x1000x128xf32> to vector<1000x128xf32>
    %add3A_26 = arith.addf %get3A_19, %get3A_25 : vector<1000x128xf32>
    %mul3A = vector.broadcast %div3A_12 : vector<1000x1xf32> to vector<1000x128xf32>
    %mul3A_27 = arith.mulf %add3A_26, %mul3A : vector<1000x128xf32>
    %get3A_28 = arith.constant 0 : index
    %get3A_29 = arith.constant 0 : index
    %get3A_30 = vector.load %arg7[%get3A_28, %get3A_29] : memref<512x512xf32, #tpu.memory_space<vmem>>, vector<128x512xf32>
    %dot_general3A = arith.constant dense<0.000000e+00> : vector<1000x512xf32>
    %dot_general3A_31 = tpu.matmul %mul3A_27, %get3A_30, %dot_general3A {dimension_numbers = #tpu.dot_dimension_numbers<[1], [0], [0], [1], [0, 0, 1, 1], [], []>, transpose_lhs_hint = false} : vector<1000x128xf32>, vector<128x512xf32>, vector<1000x512xf32> -> vector<1000x512xf32>
    %add3A_32 = arith.addf %broadcast_in_dim3A_13, %dot_general3A_31 : vector<1000x512xf32>
    %get3A_33 = arith.constant 0 : index
    %get3A_34 = arith.constant 0 : index
    %get3A_35 = vector.load %arg3[%get3A_33, %get3A_34] : memref<1000x128xf32, #tpu.memory_space<vmem>>, vector<1000x128xf32>
    %get3A_36 = arith.constant 0 : index
    %get3A_37 = arith.constant 0 : index
    %get3A_38 = vector.load %arg9[%get3A_36, %get3A_37] : memref<512x512xf32, #tpu.memory_space<vmem>>, vector<128x512xf32>
    %dot_general3A_39 = arith.constant dense<0.000000e+00> : vector<1000x512xf32>
    %dot_general3A_40 = tpu.matmul %get3A_35, %get3A_38, %dot_general3A_39 {dimension_numbers = #tpu.dot_dimension_numbers<[1], [0], [0], [1], [0, 0, 1, 1], [], []>, transpose_lhs_hint = false} : vector<1000x128xf32>, vector<128x512xf32>, vector<1000x512xf32> -> vector<1000x512xf32>
    %add3A_41 = arith.addf %add3A_32, %dot_general3A_40 : vector<1000x512xf32>
    %get3A_42 = arith.constant 0 : index
    %get3A_43 = arith.constant 1 : index
    %get3A_44 = arith.constant 0 : index
    %get3A_45 = arith.constant 0 : index
    %get3A_46 = vector.load %arg1[%get3A_42, %get3A_43, %get3A_44, %get3A_45] : memref<2x4x1000x128xf32, #tpu.memory_space<vmem>>, vector<1x1x1000x128xf32>
    %get3A_47 = vector.shape_cast %get3A_46 : vector<1x1x1000x128xf32> to vector<1000x128xf32>
    %get3A_48 = arith.constant 1 : index
    %get3A_49 = arith.constant 1 : index
    %get3A_50 = arith.constant 0 : index
    %get3A_51 = arith.constant 0 : index
    %get3A_52 = vector.load %arg1[%get3A_48, %get3A_49, %get3A_50, %get3A_51] : memref<2x4x1000x128xf32, #tpu.memory_space<vmem>>, vector<1x1x1000x128xf32>
    %get3A_53 = vector.shape_cast %get3A_52 : vector<1x1x1000x128xf32> to vector<1000x128xf32>
    %add3A_54 = arith.addf %get3A_47, %get3A_53 : vector<1000x128xf32>
    %mul3A_55 = vector.broadcast %div3A_12 : vector<1000x1xf32> to vector<1000x128xf32>
    %mul3A_56 = arith.mulf %add3A_54, %mul3A_55 : vector<1000x128xf32>
    %get3A_57 = arith.constant 128 : index
    %get3A_58 = arith.constant 0 : index
    %get3A_59 = vector.load %arg7[%get3A_57, %get3A_58] : memref<512x512xf32, #tpu.memory_space<vmem>>, vector<128x512xf32>
    %dot_general3A_60 = arith.constant dense<0.000000e+00> : vector<1000x512xf32>
    %dot_general3A_61 = tpu.matmul %mul3A_56, %get3A_59, %dot_general3A_60 {dimension_numbers = #tpu.dot_dimension_numbers<[1], [0], [0], [1], [0, 0, 1, 1], [], []>, transpose_lhs_hint = false} : vector<1000x128xf32>, vector<128x512xf32>, vector<1000x512xf32> -> vector<1000x512xf32>
    %add3A_62 = arith.addf %add3A_41, %dot_general3A_61 : vector<1000x512xf32>
    %get3A_63 = arith.constant 0 : index
    %get3A_64 = arith.constant 0 : index
    %get3A_65 = vector.load %arg4[%get3A_63, %get3A_64] : memref<1000x128xf32, #tpu.memory_space<vmem>>, vector<1000x128xf32>
    %get3A_66 = arith.constant 128 : index
    %get3A_67 = arith.constant 0 : index
    %get3A_68 = vector.load %arg9[%get3A_66, %get3A_67] : memref<512x512xf32, #tpu.memory_space<vmem>>, vector<128x512xf32>
    %dot_general3A_69 = arith.constant dense<0.000000e+00> : vector<1000x512xf32>
    %dot_general3A_70 = tpu.matmul %get3A_65, %get3A_68, %dot_general3A_69 {dimension_numbers = #tpu.dot_dimension_numbers<[1], [0], [0], [1], [0, 0, 1, 1], [], []>, transpose_lhs_hint = false} : vector<1000x128xf32>, vector<128x512xf32>, vector<1000x512xf32> -> vector<1000x512xf32>
    %add3A_71 = arith.addf %add3A_62, %dot_general3A_70 : vector<1000x512xf32>
    %get3A_72 = arith.constant 0 : index
    %get3A_73 = arith.constant 2 : index
    %get3A_74 = arith.constant 0 : index
    %get3A_75 = arith.constant 0 : index
    %get3A_76 = vector.load %arg1[%get3A_72, %get3A_73, %get3A_74, %get3A_75] : memref<2x4x1000x128xf32, #tpu.memory_space<vmem>>, vector<1x1x1000x128xf32>
    %get3A_77 = vector.shape_cast %get3A_76 : vector<1x1x1000x128xf32> to vector<1000x128xf32>
    %get3A_78 = arith.constant 1 : index
    %get3A_79 = arith.constant 2 : index
    %get3A_80 = arith.constant 0 : index
    %get3A_81 = arith.constant 0 : index
    %get3A_82 = vector.load %arg1[%get3A_78, %get3A_79, %get3A_80, %get3A_81] : memref<2x4x1000x128xf32, #tpu.memory_space<vmem>>, vector<1x1x1000x128xf32>
    %get3A_83 = vector.shape_cast %get3A_82 : vector<1x1x1000x128xf32> to vector<1000x128xf32>
    %add3A_84 = arith.addf %get3A_77, %get3A_83 : vector<1000x128xf32>
    %mul3A_85 = vector.broadcast %div3A_12 : vector<1000x1xf32> to vector<1000x128xf32>
    %mul3A_86 = arith.mulf %add3A_84, %mul3A_85 : vector<1000x128xf32>
    %get3A_87 = arith.constant 256 : index
    %get3A_88 = arith.constant 0 : index
    %get3A_89 = vector.load %arg7[%get3A_87, %get3A_88] : memref<512x512xf32, #tpu.memory_space<vmem>>, vector<128x512xf32>
    %dot_general3A_90 = arith.constant dense<0.000000e+00> : vector<1000x512xf32>
    %dot_general3A_91 = tpu.matmul %mul3A_86, %get3A_89, %dot_general3A_90 {dimension_numbers = #tpu.dot_dimension_numbers<[1], [0], [0], [1], [0, 0, 1, 1], [], []>, transpose_lhs_hint = false} : vector<1000x128xf32>, vector<128x512xf32>, vector<1000x512xf32> -> vector<1000x512xf32>
    %add3A_92 = arith.addf %add3A_71, %dot_general3A_91 : vector<1000x512xf32>
    %get3A_93 = arith.constant 0 : index
    %get3A_94 = arith.constant 0 : index
    %get3A_95 = vector.load %arg5[%get3A_93, %get3A_94] : memref<1000x128xf32, #tpu.memory_space<vmem>>, vector<1000x128xf32>
    %get3A_96 = arith.constant 256 : index
    %get3A_97 = arith.constant 0 : index
    %get3A_98 = vector.load %arg9[%get3A_96, %get3A_97] : memref<512x512xf32, #tpu.memory_space<vmem>>, vector<128x512xf32>
    %dot_general3A_99 = arith.constant dense<0.000000e+00> : vector<1000x512xf32>
    %dot_general3A_100 = tpu.matmul %get3A_95, %get3A_98, %dot_general3A_99 {dimension_numbers = #tpu.dot_dimension_numbers<[1], [0], [0], [1], [0, 0, 1, 1], [], []>, transpose_lhs_hint = false} : vector<1000x128xf32>, vector<128x512xf32>, vector<1000x512xf32> -> vector<1000x512xf32>
    %add3A_101 = arith.addf %add3A_92, %dot_general3A_100 : vector<1000x512xf32>
    %get3A_102 = arith.constant 0 : index
    %get3A_103 = arith.constant 3 : index
    %get3A_104 = arith.constant 0 : index
    %get3A_105 = arith.constant 0 : index
    %get3A_106 = vector.load %arg1[%get3A_102, %get3A_103, %get3A_104, %get3A_105] : memref<2x4x1000x128xf32, #tpu.memory_space<vmem>>, vector<1x1x1000x128xf32>
    %get3A_107 = vector.shape_cast %get3A_106 : vector<1x1x1000x128xf32> to vector<1000x128xf32>
    %get3A_108 = arith.constant 1 : index
    %get3A_109 = arith.constant 3 : index
    %get3A_110 = arith.constant 0 : index
    %get3A_111 = arith.constant 0 : index
    %get3A_112 = vector.load %arg1[%get3A_108, %get3A_109, %get3A_110, %get3A_111] : memref<2x4x1000x128xf32, #tpu.memory_space<vmem>>, vector<1x1x1000x128xf32>
    %get3A_113 = vector.shape_cast %get3A_112 : vector<1x1x1000x128xf32> to vector<1000x128xf32>
    %add3A_114 = arith.addf %get3A_107, %get3A_113 : vector<1000x128xf32>
    %mul3A_115 = vector.broadcast %div3A_12 : vector<1000x1xf32> to vector<1000x128xf32>
    %mul3A_116 = arith.mulf %add3A_114, %mul3A_115 : vector<1000x128xf32>
    %get3A_117 = arith.constant 384 : index
    %get3A_118 = arith.constant 0 : index
    %get3A_119 = vector.load %arg7[%get3A_117, %get3A_118] : memref<512x512xf32, #tpu.memory_space<vmem>>, vector<128x512xf32>
    %dot_general3A_120 = arith.constant dense<0.000000e+00> : vector<1000x512xf32>
    %dot_general3A_121 = tpu.matmul %mul3A_116, %get3A_119, %dot_general3A_120 {dimension_numbers = #tpu.dot_dimension_numbers<[1], [0], [0], [1], [0, 0, 1, 1], [], []>, transpose_lhs_hint = false} : vector<1000x128xf32>, vector<128x512xf32>, vector<1000x512xf32> -> vector<1000x512xf32>
    %add3A_122 = arith.addf %add3A_101, %dot_general3A_121 : vector<1000x512xf32>
    %get3A_123 = arith.constant 0 : index
    %get3A_124 = arith.constant 0 : index
    %get3A_125 = vector.load %arg6[%get3A_123, %get3A_124] : memref<1000x128xf32, #tpu.memory_space<vmem>>, vector<1000x128xf32>
    %get3A_126 = arith.constant 384 : index
    %get3A_127 = arith.constant 0 : index
    %get3A_128 = vector.load %arg9[%get3A_126, %get3A_127] : memref<512x512xf32, #tpu.memory_space<vmem>>, vector<128x512xf32>
    %dot_general3A_129 = arith.constant dense<0.000000e+00> : vector<1000x512xf32>
    %dot_general3A_130 = tpu.matmul %get3A_125, %get3A_128, %dot_general3A_129 {dimension_numbers = #tpu.dot_dimension_numbers<[1], [0], [0], [1], [0, 0, 1, 1], [], []>, transpose_lhs_hint = false} : vector<1000x128xf32>, vector<128x512xf32>, vector<1000x512xf32> -> vector<1000x512xf32>
    %add3A_131 = arith.addf %add3A_122, %dot_general3A_130 : vector<1000x512xf32>
    %get3A_132 = arith.constant 0 : index
    %get3A_133 = arith.constant 0 : index
    %get3A_134 = vector.load %arg8[%get3A_132, %get3A_133] : memref<1x512xf32, #tpu.memory_space<vmem>>, vector<1x512xf32>
    %add3A_135 = vector.broadcast %get3A_134 : vector<1x512xf32> to vector<1000x512xf32>
    %add3A_136 = arith.addf %add3A_131, %add3A_135 : vector<1000x512xf32>
    %max3A_137 = arith.constant 0.000000e+00 : f32
    %max3A_138 = vector.broadcast %max3A_137 : f32 to vector<1000x512xf32>
    %max3A_139 = arith.maximumf %add3A_136, %max3A_138 : vector<1000x512xf32>
    %slice3A = vector.extract_strided_slice %max3A_139 {offsets = [0, 0], sizes = [1000, 128], strides = [1, 1]} : vector<1000x512xf32> to vector<1000x128xf32>
    %swap3A = arith.constant 0 : index
    %swap3A_140 = arith.constant 0 : index
    %swap3A_141 = vector.load %arg10[%swap3A, %swap3A_140] : memref<1000x128xf32, #tpu.memory_space<vmem>>, vector<1000x128xf32>
    tpu.vector_store %arg10[%swap3A, %swap3A_140], %slice3A {strides = array<i32>} : memref<1000x128xf32, #tpu.memory_space<vmem>>, vector<1000x128xf32>,
    %slice3A_142 = vector.extract_strided_slice %max3A_139 {offsets = [0, 128], sizes = [1000, 128], strides = [1, 1]} : vector<1000x512xf32> to vector<1000x128xf32>
    %swap3A_143 = arith.constant 0 : index
    %swap3A_144 = arith.constant 0 : index
    %swap3A_145 = vector.load %arg11[%swap3A_143, %swap3A_144] : memref<1000x128xf32, #tpu.memory_space<vmem>>, vector<1000x128xf32>
    tpu.vector_store %arg11[%swap3A_143, %swap3A_144], %slice3A_142 {strides = array<i32>} : memref<1000x128xf32, #tpu.memory_space<vmem>>, vector<1000x128xf32>,
    %slice3A_146 = vector.extract_strided_slice %max3A_139 {offsets = [0, 256], sizes = [1000, 128], strides = [1, 1]} : vector<1000x512xf32> to vector<1000x128xf32>
    %swap3A_147 = arith.constant 0 : index
    %swap3A_148 = arith.constant 0 : index
    %swap3A_149 = vector.load %arg12[%swap3A_147, %swap3A_148] : memref<1000x128xf32, #tpu.memory_space<vmem>>, vector<1000x128xf32>
    tpu.vector_store %arg12[%swap3A_147, %swap3A_148], %slice3A_146 {strides = array<i32>} : memref<1000x128xf32, #tpu.memory_space<vmem>>, vector<1000x128xf32>,
    %slice3A_150 = vector.extract_strided_slice %max3A_139 {offsets = [0, 384], sizes = [1000, 128], strides = [1, 1]} : vector<1000x512xf32> to vector<1000x128xf32>
    %swap3A_151 = arith.constant 0 : index
    %swap3A_152 = arith.constant 0 : index
    %swap3A_153 = vector.load %arg13[%swap3A_151, %swap3A_152] : memref<1000x128xf32, #tpu.memory_space<vmem>>, vector<1000x128xf32>
    tpu.vector_store %arg13[%swap3A_151, %swap3A_152], %slice3A_150 {strides = array<i32>} : memref<1000x128xf32, #tpu.memory_space<vmem>>, vector<1000x128xf32>,
    return
  }
  func.func @transform_0(%arg0: i32) -> (i32, i32, i32, i32) {
    %c0_i32 = arith.constant 0 : i32
    %c0_i32_0 = arith.constant 0 : i32
    %c0_i32_1 = arith.constant 0 : i32
    %c0_i32_2 = arith.constant 0 : i32
    return %c0_i32, %c0_i32_0, %arg0, %c0_i32_1 : i32, i32, i32, i32
  }
  func.func @transform_1(%arg0: i32) -> (i32, i32, i32) {
    %c0_i32 = arith.constant 0 : i32
    %c0_i32_0 = arith.constant 0 : i32
    %c0_i32_1 = arith.constant 0 : i32
    return %c0_i32, %arg0, %c0_i32_0 : i32, i32, i32
  }
  func.func @transform_2(%arg0: i32) -> (i32, i32) {
    %c0_i32 = arith.constant 0 : i32
    %c0_i32_0 = arith.constant 0 : i32
    return %arg0, %c0_i32 : i32, i32
  }
  func.func @transform_3(%arg0: i32) -> (i32, i32) {
    %c0_i32 = arith.constant 0 : i32
    %c0_i32_0 = arith.constant 0 : i32
    return %arg0, %c0_i32 : i32, i32
  }
  func.func @transform_4(%arg0: i32) -> (i32, i32) {
    %c0_i32 = arith.constant 0 : i32
    %c0_i32_0 = arith.constant 0 : i32
    return %arg0, %c0_i32 : i32, i32
  }
  func.func @transform_5(%arg0: i32) -> (i32, i32) {
    %c0_i32 = arith.constant 0 : i32
    %c0_i32_0 = arith.constant 0 : i32
    return %arg0, %c0_i32 : i32, i32
  }
  func.func @transform_6(%arg0: i32) -> (i32, i32) {
    %c0_i32 = arith.constant 0 : i32
    %c0_i32_0 = arith.constant 0 : i32
    %c0_i32_1 = arith.constant 0 : i32
    return %c0_i32, %c0_i32_0 : i32, i32
  }
  func.func @transform_7(%arg0: i32) -> (i32, i32) {
    %c0_i32 = arith.constant 0 : i32
    %c0_i32_0 = arith.constant 0 : i32
    %c0_i32_1 = arith.constant 0 : i32
    return %c0_i32, %c0_i32_0 : i32, i32
  }
  func.func @transform_8(%arg0: i32) -> (i32, i32) {
    %c0_i32 = arith.constant 0 : i32
    %c0_i32_0 = arith.constant 0 : i32
    %c0_i32_1 = arith.constant 0 : i32
    return %c0_i32, %c0_i32_0 : i32, i32
  }
  func.func @transform_9(%arg0: i32) -> (i32, i32) {
    %c0_i32 = arith.constant 0 : i32
    %c0_i32_0 = arith.constant 0 : i32
    return %arg0, %c0_i32 : i32, i32
  }
  func.func @transform_10(%arg0: i32) -> (i32, i32) {
    %c0_i32 = arith.constant 0 : i32
    %c0_i32_0 = arith.constant 0 : i32
    return %arg0, %c0_i32 : i32, i32
  }
  func.func @transform_11(%arg0: i32) -> (i32, i32) {
    %c0_i32 = arith.constant 0 : i32
    %c0_i32_0 = arith.constant 0 : i32
    return %arg0, %c0_i32 : i32, i32
  }
  func.func @transform_12(%arg0: i32) -> (i32, i32) {
    %c0_i32 = arith.constant 0 : i32
    %c0_i32_0 = arith.constant 0 : i32
    return %arg0, %c0_i32 : i32, i32
  }
}

module attributes {stable_mosaic.version = 14 : i64} {
  func.func @body(%arg0: i32, %arg1: memref<1000x128xf32, #tpu.memory_space<vmem>>, %arg2: memref<1000x128xf32, #tpu.memory_space<vmem>>, %arg3: memref<1000x128xf32, #tpu.memory_space<vmem>>, %arg4: memref<1000x128xf32, #tpu.memory_space<vmem>>, %arg5: memref<512x256xf32, #tpu.memory_space<vmem>>, %arg6: memref<512x256xf32, #tpu.memory_space<vmem>>, %arg7: memref<1x256xf32, #tpu.memory_space<vmem>>, %arg8: memref<1000x128xf32, #tpu.memory_space<vmem>>, %arg9: memref<1000x128xf32, #tpu.memory_space<vmem>>, %arg10: memref<1000x256xf32, #tpu.memory_space<vmem>>) attributes {dimension_semantics = [#tpu.dimension_semantics<arbitrary>], iteration_bounds = array<i64: 10>, scalar_prefetch = 0 : i64, scratch_operands = 0 : i64, tpu.core_type = #tpu.core_type<tc>, window_params = [{transform_indices = @transform_0, window_bounds = array<i64: 1000, 128>}, {transform_indices = @transform_1, window_bounds = array<i64: 1000, 128>}, {transform_indices = @transform_2, window_bounds = array<i64: 1000, 128>}, {transform_indices = @transform_3, window_bounds = array<i64: 1000, 128>}, {pipeline_mode = #tpu.pipeline_mode<synchronous>, transform_indices = @transform_4, window_bounds = array<i64: 512, 256>}, {pipeline_mode = #tpu.pipeline_mode<synchronous>, transform_indices = @transform_5, window_bounds = array<i64: 512, 256>}, {pipeline_mode = #tpu.pipeline_mode<synchronous>, transform_indices = @transform_6, window_bounds = array<i64: 1, 256>}, {transform_indices = @transform_7, window_bounds = array<i64: 1000, 128>}, {transform_indices = @transform_8, window_bounds = array<i64: 1000, 128>}, {transform_indices = @transform_9, window_bounds = array<i64: 1000, 256>}]} {
    %broadcast_in_dim3A = arith.constant 0.000000e+00 : f32
    %broadcast_in_dim3A_0 = vector.broadcast %broadcast_in_dim3A : f32 to vector<1000x256xf32>
    %broadcast_in_dim3A_1 = arith.constant 0.000000e+00 : f32
    %broadcast_in_dim3A_2 = vector.broadcast %broadcast_in_dim3A_1 : f32 to vector<1000x256xf32>
    %get3A = arith.constant 0 : index
    %get3A_3 = arith.constant 0 : index
    %get3A_4 = vector.load %arg1[%get3A, %get3A_3] : memref<1000x128xf32, #tpu.memory_space<vmem>>, vector<1000x128xf32>
    %get3A_5 = arith.constant 0 : index
    %get3A_6 = arith.constant 0 : index
    %get3A_7 = vector.load %arg5[%get3A_5, %get3A_6] : memref<512x256xf32, #tpu.memory_space<vmem>>, vector<128x256xf32>
    %dot_general3A = arith.constant dense<0.000000e+00> : vector<1000x256xf32>
    %dot_general3A_8 = tpu.matmul %get3A_4, %get3A_7, %dot_general3A {dimension_numbers = #tpu.dot_dimension_numbers<[1], [0], [0], [1], [0, 0, 1, 1], [], []>, transpose_lhs_hint = false} : vector<1000x128xf32>, vector<128x256xf32>, vector<1000x256xf32> -> vector<1000x256xf32>
    %add3A = arith.addf %broadcast_in_dim3A_0, %dot_general3A_8 : vector<1000x256xf32>
    %get3A_9 = arith.constant 0 : index
    %get3A_10 = arith.constant 0 : index
    %get3A_11 = vector.load %arg6[%get3A_9, %get3A_10] : memref<512x256xf32, #tpu.memory_space<vmem>>, vector<128x256xf32>
    %dot_general3A_12 = arith.constant dense<0.000000e+00> : vector<1000x256xf32>
    %dot_general3A_13 = tpu.matmul %get3A_4, %get3A_11, %dot_general3A_12 {dimension_numbers = #tpu.dot_dimension_numbers<[1], [0], [0], [1], [0, 0, 1, 1], [], []>, transpose_lhs_hint = false} : vector<1000x128xf32>, vector<128x256xf32>, vector<1000x256xf32> -> vector<1000x256xf32>
    %add3A_14 = arith.addf %broadcast_in_dim3A_2, %dot_general3A_13 : vector<1000x256xf32>
    %get3A_15 = arith.constant 0 : index
    %get3A_16 = arith.constant 0 : index
    %get3A_17 = vector.load %arg2[%get3A_15, %get3A_16] : memref<1000x128xf32, #tpu.memory_space<vmem>>, vector<1000x128xf32>
    %get3A_18 = arith.constant 128 : index
    %get3A_19 = arith.constant 0 : index
    %get3A_20 = vector.load %arg5[%get3A_18, %get3A_19] : memref<512x256xf32, #tpu.memory_space<vmem>>, vector<128x256xf32>
    %dot_general3A_21 = arith.constant dense<0.000000e+00> : vector<1000x256xf32>
    %dot_general3A_22 = tpu.matmul %get3A_17, %get3A_20, %dot_general3A_21 {dimension_numbers = #tpu.dot_dimension_numbers<[1], [0], [0], [1], [0, 0, 1, 1], [], []>, transpose_lhs_hint = false} : vector<1000x128xf32>, vector<128x256xf32>, vector<1000x256xf32> -> vector<1000x256xf32>
    %add3A_23 = arith.addf %add3A, %dot_general3A_22 : vector<1000x256xf32>
    %get3A_24 = arith.constant 128 : index
    %get3A_25 = arith.constant 0 : index
    %get3A_26 = vector.load %arg6[%get3A_24, %get3A_25] : memref<512x256xf32, #tpu.memory_space<vmem>>, vector<128x256xf32>
    %dot_general3A_27 = arith.constant dense<0.000000e+00> : vector<1000x256xf32>
    %dot_general3A_28 = tpu.matmul %get3A_17, %get3A_26, %dot_general3A_27 {dimension_numbers = #tpu.dot_dimension_numbers<[1], [0], [0], [1], [0, 0, 1, 1], [], []>, transpose_lhs_hint = false} : vector<1000x128xf32>, vector<128x256xf32>, vector<1000x256xf32> -> vector<1000x256xf32>
    %add3A_29 = arith.addf %add3A_14, %dot_general3A_28 : vector<1000x256xf32>
    %get3A_30 = arith.constant 0 : index
    %get3A_31 = arith.constant 0 : index
    %get3A_32 = vector.load %arg3[%get3A_30, %get3A_31] : memref<1000x128xf32, #tpu.memory_space<vmem>>, vector<1000x128xf32>
    %get3A_33 = arith.constant 256 : index
    %get3A_34 = arith.constant 0 : index
    %get3A_35 = vector.load %arg5[%get3A_33, %get3A_34] : memref<512x256xf32, #tpu.memory_space<vmem>>, vector<128x256xf32>
    %dot_general3A_36 = arith.constant dense<0.000000e+00> : vector<1000x256xf32>
    %dot_general3A_37 = tpu.matmul %get3A_32, %get3A_35, %dot_general3A_36 {dimension_numbers = #tpu.dot_dimension_numbers<[1], [0], [0], [1], [0, 0, 1, 1], [], []>, transpose_lhs_hint = false} : vector<1000x128xf32>, vector<128x256xf32>, vector<1000x256xf32> -> vector<1000x256xf32>
    %add3A_38 = arith.addf %add3A_23, %dot_general3A_37 : vector<1000x256xf32>
    %get3A_39 = arith.constant 256 : index
    %get3A_40 = arith.constant 0 : index
    %get3A_41 = vector.load %arg6[%get3A_39, %get3A_40] : memref<512x256xf32, #tpu.memory_space<vmem>>, vector<128x256xf32>
    %dot_general3A_42 = arith.constant dense<0.000000e+00> : vector<1000x256xf32>
    %dot_general3A_43 = tpu.matmul %get3A_32, %get3A_41, %dot_general3A_42 {dimension_numbers = #tpu.dot_dimension_numbers<[1], [0], [0], [1], [0, 0, 1, 1], [], []>, transpose_lhs_hint = false} : vector<1000x128xf32>, vector<128x256xf32>, vector<1000x256xf32> -> vector<1000x256xf32>
    %add3A_44 = arith.addf %add3A_29, %dot_general3A_43 : vector<1000x256xf32>
    %get3A_45 = arith.constant 0 : index
    %get3A_46 = arith.constant 0 : index
    %get3A_47 = vector.load %arg4[%get3A_45, %get3A_46] : memref<1000x128xf32, #tpu.memory_space<vmem>>, vector<1000x128xf32>
    %get3A_48 = arith.constant 384 : index
    %get3A_49 = arith.constant 0 : index
    %get3A_50 = vector.load %arg5[%get3A_48, %get3A_49] : memref<512x256xf32, #tpu.memory_space<vmem>>, vector<128x256xf32>
    %dot_general3A_51 = arith.constant dense<0.000000e+00> : vector<1000x256xf32>
    %dot_general3A_52 = tpu.matmul %get3A_47, %get3A_50, %dot_general3A_51 {dimension_numbers = #tpu.dot_dimension_numbers<[1], [0], [0], [1], [0, 0, 1, 1], [], []>, transpose_lhs_hint = false} : vector<1000x128xf32>, vector<128x256xf32>, vector<1000x256xf32> -> vector<1000x256xf32>
    %add3A_53 = arith.addf %add3A_38, %dot_general3A_52 : vector<1000x256xf32>
    %get3A_54 = arith.constant 384 : index
    %get3A_55 = arith.constant 0 : index
    %get3A_56 = vector.load %arg6[%get3A_54, %get3A_55] : memref<512x256xf32, #tpu.memory_space<vmem>>, vector<128x256xf32>
    %dot_general3A_57 = arith.constant dense<0.000000e+00> : vector<1000x256xf32>
    %dot_general3A_58 = tpu.matmul %get3A_47, %get3A_56, %dot_general3A_57 {dimension_numbers = #tpu.dot_dimension_numbers<[1], [0], [0], [1], [0, 0, 1, 1], [], []>, transpose_lhs_hint = false} : vector<1000x128xf32>, vector<128x256xf32>, vector<1000x256xf32> -> vector<1000x256xf32>
    %add3A_59 = arith.addf %add3A_44, %dot_general3A_58 : vector<1000x256xf32>
    %get3A_60 = arith.constant 0 : index
    %get3A_61 = arith.constant 0 : index
    %get3A_62 = vector.load %arg7[%get3A_60, %get3A_61] : memref<1x256xf32, #tpu.memory_space<vmem>>, vector<1x256xf32>
    %add3A_63 = vector.broadcast %get3A_62 : vector<1x256xf32> to vector<1000x256xf32>
    %add3A_64 = arith.addf %add3A_59, %add3A_63 : vector<1000x256xf32>
    %slice3A = vector.extract_strided_slice %add3A_53 {offsets = [0, 0], sizes = [1000, 128], strides = [1, 1]} : vector<1000x256xf32> to vector<1000x128xf32>
    %swap3A = arith.constant 0 : index
    %swap3A_65 = arith.constant 0 : index
    %swap3A_66 = vector.load %arg8[%swap3A, %swap3A_65] : memref<1000x128xf32, #tpu.memory_space<vmem>>, vector<1000x128xf32>
    tpu.vector_store %arg8[%swap3A, %swap3A_65], %slice3A {strides = array<i32>} : memref<1000x128xf32, #tpu.memory_space<vmem>>, vector<1000x128xf32>,
    %slice3A_67 = vector.extract_strided_slice %add3A_53 {offsets = [0, 128], sizes = [1000, 128], strides = [1, 1]} : vector<1000x256xf32> to vector<1000x128xf32>
    %swap3A_68 = arith.constant 0 : index
    %swap3A_69 = arith.constant 0 : index
    %swap3A_70 = vector.load %arg9[%swap3A_68, %swap3A_69] : memref<1000x128xf32, #tpu.memory_space<vmem>>, vector<1000x128xf32>
    tpu.vector_store %arg9[%swap3A_68, %swap3A_69], %slice3A_67 {strides = array<i32>} : memref<1000x128xf32, #tpu.memory_space<vmem>>, vector<1000x128xf32>,
    %swap3A_71 = arith.constant 0 : index
    %swap3A_72 = arith.constant 0 : index
    %swap3A_73 = vector.load %arg10[%swap3A_71, %swap3A_72] : memref<1000x256xf32, #tpu.memory_space<vmem>>, vector<1000x256xf32>
    tpu.vector_store %arg10[%swap3A_71, %swap3A_72], %add3A_64 {strides = array<i32>} : memref<1000x256xf32, #tpu.memory_space<vmem>>, vector<1000x256xf32>,
    return
  }
  func.func @transform_0(%arg0: i32) -> (i32, i32) {
    %c0_i32 = arith.constant 0 : i32
    %c0_i32_0 = arith.constant 0 : i32
    return %arg0, %c0_i32 : i32, i32
  }
  func.func @transform_1(%arg0: i32) -> (i32, i32) {
    %c0_i32 = arith.constant 0 : i32
    %c0_i32_0 = arith.constant 0 : i32
    return %arg0, %c0_i32 : i32, i32
  }
  func.func @transform_2(%arg0: i32) -> (i32, i32) {
    %c0_i32 = arith.constant 0 : i32
    %c0_i32_0 = arith.constant 0 : i32
    return %arg0, %c0_i32 : i32, i32
  }
  func.func @transform_3(%arg0: i32) -> (i32, i32) {
    %c0_i32 = arith.constant 0 : i32
    %c0_i32_0 = arith.constant 0 : i32
    return %arg0, %c0_i32 : i32, i32
  }
  func.func @transform_4(%arg0: i32) -> (i32, i32) {
    %c0_i32 = arith.constant 0 : i32
    %c0_i32_0 = arith.constant 0 : i32
    %c0_i32_1 = arith.constant 0 : i32
    return %c0_i32, %c0_i32_0 : i32, i32
  }
  func.func @transform_5(%arg0: i32) -> (i32, i32) {
    %c0_i32 = arith.constant 0 : i32
    %c0_i32_0 = arith.constant 0 : i32
    %c0_i32_1 = arith.constant 0 : i32
    return %c0_i32, %c0_i32_0 : i32, i32
  }
  func.func @transform_6(%arg0: i32) -> (i32, i32) {
    %c0_i32 = arith.constant 0 : i32
    %c0_i32_0 = arith.constant 0 : i32
    %c0_i32_1 = arith.constant 0 : i32
    return %c0_i32, %c0_i32_0 : i32, i32
  }
  func.func @transform_7(%arg0: i32) -> (i32, i32) {
    %c0_i32 = arith.constant 0 : i32
    %c0_i32_0 = arith.constant 0 : i32
    return %arg0, %c0_i32 : i32, i32
  }
  func.func @transform_8(%arg0: i32) -> (i32, i32) {
    %c0_i32 = arith.constant 0 : i32
    %c0_i32_0 = arith.constant 0 : i32
    return %arg0, %c0_i32 : i32, i32
  }
  func.func @transform_9(%arg0: i32) -> (i32, i32) {
    %c0_i32 = arith.constant 0 : i32
    %c0_i32_0 = arith.constant 0 : i32
    return %arg0, %c0_i32 : i32, i32
  }
}

module attributes {stable_mosaic.version = 14 : i64} {
  func.func @body(%arg0: i32, %arg1: memref<2x2x1000x128xf32, #tpu.memory_space<vmem>>, %arg2: memref<2x1000x128xf32, #tpu.memory_space<vmem>>, %arg3: memref<1000x256xf32, #tpu.memory_space<vmem>>, %arg4: memref<1000x256xf32, #tpu.memory_space<vmem>>) attributes {dimension_semantics = [#tpu.dimension_semantics<arbitrary>], iteration_bounds = array<i64: 10>, scalar_prefetch = 0 : i64, scratch_operands = 0 : i64, tpu.core_type = #tpu.core_type<tc>, window_params = [{transform_indices = @transform_0, window_bounds = array<i64: 2, 2, 1000, 128>}, {transform_indices = @transform_1, window_bounds = array<i64: 2, 1000, 128>}, {transform_indices = @transform_2, window_bounds = array<i64: 1000, 256>}, {transform_indices = @transform_3, window_bounds = array<i64: 1000, 256>}]} {
    %get3A = arith.constant 0 : index
    %get3A_0 = arith.constant 0 : index
    %get3A_1 = arith.constant 0 : index
    %get3A_2 = vector.load %arg2[%get3A, %get3A_0, %get3A_1] : memref<2x1000x128xf32, #tpu.memory_space<vmem>>, vector<1x1000x1xf32>
    %get3A_3 = vector.shape_cast %get3A_2 : vector<1x1000x1xf32> to vector<1000x1xf32>
    %get3A_4 = arith.constant 1 : index
    %get3A_5 = arith.constant 0 : index
    %get3A_6 = arith.constant 0 : index
    %get3A_7 = vector.load %arg2[%get3A_4, %get3A_5, %get3A_6] : memref<2x1000x128xf32, #tpu.memory_space<vmem>>, vector<1x1000x1xf32>
    %get3A_8 = vector.shape_cast %get3A_7 : vector<1x1000x1xf32> to vector<1000x1xf32>
    %add3A = arith.addf %get3A_3, %get3A_8 : vector<1000x1xf32>
    %max3A = arith.constant 1.000000e+00 : f32
    %max3A_9 = vector.broadcast %max3A : f32 to vector<1000x1xf32>
    %max3A_10 = arith.maximumf %add3A, %max3A_9 : vector<1000x1xf32>
    %div3A = arith.constant 1.000000e+00 : f32
    %div3A_11 = vector.broadcast %div3A : f32 to vector<1000x1xf32>
    %div3A_12 = arith.divf %div3A_11, %max3A_10 : vector<1000x1xf32>
    %get3A_13 = arith.constant 0 : index
    %get3A_14 = arith.constant 0 : index
    %get3A_15 = arith.constant 0 : index
    %get3A_16 = arith.constant 0 : index
    %get3A_17 = vector.load %arg1[%get3A_13, %get3A_14, %get3A_15, %get3A_16] : memref<2x2x1000x128xf32, #tpu.memory_space<vmem>>, vector<1x1x1000x128xf32>
    %get3A_18 = vector.shape_cast %get3A_17 : vector<1x1x1000x128xf32> to vector<1000x128xf32>
    %get3A_19 = arith.constant 1 : index
    %get3A_20 = arith.constant 0 : index
    %get3A_21 = arith.constant 0 : index
    %get3A_22 = arith.constant 0 : index
    %get3A_23 = vector.load %arg1[%get3A_19, %get3A_20, %get3A_21, %get3A_22] : memref<2x2x1000x128xf32, #tpu.memory_space<vmem>>, vector<1x1x1000x128xf32>
    %get3A_24 = vector.shape_cast %get3A_23 : vector<1x1x1000x128xf32> to vector<1000x128xf32>
    %add3A_25 = arith.addf %get3A_18, %get3A_24 : vector<1000x128xf32>
    %mul3A = vector.broadcast %div3A_12 : vector<1000x1xf32> to vector<1000x128xf32>
    %mul3A_26 = arith.mulf %add3A_25, %mul3A : vector<1000x128xf32>
    %get3A_27 = arith.constant 0 : index
    %get3A_28 = arith.constant 0 : index
    %get3A_29 = vector.load %arg3[%get3A_27, %get3A_28] : memref<1000x256xf32, #tpu.memory_space<vmem>>, vector<1000x128xf32>
    %add3A_30 = arith.addf %mul3A_26, %get3A_29 : vector<1000x128xf32>
    %swap3A = arith.constant 0 : index
    %swap3A_31 = arith.constant 0 : index
    %swap3A_32 = vector.load %arg4[%swap3A, %swap3A_31] : memref<1000x256xf32, #tpu.memory_space<vmem>>, vector<1000x128xf32>
    tpu.vector_store %arg4[%swap3A, %swap3A_31], %add3A_30 {strides = array<i32>} : memref<1000x256xf32, #tpu.memory_space<vmem>>, vector<1000x128xf32>,
    %get3A_33 = arith.constant 0 : index
    %get3A_34 = arith.constant 1 : index
    %get3A_35 = arith.constant 0 : index
    %get3A_36 = arith.constant 0 : index
    %get3A_37 = vector.load %arg1[%get3A_33, %get3A_34, %get3A_35, %get3A_36] : memref<2x2x1000x128xf32, #tpu.memory_space<vmem>>, vector<1x1x1000x128xf32>
    %get3A_38 = vector.shape_cast %get3A_37 : vector<1x1x1000x128xf32> to vector<1000x128xf32>
    %get3A_39 = arith.constant 1 : index
    %get3A_40 = arith.constant 1 : index
    %get3A_41 = arith.constant 0 : index
    %get3A_42 = arith.constant 0 : index
    %get3A_43 = vector.load %arg1[%get3A_39, %get3A_40, %get3A_41, %get3A_42] : memref<2x2x1000x128xf32, #tpu.memory_space<vmem>>, vector<1x1x1000x128xf32>
    %get3A_44 = vector.shape_cast %get3A_43 : vector<1x1x1000x128xf32> to vector<1000x128xf32>
    %add3A_45 = arith.addf %get3A_38, %get3A_44 : vector<1000x128xf32>
    %mul3A_46 = vector.broadcast %div3A_12 : vector<1000x1xf32> to vector<1000x128xf32>
    %mul3A_47 = arith.mulf %add3A_45, %mul3A_46 : vector<1000x128xf32>
    %get3A_48 = arith.constant 0 : index
    %get3A_49 = arith.constant 128 : index
    %get3A_50 = vector.load %arg3[%get3A_48, %get3A_49] : memref<1000x256xf32, #tpu.memory_space<vmem>>, vector<1000x128xf32>
    %add3A_51 = arith.addf %mul3A_47, %get3A_50 : vector<1000x128xf32>
    %swap3A_52 = arith.constant 0 : index
    %swap3A_53 = arith.constant 128 : index
    %swap3A_54 = vector.load %arg4[%swap3A_52, %swap3A_53] : memref<1000x256xf32, #tpu.memory_space<vmem>>, vector<1000x128xf32>
    tpu.vector_store %arg4[%swap3A_52, %swap3A_53], %add3A_51 {strides = array<i32>} : memref<1000x256xf32, #tpu.memory_space<vmem>>, vector<1000x128xf32>,
    return
  }
  func.func @transform_0(%arg0: i32) -> (i32, i32, i32, i32) {
    %c0_i32 = arith.constant 0 : i32
    %c0_i32_0 = arith.constant 0 : i32
    %c0_i32_1 = arith.constant 0 : i32
    %c0_i32_2 = arith.constant 0 : i32
    return %c0_i32, %c0_i32_0, %arg0, %c0_i32_1 : i32, i32, i32, i32
  }
  func.func @transform_1(%arg0: i32) -> (i32, i32, i32) {
    %c0_i32 = arith.constant 0 : i32
    %c0_i32_0 = arith.constant 0 : i32
    %c0_i32_1 = arith.constant 0 : i32
    return %c0_i32, %arg0, %c0_i32_0 : i32, i32, i32
  }
  func.func @transform_2(%arg0: i32) -> (i32, i32) {
    %c0_i32 = arith.constant 0 : i32
    %c0_i32_0 = arith.constant 0 : i32
    return %arg0, %c0_i32 : i32, i32
  }
  func.func @transform_3(%arg0: i32) -> (i32, i32) {
    %c0_i32 = arith.constant 0 : i32
    %c0_i32_0 = arith.constant 0 : i32
    return %arg0, %c0_i32 : i32, i32
  }
}

</mosaic_0001>

<sc_bundles>
// kernel: gather_offload_async_start.1
scs
__scs_entry_jumppad:
0x0: {  	(pc) =	sbr.rel $0x88, $3  }
0x1: {  	(tag) =	ssettag $0x0;
	lr =	simm.s32 $0x1  }
0x2: {  	[smem:$0x3F96] =	sst lr;
	_ =	strace $0xD0000000  }
0x3: {  	_ = 	snop  }
0x4: {  	_ = 	snop  }
0x5: {  	_ = 	snop  }
0x6: {  	_ = 	snop  }
0x7: {  	_ = 	snop  }
__scs_overlays_trampoline_lowered:
0x8: {  	[smem:$0x3FA5] =	sst s0  }
0x9: {  	[smem:$0x3FA6] =	sst s1  }
0xa: {  	[smem:$0x3FA7] =	sst s2  }
0xb: {  	[smem:$0x3FA8] =	sst s3  }
0xc: {  	[smem:$0x3FA9] =	sst s4  }
0xd: {  	[smem:$0x3FAA] =	sst s5  }
0xe: {  	[smem:$0x3FAB] =	sst s6  }
0xf: {  	[smem:$0x3FAC] =	sst s7  }
0x10: {  	[smem:$0x3FAD] =	sst s8  }
0x11: {  	[smem:$0x3FAE] =	sst s9;
	s0 =	simm.s32 @!p0 $0x0  }
0x12: {  	s1 =	sld [smem:$0x3F94];
	s0 =	simm.s32 @p0 $0x1  }
0x13: {  	[smem:$0x3FAF] =	sst s0;
	s0 =	simm.s32 @!p1 $0x0  }
0x14: {  	s2 =	sld [smem:$0x3F93];
	s0 =	simm.s32 @p1 $0x1  }
0x15: {  	[smem:$0x3FB0] =	sst s0;
	s0 =	simm.s32 @!p2 $0x0  }
0x16: {  	s3 =	sld [smem:$0x3FDB];
	s0 =	simm.s32 @p2 $0x1  }
0x17: {  	s4 =	simm.s32 $0x1BF5;
	[smem:$0x3FB2] =	sst s0  }
0x18: {  	s0 =	sld [smem:$0x3F95];
	_ =	swait.ge [sflag:s4], $0x0  }
0x19: {  	s7 =	sld [smem:$0x3F96]  }
0x1a: {  	s8 =	sadd.s32 $0xFFFFE003, lr  }
0x1b: {  	s9 =	sadd.s32 $0xFFFFFEF7, lr;
	s5 =	simm.s32 $0xFFFFFFFF;
	p2 =	slt.u32 s8, $0xFFFFF086  }
0x1c: {  	p1 =	slt.u32 s9, $0xF7A;
	s5 =	simm.s32 @!p2 $0x0  }
0x1d: {  	s5 =	simm.s32 @p1 $0x1;
	p0 =	seq.s32 s7, s2  }
0x1e: {  	s7 =	smul.u32 @!p0 $0xF7A, s2;
	p2 =	seq.s32 @!p0 s5, $0x0  }
0x1f: {  	s9 =	smul.u32 $0xF7A, s1;
	s8 =	simm.s32 @!p0 $0x1BF5;
	p2 =	por !p2, p0  }
0x20: {  	[sflag:s8] =	ssyncset.s32 @!p0 $0xFFFFF086;
	s6 =	sadd.s32 @!p0 s3, s7;
	s7 =	simm.s32 @!p0 $0x108  }
0x21: {  	s3 =	sadd.s32 s3, s9;
	s6 =	sadd.s32 @!p0 $0x88, s6;
	s7 =	simm.s32 @p2 $0x1082  }
0x22: {  	[simem:s7], [sflag:s8] =	dma.local @!p0 [hbm:s6], $0xF7A  }
0x23: {  	s9 =	sor.u32 $0xD0000000, s2;
	s6 =	simm.s32 $0x108;
	_ =	swait.ge @!p0 [sflag:s8], $0x0  }
0x24: {  	s3 =	sadd.s32 $0x88, s3;
	s6 =	simm.s32 @!p1 $0x1082;
	[sflag:s4] =	ssyncset.s32 $0xFFFFF086  }
0x25: {  	[simem:s6], [sflag:s4] =	dma.local [hbm:s3], $0xF7A  }
0x26: {  	[smem:$0x3F96] =	sst s1;
	(tag) =	ssettag s2;
	_ =	strace s9  }
0x27: {  	s1 =	sld [smem:$0x3FA6]  }
0x28: {  	s2 =	sld [smem:$0x3FA7]  }
0x29: {  	s4 =	sld [smem:$0x3FA9]  }
0x2a: {  	p0 =	seq.s32 s5, $0x0;
	s5 =	sld [smem:$0x3FAA]  }
0x2b: {  	s6 =	sld [smem:$0x3FAB]  }
0x2c: {  	s7 =	sld [smem:$0x3FAC]  }
0x2d: {  	s3 =	simm.s32 $0x108;
	s8 =	sld [smem:$0x3FAD]  }
0x2e: {  	s3 =	simm.s32 @!p0 $0x1082;
	s9 =	sld [smem:$0x3FAE]  }
0x2f: {  	lr =	sadd.s32 s0, s3;
	s0 =	sld [smem:$0x3FA5]  }
0x30: {  	s3 =	sld [smem:$0x3FA8]  }
0x31: {  	[smem:$0x3FB1] =	sst s10  }
0x32: {  	s10 =	sld [smem:$0x3FAF];
	_ =	sdelay $0x3  }
0x33: {  	p0 =	seq.s32 s10, $0x1;
	s10 =	sld [smem:$0x3FB1];
	_ =	sdelay $0x3  }
0x34: {  	[smem:$0x3FB1] =	sst s10  }
0x35: {  	s10 =	sld [smem:$0x3FB0];
	_ =	sdelay $0x3  }
0x36: {  	p1 =	seq.s32 s10, $0x1;
	s10 =	sld [smem:$0x3FB1];
	_ =	sdelay $0x3  }
0x37: {  	[smem:$0x3FB1] =	sst s10  }
0x38: {  	s10 =	sld [smem:$0x3FB2]  }
0x39: {  	_ = 	snop;
	(pc) =	sbr.ind lr, $3  }
0x3a: {  	_ = 	snop  }
0x3b: {  	_ = 	snop  }
0x3c: {  	p2 =	seq.s32 s10, $0x1;
	s10 =	sld [smem:$0x3FB1]  }
0x3d: {  	_ =	shalt  }
0x3e: {  	_ =	shalt  }
0x3f: {  	_ =	shalt  }
0x40: {  	_ =	shalt  }
0x41: {  	_ =	shalt  }
0x42: {  	_ =	shalt  }
0x43: {  	_ =	shalt  }
0x44: {  	_ =	shalt  }
0x45: {  	_ =	shalt  }
0x46: {  	_ =	shalt  }
0x47: {  	_ =	shalt  }
0x48: {  	_ =	shalt  }
0x49: {  	_ =	shalt  }
0x4a: {  	_ =	shalt  }
0x4b: {  	_ =	shalt  }
0x4c: {  	_ =	shalt  }
0x4d: {  	_ =	shalt  }
0x4e: {  	_ =	shalt  }
0x4f: {  	_ =	shalt  }
0x50: {  	_ =	shalt  }
0x51: {  	_ =	shalt  }
0x52: {  	_ =	shalt  }
0x53: {  	_ =	shalt  }
0x54: {  	_ =	shalt  }
0x55: {  	_ =	shalt  }
0x56: {  	_ =	shalt  }
0x57: {  	_ =	shalt  }
0x58: {  	_ =	shalt  }
0x59: {  	_ =	shalt  }
0x5a: {  	_ =	shalt  }
0x5b: {  	_ =	shalt  }
0x5c: {  	_ =	shalt  }
0x5d: {  	_ =	shalt  }
0x5e: {  	_ =	shalt  }
0x5f: {  	_ =	shalt  }
0x60: {  	_ =	shalt  }
0x61: {  	_ =	shalt  }
0x62: {  	_ =	shalt  }
0x63: {  	_ =	shalt  }
0x64: {  	_ =	shalt  }
0x65: {  	_ =	shalt  }
0x66: {  	_ =	shalt  }
0x67: {  	_ =	shalt  }
0x68: {  	_ =	shalt  }
0x69: {  	_ =	shalt  }
0x6a: {  	_ =	shalt  }
0x6b: {  	_ =	shalt  }
0x6c: {  	_ =	shalt  }
0x6d: {  	_ =	shalt  }
0x6e: {  	_ =	shalt  }
0x6f: {  	_ =	shalt  }
0x70: {  	_ =	shalt  }
0x71: {  	_ =	shalt  }
0x72: {  	_ =	shalt  }
0x73: {  	_ =	shalt  }
0x74: {  	_ =	shalt  }
0x75: {  	_ =	shalt  }
0x76: {  	_ =	shalt  }
0x77: {  	_ =	shalt  }
0x78: {  	_ =	shalt  }
0x79: {  	_ =	shalt  }
0x7a: {  	_ =	shalt  }
0x7b: {  	_ =	shalt  }
0x7c: {  	_ =	shalt  }
0x7d: {  	_ =	shalt  }
0x7e: {  	_ =	shalt  }
0x7f: {  	_ =	shalt  }
0x80: {  	_ =	shalt  }
0x81: {  	_ =	shalt  }
0x82: {  	_ =	shalt  }
0x83: {  	_ =	shalt  }
0x84: {  	_ =	shalt  }
0x85: {  	_ =	shalt  }
0x86: {  	_ =	shalt  }
0x87: {  	_ =	shalt  }
.Lfunc_end0:
.L_simem_size_0:
called_computation.1_lowered:
.L_overlay_start_0:
0x88: {  	s2 =	sld [smem:$0x3FD9]  }
0x89: {  	s3 =	sld [smem:$0x3FFE];
	_ =	sdelay $0x1  }
0x8a: {  	s1 =	srdreg.scid  }
0x8b: {  	s0 =	sand.u32 $0x1, s1  }
0x8c: {  	s17 =	sshll.u32 s0, $0xA;
	s2 =	sadd.s32 s3, s2  }
0x8d: {  	s2 =	sadd.s32 s2, s17  }
0x8e: {  	[smem:$0x3FBD] =	sst s2  }
0x8f: {  	_ = 	snop  }
0x90: {  	(tm) =	ssettm $0x1  }
0x91: {  	s18 =	sld [smem:$0x3FFB];
	_ =	sdelay $0x3  }
0x92: {  	_ =	strace s18  }
0x93: {  	s2 =	sld [smem:$0x3FFC];
	_ =	sdelay $0x3  }
0x94: {  	_ =	strace s2  }
0x95: {  	s2 =	sld [smem:$0x3FFD];
	_ =	sdelay $0x3  }
0x96: {  	_ =	strace s2  }
0x97: {  	_ =	strace $0x8FFFFFFF  }
0x98: {  	s19 =	sld [smem:$0x3FDB];
	_ =	sdelay $0x1  }
0x99: {  	s20 =	simm.s32 $_scs_section_size  }
0x9a: {  	s4 =	simm.s32 $_size__tile_overlayer_lowered;
	s5 =	simm.s32 $_tile_overlayer_lowered  }
0x9b: {  	s6 =	simm.s32 $0x1BFF;
	s21 =	sshll.u32 s5, $0x1;
	s3 =	sadd.s32 s20, s19  }
0x9c: {  	s22 =	simm.s32 $0x0;
	s4 =	sshll.u32 s4, $0x1;
	s5 =	sadd.s32 s21, s3  }
0x9d: {  	[timem:s22], [sflag:s6] =	dma.local [hbm:s5], s4  }
0x9e: {  	_ =	swait.ge [sflag:s6], s4  }
0x9f: {  	s4 =	ssub.s32 $0x0, s4;
	[sflag:s6] =	ssyncset.done $0x0  }
0xa0: {  	[sflag:s6] =	ssyncadd.s32 s4;
	_ =	sdelay $0x1  }
0xa1: {  	s23 =	simm.s32 $0x1B8B  }
0xa2: {  	_ =	swait.ge [sflag:s23], $0x1  }
0xa3: {  	[sflag:s23] =	ssyncset.done $0x0  }
0xa4: {  	[sflag:s23] =	ssyncadd.s32 $0xFFFFFFFF  }
0xa5: {  	s4 =	sld [smem:$0x0]  }
0xa6: {  	s5 =	sand.u32 $0xFFFFFFFE, s1  }
0xa7: {  	p0 =	sne.s32 s1, s5  }
0xa8: {  	s5 =	sshll.u32 @p0 s5, $0xE  }
0xa9: {  	s5 =	sadd.s32 @p0 $0x11B8D, s5;
	s6 =	sshll.u32 @p0 s4, $0x11  }
0xaa: {  	s5 =	sor.u32 @p0 s6, s5  }
0xab: {  	[sflag:s5] =	ssyncadd.remote.s32 @p0 $0x1;
	_ =	sdelay $0x1  }
0xac: {  	s5 =	simm.s32 @p0 $0x1B8D  }
0xad: {  	_ =	swait.eq @p0 [sflag:s5], $0x1  }
0xae: {  	[sflag:s5] =	ssyncadd.s32 @p0 $0xFFFFFFFF  }
0xaf: {  	s6 =	sshll.u32 @!p0 s1, $0xE  }
0xb0: {  	s6 =	sor.u32 @!p0 $0x4000, s6;
	s5 =	simm.s32 @!p0 $0x1B8D  }
0xb1: {  	s4 =	sshll.u32 @!p0 s4, $0x11;
	s6 =	sadd.s32 @!p0 $0x11B8D, s6;
	_ =	swait.eq @!p0 [sflag:s5], $0x1  }
0xb2: {  	s4 =	sor.u32 @!p0 s4, s6;
	[sflag:s5] =	ssyncadd.s32 @!p0 $0xFFFFFFFF  }
0xb3: {  	s25 =	simm.s32 $0x1B8E;
	s24 =	sld [smem:$0x3FFE];
	[sflag:s4] =	ssyncadd.remote.s32 @!p0 $0x1  }
0xb4: {  	s26 =	simm.s32 $execute0_lowered;
	[smem:$0x3FD2] =	sst s25  }
0xb5: {  	s5 =	sshll.u32 s26, $0x1;
	_ =	strace $0x80000049;
	[dreg:$0x1] =	wrdreg $0xFFFFFFFF  }
0xb6: {  	s28 =	simm.s32 $_size_execute0_lowered;
	s3 =	sadd.s32 s3, s5;
	[dreg:$0x0] =	wrdreg $0x0  }
0xb7: {  	s5 =	sshll.u32 s28, $0x1;
	[dreg:$0x2] =	wrdreg s3  }
0xb8: {  	[dreg:$0x3] =	wrdreg s5  }
0xb9: {  	[dreg:$0x4] =	wrdreg $0xC0  }
0xba: {  	_ =	task [dreg:s22], $0x5FFFF  }
0xbb: {  	[dreg:$0x1] =	wrdreg $0xFFFFFFFF  }
0xbc: {  	[dreg:$0x0] =	wrdreg $0x60  }
0xbd: {  	[dreg:$0x2] =	wrdreg s24  }
0xbe: {  	[dreg:$0x3] =	wrdreg $0xA  }
0xbf: {  	_ =	task.clear_ibuf [dreg:s22], $0x4FFFF;
	_ =	strace $0x90000049  }
0xc0: {  	s29 =	simm.s32 $0xA;
	_ =	strace $0x8000004B  }
0xc1: {  	_ =	swait.ge [sflag:s29], $0x1  }
0xc2: {  	[sflag:s29] =	ssyncadd.s32 $0xFFFFFFFF  }
0xc3: {  	_ =	strace $0x9000004B  }
0xc4: {  	_ =	sfence  }
0xc5: {  	s30 =	sld [smem:$0x0];
	_ =	sdelay $0x2  }
0xc6: {  	s31 =	sshll.u32 s1, $0xD;
	s1 =	sshrl.u32 s1, $0x2  }
0xc7: {  	s4 =	sand.u32 $0x4000, s31;
	s1 =	sadd.s32 s1, s30  }
0xc8: {  	s0 =	sor.u32 s4, s0;
	s1 =	sshll.u32 s1, $0x11  }
0xc9: {  	s0 =	sor.u32 s1, s0  }
0xca: {  	s0 =	sadd.s32 $0x8F2B, s0  }
0xcb: {  	[sflag:s0] =	ssyncadd.remote.s32 $0x1  }
0xcc: {  	_ =	sfence.sel $0xFFFF  }
0xcd: {  	[dreg:$0x0] =	wrdreg $0xFFFFFFFF;
	(pc) =	sbr.abs _section_cstart, $3  }
0xce: {  	[dreg:$0x1] =	wrdreg $0xFFFFFFFF  }
0xcf: {  	_ =	task.clear_ibuf [dreg:s22], $0x2FFFF;
	_ =	strace $0x9FFFFFFF  }
0xd0: {  	(tm) =	ssettm $0x7FFFFFFF  }
0xd1: {  	_ =	shalt  }
tec
execute0_lowered:
.L_overlay_start_1:
0x0: {  	(tag) =	ssettag $0x1  }
0x1: {  	s7 =	rddreg [dreg:$0x0]  }
0x2: {  	s0 =	rddreg [dreg:$0x1];
	_ =	strace $0x8000004A  }
0x3: {  	s1 =	srdreg.scid;
	s4 =	simm.s32 $0x1;
	s9 =	simm.s32 $0x3  }
0x4: {  	s12 =	simm.s32 $0x0;
	s10 =	simm.s32 $0x0;
	s5 =	sshll.u32 s1, $0x4  }
.Ltmp0:
0x5: {  	s1 =	stileid.u32;
	s5 =	sand.u32 $0x10, s5;
	(pc) =	sbr.rel .LBB2_1-.Ltmp0, $4  }
0x6: {  	s2 =	sadd.s32 $0x47000, s7;
	s3 =	sadd.s32 $0x5C00, s7;
	s6 =	sor.u32 s1, s5  }
0x7: {  	[sflag:s4] =	ssyncpa.u1 $0x0;
	s5 =	simm.s32 $0x2;
	s6 =	sshll.u32 s6, $0x7  }
0x8: {  	s7 =	sadd.s32 $0x51000, s7;
	[sflag:s5] =	ssyncpa.u1 $0x0;
	s8 =	sadd.s32 $0x80, s6  }
0x9: {  	vm0 =	vmmov $0xff;
	vm1 =	vcmask $0x3F20;
	[sflag:s9] =	ssyncpa.u1 $0x0;
	s9 =	simm.s32 $0x80;
	s11 =	smov.u32 s6  }
.LBB2_9:
0xa: {  	p0 =	seq.s32 s10, $0x2  }
.Ltmp1:
0xb: {  	_ = 	snop;
	(pc) =	sbr.rel @p0 .LBB2_11-.Ltmp1, $1  }
0xc: {  	_ =	sdelay $0x3  }
.LBB2_10:
0xd: {  	s12 =	sadd.s32 $0x80, s11  }
0xe: {  	s13 =	smov.u32 s6;
	p0 =	slt.s32 s12, s8  }
0xf: {  	s13 =	smov.u32 @p0 s12  }
0x10: {  	s10 =	sadd.s32 $0x1, s10;
	s12 =	smov.u32 s11;
	s11 =	smov.u32 s13  }
.LBB2_1:
0x11: {  	p0 =	sne.s32 s10, $0x0  }
.Ltmp2:
0x12: {  	_ = 	snop;
	(pc) =	sbr.rel @!p0 .LBB2_2-.Ltmp2, $1  }
0x13: {  	_ =	sdelay $0x3  }
0x14: {  	s13 =	sand.u32 $0x1, s10  }
0x15: {  	p0 =	seq.s32 s13, $0x0  }
.Ltmp3:
0x16: {  	_ = 	snop;
	(pc) =	sbr.rel @p0 .LBB2_9-.Ltmp3, $1  }
0x17: {  	_ =	sdelay $0x3  }
0x18: {  	_ =	swait.ge [sflag:s5], $0x80  }
0x19: {  	[sflag:s5] =	ssyncset.done $0x0  }
0x1a: {  	s13 =	simm.s32 $0x0;
	[sflag:s5] =	ssyncadd.s32 $0xFFFFFF80  }
0x1b: {  	v0 =	vld.msk [tilespmem:s13+$0x80 ss:$0x1], $0xffff;
	_ =	sdelay $0x4  }
0x1c: {  	vm2 =	vgt.s32 v0, $0x0  }
0x1d: {  	v0 =	vnsel vm2, $0x0, v0  }
0x1e: {  	v0 =	vmin.u32 v0, $0x9FF  }
0x1f: {  	v0 =	vshll.u32 v0, $0x4;
	_ =	sdelay $0x3  }
0x20: {  	s13 =	simm.s32 $0x4100  }
0x21: {  	[tilespmem:s13], [sflag:$0x1] =	stream.indirect_vreg.gather [hbm:s2], $0x80, v0, vm0, $0x38;
	[tilespmem:$0x8100] =	vst v63  }
0x22: {  	s14 =	simm.s32 $0x4500;
	s31 =	simm.s32 $0x10  }
0x23: {  	[tilespmem:s14], [sflag:$0x1] =	stream.indirect_vreg.gather [hbm:s2], $0x80, v0, vm1, $0x38;
	[tilespmem:$0x8100] =	vst v63  }
0x24: {  	s14 =	simm.s32 $0x80;
	v0 =	vld.msk [tilespmem:s31+$0x80 ss:$0x1], $0xffff  }
.LBB2_5:
0x25: {  	p0 =	sne.s32 s14, $0x1C0;
	_ =	sdelay $0x4  }
0x26: {  	vm2 =	vgt.s32 v0, $0x0  }
0x27: {  	v0 =	vnsel vm2, $0x0, v0  }
0x28: {  	v0 =	vmin.u32 v0, $0x9FF  }
0x29: {  	v0 =	vshll.u32 v0, $0x4;
	_ =	sdelay $0x3  }
.Ltmp4:
0x2a: {  	s13 =	sadd.s32 $0x800, s13;
	(pc) =	sbr.rel @p0 .LBB2_5-.Ltmp4, $4  }
0x2b: {  	[tilespmem:s13], [sflag:$0x1] =	stream.indirect_vreg.gather [hbm:s2], $0x80, v0, vm0, $0x38;
	[tilespmem:$0x8100] =	vst v63  }
0x2c: {  	s15 =	sshra.s32 s14, $0x2;
	s16 =	sadd.s32 $0x400, s13  }
0x2d: {  	[tilespmem:s16], [sflag:$0x1] =	stream.indirect_vreg.gather [hbm:s2], $0x80, v0, vm1, $0x38;
	[tilespmem:$0x8100] =	vst v63  }
0x2e: {  	s14 =	sadd.s32 $0x40, s14;
	v0 =	vld.msk [tilespmem:s15+$0x80 ss:$0x1], $0xffff  }
0x2f: {  	_ =	sdelay $0x3  }
0x30: {  	vm2 =	vgt.s32 v0, $0x0  }
0x31: {  	v0 =	vnsel vm2, $0x0, v0  }
0x32: {  	v0 =	vmin.u32 v0, $0x9FF  }
0x33: {  	v0 =	vshll.u32 v0, $0x4;
	_ =	sdelay $0x3  }
0x34: {  	s13 =	sadd.s32 $0x800, s13  }
0x35: {  	[tilespmem:s13], [sflag:$0x1] =	stream.indirect_vreg.gather [hbm:s2], $0x80, v0, vm0, $0x38;
	[tilespmem:$0x8100] =	vst v63  }
0x36: {  	s13 =	sadd.s32 $0x400, s13  }
0x37: {  	[tilespmem:s13], [sflag:$0x1] =	stream.indirect_vreg.gather [hbm:s2], $0x80, v0, vm1, $0x38;
	[tilespmem:$0x8100] =	vst v63  }
0x38: {  	s12 =	sshll.u32 s12, $0x4;
	s14 =	simm.s32 $0x80;
	_ =	swait.ge [sflag:s4], $0x4000  }
0x39: {  	s15 =	simm.s32 $0x4500;
	s12 =	sadd.s32 s12, s7;
	[sflag:s4] =	ssyncset.done $0x0  }
0x3a: {  	s16 =	sadd.s32 $0x0, s12;
	s13 =	simm.s32 $0x4100;
	[sflag:s4] =	ssyncadd.s32 $0xFFFFC000  }
.LBB2_7:
0x3b: {  	[hbm:s16] =	stream.linear.scatter [tilespmem:s13], [sflag:$0x3], $0x400, $0x38;
	[tilespmem:$0x8100] =	vst v63  }
0x3c: {  	s16 =	smov.u32 s14;
	s13 =	smov.u32 s15;
	p0 =	sne.s32 s14, $0x780  }
.Ltmp5:
0x3d: {  	s14 =	sadd.s32 $0x80, s14;
	(pc) =	sbr.rel @p0 .LBB2_7-.Ltmp5, $2  }
0x3e: {  	_ =	sdelay $0x2  }
0x3f: {  	s15 =	sadd.s32 $0x400, s15;
	s16 =	sadd.s32 s16, s12  }
.Ltmp6:
0x40: {  	(pc) =	sbr.rel .LBB2_9-.Ltmp6, $2  }
0x41: {  	_ =	sdelay $0x2  }
0x42: {  	[hbm:s16] =	stream.linear.scatter [tilespmem:s13], [sflag:$0x3], $0x400, $0x38;
	[tilespmem:$0x8100] =	vst v63  }
.LBB2_2:
.Ltmp7:
0x43: {  	(pc) =	sbr.rel .LBB2_10-.Ltmp7, $4  }
0x44: {  	_ = 	snop  }
0x45: {  	s12 =	sshrl.u32 s11, $0x3  }
0x46: {  	s13 =	sand.u32 $0x7, s11;
	s12 =	sadd.s32 s3, s12  }
0x47: {  	[tilespmem:s9], [sflag:$0x2] =	stream.linear.gather [hbm4b:s12+s13], $0x80, $0x38;
	[tilespmem:$0x8100] =	vst v63  }
.LBB2_11:
0x48: {  	s2 =	simm.s32 $0x3  }
0x49: {  	_ =	swait.ge [sflag:s2], $0x4000  }
0x4a: {  	[sflag:s2] =	ssyncset.done $0x0  }
0x4b: {  	[sflag:s2] =	ssyncadd.s32 $0xFFFFC000  }
0x4c: {  	_ =	sfence.sel $0x180000  }
0x4d: {  	s3 =	simm.s32 $0x2;
	[bflag:$0x0] =	sbarrier.arrive $0xFFFF  }
0x4e: {  	[sflag:s3] =	ssyncpa.u1 $0x1  }
0x4f: {  	s31 =	simm.s32 $0x1;
	[sflag:s2] =	ssyncpa.u1 $0x1  }
0x50: {  	[sflag:s31] =	ssyncpa.u1 $0x1  }
0x51: {  	p0 =	sne.s32 s1, $0x0;
	_ =	strace $0x9000004A  }
0x52: {  	s0 =	sadd.s32 @!p0 $0x100000, s0;
	[bflag:$0x2] =	sbarrier.arrive $0xFFFF  }
0x53: {  	[sflag:s0] =	ssyncadd.tile.s32 @!p0 $0x1;
	_ =	shalt  }
.Lfunc_end2:
_tile_overlayer_lowered:
.L_overlay_start_2:
0x54: {  	(tag) =	ssettag $0x2  }
0x55: {  	s0 =	rddreg [dreg:$0x0];
	s2 =	stileid.u32  }
0x56: {  	s1 =	rddreg [dreg:$0x1];
	p0 =	sne.s32 s2, $0x0  }
0x57: {  	s3 =	rddreg [dreg:$0x2];
	[bflag:$0x3] =	sbarrier.arrive $0xFFFF;
	s2 =	simm.s32 @!p0 $0x1C01  }
0x58: {  	[timem:s3], [sflag:s2] =	dma.local @!p0 [hbm:s0], s1  }
0x59: {  	s0 =	simm.s32 @!p0 $0x1  }
0x5a: {  	_ =	swait.ge @!p0 [sflag:s0], s1  }
0x5b: {  	s1 =	ssub.s32 @!p0 $0x0, s1;
	[sflag:s0] =	ssyncset.done @!p0 $0x0  }
0x5c: {  	[sflag:s0] =	ssyncadd.s32 @!p0 s1  }
0x5d: {  	[bflag:$0x3] =	sbarrier.arrive $0xFFFF  }
0x5e: {  	_ =	shalt  }

// kernel: gather_offload_async_start
scs
__scs_entry_jumppad:
0x0: {  	(pc) =	sbr.rel $0x88, $3  }
0x1: {  	(tag) =	ssettag $0x0;
	lr =	simm.s32 $0x1  }
0x2: {  	[smem:$0x3F96] =	sst lr;
	_ =	strace $0xD0000000  }
0x3: {  	_ = 	snop  }
0x4: {  	_ = 	snop  }
0x5: {  	_ = 	snop  }
0x6: {  	_ = 	snop  }
0x7: {  	_ = 	snop  }
__scs_overlays_trampoline_lowered:
0x8: {  	[smem:$0x3FA5] =	sst s0  }
0x9: {  	[smem:$0x3FA6] =	sst s1  }
0xa: {  	[smem:$0x3FA7] =	sst s2  }
0xb: {  	[smem:$0x3FA8] =	sst s3  }
0xc: {  	[smem:$0x3FA9] =	sst s4  }
0xd: {  	[smem:$0x3FAA] =	sst s5  }
0xe: {  	[smem:$0x3FAB] =	sst s6  }
0xf: {  	[smem:$0x3FAC] =	sst s7  }
0x10: {  	[smem:$0x3FAD] =	sst s8  }
0x11: {  	[smem:$0x3FAE] =	sst s9;
	s0 =	simm.s32 @!p0 $0x0  }
0x12: {  	s1 =	sld [smem:$0x3F94];
	s0 =	simm.s32 @p0 $0x1  }
0x13: {  	[smem:$0x3FAF] =	sst s0;
	s0 =	simm.s32 @!p1 $0x0  }
0x14: {  	s2 =	sld [smem:$0x3F93];
	s0 =	simm.s32 @p1 $0x1  }
0x15: {  	[smem:$0x3FB0] =	sst s0;
	s0 =	simm.s32 @!p2 $0x0  }
0x16: {  	s3 =	sld [smem:$0x3FDB];
	s0 =	simm.s32 @p2 $0x1  }
0x17: {  	s4 =	simm.s32 $0x1BF5;
	[smem:$0x3FB2] =	sst s0  }
0x18: {  	s0 =	sld [smem:$0x3F95];
	_ =	swait.ge [sflag:s4], $0x0  }
0x19: {  	s7 =	sld [smem:$0x3F96]  }
0x1a: {  	s8 =	sadd.s32 $0xFFFFE003, lr  }
0x1b: {  	s9 =	sadd.s32 $0xFFFFFEF7, lr;
	s5 =	simm.s32 $0xFFFFFFFF;
	p2 =	slt.u32 s8, $0xFFFFF086  }
0x1c: {  	p1 =	slt.u32 s9, $0xF7A;
	s5 =	simm.s32 @!p2 $0x0  }
0x1d: {  	s5 =	simm.s32 @p1 $0x1;
	p0 =	seq.s32 s7, s2  }
0x1e: {  	s7 =	smul.u32 @!p0 $0xF7A, s2;
	p2 =	seq.s32 @!p0 s5, $0x0  }
0x1f: {  	s9 =	smul.u32 $0xF7A, s1;
	s8 =	simm.s32 @!p0 $0x1BF5;
	p2 =	por !p2, p0  }
0x20: {  	[sflag:s8] =	ssyncset.s32 @!p0 $0xFFFFF086;
	s6 =	sadd.s32 @!p0 s3, s7;
	s7 =	simm.s32 @!p0 $0x108  }
0x21: {  	s3 =	sadd.s32 s3, s9;
	s6 =	sadd.s32 @!p0 $0x88, s6;
	s7 =	simm.s32 @p2 $0x1082  }
0x22: {  	[simem:s7], [sflag:s8] =	dma.local @!p0 [hbm:s6], $0xF7A  }
0x23: {  	s9 =	sor.u32 $0xD0000000, s2;
	s6 =	simm.s32 $0x108;
	_ =	swait.ge @!p0 [sflag:s8], $0x0  }
0x24: {  	s3 =	sadd.s32 $0x88, s3;
	s6 =	simm.s32 @!p1 $0x1082;
	[sflag:s4] =	ssyncset.s32 $0xFFFFF086  }
0x25: {  	[simem:s6], [sflag:s4] =	dma.local [hbm:s3], $0xF7A  }
0x26: {  	[smem:$0x3F96] =	sst s1;
	(tag) =	ssettag s2;
	_ =	strace s9  }
0x27: {  	s1 =	sld [smem:$0x3FA6]  }
0x28: {  	s2 =	sld [smem:$0x3FA7]  }
0x29: {  	s4 =	sld [smem:$0x3FA9]  }
0x2a: {  	p0 =	seq.s32 s5, $0x0;
	s5 =	sld [smem:$0x3FAA]  }
0x2b: {  	s6 =	sld [smem:$0x3FAB]  }
0x2c: {  	s7 =	sld [smem:$0x3FAC]  }
0x2d: {  	s3 =	simm.s32 $0x108;
	s8 =	sld [smem:$0x3FAD]  }
0x2e: {  	s3 =	simm.s32 @!p0 $0x1082;
	s9 =	sld [smem:$0x3FAE]  }
0x2f: {  	lr =	sadd.s32 s0, s3;
	s0 =	sld [smem:$0x3FA5]  }
0x30: {  	s3 =	sld [smem:$0x3FA8]  }
0x31: {  	[smem:$0x3FB1] =	sst s10  }
0x32: {  	s10 =	sld [smem:$0x3FAF];
	_ =	sdelay $0x3  }
0x33: {  	p0 =	seq.s32 s10, $0x1;
	s10 =	sld [smem:$0x3FB1];
	_ =	sdelay $0x3  }
0x34: {  	[smem:$0x3FB1] =	sst s10  }
0x35: {  	s10 =	sld [smem:$0x3FB0];
	_ =	sdelay $0x3  }
0x36: {  	p1 =	seq.s32 s10, $0x1;
	s10 =	sld [smem:$0x3FB1];
	_ =	sdelay $0x3  }
0x37: {  	[smem:$0x3FB1] =	sst s10  }
0x38: {  	s10 =	sld [smem:$0x3FB2]  }
0x39: {  	_ = 	snop;
	(pc) =	sbr.ind lr, $3  }
0x3a: {  	_ = 	snop  }
0x3b: {  	_ = 	snop  }
0x3c: {  	p2 =	seq.s32 s10, $0x1;
	s10 =	sld [smem:$0x3FB1]  }
0x3d: {  	_ =	shalt  }
0x3e: {  	_ =	shalt  }
0x3f: {  	_ =	shalt  }
0x40: {  	_ =	shalt  }
0x41: {  	_ =	shalt  }
0x42: {  	_ =	shalt  }
0x43: {  	_ =	shalt  }
0x44: {  	_ =	shalt  }
0x45: {  	_ =	shalt  }
0x46: {  	_ =	shalt  }
0x47: {  	_ =	shalt  }
0x48: {  	_ =	shalt  }
0x49: {  	_ =	shalt  }
0x4a: {  	_ =	shalt  }
0x4b: {  	_ =	shalt  }
0x4c: {  	_ =	shalt  }
0x4d: {  	_ =	shalt  }
0x4e: {  	_ =	shalt  }
0x4f: {  	_ =	shalt  }
0x50: {  	_ =	shalt  }
0x51: {  	_ =	shalt  }
0x52: {  	_ =	shalt  }
0x53: {  	_ =	shalt  }
0x54: {  	_ =	shalt  }
0x55: {  	_ =	shalt  }
0x56: {  	_ =	shalt  }
0x57: {  	_ =	shalt  }
0x58: {  	_ =	shalt  }
0x59: {  	_ =	shalt  }
0x5a: {  	_ =	shalt  }
0x5b: {  	_ =	shalt  }
0x5c: {  	_ =	shalt  }
0x5d: {  	_ =	shalt  }
0x5e: {  	_ =	shalt  }
0x5f: {  	_ =	shalt  }
0x60: {  	_ =	shalt  }
0x61: {  	_ =	shalt  }
0x62: {  	_ =	shalt  }
0x63: {  	_ =	shalt  }
0x64: {  	_ =	shalt  }
0x65: {  	_ =	shalt  }
0x66: {  	_ =	shalt  }
0x67: {  	_ =	shalt  }
0x68: {  	_ =	shalt  }
0x69: {  	_ =	shalt  }
0x6a: {  	_ =	shalt  }
0x6b: {  	_ =	shalt  }
0x6c: {  	_ =	shalt  }
0x6d: {  	_ =	shalt  }
0x6e: {  	_ =	shalt  }
0x6f: {  	_ =	shalt  }
0x70: {  	_ =	shalt  }
0x71: {  	_ =	shalt  }
0x72: {  	_ =	shalt  }
0x73: {  	_ =	shalt  }
0x74: {  	_ =	shalt  }
0x75: {  	_ =	shalt  }
0x76: {  	_ =	shalt  }
0x77: {  	_ =	shalt  }
0x78: {  	_ =	shalt  }
0x79: {  	_ =	shalt  }
0x7a: {  	_ =	shalt  }
0x7b: {  	_ =	shalt  }
0x7c: {  	_ =	shalt  }
0x7d: {  	_ =	shalt  }
0x7e: {  	_ =	shalt  }
0x7f: {  	_ =	shalt  }
0x80: {  	_ =	shalt  }
0x81: {  	_ =	shalt  }
0x82: {  	_ =	shalt  }
0x83: {  	_ =	shalt  }
0x84: {  	_ =	shalt  }
0x85: {  	_ =	shalt  }
0x86: {  	_ =	shalt  }
0x87: {  	_ =	shalt  }
.Lfunc_end0:
.L_simem_size_0:
called_computation_lowered:
.L_overlay_start_0:
0x88: {  	s2 =	sld [smem:$0x3FD9]  }
0x89: {  	s3 =	sld [smem:$0x3FFE];
	_ =	sdelay $0x1  }
0x8a: {  	s1 =	srdreg.scid  }
0x8b: {  	s0 =	sand.u32 $0x1, s1  }
0x8c: {  	s16 =	sshll.u32 s0, $0xA;
	s2 =	sadd.s32 s3, s2  }
0x8d: {  	s2 =	sadd.s32 s2, s16  }
0x8e: {  	[smem:$0x3FBD] =	sst s2  }
0x8f: {  	_ = 	snop  }
0x90: {  	(tm) =	ssettm $0x1  }
0x91: {  	s17 =	sld [smem:$0x3FFB];
	_ =	sdelay $0x3  }
0x92: {  	_ =	strace s17  }
0x93: {  	s2 =	sld [smem:$0x3FFC];
	_ =	sdelay $0x3  }
0x94: {  	_ =	strace s2  }
0x95: {  	s2 =	sld [smem:$0x3FFD];
	_ =	sdelay $0x3  }
0x96: {  	_ =	strace s2  }
0x97: {  	_ =	strace $0x8FFFFFFF  }
0x98: {  	s18 =	sld [smem:$0x3FDB];
	_ =	sdelay $0x1  }
0x99: {  	s19 =	simm.s32 $_scs_section_size  }
0x9a: {  	s4 =	simm.s32 $_size__tile_overlayer_lowered;
	s5 =	simm.s32 $_tile_overlayer_lowered  }
0x9b: {  	s22 =	simm.s32 $0x1BFF;
	s21 =	sshll.u32 s5, $0x1;
	s2 =	sadd.s32 s19, s18  }
0x9c: {  	s6 =	simm.s32 $0x0;
	s20 =	sshll.u32 s4, $0x1;
	s4 =	sadd.s32 s21, s2  }
0x9d: {  	[timem:s6], [sflag:s22] =	dma.local [hbm:s4], s20  }
0x9e: {  	_ =	swait.ge [sflag:s22], s20  }
0x9f: {  	s3 =	ssub.s32 $0x0, s20;
	[sflag:s22] =	ssyncset.done $0x0  }
0xa0: {  	[sflag:s22] =	ssyncadd.s32 s3;
	_ =	sdelay $0x1  }
0xa1: {  	s23 =	simm.s32 $0x1B8B  }
0xa2: {  	_ =	swait.ge [sflag:s23], $0x1  }
0xa3: {  	[sflag:s23] =	ssyncset.done $0x0  }
0xa4: {  	s25 =	simm.s32 $0x1B8E;
	s24 =	sld [smem:$0x3FFE];
	[sflag:s23] =	ssyncadd.s32 $0xFFFFFFFF  }
0xa5: {  	s26 =	simm.s32 $execute0_lowered;
	[smem:$0x3FD2] =	sst s25  }
0xa6: {  	s4 =	sshll.u32 s26, $0x1;
	_ =	strace $0x80000046;
	[dreg:$0x1] =	wrdreg $0xFFFFFFFF  }
0xa7: {  	s28 =	simm.s32 $_size_execute0_lowered;
	s2 =	sadd.s32 s2, s4;
	[dreg:$0x0] =	wrdreg $0x0  }
0xa8: {  	s4 =	sshll.u32 s28, $0x1;
	[dreg:$0x2] =	wrdreg s2  }
0xa9: {  	[dreg:$0x3] =	wrdreg s4  }
0xaa: {  	[dreg:$0x4] =	wrdreg $0xC0  }
0xab: {  	_ =	task [dreg:s6], $0x5FFFF  }
0xac: {  	[dreg:$0x1] =	wrdreg $0xFFFFFFFF  }
0xad: {  	[dreg:$0x0] =	wrdreg $0x60  }
0xae: {  	[dreg:$0x2] =	wrdreg s24  }
0xaf: {  	[dreg:$0x3] =	wrdreg $0x9  }
0xb0: {  	_ =	task.clear_ibuf [dreg:s6], $0x4FFFF;
	_ =	strace $0x90000046  }
0xb1: {  	s29 =	simm.s32 $0x9;
	_ =	strace $0x80000048  }
0xb2: {  	_ =	swait.ge [sflag:s29], $0x1  }
0xb3: {  	[sflag:s29] =	ssyncadd.s32 $0xFFFFFFFF  }
0xb4: {  	_ =	strace $0x90000048  }
0xb5: {  	_ =	sfence  }
0xb6: {  	s30 =	sld [smem:$0x0];
	_ =	sdelay $0x2  }
0xb7: {  	s31 =	sshll.u32 s1, $0xD;
	s1 =	sshrl.u32 s1, $0x2  }
0xb8: {  	s3 =	sand.u32 $0x4000, s31;
	s1 =	sadd.s32 s1, s30  }
0xb9: {  	s0 =	sor.u32 s3, s0;
	s1 =	sshll.u32 s1, $0x11  }
0xba: {  	s0 =	sor.u32 s1, s0  }
0xbb: {  	s0 =	sadd.s32 $0x8F2B, s0  }
0xbc: {  	[sflag:s0] =	ssyncadd.remote.s32 $0x1  }
0xbd: {  	_ =	sfence.sel $0xFFFF  }
0xbe: {  	[dreg:$0x0] =	wrdreg $0xFFFFFFFF;
	(pc) =	sbr.abs _section_cstart, $3  }
0xbf: {  	[dreg:$0x1] =	wrdreg $0xFFFFFFFF  }
0xc0: {  	_ =	task.clear_ibuf [dreg:s6], $0x2FFFF;
	_ =	strace $0x9FFFFFFF  }
0xc1: {  	(tm) =	ssettm $0x7FFFFFFF  }
tec
execute0_lowered:
.L_overlay_start_1:
0x0: {  	(tag) =	ssettag $0x1  }
0x1: {  	s7 =	rddreg [dreg:$0x0]  }
0x2: {  	s0 =	rddreg [dreg:$0x1];
	_ =	strace $0x80000047  }
0x3: {  	s1 =	srdreg.scid;
	s4 =	simm.s32 $0x1;
	s9 =	simm.s32 $0x3  }
0x4: {  	s12 =	simm.s32 $0x0;
	s10 =	simm.s32 $0x0;
	s5 =	sshll.u32 s1, $0x4  }
.Ltmp0:
0x5: {  	s1 =	stileid.u32;
	s5 =	sand.u32 $0x10, s5;
	(pc) =	sbr.rel .LBB2_1-.Ltmp0, $4  }
0x6: {  	s2 =	sadd.s32 $0x5E00, s7;
	s3 =	sadd.s32 $0x5C00, s7;
	s6 =	sor.u32 s1, s5  }
0x7: {  	[sflag:s4] =	ssyncpa.u1 $0x0;
	s5 =	simm.s32 $0x2;
	s6 =	sshll.u32 s6, $0x7  }
0x8: {  	s7 =	sadd.s32 $0xFE00, s7;
	[sflag:s5] =	ssyncpa.u1 $0x0;
	s8 =	sadd.s32 $0x80, s6  }
0x9: {  	vm0 =	vmmov $0xff;
	vm1 =	vcmask $0x3F20;
	[sflag:s9] =	ssyncpa.u1 $0x0;
	s9 =	simm.s32 $0x80;
	s11 =	smov.u32 s6  }
.LBB2_9:
0xa: {  	p0 =	seq.s32 s10, $0x2  }
.Ltmp1:
0xb: {  	_ = 	snop;
	(pc) =	sbr.rel @p0 .LBB2_11-.Ltmp1, $1  }
0xc: {  	_ =	sdelay $0x3  }
.LBB2_10:
0xd: {  	s12 =	sadd.s32 $0x80, s11  }
0xe: {  	s13 =	smov.u32 s6;
	p0 =	slt.s32 s12, s8  }
0xf: {  	s13 =	smov.u32 @p0 s12  }
0x10: {  	s10 =	sadd.s32 $0x1, s10;
	s12 =	smov.u32 s11;
	s11 =	smov.u32 s13  }
.LBB2_1:
0x11: {  	p0 =	sne.s32 s10, $0x0  }
.Ltmp2:
0x12: {  	_ = 	snop;
	(pc) =	sbr.rel @!p0 .LBB2_2-.Ltmp2, $1  }
0x13: {  	_ =	sdelay $0x3  }
0x14: {  	s13 =	sand.u32 $0x1, s10  }
0x15: {  	p0 =	seq.s32 s13, $0x0  }
.Ltmp3:
0x16: {  	_ = 	snop;
	(pc) =	sbr.rel @p0 .LBB2_9-.Ltmp3, $1  }
0x17: {  	_ =	sdelay $0x3  }
0x18: {  	_ =	swait.ge [sflag:s5], $0x80  }
0x19: {  	[sflag:s5] =	ssyncset.done $0x0  }
0x1a: {  	s13 =	simm.s32 $0x0;
	[sflag:s5] =	ssyncadd.s32 $0xFFFFFF80  }
0x1b: {  	v0 =	vld.msk [tilespmem:s13+$0x80 ss:$0x1], $0xffff;
	_ =	sdelay $0x4  }
0x1c: {  	vm2 =	vgt.s32 v0, $0x0  }
0x1d: {  	v0 =	vnsel vm2, $0x0, v0  }
0x1e: {  	v0 =	vmin.u32 v0, $0x9FF  }
0x1f: {  	v0 =	vshll.u32 v0, $0x4;
	_ =	sdelay $0x3  }
0x20: {  	s13 =	simm.s32 $0x4100  }
0x21: {  	[tilespmem:s13], [sflag:$0x1] =	stream.indirect_vreg.gather [hbm:s2], $0x80, v0, vm0, $0x38;
	[tilespmem:$0x8100] =	vst v63  }
0x22: {  	s14 =	simm.s32 $0x4500;
	s31 =	simm.s32 $0x10  }
0x23: {  	[tilespmem:s14], [sflag:$0x1] =	stream.indirect_vreg.gather [hbm:s2], $0x80, v0, vm1, $0x38;
	[tilespmem:$0x8100] =	vst v63  }
0x24: {  	s14 =	simm.s32 $0x80;
	v0 =	vld.msk [tilespmem:s31+$0x80 ss:$0x1], $0xffff  }
.LBB2_5:
0x25: {  	p0 =	sne.s32 s14, $0x1C0;
	_ =	sdelay $0x4  }
0x26: {  	vm2 =	vgt.s32 v0, $0x0  }
0x27: {  	v0 =	vnsel vm2, $0x0, v0  }
0x28: {  	v0 =	vmin.u32 v0, $0x9FF  }
0x29: {  	v0 =	vshll.u32 v0, $0x4;
	_ =	sdelay $0x3  }
.Ltmp4:
0x2a: {  	s13 =	sadd.s32 $0x800, s13;
	(pc) =	sbr.rel @p0 .LBB2_5-.Ltmp4, $4  }
0x2b: {  	[tilespmem:s13], [sflag:$0x1] =	stream.indirect_vreg.gather [hbm:s2], $0x80, v0, vm0, $0x38;
	[tilespmem:$0x8100] =	vst v63  }
0x2c: {  	s15 =	sshra.s32 s14, $0x2;
	s16 =	sadd.s32 $0x400, s13  }
0x2d: {  	[tilespmem:s16], [sflag:$0x1] =	stream.indirect_vreg.gather [hbm:s2], $0x80, v0, vm1, $0x38;
	[tilespmem:$0x8100] =	vst v63  }
0x2e: {  	s14 =	sadd.s32 $0x40, s14;
	v0 =	vld.msk [tilespmem:s15+$0x80 ss:$0x1], $0xffff  }
0x2f: {  	_ =	sdelay $0x3  }
0x30: {  	vm2 =	vgt.s32 v0, $0x0  }
0x31: {  	v0 =	vnsel vm2, $0x0, v0  }
0x32: {  	v0 =	vmin.u32 v0, $0x9FF  }
0x33: {  	v0 =	vshll.u32 v0, $0x4;
	_ =	sdelay $0x3  }
0x34: {  	s13 =	sadd.s32 $0x800, s13  }
0x35: {  	[tilespmem:s13], [sflag:$0x1] =	stream.indirect_vreg.gather [hbm:s2], $0x80, v0, vm0, $0x38;
	[tilespmem:$0x8100] =	vst v63  }
0x36: {  	s13 =	sadd.s32 $0x400, s13  }
0x37: {  	[tilespmem:s13], [sflag:$0x1] =	stream.indirect_vreg.gather [hbm:s2], $0x80, v0, vm1, $0x38;
	[tilespmem:$0x8100] =	vst v63  }
0x38: {  	s12 =	sshll.u32 s12, $0x4;
	s14 =	simm.s32 $0x80;
	_ =	swait.ge [sflag:s4], $0x4000  }
0x39: {  	s15 =	simm.s32 $0x4500;
	s12 =	sadd.s32 s12, s7;
	[sflag:s4] =	ssyncset.done $0x0  }
0x3a: {  	s16 =	sadd.s32 $0x0, s12;
	s13 =	simm.s32 $0x4100;
	[sflag:s4] =	ssyncadd.s32 $0xFFFFC000  }
.LBB2_7:
0x3b: {  	[hbm:s16] =	stream.linear.scatter [tilespmem:s13], [sflag:$0x3], $0x400, $0x38;
	[tilespmem:$0x8100] =	vst v63  }
0x3c: {  	s16 =	smov.u32 s14;
	s13 =	smov.u32 s15;
	p0 =	sne.s32 s14, $0x780  }
.Ltmp5:
0x3d: {  	s14 =	sadd.s32 $0x80, s14;
	(pc) =	sbr.rel @p0 .LBB2_7-.Ltmp5, $2  }
0x3e: {  	_ =	sdelay $0x2  }
0x3f: {  	s15 =	sadd.s32 $0x400, s15;
	s16 =	sadd.s32 s16, s12  }
.Ltmp6:
0x40: {  	(pc) =	sbr.rel .LBB2_9-.Ltmp6, $2  }
0x41: {  	_ =	sdelay $0x2  }
0x42: {  	[hbm:s16] =	stream.linear.scatter [tilespmem:s13], [sflag:$0x3], $0x400, $0x38;
	[tilespmem:$0x8100] =	vst v63  }
.LBB2_2:
.Ltmp7:
0x43: {  	(pc) =	sbr.rel .LBB2_10-.Ltmp7, $4  }
0x44: {  	_ = 	snop  }
0x45: {  	s12 =	sshrl.u32 s11, $0x3  }
0x46: {  	s13 =	sand.u32 $0x7, s11;
	s12 =	sadd.s32 s3, s12  }
0x47: {  	[tilespmem:s9], [sflag:$0x2] =	stream.linear.gather [hbm4b:s12+s13], $0x80, $0x38;
	[tilespmem:$0x8100] =	vst v63  }
.LBB2_11:
0x48: {  	s2 =	simm.s32 $0x3  }
0x49: {  	_ =	swait.ge [sflag:s2], $0x4000  }
0x4a: {  	[sflag:s2] =	ssyncset.done $0x0  }
0x4b: {  	[sflag:s2] =	ssyncadd.s32 $0xFFFFC000  }
0x4c: {  	_ =	sfence.sel $0x180000  }
0x4d: {  	s3 =	simm.s32 $0x2;
	[bflag:$0x0] =	sbarrier.arrive $0xFFFF  }
0x4e: {  	[sflag:s3] =	ssyncpa.u1 $0x1  }
0x4f: {  	s31 =	simm.s32 $0x1;
	[sflag:s2] =	ssyncpa.u1 $0x1  }
0x50: {  	[sflag:s31] =	ssyncpa.u1 $0x1  }
0x51: {  	p0 =	sne.s32 s1, $0x0;
	_ =	strace $0x90000047  }
0x52: {  	s0 =	sadd.s32 @!p0 $0x100000, s0;
	[bflag:$0x2] =	sbarrier.arrive $0xFFFF  }
0x53: {  	[sflag:s0] =	ssyncadd.tile.s32 @!p0 $0x1;
	_ =	shalt  }
.Lfunc_end2:
_tile_overlayer_lowered:
.L_overlay_start_2:
0x54: {  	(tag) =	ssettag $0x2  }
0x55: {  	s0 =	rddreg [dreg:$0x0];
	s2 =	stileid.u32  }
0x56: {  	s1 =	rddreg [dreg:$0x1];
	p0 =	sne.s32 s2, $0x0  }
0x57: {  	s3 =	rddreg [dreg:$0x2];
	[bflag:$0x3] =	sbarrier.arrive $0xFFFF;
	s2 =	simm.s32 @!p0 $0x1C01  }
0x58: {  	[timem:s3], [sflag:s2] =	dma.local @!p0 [hbm:s0], s1  }
0x59: {  	s0 =	simm.s32 @!p0 $0x1  }
0x5a: {  	_ =	swait.ge @!p0 [sflag:s0], s1  }
0x5b: {  	s1 =	ssub.s32 @!p0 $0x0, s1;
	[sflag:s0] =	ssyncset.done @!p0 $0x0  }
0x5c: {  	[sflag:s0] =	ssyncadd.s32 @!p0 s1  }
0x5d: {  	[bflag:$0x3] =	sbarrier.arrive $0xFFFF  }
0x5e: {  	_ =	shalt  }

// kernel: kernel.12.cloned.1.call-start
scs
__scs_entry_jumppad:
0x0: {  	(pc) =	sbr.rel $0x88, $3  }
0x1: {  	(tag) =	ssettag $0x0;
	lr =	simm.s32 $0x1  }
0x2: {  	[smem:$0x3F96] =	sst lr;
	_ =	strace $0xD0000000  }
0x3: {  	_ = 	snop  }
0x4: {  	_ = 	snop  }
0x5: {  	_ = 	snop  }
0x6: {  	_ = 	snop  }
0x7: {  	_ = 	snop  }
__scs_overlays_trampoline_lowered:
0x8: {  	[smem:$0x3FA5] =	sst s0  }
0x9: {  	[smem:$0x3FA6] =	sst s1  }
0xa: {  	[smem:$0x3FA7] =	sst s2  }
0xb: {  	[smem:$0x3FA8] =	sst s3  }
0xc: {  	[smem:$0x3FA9] =	sst s4  }
0xd: {  	[smem:$0x3FAA] =	sst s5  }
0xe: {  	[smem:$0x3FAB] =	sst s6  }
0xf: {  	[smem:$0x3FAC] =	sst s7  }
0x10: {  	[smem:$0x3FAD] =	sst s8  }
0x11: {  	[smem:$0x3FAE] =	sst s9;
	s0 =	simm.s32 @!p0 $0x0  }
0x12: {  	s1 =	sld [smem:$0x3F94];
	s0 =	simm.s32 @p0 $0x1  }
0x13: {  	[smem:$0x3FAF] =	sst s0;
	s0 =	simm.s32 @!p1 $0x0  }
0x14: {  	s2 =	sld [smem:$0x3F93];
	s0 =	simm.s32 @p1 $0x1  }
0x15: {  	[smem:$0x3FB0] =	sst s0;
	s0 =	simm.s32 @!p2 $0x0  }
0x16: {  	s3 =	sld [smem:$0x3FDB];
	s0 =	simm.s32 @p2 $0x1  }
0x17: {  	s4 =	simm.s32 $0x1BF5;
	[smem:$0x3FB2] =	sst s0  }
0x18: {  	s0 =	sld [smem:$0x3F95];
	_ =	swait.ge [sflag:s4], $0x0  }
0x19: {  	s7 =	sld [smem:$0x3F96]  }
0x1a: {  	s8 =	sadd.s32 $0xFFFFE003, lr  }
0x1b: {  	s9 =	sadd.s32 $0xFFFFFEF7, lr;
	s5 =	simm.s32 $0xFFFFFFFF;
	p2 =	slt.u32 s8, $0xFFFFF086  }
0x1c: {  	p1 =	slt.u32 s9, $0xF7A;
	s5 =	simm.s32 @!p2 $0x0  }
0x1d: {  	s5 =	simm.s32 @p1 $0x1;
	p0 =	seq.s32 s7, s2  }
0x1e: {  	s7 =	smul.u32 @!p0 $0xF7A, s2;
	p2 =	seq.s32 @!p0 s5, $0x0  }
0x1f: {  	s9 =	smul.u32 $0xF7A, s1;
	s8 =	simm.s32 @!p0 $0x1BF5;
	p2 =	por !p2, p0  }
0x20: {  	[sflag:s8] =	ssyncset.s32 @!p0 $0xFFFFF086;
	s6 =	sadd.s32 @!p0 s3, s7;
	s7 =	simm.s32 @!p0 $0x108  }
0x21: {  	s3 =	sadd.s32 s3, s9;
	s6 =	sadd.s32 @!p0 $0x88, s6;
	s7 =	simm.s32 @p2 $0x1082  }
0x22: {  	[simem:s7], [sflag:s8] =	dma.local @!p0 [hbm:s6], $0xF7A  }
0x23: {  	s9 =	sor.u32 $0xD0000000, s2;
	s6 =	simm.s32 $0x108;
	_ =	swait.ge @!p0 [sflag:s8], $0x0  }
0x24: {  	s3 =	sadd.s32 $0x88, s3;
	s6 =	simm.s32 @!p1 $0x1082;
	[sflag:s4] =	ssyncset.s32 $0xFFFFF086  }
0x25: {  	[simem:s6], [sflag:s4] =	dma.local [hbm:s3], $0xF7A  }
0x26: {  	[smem:$0x3F96] =	sst s1;
	(tag) =	ssettag s2;
	_ =	strace s9  }
0x27: {  	s1 =	sld [smem:$0x3FA6]  }
0x28: {  	s2 =	sld [smem:$0x3FA7]  }
0x29: {  	s4 =	sld [smem:$0x3FA9]  }
0x2a: {  	p0 =	seq.s32 s5, $0x0;
	s5 =	sld [smem:$0x3FAA]  }
0x2b: {  	s6 =	sld [smem:$0x3FAB]  }
0x2c: {  	s7 =	sld [smem:$0x3FAC]  }
0x2d: {  	s3 =	simm.s32 $0x108;
	s8 =	sld [smem:$0x3FAD]  }
0x2e: {  	s3 =	simm.s32 @!p0 $0x1082;
	s9 =	sld [smem:$0x3FAE]  }
0x2f: {  	lr =	sadd.s32 s0, s3;
	s0 =	sld [smem:$0x3FA5]  }
0x30: {  	s3 =	sld [smem:$0x3FA8]  }
0x31: {  	[smem:$0x3FB1] =	sst s10  }
0x32: {  	s10 =	sld [smem:$0x3FAF];
	_ =	sdelay $0x3  }
0x33: {  	p0 =	seq.s32 s10, $0x1;
	s10 =	sld [smem:$0x3FB1];
	_ =	sdelay $0x3  }
0x34: {  	[smem:$0x3FB1] =	sst s10  }
0x35: {  	s10 =	sld [smem:$0x3FB0];
	_ =	sdelay $0x3  }
0x36: {  	p1 =	seq.s32 s10, $0x1;
	s10 =	sld [smem:$0x3FB1];
	_ =	sdelay $0x3  }
0x37: {  	[smem:$0x3FB1] =	sst s10  }
0x38: {  	s10 =	sld [smem:$0x3FB2]  }
0x39: {  	_ = 	snop;
	(pc) =	sbr.ind lr, $3  }
0x3a: {  	_ = 	snop  }
0x3b: {  	_ = 	snop  }
0x3c: {  	p2 =	seq.s32 s10, $0x1;
	s10 =	sld [smem:$0x3FB1]  }
0x3d: {  	_ =	shalt  }
0x3e: {  	_ =	shalt  }
0x3f: {  	_ =	shalt  }
0x40: {  	_ =	shalt  }
0x41: {  	_ =	shalt  }
0x42: {  	_ =	shalt  }
0x43: {  	_ =	shalt  }
0x44: {  	_ =	shalt  }
0x45: {  	_ =	shalt  }
0x46: {  	_ =	shalt  }
0x47: {  	_ =	shalt  }
0x48: {  	_ =	shalt  }
0x49: {  	_ =	shalt  }
0x4a: {  	_ =	shalt  }
0x4b: {  	_ =	shalt  }
0x4c: {  	_ =	shalt  }
0x4d: {  	_ =	shalt  }
0x4e: {  	_ =	shalt  }
0x4f: {  	_ =	shalt  }
0x50: {  	_ =	shalt  }
0x51: {  	_ =	shalt  }
0x52: {  	_ =	shalt  }
0x53: {  	_ =	shalt  }
0x54: {  	_ =	shalt  }
0x55: {  	_ =	shalt  }
0x56: {  	_ =	shalt  }
0x57: {  	_ =	shalt  }
0x58: {  	_ =	shalt  }
0x59: {  	_ =	shalt  }
0x5a: {  	_ =	shalt  }
0x5b: {  	_ =	shalt  }
0x5c: {  	_ =	shalt  }
0x5d: {  	_ =	shalt  }
0x5e: {  	_ =	shalt  }
0x5f: {  	_ =	shalt  }
0x60: {  	_ =	shalt  }
0x61: {  	_ =	shalt  }
0x62: {  	_ =	shalt  }
0x63: {  	_ =	shalt  }
0x64: {  	_ =	shalt  }
0x65: {  	_ =	shalt  }
0x66: {  	_ =	shalt  }
0x67: {  	_ =	shalt  }
0x68: {  	_ =	shalt  }
0x69: {  	_ =	shalt  }
0x6a: {  	_ =	shalt  }
0x6b: {  	_ =	shalt  }
0x6c: {  	_ =	shalt  }
0x6d: {  	_ =	shalt  }
0x6e: {  	_ =	shalt  }
0x6f: {  	_ =	shalt  }
0x70: {  	_ =	shalt  }
0x71: {  	_ =	shalt  }
0x72: {  	_ =	shalt  }
0x73: {  	_ =	shalt  }
0x74: {  	_ =	shalt  }
0x75: {  	_ =	shalt  }
0x76: {  	_ =	shalt  }
0x77: {  	_ =	shalt  }
0x78: {  	_ =	shalt  }
0x79: {  	_ =	shalt  }
0x7a: {  	_ =	shalt  }
0x7b: {  	_ =	shalt  }
0x7c: {  	_ =	shalt  }
0x7d: {  	_ =	shalt  }
0x7e: {  	_ =	shalt  }
0x7f: {  	_ =	shalt  }
0x80: {  	_ =	shalt  }
0x81: {  	_ =	shalt  }
0x82: {  	_ =	shalt  }
0x83: {  	_ =	shalt  }
0x84: {  	_ =	shalt  }
0x85: {  	_ =	shalt  }
0x86: {  	_ =	shalt  }
0x87: {  	_ =	shalt  }
.Lfunc_end0:
.L_simem_size_0:
called_computation.3_lowered:
.L_overlay_start_0:
0x88: {  	s2 =	sld [smem:$0x3FD9]  }
0x89: {  	s3 =	sld [smem:$0x3FFE];
	_ =	sdelay $0x1  }
0x8a: {  	s1 =	srdreg.scid  }
0x8b: {  	s0 =	sand.u32 $0x1, s1  }
0x8c: {  	s17 =	sshll.u32 s0, $0xA;
	s2 =	sadd.s32 s3, s2  }
0x8d: {  	s2 =	sadd.s32 s2, s17  }
0x8e: {  	[smem:$0x3FBD] =	sst s2  }
0x8f: {  	_ = 	snop  }
0x90: {  	s2 =	sld [smem:$0x3FD0];
	(tm) =	ssettm $0x1  }
0x91: {  	s18 =	sld [smem:$0x3FFB];
	_ =	sdelay $0x3  }
0x92: {  	_ =	strace s18  }
0x93: {  	s3 =	sld [smem:$0x3FFC];
	_ =	sdelay $0x3  }
0x94: {  	_ =	strace s3  }
0x95: {  	s3 =	sld [smem:$0x3FFD];
	_ =	sdelay $0x3  }
0x96: {  	_ =	strace s3  }
0x97: {  	_ =	strace $0x8FFFFFFF  }
0x98: {  	s19 =	sld [smem:$0x3FDB];
	_ =	sdelay $0x1  }
0x99: {  	s4 =	simm.s32 $_scs_section_size  }
0x9a: {  	s5 =	simm.s32 $_size__tile_overlayer_lowered;
	s6 =	simm.s32 $_tile_overlayer_lowered  }
0x9b: {  	s22 =	simm.s32 $0x1BFF;
	s21 =	sshll.u32 s6, $0x1;
	s3 =	sadd.s32 s4, s19  }
0x9c: {  	s7 =	simm.s32 $0x0;
	s20 =	sshll.u32 s5, $0x1;
	s5 =	sadd.s32 s21, s3  }
0x9d: {  	[timem:s7], [sflag:s22] =	dma.local [hbm:s5], s20  }
0x9e: {  	_ =	swait.ge [sflag:s22], s20  }
0x9f: {  	s4 =	ssub.s32 $0x0, s20;
	[sflag:s22] =	ssyncset.done $0x0  }
0xa0: {  	[sflag:s22] =	ssyncadd.s32 s4;
	_ =	sdelay $0x1  }
0xa1: {  	s23 =	simm.s32 $0x1B8B  }
0xa2: {  	_ =	swait.ge [sflag:s23], $0x1  }
0xa3: {  	[sflag:s23] =	ssyncset.done $0x0  }
0xa4: {  	s25 =	simm.s32 $0x1B8E;
	s24 =	sld [smem:$0x3FFE];
	[sflag:s23] =	ssyncadd.s32 $0xFFFFFFFF  }
0xa5: {  	s26 =	simm.s32 $execute0_lowered;
	[smem:$0x3FD2] =	sst s25  }
0xa6: {  	s5 =	sshll.u32 s26, $0x1;
	_ =	strace $0x8000004F;
	[dreg:$0x1] =	wrdreg $0xFFFFFFFF  }
0xa7: {  	s28 =	simm.s32 $_size_execute0_lowered;
	s3 =	sadd.s32 s3, s5;
	[dreg:$0x0] =	wrdreg $0x0  }
0xa8: {  	s5 =	sshll.u32 s28, $0x1;
	[dreg:$0x2] =	wrdreg s3  }
0xa9: {  	[dreg:$0x3] =	wrdreg s5  }
0xaa: {  	[dreg:$0x4] =	wrdreg $0xC0  }
0xab: {  	_ =	task [dreg:s7], $0x5FFFF  }
0xac: {  	[dreg:$0x1] =	wrdreg $0xFFFFFFFF  }
0xad: {  	[dreg:$0x0] =	wrdreg $0x60  }
0xae: {  	[dreg:$0x2] =	wrdreg s2  }
0xaf: {  	[dreg:$0x3] =	wrdreg s24  }
0xb0: {  	[dreg:$0x4] =	wrdreg $0xC0000  }
0xb1: {  	[dreg:$0x5] =	wrdreg $0x9  }
0xb2: {  	_ =	task.clear_ibuf [dreg:s7], $0x6FFFF;
	_ =	strace $0x9000004F  }
0xb3: {  	s29 =	simm.s32 $0x9;
	_ =	strace $0x80000051  }
0xb4: {  	_ =	swait.ge [sflag:s29], $0x1  }
0xb5: {  	[sflag:s29] =	ssyncadd.s32 $0xFFFFFFFF  }
0xb6: {  	_ =	strace $0x90000051  }
0xb7: {  	_ =	sfence  }
0xb8: {  	s30 =	sld [smem:$0x0];
	_ =	sdelay $0x2  }
0xb9: {  	s31 =	sshll.u32 s1, $0xD;
	s1 =	sshrl.u32 s1, $0x2  }
0xba: {  	s3 =	sand.u32 $0x4000, s31;
	s1 =	sadd.s32 s1, s30  }
0xbb: {  	s0 =	sor.u32 s3, s0;
	s1 =	sshll.u32 s1, $0x11  }
0xbc: {  	s0 =	sor.u32 s1, s0  }
0xbd: {  	s0 =	sadd.s32 $0x8F2B, s0  }
0xbe: {  	[sflag:s0] =	ssyncadd.remote.s32 $0x1  }
0xbf: {  	_ =	sfence.sel $0xFFFF  }
0xc0: {  	[dreg:$0x0] =	wrdreg $0xFFFFFFFF;
	(pc) =	sbr.abs _section_cstart, $3  }
0xc1: {  	[dreg:$0x1] =	wrdreg $0xFFFFFFFF  }
0xc2: {  	_ =	task.clear_ibuf [dreg:s7], $0x2FFFF;
	_ =	strace $0x9FFFFFFF  }
0xc3: {  	(tm) =	ssettm $0x7FFFFFFF  }
tec
execute0_lowered:
.L_overlay_start_1:
0x0: {  	(tag) =	ssettag $0x1  }
0x1: {  	s1 =	rddreg [dreg:$0x0]  }
0x2: {  	s0 =	rddreg [dreg:$0x1]  }
0x3: {  	s2 =	rddreg [dreg:$0x2];
	s4 =	simm.s32 $0x0  }
0x4: {  	s3 =	srdreg.scid;
	s14 =	stileid.u32;
	s18 =	simm.s32 $0x3  }
0x5: {  	s28 =	simm.s32 $0x2;
	s29 =	simm.s32 $0x0;
	s10 =	smul.u32 $0x13C00, s14  }
0x6: {  	[smem:$0x7FF] =	sst s4;
	s3 =	sand.u32 $0x1, s3;
	s13 =	smul.u32 $0x4F000, s14  }
0x7: {  	s7 =	sshll.u32 s14, $0xB;
	s5 =	sadd.s32 $0x5C00, s0;
	s9 =	smul.u32 $0x4F0000, s3  }
0x8: {  	s31 =	sshll.u32 s14, $0x6;
	_ =	strace $0x80000050;
	s20 =	smul.u32 $0xFFFFFFA0, s3  }
0x9: {  	s6 =	sshll.u32 s3, $0xF;
	s12 =	ssub.s32 $0x2, s3;
	s3 =	smul.u32 $0xFFFFFFD0, s3  }
0xa: {  	s8 =	sor.u32 s7, s6;
	s6 =	sadd.s32 $0x81000, s0;
	s7 =	sadd.s32 $0xA8200, s0  }
0xb: {  	s21 =	sshrl.u32 s12, $0x1;
	s24 =	sshrl.u32 s13, $0x2;
	s11 =	sadd.s32 s8, s0  }
0xc: {  	s8 =	sadd.s32 $0x47400, s0;
	s9 =	sadd.s32 s10, s9;
	s12 =	ssub.s32 s12, s21  }
0xd: {  	s10 =	sadd.s32 $0x40, s3;
	s3 =	sadd.s32 s24, s2;
	s24 =	simm.s32 $0x80  }
0xe: {  	s9 =	sshrl.u32 s9, $0x3;
	s22 =	sadd.s32 $0x71000, s11;
	s23 =	sadd.s32 $0x61000, s11  }
0xf: {  	s17 =	smax.u32 s12, $0x1;
	s21 =	sshrl.u32 s3, $0x3;
	[dreg:$0x4] =	wrdreg s22  }
0x10: {  	s0 =	sadd.s32 s9, s0;
	s9 =	sadd.s32 $0x80, s20;
	[dreg:$0x5] =	wrdreg s23  }
0x11: {  	s20 =	sor.u32 $0x1C03, s31;
	s22 =	simm.s32 $0x40;
	s25 =	sadd.s32 $0x1BD000, s0  }
0x12: {  	s23 =	simm.s32 $0x8000;
	s26 =	sadd.s32 $0x1E4800, s0;
	[dreg:$0x6] =	wrdreg s25  }
0x13: {  	s30 =	sadd.s32 $0x20C000, s0;
	s16 =	sadd.s32 $0x233800, s0;
	[dreg:$0x7] =	wrdreg s26  }
0x14: {  	[dreg:$0x8] =	wrdreg s30;
	s25 =	simm.s32 $0xA000;
	s26 =	simm.s32 $0x1  }
.LBB2_1:
0x15: {  	s0 =	rddreg [dreg:$0x4]  }
0x16: {  	[tilespmem:s4], [sflag:$0x3] =	stream.linear.gather [hbm4b:s0+s4], $0x4000, $0x38;
	[tilespmem:$0x1FC00] =	vst v63  }
0x17: {  	_ =	swait.ge [sflag:s18], $0x4000  }
0x18: {  	[sflag:s18] =	ssyncset.done $0x0  }
0x19: {  	s3 =	simm.s32 $0x4000;
	s19 =	rddreg [dreg:$0x5];
	[sflag:s18] =	ssyncadd.s32 $0xFFFFC000  }
0x1a: {  	[tilespmem:s3], [sflag:$0x3] =	stream.linear.gather [hbm4b:s19+s4], $0x4000, $0x38;
	[tilespmem:$0x1FC00] =	vst v63  }
0x1b: {  	_ =	swait.ge [sflag:s18], $0x4000  }
0x1c: {  	[sflag:s18] =	ssyncset.done $0x0  }
0x1d: {  	[sflag:s18] =	ssyncadd.s32 $0xFFFFC000  }
0x1e: {  	[spmem:s21], [sflag:s20] =	dma.local [hbm:s8], $0x2780  }
0x1f: {  	_ =	swait.ge [sflag:s18], $0x2780  }
0x20: {  	[sflag:s18] =	ssyncset.done $0x0  }
0x21: {  	[sflag:s18] =	ssyncadd.s32 $0xFFFFD880  }
0x22: {  	[bflag:$0x0] =	sbarrier.arrive $0xFFFF  }
0x23: {  	[tilespmem:s23], [sflag:$0x1] =	stream.indirect.gather [hbm4b:s1+s22], $0x80, s4, s22, $0xb8;
	[tilespmem:$0x1FC00] =	vst v63  }
0x24: {  	_ = 	snop  }
0x25: {  	[tilespmem:s25], [sflag:$0x1] =	stream.indirect.gather [hbm4b:s1+s22], $0x80, s24, s22, $0xb8;
	[tilespmem:$0x1FC00] =	vst v63  }
0x26: {  	_ =	swait.ge [sflag:s26], $0x2000  }
0x27: {  	[sflag:s26] =	ssyncset.done $0x0  }
0x28: {  	s0 =	simm.s32 $0x4000;
	[sflag:s26] =	ssyncadd.s32 $0xFFFFE000  }
0x29: {  	[spmem:s2] =	stream.indirect.scatter.add.f32 [tilespmem:s23], [sflag:$0x2], $0x80, s0, s22, $0xb8;
	[tilespmem:$0x1FC00] =	vst v63  }
0x2a: {  	_ =	swait.ge [sflag:s26], $0x2000  }
0x2b: {  	[sflag:s26] =	ssyncset.done $0x0  }
0x2c: {  	s30 =	simm.s32 $0x4080;
	[sflag:s26] =	ssyncadd.s32 $0xFFFFE000  }
0x2d: {  	[spmem:s2] =	stream.indirect.scatter.add.f32 [tilespmem:s25], [sflag:$0x2], $0x80, s30, s22, $0xb8;
	[tilespmem:$0x1FC00] =	vst v63  }
0x2e: {  	_ =	swait.ge [sflag:s28], $0x2000  }
0x2f: {  	s31 =	simm.s32 $0x100;
	p0 =	sle.u32 s9, $0x2;
	[sflag:s28] =	ssyncset.done $0x0  }
0x30: {  	s11 =	simm.s32 @!p0 $0x8000;
	s3 =	simm.s32 @!p0 $0x40;
	[sflag:s28] =	ssyncadd.s32 $0xFFFFE000  }
0x31: {  	[tilespmem:s11], [sflag:$0x1] =	stream.indirect.gather @!p0 [hbm4b:s1+s3], $0x80, s31, s3, $0xb8;
	[tilespmem:$0x1FC00] =	vst v63  }
0x32: {  	s3 =	sadd.s32 $0xFFFFFFFF, s10  }
0x33: {  	p0 =	sne.s32 s3, $0x0  }
.Ltmp0:
0x34: {  	_ = 	snop;
	(pc) =	sbr.rel @!p0 .LBB2_3-.Ltmp0, $4  }
0x35: {  	_ = 	snop  }
0x36: {  	p1 =	sle.u32 s9, $0x3;
	s12 =	simm.s32 $0x200;
	_ =	swait.ge [sflag:s28], $0x2000  }
0x37: {  	s13 =	simm.s32 @!p1 $0x180;
	s14 =	simm.s32 @!p1 $0x40;
	[sflag:s28] =	ssyncset.done $0x0  }
0x38: {  	s19 =	simm.s32 $0x4080;
	s11 =	simm.s32 $0x4;
	[sflag:s28] =	ssyncadd.s32 $0xFFFFE000  }
.LBB2_2:
0x39: {  	s3 =	sadd.s32 $0xFFFFFFFF, s3;
	s15 =	simm.s32 @!p1 $0xA000;
	s19 =	sadd.s32 $0x100, s19  }
0x3a: {  	[tilespmem:s15], [sflag:$0x1] =	stream.indirect.gather @!p1 [hbm4b:s1+s14], $0x80, s13, s14, $0xb8;
	[tilespmem:$0x1FC00] =	vst v63  }
0x3b: {  	p0 =	sne.s32 s3, $0x0;
	s13 =	smov.u32 s12;
	_ =	swait.ge [sflag:s26], $0x2000  }
0x3c: {  	[sflag:s26] =	ssyncset.done $0x0  }
0x3d: {  	s14 =	sadd.s32 $0xFFFFFF80, s19;
	[sflag:s26] =	ssyncadd.s32 $0xFFFFE000  }
0x3e: {  	[spmem:s2] =	stream.indirect.scatter.add.f32 [tilespmem:s23], [sflag:$0x2], $0x80, s14, s22, $0xb8;
	[tilespmem:$0x1FC00] =	vst v63  }
0x3f: {  	_ =	swait.ge [sflag:s26], $0x2000  }
0x40: {  	[sflag:s26] =	ssyncset.done $0x0  }
0x41: {  	[sflag:s26] =	ssyncadd.s32 $0xFFFFE000  }
0x42: {  	[spmem:s2] =	stream.indirect.scatter.add.f32 [tilespmem:s25], [sflag:$0x2], $0x80, s19, s22, $0xb8;
	[tilespmem:$0x1FC00] =	vst v63  }
0x43: {  	p1 =	sge.u32 s11, s9;
	_ =	swait.ge [sflag:s28], $0x2000  }
0x44: {  	s15 =	simm.s32 @!p1 $0x8000;
	[sflag:s28] =	ssyncset.done $0x0  }
.Ltmp1:
0x45: {  	s14 =	simm.s32 @!p1 $0x40;
	[sflag:s28] =	ssyncadd.s32 $0xFFFFE000;
	(pc) =	sbr.rel @p0 .LBB2_2-.Ltmp1, $4  }
0x46: {  	[tilespmem:s15], [sflag:$0x1] =	stream.indirect.gather @!p1 [hbm4b:s1+s14], $0x80, s12, s14, $0xb8;
	[tilespmem:$0x1FC00] =	vst v63  }
0x47: {  	s14 =	sadd.s32 $0x1, s11;
	s11 =	sadd.s32 $0x2, s11;
	_ =	swait.ge [sflag:s28], $0x2000  }
0x48: {  	s12 =	sadd.s32 $0x100, s12;
	p1 =	sge.u32 s14, s9;
	[sflag:s28] =	ssyncset.done $0x0  }
0x49: {  	s13 =	sadd.s32 @!p1 $0x80, s13;
	s14 =	simm.s32 @!p1 $0x40;
	[sflag:s28] =	ssyncadd.s32 $0xFFFFE000  }
.LBB2_3:
0x4a: {  	s3 =	simm.s32 @!p1 $0xA000  }
0x4b: {  	[tilespmem:s3], [sflag:$0x1] =	stream.indirect.gather @!p1 [hbm4b:s1+s14], $0x80, s13, s14, $0xb8;
	[tilespmem:$0x1FC00] =	vst v63  }
0x4c: {  	[bflag:$0x0] =	sbarrier.arrive $0xFFFF  }
0x4d: {  	s19 =	rddreg [dreg:$0x6]  }
0x4e: {  	[hbm:s19], [sflag:s20] =	dma.local [spmem:s21], $0x2780  }
0x4f: {  	_ =	swait.ge [sflag:s18], $0x2780  }
0x50: {  	[sflag:s18] =	ssyncset.done $0x0  }
0x51: {  	[sflag:s18] =	ssyncadd.s32 $0xFFFFD880  }
0x52: {  	[bflag:$0x0] =	sbarrier.arrive $0xFFFF  }
0x53: {  	[spmem:s21], [sflag:s20] =	dma.local [hbm:s8], $0x2780  }
0x54: {  	_ =	swait.ge [sflag:s18], $0x2780  }
0x55: {  	[sflag:s18] =	ssyncset.done $0x0  }
0x56: {  	[sflag:s18] =	ssyncadd.s32 $0xFFFFD880  }
0x57: {  	[bflag:$0x0] =	sbarrier.arrive $0xFFFF  }
0x58: {  	[tilespmem:s23], [sflag:$0x1] =	stream.indirect.gather [hbm4b:s5+s22], $0x80, s4, s22, $0xb8;
	[tilespmem:$0x1FC00] =	vst v63  }
0x59: {  	_ = 	snop  }
0x5a: {  	[tilespmem:s25], [sflag:$0x1] =	stream.indirect.gather [hbm4b:s5+s22], $0x80, s24, s22, $0xb8;
	[tilespmem:$0x1FC00] =	vst v63  }
0x5b: {  	_ =	swait.ge [sflag:s26], $0x2000  }
0x5c: {  	[sflag:s26] =	ssyncset.done $0x0  }
0x5d: {  	[sflag:s26] =	ssyncadd.s32 $0xFFFFE000  }
0x5e: {  	[spmem:s2] =	stream.indirect.scatter.add.f32 [tilespmem:s23], [sflag:$0x2], $0x80, s0, s22, $0xb8;
	[tilespmem:$0x1FC00] =	vst v63  }
0x5f: {  	_ =	swait.ge [sflag:s26], $0x2000  }
0x60: {  	[sflag:s26] =	ssyncset.done $0x0  }
0x61: {  	s11 =	sadd.s32 $0xFFFFFFFF, s10;
	[sflag:s26] =	ssyncadd.s32 $0xFFFFE000  }
0x62: {  	[spmem:s2] =	stream.indirect.scatter.add.f32 [tilespmem:s25], [sflag:$0x2], $0x80, s30, s22, $0xb8;
	[tilespmem:$0x1FC00] =	vst v63  }
0x63: {  	p0 =	sle.u32 s9, $0x3;
	p1 =	sle.u32 s9, $0x2;
	_ =	swait.ge [sflag:s28], $0x2000  }
0x64: {  	p2 =	sne.s32 s11, $0x0;
	s3 =	simm.s32 @!p1 $0x8000;
	[sflag:s28] =	ssyncset.done $0x0  }
.Ltmp2:
0x65: {  	s0 =	simm.s32 @!p1 $0x40;
	[sflag:s28] =	ssyncadd.s32 $0xFFFFE000;
	(pc) =	sbr.rel @!p2 .LBB2_5-.Ltmp2, $4  }
0x66: {  	[tilespmem:s3], [sflag:$0x1] =	stream.indirect.gather @!p1 [hbm4b:s5+s0], $0x80, s31, s0, $0xb8;
	[tilespmem:$0x1FC00] =	vst v63  }
0x67: {  	s12 =	simm.s32 $0x4;
	s13 =	simm.s32 @!p0 $0x180;
	_ =	swait.ge [sflag:s28], $0x2000  }
0x68: {  	p3 =	por p0, p0;
	s14 =	simm.s32 @!p0 $0x40;
	[sflag:s28] =	ssyncset.done $0x0  }
0x69: {  	s19 =	simm.s32 $0x200;
	s31 =	simm.s32 @!p0 $0x40;
	[sflag:s28] =	ssyncadd.s32 $0xFFFFE000  }
.LBB2_4:
0x6a: {  	s11 =	sadd.s32 $0xFFFFFFFF, s11;
	s15 =	simm.s32 @!p3 $0xA000;
	s30 =	sadd.s32 $0x100, s30  }
0x6b: {  	[tilespmem:s15], [sflag:$0x1] =	stream.indirect.gather @!p3 [hbm4b:s5+s14], $0x80, s13, s14, $0xb8;
	[tilespmem:$0x1FC00] =	vst v63  }
0x6c: {  	p2 =	sne.s32 s11, $0x0;
	s13 =	smov.u32 s19;
	_ =	swait.ge [sflag:s26], $0x2000  }
0x6d: {  	[sflag:s26] =	ssyncset.done $0x0  }
0x6e: {  	s14 =	sadd.s32 $0xFFFFFF80, s30;
	[sflag:s26] =	ssyncadd.s32 $0xFFFFE000  }
0x6f: {  	[spmem:s2] =	stream.indirect.scatter.add.f32 [tilespmem:s23], [sflag:$0x2], $0x80, s14, s22, $0xb8;
	[tilespmem:$0x1FC00] =	vst v63  }
0x70: {  	_ =	swait.ge [sflag:s26], $0x2000  }
0x71: {  	[sflag:s26] =	ssyncset.done $0x0  }
0x72: {  	[sflag:s26] =	ssyncadd.s32 $0xFFFFE000  }
0x73: {  	[spmem:s2] =	stream.indirect.scatter.add.f32 [tilespmem:s25], [sflag:$0x2], $0x80, s30, s22, $0xb8;
	[tilespmem:$0x1FC00] =	vst v63  }
0x74: {  	p3 =	sge.u32 s12, s9;
	_ =	swait.ge [sflag:s28], $0x2000  }
0x75: {  	s15 =	simm.s32 @!p3 $0x8000;
	[sflag:s28] =	ssyncset.done $0x0  }
.Ltmp3:
0x76: {  	s14 =	simm.s32 @!p3 $0x40;
	[sflag:s28] =	ssyncadd.s32 $0xFFFFE000;
	(pc) =	sbr.rel @p2 .LBB2_4-.Ltmp3, $4  }
0x77: {  	[tilespmem:s15], [sflag:$0x1] =	stream.indirect.gather @!p3 [hbm4b:s5+s14], $0x80, s19, s14, $0xb8;
	[tilespmem:$0x1FC00] =	vst v63  }
0x78: {  	s14 =	sadd.s32 $0x1, s12;
	s12 =	sadd.s32 $0x2, s12;
	_ =	swait.ge [sflag:s28], $0x2000  }
0x79: {  	s19 =	sadd.s32 $0x100, s19;
	p3 =	sge.u32 s14, s9;
	[sflag:s28] =	ssyncset.done $0x0  }
0x7a: {  	s13 =	sadd.s32 @!p3 $0x80, s13;
	s14 =	simm.s32 @!p3 $0x40;
	[sflag:s28] =	ssyncadd.s32 $0xFFFFE000  }
.LBB2_5:
0x7b: {  	s11 =	simm.s32 @!p3 $0xA000  }
0x7c: {  	[tilespmem:s11], [sflag:$0x1] =	stream.indirect.gather @!p3 [hbm4b:s5+s14], $0x80, s13, s14, $0xb8;
	[tilespmem:$0x1FC00] =	vst v63  }
0x7d: {  	[bflag:$0x0] =	sbarrier.arrive $0xFFFF  }
0x7e: {  	s19 =	rddreg [dreg:$0x7]  }
0x7f: {  	[hbm:s19], [sflag:s20] =	dma.local [spmem:s21], $0x2780  }
0x80: {  	_ =	swait.ge [sflag:s18], $0x2780  }
0x81: {  	[sflag:s18] =	ssyncset.done $0x0  }
0x82: {  	[sflag:s18] =	ssyncadd.s32 $0xFFFFD880  }
0x83: {  	[bflag:$0x0] =	sbarrier.arrive $0xFFFF  }
0x84: {  	[spmem:s21], [sflag:s20] =	dma.local [hbm:s8], $0x2780  }
0x85: {  	_ =	swait.ge [sflag:s18], $0x2780  }
0x86: {  	[sflag:s18] =	ssyncset.done $0x0  }
0x87: {  	[sflag:s18] =	ssyncadd.s32 $0xFFFFD880  }
0x88: {  	[bflag:$0x0] =	sbarrier.arrive $0xFFFF  }
0x89: {  	[tilespmem:s23], [sflag:$0x1] =	stream.indirect.gather [hbm4b:s6+s22], $0x80, s4, s22, $0xb8;
	[tilespmem:$0x1FC00] =	vst v63  }
0x8a: {  	_ = 	snop  }
0x8b: {  	[tilespmem:s25], [sflag:$0x1] =	stream.indirect.gather [hbm4b:s6+s22], $0x80, s24, s22, $0xb8;
	[tilespmem:$0x1FC00] =	vst v63  }
0x8c: {  	_ =	swait.ge [sflag:s26], $0x2000  }
0x8d: {  	[sflag:s26] =	ssyncset.done $0x0  }
0x8e: {  	s11 =	simm.s32 $0x4000;
	[sflag:s26] =	ssyncadd.s32 $0xFFFFE000  }
0x8f: {  	[spmem:s2] =	stream.indirect.scatter.add.f32 [tilespmem:s23], [sflag:$0x2], $0x80, s11, s22, $0xb8;
	[tilespmem:$0x1FC00] =	vst v63  }
0x90: {  	_ =	swait.ge [sflag:s26], $0x2000  }
0x91: {  	[sflag:s26] =	ssyncset.done $0x0  }
0x92: {  	s30 =	simm.s32 $0x4080;
	[sflag:s26] =	ssyncadd.s32 $0xFFFFE000  }
0x93: {  	[spmem:s2] =	stream.indirect.scatter.add.f32 [tilespmem:s25], [sflag:$0x2], $0x80, s30, s22, $0xb8;
	[tilespmem:$0x1FC00] =	vst v63  }
0x94: {  	_ =	swait.ge [sflag:s28], $0x2000  }
0x95: {  	[sflag:s28] =	ssyncset.done $0x0  }
0x96: {  	s12 =	sadd.s32 $0xFFFFFFFF, s10;
	s19 =	simm.s32 $0x100;
	[sflag:s28] =	ssyncadd.s32 $0xFFFFE000  }
0x97: {  	[tilespmem:s3], [sflag:$0x1] =	stream.indirect.gather @!p1 [hbm4b:s6+s0], $0x80, s19, s0, $0xb8;
	[tilespmem:$0x1FC00] =	vst v63  }
0x98: {  	p1 =	sne.s32 s12, $0x0  }
.Ltmp4:
0x99: {  	_ = 	snop;
	(pc) =	sbr.rel @!p1 .LBB2_7-.Ltmp4, $4  }
0x9a: {  	_ = 	snop  }
0x9b: {  	_ =	swait.ge [sflag:s28], $0x2000  }
0x9c: {  	s14 =	simm.s32 @!p0 $0x180;
	s13 =	simm.s32 $0x4080;
	[sflag:s28] =	ssyncset.done $0x0  }
0x9d: {  	s0 =	simm.s32 $0x4;
	s3 =	simm.s32 $0x200;
	[sflag:s28] =	ssyncadd.s32 $0xFFFFE000  }
.LBB2_6:
0x9e: {  	s12 =	sadd.s32 $0xFFFFFFFF, s12;
	s15 =	simm.s32 @!p0 $0xA000;
	s13 =	sadd.s32 $0x100, s13  }
0x9f: {  	[tilespmem:s15], [sflag:$0x1] =	stream.indirect.gather @!p0 [hbm4b:s6+s31], $0x80, s14, s31, $0xb8;
	[tilespmem:$0x1FC00] =	vst v63  }
0xa0: {  	p1 =	sne.s32 s12, $0x0;
	s14 =	smov.u32 s3;
	_ =	swait.ge [sflag:s26], $0x2000  }
0xa1: {  	[sflag:s26] =	ssyncset.done $0x0  }
0xa2: {  	s15 =	sadd.s32 $0xFFFFFF80, s13;
	[sflag:s26] =	ssyncadd.s32 $0xFFFFE000  }
0xa3: {  	[spmem:s2] =	stream.indirect.scatter.add.f32 [tilespmem:s23], [sflag:$0x2], $0x80, s15, s22, $0xb8;
	[tilespmem:$0x1FC00] =	vst v63  }
0xa4: {  	_ =	swait.ge [sflag:s26], $0x2000  }
0xa5: {  	[sflag:s26] =	ssyncset.done $0x0  }
0xa6: {  	[sflag:s26] =	ssyncadd.s32 $0xFFFFE000  }
0xa7: {  	[spmem:s2] =	stream.indirect.scatter.add.f32 [tilespmem:s25], [sflag:$0x2], $0x80, s13, s22, $0xb8;
	[tilespmem:$0x1FC00] =	vst v63  }
0xa8: {  	p0 =	sge.u32 s0, s9;
	_ =	swait.ge [sflag:s28], $0x2000  }
0xa9: {  	s31 =	simm.s32 @!p0 $0x8000;
	[sflag:s28] =	ssyncset.done $0x0  }
.Ltmp5:
0xaa: {  	s15 =	simm.s32 @!p0 $0x40;
	[sflag:s28] =	ssyncadd.s32 $0xFFFFE000;
	(pc) =	sbr.rel @p1 .LBB2_6-.Ltmp5, $4  }
0xab: {  	[tilespmem:s31], [sflag:$0x1] =	stream.indirect.gather @!p0 [hbm4b:s6+s15], $0x80, s3, s15, $0xb8;
	[tilespmem:$0x1FC00] =	vst v63  }
0xac: {  	s15 =	sadd.s32 $0x1, s0;
	s0 =	sadd.s32 $0x2, s0;
	_ =	swait.ge [sflag:s28], $0x2000  }
0xad: {  	s3 =	sadd.s32 $0x100, s3;
	p0 =	sge.u32 s15, s9;
	[sflag:s28] =	ssyncset.done $0x0  }
0xae: {  	s14 =	sadd.s32 @!p0 $0x80, s14;
	s31 =	simm.s32 @!p0 $0x40;
	[sflag:s28] =	ssyncadd.s32 $0xFFFFE000  }
.LBB2_7:
0xaf: {  	s0 =	simm.s32 @!p0 $0xA000  }
0xb0: {  	[tilespmem:s0], [sflag:$0x1] =	stream.indirect.gather @!p0 [hbm4b:s6+s31], $0x80, s14, s31, $0xb8;
	[tilespmem:$0x1FC00] =	vst v63  }
0xb1: {  	[bflag:$0x0] =	sbarrier.arrive $0xFFFF  }
0xb2: {  	s31 =	rddreg [dreg:$0x8]  }
0xb3: {  	[hbm:s31], [sflag:s20] =	dma.local [spmem:s21], $0x2780  }
0xb4: {  	_ =	swait.ge [sflag:s18], $0x2780  }
0xb5: {  	[sflag:s18] =	ssyncset.done $0x0  }
0xb6: {  	[sflag:s18] =	ssyncadd.s32 $0xFFFFD880  }
0xb7: {  	[bflag:$0x0] =	sbarrier.arrive $0xFFFF  }
0xb8: {  	[spmem:s21], [sflag:s20] =	dma.local [hbm:s8], $0x2780  }
0xb9: {  	_ =	swait.ge [sflag:s18], $0x2780  }
0xba: {  	[sflag:s18] =	ssyncset.done $0x0  }
0xbb: {  	[sflag:s18] =	ssyncadd.s32 $0xFFFFD880  }
0xbc: {  	[bflag:$0x0] =	sbarrier.arrive $0xFFFF  }
0xbd: {  	[tilespmem:s23], [sflag:$0x1] =	stream.indirect.gather [hbm4b:s7+s22], $0x80, s4, s22, $0xb8;
	[tilespmem:$0x1FC00] =	vst v63  }
0xbe: {  	_ = 	snop  }
0xbf: {  	[tilespmem:s25], [sflag:$0x1] =	stream.indirect.gather [hbm4b:s7+s22], $0x80, s24, s22, $0xb8;
	[tilespmem:$0x1FC00] =	vst v63  }
0xc0: {  	_ =	swait.ge [sflag:s26], $0x2000  }
0xc1: {  	[sflag:s26] =	ssyncset.done $0x0  }
0xc2: {  	[sflag:s26] =	ssyncadd.s32 $0xFFFFE000  }
0xc3: {  	[spmem:s2] =	stream.indirect.scatter.add.f32 [tilespmem:s23], [sflag:$0x2], $0x80, s11, s22, $0xb8;
	[tilespmem:$0x1FC00] =	vst v63  }
0xc4: {  	_ =	swait.ge [sflag:s26], $0x2000  }
0xc5: {  	[sflag:s26] =	ssyncset.done $0x0  }
0xc6: {  	[sflag:s26] =	ssyncadd.s32 $0xFFFFE000  }
0xc7: {  	[spmem:s2] =	stream.indirect.scatter.add.f32 [tilespmem:s25], [sflag:$0x2], $0x80, s30, s22, $0xb8;
	[tilespmem:$0x1FC00] =	vst v63  }
0xc8: {  	_ =	swait.ge [sflag:s28], $0x2000  }
0xc9: {  	s0 =	sadd.s32 $0xFFFFFFFF, s10;
	p0 =	sle.u32 s9, $0x2;
	[sflag:s28] =	ssyncset.done $0x0  }
0xca: {  	s3 =	simm.s32 @!p0 $0x40;
	s11 =	simm.s32 @!p0 $0x8000;
	[sflag:s28] =	ssyncadd.s32 $0xFFFFE000  }
0xcb: {  	[tilespmem:s11], [sflag:$0x1] =	stream.indirect.gather @!p0 [hbm4b:s7+s3], $0x80, s19, s3, $0xb8;
	[tilespmem:$0x1FC00] =	vst v63  }
0xcc: {  	p0 =	sne.s32 s0, $0x0  }
.Ltmp6:
0xcd: {  	_ = 	snop;
	(pc) =	sbr.rel @!p0 .LBB2_9-.Ltmp6, $4  }
0xce: {  	_ = 	snop  }
0xcf: {  	p1 =	sle.u32 s9, $0x3;
	_ =	swait.ge [sflag:s28], $0x2000  }
0xd0: {  	s12 =	simm.s32 @!p1 $0x180;
	s13 =	simm.s32 @!p1 $0x40;
	[sflag:s28] =	ssyncset.done $0x0  }
0xd1: {  	s3 =	simm.s32 $0x4;
	s11 =	simm.s32 $0x200;
	[sflag:s28] =	ssyncadd.s32 $0xFFFFE000  }
.LBB2_8:
0xd2: {  	s0 =	sadd.s32 $0xFFFFFFFF, s0;
	s14 =	simm.s32 @!p1 $0xA000;
	s30 =	sadd.s32 $0x100, s30  }
0xd3: {  	[tilespmem:s14], [sflag:$0x1] =	stream.indirect.gather @!p1 [hbm4b:s7+s13], $0x80, s12, s13, $0xb8;
	[tilespmem:$0x1FC00] =	vst v63  }
0xd4: {  	p0 =	sne.s32 s0, $0x0;
	s12 =	smov.u32 s11;
	_ =	swait.ge [sflag:s26], $0x2000  }
0xd5: {  	[sflag:s26] =	ssyncset.done $0x0  }
0xd6: {  	s13 =	sadd.s32 $0xFFFFFF80, s30;
	[sflag:s26] =	ssyncadd.s32 $0xFFFFE000  }
0xd7: {  	[spmem:s2] =	stream.indirect.scatter.add.f32 [tilespmem:s23], [sflag:$0x2], $0x80, s13, s22, $0xb8;
	[tilespmem:$0x1FC00] =	vst v63  }
0xd8: {  	_ =	swait.ge [sflag:s26], $0x2000  }
0xd9: {  	[sflag:s26] =	ssyncset.done $0x0  }
0xda: {  	[sflag:s26] =	ssyncadd.s32 $0xFFFFE000  }
0xdb: {  	[spmem:s2] =	stream.indirect.scatter.add.f32 [tilespmem:s25], [sflag:$0x2], $0x80, s30, s22, $0xb8;
	[tilespmem:$0x1FC00] =	vst v63  }
0xdc: {  	p1 =	sge.u32 s3, s9;
	_ =	swait.ge [sflag:s28], $0x2000  }
0xdd: {  	s14 =	simm.s32 @!p1 $0x8000;
	[sflag:s28] =	ssyncset.done $0x0  }
.Ltmp7:
0xde: {  	s13 =	simm.s32 @!p1 $0x40;
	[sflag:s28] =	ssyncadd.s32 $0xFFFFE000;
	(pc) =	sbr.rel @p0 .LBB2_8-.Ltmp7, $4  }
0xdf: {  	[tilespmem:s14], [sflag:$0x1] =	stream.indirect.gather @!p1 [hbm4b:s7+s13], $0x80, s11, s13, $0xb8;
	[tilespmem:$0x1FC00] =	vst v63  }
0xe0: {  	s13 =	sadd.s32 $0x1, s3;
	s3 =	sadd.s32 $0x2, s3;
	_ =	swait.ge [sflag:s28], $0x2000  }
0xe1: {  	s11 =	sadd.s32 $0x100, s11;
	p1 =	sge.u32 s13, s9;
	[sflag:s28] =	ssyncset.done $0x0  }
0xe2: {  	s12 =	sadd.s32 @!p1 $0x80, s12;
	s13 =	simm.s32 @!p1 $0x40;
	[sflag:s28] =	ssyncadd.s32 $0xFFFFE000  }
.LBB2_9:
0xe3: {  	s0 =	simm.s32 @!p1 $0xA000;
	s29 =	sadd.s32 $0x1, s29  }
0xe4: {  	[tilespmem:s0], [sflag:$0x1] =	stream.indirect.gather @!p1 [hbm4b:s7+s13], $0x80, s12, s13, $0xb8;
	[tilespmem:$0x1FC00] =	vst v63  }
0xe5: {  	p0 =	sne.s32 s29, s17;
	[bflag:$0x0] =	sbarrier.arrive $0xFFFF  }
0xe6: {  	[hbm:s16], [sflag:s20] =	dma.local [spmem:s21], $0x2780  }
.Ltmp8:
0xe7: {  	_ =	swait.ge [sflag:s18], $0x2780;
	(pc) =	sbr.rel @p0 .LBB2_1-.Ltmp8, $3  }
0xe8: {  	[sflag:s18] =	ssyncset.done $0x0  }
0xe9: {  	[sflag:s18] =	ssyncadd.s32 $0xFFFFD880  }
0xea: {  	[bflag:$0x0] =	sbarrier.arrive $0xFFFF;
	_ =	sdelay $0x1  }
0xeb: {  	_ =	sfence.sel $0x180000  }
0xec: {  	[bflag:$0x0] =	sbarrier.arrive $0xFFFF  }
0xed: {  	_ =	strace $0x90000050  }
0xee: {  	s0 =	stileid.u32;
	[bflag:$0x2] =	sbarrier.arrive $0xFFFF  }
0xef: {  	p0 =	sne.s32 s0, $0x0;
	s0 =	rddreg [dreg:$0x3]  }
0xf0: {  	s0 =	sadd.s32 @!p0 $0x100000, s0  }
0xf1: {  	[sflag:s0] =	ssyncadd.tile.s32 @!p0 $0x1;
	_ =	shalt  }
.Lfunc_end2:
_tile_overlayer_lowered:
.L_overlay_start_2:
0xf2: {  	(tag) =	ssettag $0x2  }
0xf3: {  	s0 =	rddreg [dreg:$0x0];
	s2 =	stileid.u32  }
0xf4: {  	s1 =	rddreg [dreg:$0x1];
	p0 =	sne.s32 s2, $0x0  }
0xf5: {  	s3 =	rddreg [dreg:$0x2];
	[bflag:$0x3] =	sbarrier.arrive $0xFFFF;
	s2 =	simm.s32 @!p0 $0x1C03  }
0xf6: {  	[timem:s3], [sflag:s2] =	dma.local @!p0 [hbm:s0], s1  }
0xf7: {  	s0 =	simm.s32 @!p0 $0x3  }
0xf8: {  	_ =	swait.ge @!p0 [sflag:s0], s1  }
0xf9: {  	s1 =	ssub.s32 @!p0 $0x0, s1;
	[sflag:s0] =	ssyncset.done @!p0 $0x0  }
0xfa: {  	[sflag:s0] =	ssyncadd.s32 @!p0 s1  }
0xfb: {  	[bflag:$0x3] =	sbarrier.arrive $0xFFFF  }
0xfc: {  	_ =	shalt  }

// kernel: kernel.15.cloned.1.call-start
scs
__scs_entry_jumppad:
0x0: {  	(pc) =	sbr.rel $0x88, $3  }
0x1: {  	(tag) =	ssettag $0x0;
	lr =	simm.s32 $0x1  }
0x2: {  	[smem:$0x3F96] =	sst lr;
	_ =	strace $0xD0000000  }
0x3: {  	_ = 	snop  }
0x4: {  	_ = 	snop  }
0x5: {  	_ = 	snop  }
0x6: {  	_ = 	snop  }
0x7: {  	_ = 	snop  }
__scs_overlays_trampoline_lowered:
0x8: {  	[smem:$0x3FA5] =	sst s0  }
0x9: {  	[smem:$0x3FA6] =	sst s1  }
0xa: {  	[smem:$0x3FA7] =	sst s2  }
0xb: {  	[smem:$0x3FA8] =	sst s3  }
0xc: {  	[smem:$0x3FA9] =	sst s4  }
0xd: {  	[smem:$0x3FAA] =	sst s5  }
0xe: {  	[smem:$0x3FAB] =	sst s6  }
0xf: {  	[smem:$0x3FAC] =	sst s7  }
0x10: {  	[smem:$0x3FAD] =	sst s8  }
0x11: {  	[smem:$0x3FAE] =	sst s9;
	s0 =	simm.s32 @!p0 $0x0  }
0x12: {  	s1 =	sld [smem:$0x3F94];
	s0 =	simm.s32 @p0 $0x1  }
0x13: {  	[smem:$0x3FAF] =	sst s0;
	s0 =	simm.s32 @!p1 $0x0  }
0x14: {  	s2 =	sld [smem:$0x3F93];
	s0 =	simm.s32 @p1 $0x1  }
0x15: {  	[smem:$0x3FB0] =	sst s0;
	s0 =	simm.s32 @!p2 $0x0  }
0x16: {  	s3 =	sld [smem:$0x3FDB];
	s0 =	simm.s32 @p2 $0x1  }
0x17: {  	s4 =	simm.s32 $0x1BF5;
	[smem:$0x3FB2] =	sst s0  }
0x18: {  	s0 =	sld [smem:$0x3F95];
	_ =	swait.ge [sflag:s4], $0x0  }
0x19: {  	s7 =	sld [smem:$0x3F96]  }
0x1a: {  	s8 =	sadd.s32 $0xFFFFE003, lr  }
0x1b: {  	s9 =	sadd.s32 $0xFFFFFEF7, lr;
	s5 =	simm.s32 $0xFFFFFFFF;
	p2 =	slt.u32 s8, $0xFFFFF086  }
0x1c: {  	p1 =	slt.u32 s9, $0xF7A;
	s5 =	simm.s32 @!p2 $0x0  }
0x1d: {  	s5 =	simm.s32 @p1 $0x1;
	p0 =	seq.s32 s7, s2  }
0x1e: {  	s7 =	smul.u32 @!p0 $0xF7A, s2;
	p2 =	seq.s32 @!p0 s5, $0x0  }
0x1f: {  	s9 =	smul.u32 $0xF7A, s1;
	s8 =	simm.s32 @!p0 $0x1BF5;
	p2 =	por !p2, p0  }
0x20: {  	[sflag:s8] =	ssyncset.s32 @!p0 $0xFFFFF086;
	s6 =	sadd.s32 @!p0 s3, s7;
	s7 =	simm.s32 @!p0 $0x108  }
0x21: {  	s3 =	sadd.s32 s3, s9;
	s6 =	sadd.s32 @!p0 $0x88, s6;
	s7 =	simm.s32 @p2 $0x1082  }
0x22: {  	[simem:s7], [sflag:s8] =	dma.local @!p0 [hbm:s6], $0xF7A  }
0x23: {  	s9 =	sor.u32 $0xD0000000, s2;
	s6 =	simm.s32 $0x108;
	_ =	swait.ge @!p0 [sflag:s8], $0x0  }
0x24: {  	s3 =	sadd.s32 $0x88, s3;
	s6 =	simm.s32 @!p1 $0x1082;
	[sflag:s4] =	ssyncset.s32 $0xFFFFF086  }
0x25: {  	[simem:s6], [sflag:s4] =	dma.local [hbm:s3], $0xF7A  }
0x26: {  	[smem:$0x3F96] =	sst s1;
	(tag) =	ssettag s2;
	_ =	strace s9  }
0x27: {  	s1 =	sld [smem:$0x3FA6]  }
0x28: {  	s2 =	sld [smem:$0x3FA7]  }
0x29: {  	s4 =	sld [smem:$0x3FA9]  }
0x2a: {  	p0 =	seq.s32 s5, $0x0;
	s5 =	sld [smem:$0x3FAA]  }
0x2b: {  	s6 =	sld [smem:$0x3FAB]  }
0x2c: {  	s7 =	sld [smem:$0x3FAC]  }
0x2d: {  	s3 =	simm.s32 $0x108;
	s8 =	sld [smem:$0x3FAD]  }
0x2e: {  	s3 =	simm.s32 @!p0 $0x1082;
	s9 =	sld [smem:$0x3FAE]  }
0x2f: {  	lr =	sadd.s32 s0, s3;
	s0 =	sld [smem:$0x3FA5]  }
0x30: {  	s3 =	sld [smem:$0x3FA8]  }
0x31: {  	[smem:$0x3FB1] =	sst s10  }
0x32: {  	s10 =	sld [smem:$0x3FAF];
	_ =	sdelay $0x3  }
0x33: {  	p0 =	seq.s32 s10, $0x1;
	s10 =	sld [smem:$0x3FB1];
	_ =	sdelay $0x3  }
0x34: {  	[smem:$0x3FB1] =	sst s10  }
0x35: {  	s10 =	sld [smem:$0x3FB0];
	_ =	sdelay $0x3  }
0x36: {  	p1 =	seq.s32 s10, $0x1;
	s10 =	sld [smem:$0x3FB1];
	_ =	sdelay $0x3  }
0x37: {  	[smem:$0x3FB1] =	sst s10  }
0x38: {  	s10 =	sld [smem:$0x3FB2]  }
0x39: {  	_ = 	snop;
	(pc) =	sbr.ind lr, $3  }
0x3a: {  	_ = 	snop  }
0x3b: {  	_ = 	snop  }
0x3c: {  	p2 =	seq.s32 s10, $0x1;
	s10 =	sld [smem:$0x3FB1]  }
0x3d: {  	_ =	shalt  }
0x3e: {  	_ =	shalt  }
0x3f: {  	_ =	shalt  }
0x40: {  	_ =	shalt  }
0x41: {  	_ =	shalt  }
0x42: {  	_ =	shalt  }
0x43: {  	_ =	shalt  }
0x44: {  	_ =	shalt  }
0x45: {  	_ =	shalt  }
0x46: {  	_ =	shalt  }
0x47: {  	_ =	shalt  }
0x48: {  	_ =	shalt  }
0x49: {  	_ =	shalt  }
0x4a: {  	_ =	shalt  }
0x4b: {  	_ =	shalt  }
0x4c: {  	_ =	shalt  }
0x4d: {  	_ =	shalt  }
0x4e: {  	_ =	shalt  }
0x4f: {  	_ =	shalt  }
0x50: {  	_ =	shalt  }
0x51: {  	_ =	shalt  }
0x52: {  	_ =	shalt  }
0x53: {  	_ =	shalt  }
0x54: {  	_ =	shalt  }
0x55: {  	_ =	shalt  }
0x56: {  	_ =	shalt  }
0x57: {  	_ =	shalt  }
0x58: {  	_ =	shalt  }
0x59: {  	_ =	shalt  }
0x5a: {  	_ =	shalt  }
0x5b: {  	_ =	shalt  }
0x5c: {  	_ =	shalt  }
0x5d: {  	_ =	shalt  }
0x5e: {  	_ =	shalt  }
0x5f: {  	_ =	shalt  }
0x60: {  	_ =	shalt  }
0x61: {  	_ =	shalt  }
0x62: {  	_ =	shalt  }
0x63: {  	_ =	shalt  }
0x64: {  	_ =	shalt  }
0x65: {  	_ =	shalt  }
0x66: {  	_ =	shalt  }
0x67: {  	_ =	shalt  }
0x68: {  	_ =	shalt  }
0x69: {  	_ =	shalt  }
0x6a: {  	_ =	shalt  }
0x6b: {  	_ =	shalt  }
0x6c: {  	_ =	shalt  }
0x6d: {  	_ =	shalt  }
0x6e: {  	_ =	shalt  }
0x6f: {  	_ =	shalt  }
0x70: {  	_ =	shalt  }
0x71: {  	_ =	shalt  }
0x72: {  	_ =	shalt  }
0x73: {  	_ =	shalt  }
0x74: {  	_ =	shalt  }
0x75: {  	_ =	shalt  }
0x76: {  	_ =	shalt  }
0x77: {  	_ =	shalt  }
0x78: {  	_ =	shalt  }
0x79: {  	_ =	shalt  }
0x7a: {  	_ =	shalt  }
0x7b: {  	_ =	shalt  }
0x7c: {  	_ =	shalt  }
0x7d: {  	_ =	shalt  }
0x7e: {  	_ =	shalt  }
0x7f: {  	_ =	shalt  }
0x80: {  	_ =	shalt  }
0x81: {  	_ =	shalt  }
0x82: {  	_ =	shalt  }
0x83: {  	_ =	shalt  }
0x84: {  	_ =	shalt  }
0x85: {  	_ =	shalt  }
0x86: {  	_ =	shalt  }
0x87: {  	_ =	shalt  }
.Lfunc_end0:
.L_simem_size_0:
called_computation.4_lowered:
.L_overlay_start_0:
0x88: {  	s2 =	sld [smem:$0x3FD9]  }
0x89: {  	s3 =	sld [smem:$0x3FFE];
	_ =	sdelay $0x1  }
0x8a: {  	s1 =	srdreg.scid  }
0x8b: {  	s0 =	sand.u32 $0x1, s1  }
0x8c: {  	s16 =	sshll.u32 s0, $0xA;
	s2 =	sadd.s32 s3, s2  }
0x8d: {  	s2 =	sadd.s32 s2, s16  }
0x8e: {  	[smem:$0x3FBD] =	sst s2  }
0x8f: {  	_ = 	snop  }
0x90: {  	(tm) =	ssettm $0x1  }
0x91: {  	s17 =	sld [smem:$0x3FFB];
	_ =	sdelay $0x3  }
0x92: {  	_ =	strace s17  }
0x93: {  	s2 =	sld [smem:$0x3FFC];
	_ =	sdelay $0x3  }
0x94: {  	_ =	strace s2  }
0x95: {  	s2 =	sld [smem:$0x3FFD];
	_ =	sdelay $0x3  }
0x96: {  	_ =	strace s2  }
0x97: {  	_ =	strace $0x8FFFFFFF  }
0x98: {  	s18 =	sld [smem:$0x3FDB];
	_ =	sdelay $0x1  }
0x99: {  	s19 =	simm.s32 $_scs_section_size  }
0x9a: {  	s4 =	simm.s32 $_size__tile_overlayer_lowered;
	s5 =	simm.s32 $_tile_overlayer_lowered  }
0x9b: {  	s22 =	simm.s32 $0x1BFF;
	s21 =	sshll.u32 s5, $0x1;
	s2 =	sadd.s32 s19, s18  }
0x9c: {  	s6 =	simm.s32 $0x0;
	s20 =	sshll.u32 s4, $0x1;
	s4 =	sadd.s32 s21, s2  }
0x9d: {  	[timem:s6], [sflag:s22] =	dma.local [hbm:s4], s20  }
0x9e: {  	_ =	swait.ge [sflag:s22], s20  }
0x9f: {  	s3 =	ssub.s32 $0x0, s20;
	[sflag:s22] =	ssyncset.done $0x0  }
0xa0: {  	[sflag:s22] =	ssyncadd.s32 s3;
	_ =	sdelay $0x1  }
0xa1: {  	s23 =	simm.s32 $0x1B8B  }
0xa2: {  	_ =	swait.ge [sflag:s23], $0x1  }
0xa3: {  	[sflag:s23] =	ssyncset.done $0x0  }
0xa4: {  	s25 =	simm.s32 $0x1B8E;
	s24 =	sld [smem:$0x3FFE];
	[sflag:s23] =	ssyncadd.s32 $0xFFFFFFFF  }
0xa5: {  	s26 =	simm.s32 $execute0_lowered;
	[smem:$0x3FD2] =	sst s25  }
0xa6: {  	s4 =	sshll.u32 s26, $0x1;
	_ =	strace $0x80000052;
	[dreg:$0x1] =	wrdreg $0xFFFFFFFF  }
0xa7: {  	s28 =	simm.s32 $_size_execute0_lowered;
	s2 =	sadd.s32 s2, s4;
	[dreg:$0x0] =	wrdreg $0x0  }
0xa8: {  	s4 =	sshll.u32 s28, $0x1;
	[dreg:$0x2] =	wrdreg s2  }
0xa9: {  	[dreg:$0x3] =	wrdreg s4  }
0xaa: {  	[dreg:$0x4] =	wrdreg $0xC0  }
0xab: {  	_ =	task [dreg:s6], $0x5FFFF  }
0xac: {  	[dreg:$0x1] =	wrdreg $0xFFFFFFFF  }
0xad: {  	[dreg:$0x0] =	wrdreg $0x60  }
0xae: {  	[dreg:$0x2] =	wrdreg s24  }
0xaf: {  	[dreg:$0x3] =	wrdreg $0xC0000  }
0xb0: {  	[dreg:$0x4] =	wrdreg $0x9  }
0xb1: {  	_ =	task.clear_ibuf [dreg:s6], $0x5FFFF;
	_ =	strace $0x90000052  }
0xb2: {  	s29 =	simm.s32 $0x9;
	_ =	strace $0x80000054  }
0xb3: {  	_ =	swait.ge [sflag:s29], $0x1  }
0xb4: {  	[sflag:s29] =	ssyncadd.s32 $0xFFFFFFFF  }
0xb5: {  	_ =	strace $0x90000054  }
0xb6: {  	_ =	sfence  }
0xb7: {  	s30 =	sld [smem:$0x0];
	_ =	sdelay $0x2  }
0xb8: {  	s31 =	sshll.u32 s1, $0xD;
	s1 =	sshrl.u32 s1, $0x2  }
0xb9: {  	s3 =	sand.u32 $0x4000, s31;
	s1 =	sadd.s32 s1, s30  }
0xba: {  	s0 =	sor.u32 s3, s0;
	s1 =	sshll.u32 s1, $0x11  }
0xbb: {  	s0 =	sor.u32 s1, s0  }
0xbc: {  	s0 =	sadd.s32 $0x8F2B, s0  }
0xbd: {  	[sflag:s0] =	ssyncadd.remote.s32 $0x1  }
0xbe: {  	_ =	sfence.sel $0xFFFF  }
0xbf: {  	[dreg:$0x0] =	wrdreg $0xFFFFFFFF;
	(pc) =	sbr.abs _section_cstart, $3  }
0xc0: {  	[dreg:$0x1] =	wrdreg $0xFFFFFFFF  }
0xc1: {  	_ =	task.clear_ibuf [dreg:s6], $0x2FFFF;
	_ =	strace $0x9FFFFFFF  }
0xc2: {  	(tm) =	ssettm $0x7FFFFFFF  }
0xc3: {  	_ =	shalt  }
tec
execute0_lowered:
.L_overlay_start_1:
0x0: {  	(tag) =	ssettag $0x1  }
0x1: {  	s0 =	rddreg [dreg:$0x0]  }
0x2: {  	s1 =	rddreg [dreg:$0x1]  }
0x3: {  	s3 =	simm.s32 $0x0;
	s2 =	srdreg.scid;
	s15 =	stileid.u32  }
0x4: {  	s14 =	simm.s32 $0x3;
	s18 =	simm.s32 $0x40;
	s19 =	simm.s32 $0x8000  }
0x5: {  	s20 =	simm.s32 $0x80;
	s21 =	simm.s32 $0xA000;
	s22 =	simm.s32 $0x1  }
0x6: {  	s23 =	simm.s32 $0x2;
	s24 =	simm.s32 $0x0;
	s8 =	smul.u32 $0x13C00, s15  }
0x7: {  	[smem:$0x7FF] =	sst s3;
	s2 =	sand.u32 $0x1, s2;
	s12 =	smul.u32 $0x4F000, s15  }
0x8: {  	s6 =	sshll.u32 s15, $0xB;
	s4 =	sadd.s32 $0x5C00, s0;
	s7 =	smul.u32 $0x278000, s2  }
0x9: {  	s31 =	sshll.u32 s15, $0x6;
	_ =	strace $0x80000053;
	s9 =	smul.u32 $0xFFFFFFA0, s2  }
0xa: {  	s5 =	sshll.u32 s2, $0xF;
	s28 =	ssub.s32 $0x2, s2;
	s2 =	smul.u32 $0xFFFFFFD0, s2  }
0xb: {  	s16 =	sor.u32 $0x1C03, s31;
	s6 =	sor.u32 s6, s5;
	s5 =	sadd.s32 $0x81000, s0  }
0xc: {  	s11 =	sshrl.u32 s28, $0x1;
	s29 =	sshrl.u32 s12, $0x2;
	s10 =	sadd.s32 s6, s0  }
0xd: {  	s26 =	sadd.s32 s8, s7;
	s6 =	sadd.s32 $0x47400, s0;
	s13 =	ssub.s32 s28, s11  }
0xe: {  	s7 =	sadd.s32 $0x80, s9;
	s8 =	sshrl.u32 s26, $0x3;
	s30 =	sadd.s32 $0x71000, s10  }
0xf: {  	s10 =	sadd.s32 $0x61000, s10;
	s13 =	smax.u32 s13, $0x1;
	s0 =	sadd.s32 s8, s0  }
0x10: {  	s8 =	sadd.s32 $0x40, s2;
	[dreg:$0x3] =	wrdreg s30;
	s2 =	sadd.s32 s29, s1  }
0x11: {  	s11 =	sadd.s32 $0xA8200, s0;
	s12 =	sadd.s32 $0xCFA00, s0;
	s17 =	sshrl.u32 s2, $0x3  }
.LBB2_1:
0x12: {  	s0 =	rddreg [dreg:$0x3]  }
0x13: {  	[tilespmem:s3], [sflag:$0x3] =	stream.linear.gather [hbm4b:s0+s3], $0x4000, $0x38;
	[tilespmem:$0x1FC00] =	vst v63  }
0x14: {  	_ =	swait.ge [sflag:s14], $0x4000  }
0x15: {  	[sflag:s14] =	ssyncset.done $0x0  }
0x16: {  	s26 =	simm.s32 $0x4000;
	[sflag:s14] =	ssyncadd.s32 $0xFFFFC000  }
0x17: {  	[tilespmem:s26], [sflag:$0x3] =	stream.linear.gather [hbm4b:s10+s3], $0x4000, $0x38;
	[tilespmem:$0x1FC00] =	vst v63  }
0x18: {  	_ =	swait.ge [sflag:s14], $0x4000  }
0x19: {  	[sflag:s14] =	ssyncset.done $0x0  }
0x1a: {  	[sflag:s14] =	ssyncadd.s32 $0xFFFFC000  }
0x1b: {  	[spmem:s17], [sflag:s16] =	dma.local [hbm:s6], $0x2780  }
0x1c: {  	_ =	swait.ge [sflag:s14], $0x2780  }
0x1d: {  	[sflag:s14] =	ssyncset.done $0x0  }
0x1e: {  	[sflag:s14] =	ssyncadd.s32 $0xFFFFD880  }
0x1f: {  	[bflag:$0x0] =	sbarrier.arrive $0xFFFF  }
0x20: {  	[tilespmem:s19], [sflag:$0x1] =	stream.indirect.gather [hbm4b:s4+s18], $0x80, s3, s18, $0xb8;
	[tilespmem:$0x1FC00] =	vst v63  }
0x21: {  	_ = 	snop  }
0x22: {  	[tilespmem:s21], [sflag:$0x1] =	stream.indirect.gather [hbm4b:s4+s18], $0x80, s20, s18, $0xb8;
	[tilespmem:$0x1FC00] =	vst v63  }
0x23: {  	_ =	swait.ge [sflag:s22], $0x2000  }
0x24: {  	[sflag:s22] =	ssyncset.done $0x0  }
0x25: {  	s28 =	simm.s32 $0x4000;
	[sflag:s22] =	ssyncadd.s32 $0xFFFFE000  }
0x26: {  	[spmem:s1] =	stream.indirect.scatter.add.f32 [tilespmem:s19], [sflag:$0x2], $0x80, s28, s18, $0xb8;
	[tilespmem:$0x1FC00] =	vst v63  }
0x27: {  	_ =	swait.ge [sflag:s22], $0x2000  }
0x28: {  	[sflag:s22] =	ssyncset.done $0x0  }
0x29: {  	s25 =	simm.s32 $0x4080;
	[sflag:s22] =	ssyncadd.s32 $0xFFFFE000  }
0x2a: {  	[spmem:s1] =	stream.indirect.scatter.add.f32 [tilespmem:s21], [sflag:$0x2], $0x80, s25, s18, $0xb8;
	[tilespmem:$0x1FC00] =	vst v63  }
0x2b: {  	p0 =	sle.u32 s7, $0x2;
	_ =	swait.ge [sflag:s23], $0x2000  }
0x2c: {  	s29 =	sadd.s32 $0xFFFFFFFF, s8;
	s0 =	simm.s32 @!p0 $0x40;
	[sflag:s23] =	ssyncset.done $0x0  }
0x2d: {  	s2 =	simm.s32 @!p0 $0x8000;
	s26 =	simm.s32 $0x100;
	[sflag:s23] =	ssyncadd.s32 $0xFFFFE000  }
0x2e: {  	[tilespmem:s2], [sflag:$0x1] =	stream.indirect.gather @!p0 [hbm4b:s4+s0], $0x80, s26, s0, $0xb8;
	[tilespmem:$0x1FC00] =	vst v63  }
0x2f: {  	p0 =	sne.s32 s29, $0x0  }
.Ltmp0:
0x30: {  	_ = 	snop;
	(pc) =	sbr.rel @!p0 .LBB2_3-.Ltmp0, $4  }
0x31: {  	_ = 	snop  }
0x32: {  	s30 =	simm.s32 $0x4;
	p1 =	sle.u32 s7, $0x3;
	_ =	swait.ge [sflag:s23], $0x2000  }
0x33: {  	s31 =	simm.s32 $0x200;
	s15 =	simm.s32 @!p1 $0x40;
	[sflag:s23] =	ssyncset.done $0x0  }
0x34: {  	s2 =	simm.s32 @!p1 $0x180;
	s0 =	simm.s32 $0x4080;
	[sflag:s23] =	ssyncadd.s32 $0xFFFFE000  }
.LBB2_2:
0x35: {  	s29 =	sadd.s32 $0xFFFFFFFF, s29;
	s9 =	simm.s32 @!p1 $0xA000;
	s0 =	sadd.s32 $0x100, s0  }
0x36: {  	[tilespmem:s9], [sflag:$0x1] =	stream.indirect.gather @!p1 [hbm4b:s4+s15], $0x80, s2, s15, $0xb8;
	[tilespmem:$0x1FC00] =	vst v63  }
0x37: {  	p0 =	sne.s32 s29, $0x0;
	s2 =	smov.u32 s31;
	_ =	swait.ge [sflag:s22], $0x2000  }
0x38: {  	[sflag:s22] =	ssyncset.done $0x0  }
0x39: {  	s9 =	sadd.s32 $0xFFFFFF80, s0;
	[sflag:s22] =	ssyncadd.s32 $0xFFFFE000  }
0x3a: {  	[spmem:s1] =	stream.indirect.scatter.add.f32 [tilespmem:s19], [sflag:$0x2], $0x80, s9, s18, $0xb8;
	[tilespmem:$0x1FC00] =	vst v63  }
0x3b: {  	_ =	swait.ge [sflag:s22], $0x2000  }
0x3c: {  	[sflag:s22] =	ssyncset.done $0x0  }
0x3d: {  	[sflag:s22] =	ssyncadd.s32 $0xFFFFE000  }
0x3e: {  	[spmem:s1] =	stream.indirect.scatter.add.f32 [tilespmem:s21], [sflag:$0x2], $0x80, s0, s18, $0xb8;
	[tilespmem:$0x1FC00] =	vst v63  }
0x3f: {  	p1 =	sge.u32 s30, s7;
	_ =	swait.ge [sflag:s23], $0x2000  }
0x40: {  	s15 =	simm.s32 @!p1 $0x8000;
	[sflag:s23] =	ssyncset.done $0x0  }
.Ltmp1:
0x41: {  	s9 =	simm.s32 @!p1 $0x40;
	[sflag:s23] =	ssyncadd.s32 $0xFFFFE000;
	(pc) =	sbr.rel @p0 .LBB2_2-.Ltmp1, $4  }
0x42: {  	[tilespmem:s15], [sflag:$0x1] =	stream.indirect.gather @!p1 [hbm4b:s4+s9], $0x80, s31, s9, $0xb8;
	[tilespmem:$0x1FC00] =	vst v63  }
0x43: {  	s9 =	sadd.s32 $0x1, s30;
	s30 =	sadd.s32 $0x2, s30;
	_ =	swait.ge [sflag:s23], $0x2000  }
0x44: {  	s31 =	sadd.s32 $0x100, s31;
	p1 =	sge.u32 s9, s7;
	[sflag:s23] =	ssyncset.done $0x0  }
0x45: {  	s2 =	sadd.s32 @!p1 $0x80, s2;
	s15 =	simm.s32 @!p1 $0x40;
	[sflag:s23] =	ssyncadd.s32 $0xFFFFE000  }
.LBB2_3:
0x46: {  	s0 =	simm.s32 @!p1 $0xA000  }
0x47: {  	[tilespmem:s0], [sflag:$0x1] =	stream.indirect.gather @!p1 [hbm4b:s4+s15], $0x80, s2, s15, $0xb8;
	[tilespmem:$0x1FC00] =	vst v63  }
0x48: {  	[bflag:$0x0] =	sbarrier.arrive $0xFFFF  }
0x49: {  	[hbm:s11], [sflag:s16] =	dma.local [spmem:s17], $0x2780  }
0x4a: {  	_ =	swait.ge [sflag:s14], $0x2780  }
0x4b: {  	[sflag:s14] =	ssyncset.done $0x0  }
0x4c: {  	[sflag:s14] =	ssyncadd.s32 $0xFFFFD880  }
0x4d: {  	[bflag:$0x0] =	sbarrier.arrive $0xFFFF  }
0x4e: {  	[spmem:s17], [sflag:s16] =	dma.local [hbm:s6], $0x2780  }
0x4f: {  	_ =	swait.ge [sflag:s14], $0x2780  }
0x50: {  	[sflag:s14] =	ssyncset.done $0x0  }
0x51: {  	[sflag:s14] =	ssyncadd.s32 $0xFFFFD880  }
0x52: {  	[bflag:$0x0] =	sbarrier.arrive $0xFFFF  }
0x53: {  	[tilespmem:s19], [sflag:$0x1] =	stream.indirect.gather [hbm4b:s5+s18], $0x80, s3, s18, $0xb8;
	[tilespmem:$0x1FC00] =	vst v63  }
0x54: {  	_ = 	snop  }
0x55: {  	[tilespmem:s21], [sflag:$0x1] =	stream.indirect.gather [hbm4b:s5+s18], $0x80, s20, s18, $0xb8;
	[tilespmem:$0x1FC00] =	vst v63  }
0x56: {  	_ =	swait.ge [sflag:s22], $0x2000  }
0x57: {  	[sflag:s22] =	ssyncset.done $0x0  }
0x58: {  	[sflag:s22] =	ssyncadd.s32 $0xFFFFE000  }
0x59: {  	[spmem:s1] =	stream.indirect.scatter.add.f32 [tilespmem:s19], [sflag:$0x2], $0x80, s28, s18, $0xb8;
	[tilespmem:$0x1FC00] =	vst v63  }
0x5a: {  	_ =	swait.ge [sflag:s22], $0x2000  }
0x5b: {  	[sflag:s22] =	ssyncset.done $0x0  }
0x5c: {  	[sflag:s22] =	ssyncadd.s32 $0xFFFFE000  }
0x5d: {  	[spmem:s1] =	stream.indirect.scatter.add.f32 [tilespmem:s21], [sflag:$0x2], $0x80, s25, s18, $0xb8;
	[tilespmem:$0x1FC00] =	vst v63  }
0x5e: {  	p0 =	sle.u32 s7, $0x2;
	_ =	swait.ge [sflag:s23], $0x2000  }
0x5f: {  	s0 =	simm.s32 @!p0 $0x40;
	[sflag:s23] =	ssyncset.done $0x0  }
0x60: {  	s2 =	simm.s32 @!p0 $0x8000;
	s28 =	sadd.s32 $0xFFFFFFFF, s8;
	[sflag:s23] =	ssyncadd.s32 $0xFFFFE000  }
0x61: {  	[tilespmem:s2], [sflag:$0x1] =	stream.indirect.gather @!p0 [hbm4b:s5+s0], $0x80, s26, s0, $0xb8;
	[tilespmem:$0x1FC00] =	vst v63  }
0x62: {  	p0 =	sne.s32 s28, $0x0  }
.Ltmp2:
0x63: {  	_ = 	snop;
	(pc) =	sbr.rel @!p0 .LBB2_5-.Ltmp2, $4  }
0x64: {  	_ = 	snop  }
0x65: {  	s29 =	simm.s32 $0x200;
	_ =	swait.ge [sflag:s23], $0x2000  }
0x66: {  	p1 =	sle.u32 s7, $0x3;
	s26 =	simm.s32 $0x4;
	[sflag:s23] =	ssyncset.done $0x0  }
0x67: {  	s0 =	simm.s32 @!p1 $0x180;
	s2 =	simm.s32 @!p1 $0x40;
	[sflag:s23] =	ssyncadd.s32 $0xFFFFE000  }
.LBB2_4:
0x68: {  	s28 =	sadd.s32 $0xFFFFFFFF, s28;
	s9 =	simm.s32 @!p1 $0xA000;
	s25 =	sadd.s32 $0x100, s25  }
0x69: {  	[tilespmem:s9], [sflag:$0x1] =	stream.indirect.gather @!p1 [hbm4b:s5+s2], $0x80, s0, s2, $0xb8;
	[tilespmem:$0x1FC00] =	vst v63  }
0x6a: {  	p0 =	sne.s32 s28, $0x0;
	s0 =	smov.u32 s29;
	_ =	swait.ge [sflag:s22], $0x2000  }
0x6b: {  	[sflag:s22] =	ssyncset.done $0x0  }
0x6c: {  	s2 =	sadd.s32 $0xFFFFFF80, s25;
	[sflag:s22] =	ssyncadd.s32 $0xFFFFE000  }
0x6d: {  	[spmem:s1] =	stream.indirect.scatter.add.f32 [tilespmem:s19], [sflag:$0x2], $0x80, s2, s18, $0xb8;
	[tilespmem:$0x1FC00] =	vst v63  }
0x6e: {  	_ =	swait.ge [sflag:s22], $0x2000  }
0x6f: {  	[sflag:s22] =	ssyncset.done $0x0  }
0x70: {  	[sflag:s22] =	ssyncadd.s32 $0xFFFFE000  }
0x71: {  	[spmem:s1] =	stream.indirect.scatter.add.f32 [tilespmem:s21], [sflag:$0x2], $0x80, s25, s18, $0xb8;
	[tilespmem:$0x1FC00] =	vst v63  }
0x72: {  	p1 =	sge.u32 s26, s7;
	_ =	swait.ge [sflag:s23], $0x2000  }
0x73: {  	s9 =	simm.s32 @!p1 $0x8000;
	[sflag:s23] =	ssyncset.done $0x0  }
.Ltmp3:
0x74: {  	s2 =	simm.s32 @!p1 $0x40;
	[sflag:s23] =	ssyncadd.s32 $0xFFFFE000;
	(pc) =	sbr.rel @p0 .LBB2_4-.Ltmp3, $4  }
0x75: {  	[tilespmem:s9], [sflag:$0x1] =	stream.indirect.gather @!p1 [hbm4b:s5+s2], $0x80, s29, s2, $0xb8;
	[tilespmem:$0x1FC00] =	vst v63  }
0x76: {  	s2 =	sadd.s32 $0x1, s26;
	s26 =	sadd.s32 $0x2, s26;
	_ =	swait.ge [sflag:s23], $0x2000  }
0x77: {  	s29 =	sadd.s32 $0x100, s29;
	p1 =	sge.u32 s2, s7;
	[sflag:s23] =	ssyncset.done $0x0  }
0x78: {  	s0 =	sadd.s32 @!p1 $0x80, s0;
	s2 =	simm.s32 @!p1 $0x40;
	[sflag:s23] =	ssyncadd.s32 $0xFFFFE000  }
.LBB2_5:
0x79: {  	s9 =	simm.s32 @!p1 $0xA000;
	s24 =	sadd.s32 $0x1, s24  }
0x7a: {  	[tilespmem:s9], [sflag:$0x1] =	stream.indirect.gather @!p1 [hbm4b:s5+s2], $0x80, s0, s2, $0xb8;
	[tilespmem:$0x1FC00] =	vst v63  }
0x7b: {  	p0 =	sne.s32 s24, s13;
	[bflag:$0x0] =	sbarrier.arrive $0xFFFF  }
0x7c: {  	[hbm:s12], [sflag:s16] =	dma.local [spmem:s17], $0x2780  }
.Ltmp4:
0x7d: {  	_ =	swait.ge [sflag:s14], $0x2780;
	(pc) =	sbr.rel @p0 .LBB2_1-.Ltmp4, $3  }
0x7e: {  	[sflag:s14] =	ssyncset.done $0x0  }
0x7f: {  	[sflag:s14] =	ssyncadd.s32 $0xFFFFD880  }
0x80: {  	[bflag:$0x0] =	sbarrier.arrive $0xFFFF;
	_ =	sdelay $0x1  }
0x81: {  	_ =	sfence.sel $0x180000  }
0x82: {  	[bflag:$0x0] =	sbarrier.arrive $0xFFFF  }
0x83: {  	_ =	strace $0x90000053  }
0x84: {  	s0 =	stileid.u32;
	[bflag:$0x2] =	sbarrier.arrive $0xFFFF  }
0x85: {  	p0 =	sne.s32 s0, $0x0;
	s0 =	rddreg [dreg:$0x2]  }
0x86: {  	s0 =	sadd.s32 @!p0 $0x100000, s0  }
0x87: {  	[sflag:s0] =	ssyncadd.tile.s32 @!p0 $0x1;
	_ =	shalt  }
.Lfunc_end2:
_tile_overlayer_lowered:
.L_overlay_start_2:
0x88: {  	(tag) =	ssettag $0x2  }
0x89: {  	s0 =	rddreg [dreg:$0x0];
	s2 =	stileid.u32  }
0x8a: {  	s1 =	rddreg [dreg:$0x1];
	p0 =	sne.s32 s2, $0x0  }
0x8b: {  	s3 =	rddreg [dreg:$0x2];
	[bflag:$0x3] =	sbarrier.arrive $0xFFFF;
	s2 =	simm.s32 @!p0 $0x1C03  }
0x8c: {  	[timem:s3], [sflag:s2] =	dma.local @!p0 [hbm:s0], s1  }
0x8d: {  	s0 =	simm.s32 @!p0 $0x3  }
0x8e: {  	_ =	swait.ge @!p0 [sflag:s0], s1  }
0x8f: {  	s1 =	ssub.s32 @!p0 $0x0, s1;
	[sflag:s0] =	ssyncset.done @!p0 $0x0  }
0x90: {  	[sflag:s0] =	ssyncadd.s32 @!p0 s1  }
0x91: {  	[bflag:$0x3] =	sbarrier.arrive $0xFFFF  }
0x92: {  	_ =	shalt  }

// kernel: kernel.9.cloned.1.call-start
scs
__scs_entry_jumppad:
0x0: {  	(pc) =	sbr.rel $0x88, $3  }
0x1: {  	(tag) =	ssettag $0x0;
	lr =	simm.s32 $0x1  }
0x2: {  	[smem:$0x3F96] =	sst lr;
	_ =	strace $0xD0000000  }
0x3: {  	_ = 	snop  }
0x4: {  	_ = 	snop  }
0x5: {  	_ = 	snop  }
0x6: {  	_ = 	snop  }
0x7: {  	_ = 	snop  }
__scs_overlays_trampoline_lowered:
0x8: {  	[smem:$0x3FA5] =	sst s0  }
0x9: {  	[smem:$0x3FA6] =	sst s1  }
0xa: {  	[smem:$0x3FA7] =	sst s2  }
0xb: {  	[smem:$0x3FA8] =	sst s3  }
0xc: {  	[smem:$0x3FA9] =	sst s4  }
0xd: {  	[smem:$0x3FAA] =	sst s5  }
0xe: {  	[smem:$0x3FAB] =	sst s6  }
0xf: {  	[smem:$0x3FAC] =	sst s7  }
0x10: {  	[smem:$0x3FAD] =	sst s8  }
0x11: {  	[smem:$0x3FAE] =	sst s9;
	s0 =	simm.s32 @!p0 $0x0  }
0x12: {  	s1 =	sld [smem:$0x3F94];
	s0 =	simm.s32 @p0 $0x1  }
0x13: {  	[smem:$0x3FAF] =	sst s0;
	s0 =	simm.s32 @!p1 $0x0  }
0x14: {  	s2 =	sld [smem:$0x3F93];
	s0 =	simm.s32 @p1 $0x1  }
0x15: {  	[smem:$0x3FB0] =	sst s0;
	s0 =	simm.s32 @!p2 $0x0  }
0x16: {  	s3 =	sld [smem:$0x3FDB];
	s0 =	simm.s32 @p2 $0x1  }
0x17: {  	s4 =	simm.s32 $0x1BF5;
	[smem:$0x3FB2] =	sst s0  }
0x18: {  	s0 =	sld [smem:$0x3F95];
	_ =	swait.ge [sflag:s4], $0x0  }
0x19: {  	s7 =	sld [smem:$0x3F96]  }
0x1a: {  	s8 =	sadd.s32 $0xFFFFE003, lr  }
0x1b: {  	s9 =	sadd.s32 $0xFFFFFEF7, lr;
	s5 =	simm.s32 $0xFFFFFFFF;
	p2 =	slt.u32 s8, $0xFFFFF086  }
0x1c: {  	p1 =	slt.u32 s9, $0xF7A;
	s5 =	simm.s32 @!p2 $0x0  }
0x1d: {  	s5 =	simm.s32 @p1 $0x1;
	p0 =	seq.s32 s7, s2  }
0x1e: {  	s7 =	smul.u32 @!p0 $0xF7A, s2;
	p2 =	seq.s32 @!p0 s5, $0x0  }
0x1f: {  	s9 =	smul.u32 $0xF7A, s1;
	s8 =	simm.s32 @!p0 $0x1BF5;
	p2 =	por !p2, p0  }
0x20: {  	[sflag:s8] =	ssyncset.s32 @!p0 $0xFFFFF086;
	s6 =	sadd.s32 @!p0 s3, s7;
	s7 =	simm.s32 @!p0 $0x108  }
0x21: {  	s3 =	sadd.s32 s3, s9;
	s6 =	sadd.s32 @!p0 $0x88, s6;
	s7 =	simm.s32 @p2 $0x1082  }
0x22: {  	[simem:s7], [sflag:s8] =	dma.local @!p0 [hbm:s6], $0xF7A  }
0x23: {  	s9 =	sor.u32 $0xD0000000, s2;
	s6 =	simm.s32 $0x108;
	_ =	swait.ge @!p0 [sflag:s8], $0x0  }
0x24: {  	s3 =	sadd.s32 $0x88, s3;
	s6 =	simm.s32 @!p1 $0x1082;
	[sflag:s4] =	ssyncset.s32 $0xFFFFF086  }
0x25: {  	[simem:s6], [sflag:s4] =	dma.local [hbm:s3], $0xF7A  }
0x26: {  	[smem:$0x3F96] =	sst s1;
	(tag) =	ssettag s2;
	_ =	strace s9  }
0x27: {  	s1 =	sld [smem:$0x3FA6]  }
0x28: {  	s2 =	sld [smem:$0x3FA7]  }
0x29: {  	s4 =	sld [smem:$0x3FA9]  }
0x2a: {  	p0 =	seq.s32 s5, $0x0;
	s5 =	sld [smem:$0x3FAA]  }
0x2b: {  	s6 =	sld [smem:$0x3FAB]  }
0x2c: {  	s7 =	sld [smem:$0x3FAC]  }
0x2d: {  	s3 =	simm.s32 $0x108;
	s8 =	sld [smem:$0x3FAD]  }
0x2e: {  	s3 =	simm.s32 @!p0 $0x1082;
	s9 =	sld [smem:$0x3FAE]  }
0x2f: {  	lr =	sadd.s32 s0, s3;
	s0 =	sld [smem:$0x3FA5]  }
0x30: {  	s3 =	sld [smem:$0x3FA8]  }
0x31: {  	[smem:$0x3FB1] =	sst s10  }
0x32: {  	s10 =	sld [smem:$0x3FAF];
	_ =	sdelay $0x3  }
0x33: {  	p0 =	seq.s32 s10, $0x1;
	s10 =	sld [smem:$0x3FB1];
	_ =	sdelay $0x3  }
0x34: {  	[smem:$0x3FB1] =	sst s10  }
0x35: {  	s10 =	sld [smem:$0x3FB0];
	_ =	sdelay $0x3  }
0x36: {  	p1 =	seq.s32 s10, $0x1;
	s10 =	sld [smem:$0x3FB1];
	_ =	sdelay $0x3  }
0x37: {  	[smem:$0x3FB1] =	sst s10  }
0x38: {  	s10 =	sld [smem:$0x3FB2]  }
0x39: {  	_ = 	snop;
	(pc) =	sbr.ind lr, $3  }
0x3a: {  	_ = 	snop  }
0x3b: {  	_ = 	snop  }
0x3c: {  	p2 =	seq.s32 s10, $0x1;
	s10 =	sld [smem:$0x3FB1]  }
0x3d: {  	_ =	shalt  }
0x3e: {  	_ =	shalt  }
0x3f: {  	_ =	shalt  }
0x40: {  	_ =	shalt  }
0x41: {  	_ =	shalt  }
0x42: {  	_ =	shalt  }
0x43: {  	_ =	shalt  }
0x44: {  	_ =	shalt  }
0x45: {  	_ =	shalt  }
0x46: {  	_ =	shalt  }
0x47: {  	_ =	shalt  }
0x48: {  	_ =	shalt  }
0x49: {  	_ =	shalt  }
0x4a: {  	_ =	shalt  }
0x4b: {  	_ =	shalt  }
0x4c: {  	_ =	shalt  }
0x4d: {  	_ =	shalt  }
0x4e: {  	_ =	shalt  }
0x4f: {  	_ =	shalt  }
0x50: {  	_ =	shalt  }
0x51: {  	_ =	shalt  }
0x52: {  	_ =	shalt  }
0x53: {  	_ =	shalt  }
0x54: {  	_ =	shalt  }
0x55: {  	_ =	shalt  }
0x56: {  	_ =	shalt  }
0x57: {  	_ =	shalt  }
0x58: {  	_ =	shalt  }
0x59: {  	_ =	shalt  }
0x5a: {  	_ =	shalt  }
0x5b: {  	_ =	shalt  }
0x5c: {  	_ =	shalt  }
0x5d: {  	_ =	shalt  }
0x5e: {  	_ =	shalt  }
0x5f: {  	_ =	shalt  }
0x60: {  	_ =	shalt  }
0x61: {  	_ =	shalt  }
0x62: {  	_ =	shalt  }
0x63: {  	_ =	shalt  }
0x64: {  	_ =	shalt  }
0x65: {  	_ =	shalt  }
0x66: {  	_ =	shalt  }
0x67: {  	_ =	shalt  }
0x68: {  	_ =	shalt  }
0x69: {  	_ =	shalt  }
0x6a: {  	_ =	shalt  }
0x6b: {  	_ =	shalt  }
0x6c: {  	_ =	shalt  }
0x6d: {  	_ =	shalt  }
0x6e: {  	_ =	shalt  }
0x6f: {  	_ =	shalt  }
0x70: {  	_ =	shalt  }
0x71: {  	_ =	shalt  }
0x72: {  	_ =	shalt  }
0x73: {  	_ =	shalt  }
0x74: {  	_ =	shalt  }
0x75: {  	_ =	shalt  }
0x76: {  	_ =	shalt  }
0x77: {  	_ =	shalt  }
0x78: {  	_ =	shalt  }
0x79: {  	_ =	shalt  }
0x7a: {  	_ =	shalt  }
0x7b: {  	_ =	shalt  }
0x7c: {  	_ =	shalt  }
0x7d: {  	_ =	shalt  }
0x7e: {  	_ =	shalt  }
0x7f: {  	_ =	shalt  }
0x80: {  	_ =	shalt  }
0x81: {  	_ =	shalt  }
0x82: {  	_ =	shalt  }
0x83: {  	_ =	shalt  }
0x84: {  	_ =	shalt  }
0x85: {  	_ =	shalt  }
0x86: {  	_ =	shalt  }
0x87: {  	_ =	shalt  }
.Lfunc_end0:
.L_simem_size_0:
called_computation.2_lowered:
.L_overlay_start_0:
0x88: {  	s2 =	sld [smem:$0x3FD9]  }
0x89: {  	s3 =	sld [smem:$0x3FFE];
	_ =	sdelay $0x1  }
0x8a: {  	s1 =	srdreg.scid  }
0x8b: {  	s0 =	sand.u32 $0x1, s1  }
0x8c: {  	s17 =	sshll.u32 s0, $0xA;
	s2 =	sadd.s32 s3, s2  }
0x8d: {  	s2 =	sadd.s32 s2, s17  }
0x8e: {  	[smem:$0x3FBD] =	sst s2  }
0x8f: {  	_ = 	snop  }
0x90: {  	s2 =	sld [smem:$0x3FD0];
	(tm) =	ssettm $0x1  }
0x91: {  	s18 =	sld [smem:$0x3FFB];
	_ =	sdelay $0x3  }
0x92: {  	_ =	strace s18  }
0x93: {  	s3 =	sld [smem:$0x3FFC];
	_ =	sdelay $0x3  }
0x94: {  	_ =	strace s3  }
0x95: {  	s3 =	sld [smem:$0x3FFD];
	_ =	sdelay $0x3  }
0x96: {  	_ =	strace s3  }
0x97: {  	_ =	strace $0x8FFFFFFF  }
0x98: {  	s19 =	sld [smem:$0x3FDB];
	_ =	sdelay $0x1  }
0x99: {  	s4 =	simm.s32 $_scs_section_size  }
0x9a: {  	s5 =	simm.s32 $_size__tile_overlayer_lowered;
	s6 =	simm.s32 $_tile_overlayer_lowered  }
0x9b: {  	s22 =	simm.s32 $0x1BFF;
	s21 =	sshll.u32 s6, $0x1;
	s3 =	sadd.s32 s4, s19  }
0x9c: {  	s7 =	simm.s32 $0x0;
	s20 =	sshll.u32 s5, $0x1;
	s5 =	sadd.s32 s21, s3  }
0x9d: {  	[timem:s7], [sflag:s22] =	dma.local [hbm:s5], s20  }
0x9e: {  	_ =	swait.ge [sflag:s22], s20  }
0x9f: {  	s4 =	ssub.s32 $0x0, s20;
	[sflag:s22] =	ssyncset.done $0x0  }
0xa0: {  	[sflag:s22] =	ssyncadd.s32 s4;
	_ =	sdelay $0x1  }
0xa1: {  	s23 =	simm.s32 $0x1B8B  }
0xa2: {  	_ =	swait.ge [sflag:s23], $0x1  }
0xa3: {  	[sflag:s23] =	ssyncset.done $0x0  }
0xa4: {  	s25 =	simm.s32 $0x1B8E;
	s24 =	sld [smem:$0x3FFE];
	[sflag:s23] =	ssyncadd.s32 $0xFFFFFFFF  }
0xa5: {  	s26 =	simm.s32 $execute0_lowered;
	[smem:$0x3FD2] =	sst s25  }
0xa6: {  	s5 =	sshll.u32 s26, $0x1;
	_ =	strace $0x8000004C;
	[dreg:$0x1] =	wrdreg $0xFFFFFFFF  }
0xa7: {  	s28 =	simm.s32 $_size_execute0_lowered;
	s3 =	sadd.s32 s3, s5;
	[dreg:$0x0] =	wrdreg $0x0  }
0xa8: {  	s5 =	sshll.u32 s28, $0x1;
	[dreg:$0x2] =	wrdreg s3  }
0xa9: {  	[dreg:$0x3] =	wrdreg s5  }
0xaa: {  	[dreg:$0x4] =	wrdreg $0xC0  }
0xab: {  	_ =	task [dreg:s7], $0x5FFFF  }
0xac: {  	[dreg:$0x1] =	wrdreg $0xFFFFFFFF  }
0xad: {  	[dreg:$0x0] =	wrdreg $0x60  }
0xae: {  	[dreg:$0x2] =	wrdreg s24  }
0xaf: {  	[dreg:$0x3] =	wrdreg s2  }
0xb0: {  	[dreg:$0x4] =	wrdreg $0xC0000  }
0xb1: {  	[dreg:$0x5] =	wrdreg $0x9  }
0xb2: {  	_ =	task.clear_ibuf [dreg:s7], $0x6FFFF;
	_ =	strace $0x9000004C  }
0xb3: {  	s29 =	simm.s32 $0x9;
	_ =	strace $0x8000004E  }
0xb4: {  	_ =	swait.ge [sflag:s29], $0x1  }
0xb5: {  	[sflag:s29] =	ssyncadd.s32 $0xFFFFFFFF  }
0xb6: {  	_ =	strace $0x9000004E  }
0xb7: {  	_ =	sfence  }
0xb8: {  	s30 =	sld [smem:$0x0];
	_ =	sdelay $0x2  }
0xb9: {  	s31 =	sshll.u32 s1, $0xD;
	s1 =	sshrl.u32 s1, $0x2  }
0xba: {  	s3 =	sand.u32 $0x4000, s31;
	s1 =	sadd.s32 s1, s30  }
0xbb: {  	s0 =	sor.u32 s3, s0;
	s1 =	sshll.u32 s1, $0x11  }
0xbc: {  	s0 =	sor.u32 s1, s0  }
0xbd: {  	s0 =	sadd.s32 $0x8F2B, s0  }
0xbe: {  	[sflag:s0] =	ssyncadd.remote.s32 $0x1  }
0xbf: {  	_ =	sfence.sel $0xFFFF  }
0xc0: {  	[dreg:$0x0] =	wrdreg $0xFFFFFFFF;
	(pc) =	sbr.abs _section_cstart, $3  }
0xc1: {  	[dreg:$0x1] =	wrdreg $0xFFFFFFFF  }
0xc2: {  	_ =	task.clear_ibuf [dreg:s7], $0x2FFFF;
	_ =	strace $0x9FFFFFFF  }
0xc3: {  	(tm) =	ssettm $0x7FFFFFFF  }
tec
execute0_lowered:
.L_overlay_start_1:
0x0: {  	(tag) =	ssettag $0x1  }
0x1: {  	s0 =	rddreg [dreg:$0x0]  }
0x2: {  	s1 =	rddreg [dreg:$0x1]  }
0x3: {  	s3 =	rddreg [dreg:$0x2];
	s2 =	srdreg.scid  }
0x4: {  	s4 =	simm.s32 $0x0;
	s17 =	stileid.u32;
	s16 =	simm.s32 $0x3  }
0x5: {  	s20 =	simm.s32 $0x40;
	s21 =	simm.s32 $0x8000;
	s22 =	simm.s32 $0x80  }
0x6: {  	s23 =	simm.s32 $0xA000;
	s29 =	simm.s32 $0x100;
	s2 =	sand.u32 $0x1, s2  }
0x7: {  	[smem:$0x7FF] =	sst s4;
	s6 =	sshll.u32 s17, $0xB;
	s8 =	smul.u32 $0x13C00, s17  }
0x8: {  	s9 =	sadd.s32 $0x47000, s0;
	s12 =	smul.u32 $0x4F000, s17;
	s31 =	sshll.u32 s17, $0x6  }
0x9: {  	s5 =	sshll.u32 s2, $0xF;
	_ =	strace $0x8000004D;
	s7 =	smul.u32 $0x3B4000, s2  }
0xa: {  	[dreg:$0x4] =	wrdreg s9;
	s24 =	smul.u32 $0xFFFFFFA0, s2;
	s25 =	ssub.s32 $0x2, s2  }
0xb: {  	s2 =	smul.u32 $0xFFFFFFD0, s2;
	s18 =	sor.u32 $0x1C03, s31;
	s6 =	sor.u32 s6, s5  }
0xc: {  	s5 =	sadd.s32 $0x1FE00, s0;
	s11 =	sshrl.u32 s25, $0x1;
	s30 =	sshrl.u32 s12, $0x2  }
0xd: {  	s10 =	sadd.s32 s6, s0;
	s6 =	sadd.s32 $0x47400, s0;
	s7 =	sadd.s32 s8, s7  }
0xe: {  	s26 =	ssub.s32 s25, s11;
	s8 =	sadd.s32 $0x80, s24;
	s9 =	sadd.s32 $0x40, s2  }
0xf: {  	s2 =	sadd.s32 s30, s3;
	s24 =	simm.s32 $0x1;
	s25 =	simm.s32 $0x2  }
0x10: {  	s7 =	sshrl.u32 s7, $0x3;
	s28 =	sadd.s32 $0x71000, s10;
	s10 =	sadd.s32 $0x61000, s10  }
0x11: {  	s15 =	smax.u32 s26, $0x1;
	s19 =	sshrl.u32 s2, $0x3;
	[dreg:$0x5] =	wrdreg s28  }
0x12: {  	s26 =	simm.s32 $0x0;
	s0 =	sadd.s32 s7, s0;
	[dreg:$0x6] =	wrdreg s10  }
0x13: {  	s12 =	sadd.s32 $0x81000, s0;
	s13 =	sadd.s32 $0xA8800, s0;
	s14 =	sadd.s32 $0xD0000, s0  }
.LBB2_1:
0x14: {  	s0 =	rddreg [dreg:$0x5]  }
0x15: {  	[tilespmem:s4], [sflag:$0x3] =	stream.linear.gather [hbm4b:s0+s4], $0x4000, $0x38;
	[tilespmem:$0x1FC00] =	vst v63  }
0x16: {  	_ =	swait.ge [sflag:s16], $0x4000  }
0x17: {  	[sflag:s16] =	ssyncset.done $0x0  }
0x18: {  	s2 =	simm.s32 $0x4000;
	s17 =	rddreg [dreg:$0x6];
	[sflag:s16] =	ssyncadd.s32 $0xFFFFC000  }
0x19: {  	[tilespmem:s2], [sflag:$0x3] =	stream.linear.gather [hbm4b:s17+s4], $0x4000, $0x38;
	[tilespmem:$0x1FC00] =	vst v63  }
0x1a: {  	_ =	swait.ge [sflag:s16], $0x4000  }
0x1b: {  	[sflag:s16] =	ssyncset.done $0x0  }
0x1c: {  	[sflag:s16] =	ssyncadd.s32 $0xFFFFC000  }
0x1d: {  	[spmem:s19], [sflag:s18] =	dma.local [hbm:s6], $0x2780  }
0x1e: {  	_ =	swait.ge [sflag:s16], $0x2780  }
0x1f: {  	[sflag:s16] =	ssyncset.done $0x0  }
0x20: {  	[sflag:s16] =	ssyncadd.s32 $0xFFFFD880  }
0x21: {  	[bflag:$0x0] =	sbarrier.arrive $0xFFFF  }
0x22: {  	[tilespmem:s21], [sflag:$0x1] =	stream.indirect.gather [hbm4b:s5+s20], $0x80, s4, s20, $0xb8;
	[tilespmem:$0x1FC00] =	vst v63  }
0x23: {  	_ = 	snop  }
0x24: {  	[tilespmem:s23], [sflag:$0x1] =	stream.indirect.gather [hbm4b:s5+s20], $0x80, s22, s20, $0xb8;
	[tilespmem:$0x1FC00] =	vst v63  }
0x25: {  	_ =	swait.ge [sflag:s24], $0x2000  }
0x26: {  	[sflag:s24] =	ssyncset.done $0x0  }
0x27: {  	s30 =	simm.s32 $0x4000;
	[sflag:s24] =	ssyncadd.s32 $0xFFFFE000  }
0x28: {  	[spmem:s3] =	stream.indirect.scatter.add.f32 [tilespmem:s21], [sflag:$0x2], $0x80, s30, s20, $0xb8;
	[tilespmem:$0x1FC00] =	vst v63  }
0x29: {  	_ =	swait.ge [sflag:s24], $0x2000  }
0x2a: {  	[sflag:s24] =	ssyncset.done $0x0  }
0x2b: {  	s28 =	simm.s32 $0x4080;
	[sflag:s24] =	ssyncadd.s32 $0xFFFFE000  }
0x2c: {  	[spmem:s3] =	stream.indirect.scatter.add.f32 [tilespmem:s23], [sflag:$0x2], $0x80, s28, s20, $0xb8;
	[tilespmem:$0x1FC00] =	vst v63  }
0x2d: {  	_ =	swait.ge [sflag:s25], $0x2000  }
0x2e: {  	p0 =	sle.u32 s8, $0x2;
	s31 =	sadd.s32 $0xFFFFFFFF, s9;
	[sflag:s25] =	ssyncset.done $0x0  }
0x2f: {  	s0 =	simm.s32 @!p0 $0x40;
	s2 =	simm.s32 @!p0 $0x8000;
	[sflag:s25] =	ssyncadd.s32 $0xFFFFE000  }
0x30: {  	[tilespmem:s2], [sflag:$0x1] =	stream.indirect.gather @!p0 [hbm4b:s5+s0], $0x80, s29, s0, $0xb8;
	[tilespmem:$0x1FC00] =	vst v63  }
0x31: {  	p0 =	sne.s32 s31, $0x0  }
.Ltmp0:
0x32: {  	_ = 	snop;
	(pc) =	sbr.rel @!p0 .LBB2_3-.Ltmp0, $4  }
0x33: {  	p1 =	sle.u32 s8, $0x3  }
0x34: {  	s7 =	simm.s32 @!p1 $0x180;
	_ =	swait.ge [sflag:s25], $0x2000  }
0x35: {  	s10 =	simm.s32 @!p1 $0x40;
	s17 =	simm.s32 $0x4080;
	[sflag:s25] =	ssyncset.done $0x0  }
0x36: {  	s0 =	simm.s32 $0x4;
	s2 =	simm.s32 $0x200;
	[sflag:s25] =	ssyncadd.s32 $0xFFFFE000  }
.LBB2_2:
0x37: {  	s31 =	sadd.s32 $0xFFFFFFFF, s31;
	s11 =	simm.s32 @!p1 $0xA000;
	s17 =	sadd.s32 $0x100, s17  }
0x38: {  	[tilespmem:s11], [sflag:$0x1] =	stream.indirect.gather @!p1 [hbm4b:s5+s10], $0x80, s7, s10, $0xb8;
	[tilespmem:$0x1FC00] =	vst v63  }
0x39: {  	p0 =	sne.s32 s31, $0x0;
	s7 =	smov.u32 s2;
	_ =	swait.ge [sflag:s24], $0x2000  }
0x3a: {  	[sflag:s24] =	ssyncset.done $0x0  }
0x3b: {  	s10 =	sadd.s32 $0xFFFFFF80, s17;
	[sflag:s24] =	ssyncadd.s32 $0xFFFFE000  }
0x3c: {  	[spmem:s3] =	stream.indirect.scatter.add.f32 [tilespmem:s21], [sflag:$0x2], $0x80, s10, s20, $0xb8;
	[tilespmem:$0x1FC00] =	vst v63  }
0x3d: {  	_ =	swait.ge [sflag:s24], $0x2000  }
0x3e: {  	[sflag:s24] =	ssyncset.done $0x0  }
0x3f: {  	[sflag:s24] =	ssyncadd.s32 $0xFFFFE000  }
0x40: {  	[spmem:s3] =	stream.indirect.scatter.add.f32 [tilespmem:s23], [sflag:$0x2], $0x80, s17, s20, $0xb8;
	[tilespmem:$0x1FC00] =	vst v63  }
0x41: {  	p1 =	sge.u32 s0, s8;
	_ =	swait.ge [sflag:s25], $0x2000  }
0x42: {  	s11 =	simm.s32 @!p1 $0x8000;
	[sflag:s25] =	ssyncset.done $0x0  }
.Ltmp1:
0x43: {  	s10 =	simm.s32 @!p1 $0x40;
	[sflag:s25] =	ssyncadd.s32 $0xFFFFE000;
	(pc) =	sbr.rel @p0 .LBB2_2-.Ltmp1, $4  }
0x44: {  	[tilespmem:s11], [sflag:$0x1] =	stream.indirect.gather @!p1 [hbm4b:s5+s10], $0x80, s2, s10, $0xb8;
	[tilespmem:$0x1FC00] =	vst v63  }
0x45: {  	s10 =	sadd.s32 $0x1, s0;
	s0 =	sadd.s32 $0x2, s0;
	_ =	swait.ge [sflag:s25], $0x2000  }
0x46: {  	s2 =	sadd.s32 $0x100, s2;
	p1 =	sge.u32 s10, s8;
	[sflag:s25] =	ssyncset.done $0x0  }
0x47: {  	s7 =	sadd.s32 @!p1 $0x80, s7;
	s10 =	simm.s32 @!p1 $0x40;
	[sflag:s25] =	ssyncadd.s32 $0xFFFFE000  }
.LBB2_3:
0x48: {  	s0 =	simm.s32 @!p1 $0xA000  }
0x49: {  	[tilespmem:s0], [sflag:$0x1] =	stream.indirect.gather @!p1 [hbm4b:s5+s10], $0x80, s7, s10, $0xb8;
	[tilespmem:$0x1FC00] =	vst v63  }
0x4a: {  	[bflag:$0x0] =	sbarrier.arrive $0xFFFF  }
0x4b: {  	[hbm:s12], [sflag:s18] =	dma.local [spmem:s19], $0x2780  }
0x4c: {  	_ =	swait.ge [sflag:s16], $0x2780  }
0x4d: {  	[sflag:s16] =	ssyncset.done $0x0  }
0x4e: {  	[sflag:s16] =	ssyncadd.s32 $0xFFFFD880  }
0x4f: {  	[bflag:$0x0] =	sbarrier.arrive $0xFFFF  }
0x50: {  	[spmem:s19], [sflag:s18] =	dma.local [hbm:s6], $0x2780  }
0x51: {  	_ =	swait.ge [sflag:s16], $0x2780  }
0x52: {  	[sflag:s16] =	ssyncset.done $0x0  }
0x53: {  	[sflag:s16] =	ssyncadd.s32 $0xFFFFD880  }
0x54: {  	[bflag:$0x0] =	sbarrier.arrive $0xFFFF  }
0x55: {  	[tilespmem:s21], [sflag:$0x1] =	stream.indirect.gather [hbm4b:s1+s20], $0x80, s4, s20, $0xb8;
	[tilespmem:$0x1FC00] =	vst v63  }
0x56: {  	_ = 	snop  }
0x57: {  	[tilespmem:s23], [sflag:$0x1] =	stream.indirect.gather [hbm4b:s1+s20], $0x80, s22, s20, $0xb8;
	[tilespmem:$0x1FC00] =	vst v63  }
0x58: {  	_ =	swait.ge [sflag:s24], $0x2000  }
0x59: {  	[sflag:s24] =	ssyncset.done $0x0  }
0x5a: {  	[sflag:s24] =	ssyncadd.s32 $0xFFFFE000  }
0x5b: {  	[spmem:s3] =	stream.indirect.scatter.add.f32 [tilespmem:s21], [sflag:$0x2], $0x80, s30, s20, $0xb8;
	[tilespmem:$0x1FC00] =	vst v63  }
0x5c: {  	_ =	swait.ge [sflag:s24], $0x2000  }
0x5d: {  	[sflag:s24] =	ssyncset.done $0x0  }
0x5e: {  	[sflag:s24] =	ssyncadd.s32 $0xFFFFE000  }
0x5f: {  	[spmem:s3] =	stream.indirect.scatter.add.f32 [tilespmem:s23], [sflag:$0x2], $0x80, s28, s20, $0xb8;
	[tilespmem:$0x1FC00] =	vst v63  }
0x60: {  	p0 =	sle.u32 s8, $0x2;
	_ =	swait.ge [sflag:s25], $0x2000  }
0x61: {  	s0 =	simm.s32 @!p0 $0x40;
	[sflag:s25] =	ssyncset.done $0x0  }
0x62: {  	s2 =	simm.s32 @!p0 $0x8000;
	s30 =	sadd.s32 $0xFFFFFFFF, s9;
	[sflag:s25] =	ssyncadd.s32 $0xFFFFE000  }
0x63: {  	[tilespmem:s2], [sflag:$0x1] =	stream.indirect.gather @!p0 [hbm4b:s1+s0], $0x80, s29, s0, $0xb8;
	[tilespmem:$0x1FC00] =	vst v63  }
0x64: {  	p0 =	sne.s32 s30, $0x0  }
.Ltmp2:
0x65: {  	_ = 	snop;
	(pc) =	sbr.rel @!p0 .LBB2_5-.Ltmp2, $4  }
0x66: {  	_ = 	snop  }
0x67: {  	p1 =	sle.u32 s8, $0x3;
	_ =	swait.ge [sflag:s25], $0x2000  }
0x68: {  	s7 =	simm.s32 @!p1 $0x180;
	s10 =	simm.s32 @!p1 $0x40;
	[sflag:s25] =	ssyncset.done $0x0  }
0x69: {  	s0 =	simm.s32 $0x4;
	s2 =	simm.s32 $0x200;
	[sflag:s25] =	ssyncadd.s32 $0xFFFFE000  }
.LBB2_4:
0x6a: {  	s30 =	sadd.s32 $0xFFFFFFFF, s30;
	s11 =	simm.s32 @!p1 $0xA000;
	s28 =	sadd.s32 $0x100, s28  }
0x6b: {  	[tilespmem:s11], [sflag:$0x1] =	stream.indirect.gather @!p1 [hbm4b:s1+s10], $0x80, s7, s10, $0xb8;
	[tilespmem:$0x1FC00] =	vst v63  }
0x6c: {  	p0 =	sne.s32 s30, $0x0;
	s7 =	smov.u32 s2;
	_ =	swait.ge [sflag:s24], $0x2000  }
0x6d: {  	[sflag:s24] =	ssyncset.done $0x0  }
0x6e: {  	s10 =	sadd.s32 $0xFFFFFF80, s28;
	[sflag:s24] =	ssyncadd.s32 $0xFFFFE000  }
0x6f: {  	[spmem:s3] =	stream.indirect.scatter.add.f32 [tilespmem:s21], [sflag:$0x2], $0x80, s10, s20, $0xb8;
	[tilespmem:$0x1FC00] =	vst v63  }
0x70: {  	_ =	swait.ge [sflag:s24], $0x2000  }
0x71: {  	[sflag:s24] =	ssyncset.done $0x0  }
0x72: {  	[sflag:s24] =	ssyncadd.s32 $0xFFFFE000  }
0x73: {  	[spmem:s3] =	stream.indirect.scatter.add.f32 [tilespmem:s23], [sflag:$0x2], $0x80, s28, s20, $0xb8;
	[tilespmem:$0x1FC00] =	vst v63  }
0x74: {  	p1 =	sge.u32 s0, s8;
	_ =	swait.ge [sflag:s25], $0x2000  }
0x75: {  	s11 =	simm.s32 @!p1 $0x8000;
	[sflag:s25] =	ssyncset.done $0x0  }
.Ltmp3:
0x76: {  	s10 =	simm.s32 @!p1 $0x40;
	[sflag:s25] =	ssyncadd.s32 $0xFFFFE000;
	(pc) =	sbr.rel @p0 .LBB2_4-.Ltmp3, $4  }
0x77: {  	[tilespmem:s11], [sflag:$0x1] =	stream.indirect.gather @!p1 [hbm4b:s1+s10], $0x80, s2, s10, $0xb8;
	[tilespmem:$0x1FC00] =	vst v63  }
0x78: {  	s10 =	sadd.s32 $0x1, s0;
	s0 =	sadd.s32 $0x2, s0;
	_ =	swait.ge [sflag:s25], $0x2000  }
0x79: {  	s2 =	sadd.s32 $0x100, s2;
	p1 =	sge.u32 s10, s8;
	[sflag:s25] =	ssyncset.done $0x0  }
0x7a: {  	s7 =	sadd.s32 @!p1 $0x80, s7;
	s10 =	simm.s32 @!p1 $0x40;
	[sflag:s25] =	ssyncadd.s32 $0xFFFFE000  }
.LBB2_5:
0x7b: {  	s0 =	simm.s32 @!p1 $0xA000  }
0x7c: {  	[tilespmem:s0], [sflag:$0x1] =	stream.indirect.gather @!p1 [hbm4b:s1+s10], $0x80, s7, s10, $0xb8;
	[tilespmem:$0x1FC00] =	vst v63  }
0x7d: {  	[bflag:$0x0] =	sbarrier.arrive $0xFFFF  }
0x7e: {  	[hbm:s13], [sflag:s18] =	dma.local [spmem:s19], $0x2780  }
0x7f: {  	_ =	swait.ge [sflag:s16], $0x2780  }
0x80: {  	[sflag:s16] =	ssyncset.done $0x0  }
0x81: {  	[sflag:s16] =	ssyncadd.s32 $0xFFFFD880  }
0x82: {  	[bflag:$0x0] =	sbarrier.arrive $0xFFFF  }
0x83: {  	[spmem:s19], [sflag:s18] =	dma.local [hbm:s6], $0x2780  }
0x84: {  	_ =	swait.ge [sflag:s16], $0x2780  }
0x85: {  	[sflag:s16] =	ssyncset.done $0x0  }
0x86: {  	s31 =	rddreg [dreg:$0x4];
	[sflag:s16] =	ssyncadd.s32 $0xFFFFD880  }
0x87: {  	[tilespmem:s21], [sflag:$0x3] =	stream.linear.gather [hbm4b:s31+s4], $0x2000, $0x38;
	[tilespmem:$0x1FC00] =	vst v63  }
0x88: {  	_ =	swait.ge [sflag:s16], $0x2000  }
0x89: {  	p0 =	sne.s32 s8, $0x1;
	[sflag:s16] =	ssyncset.done $0x0  }
.Ltmp4:
0x8a: {  	[sflag:s16] =	ssyncadd.s32 $0xFFFFE000;
	(pc) =	sbr.rel @!p0 .LBB2_7-.Ltmp4, $4  }
0x8b: {  	s0 =	simm.s32 $0x4000;
	[bflag:$0x0] =	sbarrier.arrive $0xFFFF  }
0x8c: {  	[spmem:s3] =	stream.indirect.scatter.add.f32 [tilespmem:s21], [sflag:$0x3], $0x80, s0, s20, $0xb8;
	[tilespmem:$0x1FC00] =	vst v63  }
0x8d: {  	_ =	swait.ge [sflag:s16], $0x2000  }
0x8e: {  	s2 =	sadd.s32 $0xFFFFFFFF, s8;
	[sflag:s16] =	ssyncset.done $0x0  }
.LBB2_6:
0x8f: {  	p0 =	sne.s32 s2, $0x1;
	[sflag:s16] =	ssyncadd.s32 $0xFFFFE000;
	s0 =	sadd.s32 $0x80, s0  }
.Ltmp5:
0x90: {  	s2 =	sadd.s32 $0xFFFFFFFF, s2;
	(pc) =	sbr.rel @p0 .LBB2_6-.Ltmp5, $4  }
0x91: {  	_ = 	snop  }
0x92: {  	[spmem:s3] =	stream.indirect.scatter.add.f32 [tilespmem:s21], [sflag:$0x3], $0x80, s0, s20, $0xb8;
	[tilespmem:$0x1FC00] =	vst v63  }
0x93: {  	_ =	swait.ge [sflag:s16], $0x2000  }
0x94: {  	[sflag:s16] =	ssyncset.done $0x0  }
.LBB2_7:
0x95: {  	[sflag:s16] =	ssyncadd.s32 $0xFFFFE000;
	s26 =	sadd.s32 $0x1, s26  }
0x96: {  	[bflag:$0x0] =	sbarrier.arrive $0xFFFF;
	p0 =	sne.s32 s26, s15  }
0x97: {  	[hbm:s14], [sflag:s18] =	dma.local [spmem:s19], $0x2780  }
.Ltmp6:
0x98: {  	_ =	swait.ge [sflag:s16], $0x2780;
	(pc) =	sbr.rel @p0 .LBB2_1-.Ltmp6, $3  }
0x99: {  	[sflag:s16] =	ssyncset.done $0x0  }
0x9a: {  	[sflag:s16] =	ssyncadd.s32 $0xFFFFD880  }
0x9b: {  	[bflag:$0x0] =	sbarrier.arrive $0xFFFF;
	_ =	sdelay $0x1  }
0x9c: {  	_ =	sfence.sel $0x180000  }
0x9d: {  	[bflag:$0x0] =	sbarrier.arrive $0xFFFF  }
0x9e: {  	_ =	strace $0x9000004D  }
0x9f: {  	s0 =	stileid.u32;
	[bflag:$0x2] =	sbarrier.arrive $0xFFFF  }
0xa0: {  	p0 =	sne.s32 s0, $0x0;
	s0 =	rddreg [dreg:$0x3]  }
0xa1: {  	s0 =	sadd.s32 @!p0 $0x100000, s0  }
0xa2: {  	[sflag:s0] =	ssyncadd.tile.s32 @!p0 $0x1;
	_ =	shalt  }
.Lfunc_end2:
_tile_overlayer_lowered:
.L_overlay_start_2:
0xa3: {  	(tag) =	ssettag $0x2  }
0xa4: {  	s0 =	rddreg [dreg:$0x0];
	s2 =	stileid.u32  }
0xa5: {  	s1 =	rddreg [dreg:$0x1];
	p0 =	sne.s32 s2, $0x0  }
0xa6: {  	s3 =	rddreg [dreg:$0x2];
	[bflag:$0x3] =	sbarrier.arrive $0xFFFF;
	s2 =	simm.s32 @!p0 $0x1C03  }
0xa7: {  	[timem:s3], [sflag:s2] =	dma.local @!p0 [hbm:s0], s1  }
0xa8: {  	s0 =	simm.s32 @!p0 $0x3  }
0xa9: {  	_ =	swait.ge @!p0 [sflag:s0], s1  }
0xaa: {  	s1 =	ssub.s32 @!p0 $0x0, s1;
	[sflag:s0] =	ssyncset.done @!p0 $0x0  }
0xab: {  	[sflag:s0] =	ssyncadd.s32 @!p0 s1  }
0xac: {  	[bflag:$0x3] =	sbarrier.arrive $0xFFFF  }
0xad: {  	_ =	shalt  }

</sc_bundles>
